<compile_context>
chip_gen: v7x
topology: tpu7x:2x2x1
jax: 0.10.2.dev20260603
libtpu: 0.0.44.dev20260713+nightly
codegen_flags: <defaults>
</compile_context>

<pallas_src>
import functools

import jax
import jax.numpy as jnp
from jax import lax
from jax.experimental import pallas as pl
from jax.experimental.pallas import tpu as pltpu
from jax.experimental.pallas import tpu_sc as plsc

DIMS = 64
R = 8
SCALE = 20.0
LANES = 16
NUM_CORES = 2
NUM_SUBCORES = 16
NUM_WORKERS = NUM_CORES * NUM_SUBCORES


def _lora_embed_kernel(n_tokens, chunk, x_hbm, table_hbm, a_hbm, b_hbm,
                       out_hbm, idx0, idx1, idx8_0, idx8_1, rows0, rows1,
                       a0, a1, b_v,
                       sem_r0, sem_r1, sem_a0, sem_a1, sem_w0, sem_w1):
    per_worker = n_tokens // NUM_WORKERS
    n_chunks = per_worker // chunk
    wid = lax.axis_index("s") * NUM_CORES + lax.axis_index("c")
    base = wid * per_worker

    idx_v = [idx0, idx1]
    idx8_v = [idx8_0, idx8_1]
    rows_v = [rows0, rows1]
    a_v = [a0, a1]
    sem_r = [sem_r0, sem_r1]
    sem_a = [sem_a0, sem_a1]
    sem_w = [sem_w0, sem_w1]

    pltpu.sync_copy(b_hbm, b_v)
    bvec = [[b_v[r, pl.ds(k * LANES, LANES)] * SCALE for k in range(DIMS // LANES)]
            for r in range(R)]

    lane = lax.iota(jnp.int32, LANES)
    low = lane < R
    lmod = lane % R

    def fetch(c):
        b = c % 2
        start = base + c * chunk
        pltpu.sync_copy(x_hbm.at[pl.ds(start, chunk)], idx_v[b])
        pltpu.make_async_copy(table_hbm.at[idx_v[b]], rows_v[b], sem_r[b]).start()

        def group(q, _, b=b):
            iv = idx_v[b][pl.ds(q * LANES, LANES)]
            for j in range(R):
                x0 = iv[2 * j]
                x1 = iv[2 * j + 1]
                pairidx = jnp.where(low, x0, x1) * R + lmod
                idx8_v[b][pl.ds(q * LANES * R + j * LANES, LANES)] = pairidx
            return 0

        lax.fori_loop(0, chunk // LANES, group, 0)
        pltpu.make_async_copy(a_hbm.at[idx8_v[b]], a_v[b], sem_a[b]).start()

    fetch(0)
    for c in range(n_chunks):
        b = c % 2
        if c + 1 < n_chunks:
            if c + 1 >= 2:
                pltpu.make_async_copy(
                    rows_v[1 - b], out_hbm.at[pl.ds(base + (c - 1) * chunk, chunk)],
                    sem_w[1 - b]).wait()
            fetch(c + 1)
        pltpu.make_async_copy(table_hbm.at[idx_v[b]], rows_v[b], sem_r[b]).wait()
        pltpu.make_async_copy(a_hbm.at[idx8_v[b]], a_v[b], sem_a[b]).wait()

        @functools.partial(plsc.parallel_loop, 0, chunk // 2, unroll=8)
        def _(p, b=b):
            av = a_v[b][pl.ds(p * LANES, LANES)]
            for half in range(2):
                t = p * 2 + half
                for k in range(DIMS // LANES):
                    acc = rows_v[b][t, pl.ds(k * LANES, LANES)]
                    for r in range(R):
                        acc = acc + av[half * R + r] * bvec[r][k]
                    rows_v[b][t, pl.ds(k * LANES, LANES)] = acc
        pltpu.make_async_copy(
            rows_v[b], out_hbm.at[pl.ds(base + c * chunk, chunk)], sem_w[b]).start()

    for c in (n_chunks - 2, n_chunks - 1):
        b = c % 2
        pltpu.make_async_copy(
            rows_v[b], out_hbm.at[pl.ds(base + c * chunk, chunk)], sem_w[b]).wait()


def kernel(x, table, lora_a, lora_b):
    batch_shape = x.shape
    xf = x.reshape(-1).astype(jnp.int32)
    af = lora_a.reshape(-1)
    n_tokens = xf.shape[0]
    per_worker = n_tokens // NUM_WORKERS
    chunk = 640 if per_worker % 640 == 0 else per_worker
    assert n_tokens % (NUM_WORKERS * chunk) == 0
    assert chunk % LANES == 0

    mesh = plsc.VectorSubcoreMesh(core_axis_name="c", subcore_axis_name="s")
    run = pl.kernel(
        functools.partial(_lora_embed_kernel, n_tokens, chunk),
        out_type=jax.ShapeDtypeStruct((n_tokens, DIMS), jnp.float32),
        mesh=mesh,
        compiler_params=pltpu.CompilerParams(use_tc_tiling_on_sc=False),
        scratch_types=[
            pltpu.VMEM((chunk,), jnp.int32),
            pltpu.VMEM((chunk,), jnp.int32),
            pltpu.VMEM((chunk * R,), jnp.int32),
            pltpu.VMEM((chunk * R,), jnp.int32),
            pltpu.VMEM((chunk, DIMS), jnp.float32),
            pltpu.VMEM((chunk, DIMS), jnp.float32),
            pltpu.VMEM((chunk * R,), jnp.float32),
            pltpu.VMEM((chunk * R,), jnp.float32),
            pltpu.VMEM((R, DIMS), jnp.float32),
            pltpu.SemaphoreType.DMA,
            pltpu.SemaphoreType.DMA,
            pltpu.SemaphoreType.DMA,
            pltpu.SemaphoreType.DMA,
            pltpu.SemaphoreType.DMA,
            pltpu.SemaphoreType.DMA,
        ],
    )
    out = run(xf, table, af, lora_b)
    return out.reshape(*batch_shape, DIMS)

# --- scband reference (transcript-rebuilt; emitter-appended) ---
"""Pipeline reference for scband-lo-raembedding-43963285242462 (READ-ONLY COPY).

The authoritative reference and input builder live on the scoring server;
editing this copy changes nothing except your own understanding.
"""

import jax, jax.numpy as jnp
import numpy as np

NUM_EMBEDDINGS = 1000000
DIMS = 64
R = 8
SCALE = 20.0

def setup_inputs(seed: int = 0) -> dict:
    key = jax.random.key(seed)
    k1, k2, k3 = jax.random.split(key, 3)
    x = jax.random.randint(k1, (4096, 50), 0, NUM_EMBEDDINGS, dtype=jnp.int64 if jax.config.jax_enable_x64 else jnp.int32)
    table = jax.random.normal(k2, (NUM_EMBEDDINGS, DIMS), dtype=jnp.float32)
    scale_val = 1.0 / np.sqrt(NUM_EMBEDDINGS)
    lora_a = jax.random.uniform(k3, (NUM_EMBEDDINGS, R), dtype=jnp.float32, minval=-scale_val, maxval=scale_val)
    lora_b = jnp.zeros((R, DIMS), dtype=jnp.float32)
    return {"x": x, "table": table, "lora_a": lora_a, "lora_b": lora_b}

def reference(x, table, lora_a, lora_b):
    # y = embedding lookup
    y = jnp.take(table, x, axis=0)
    # z = dropout(lora_a[x] @ lora_b); dropout p=0.0 -> identity
    a_gathered = jnp.take(lora_a, x, axis=0)  # [B, L, R]
    z = a_gathered @ lora_b                    # [B, L, DIMS]
    out = y + (SCALE * z).astype(y.dtype)
    return out

if __name__ == "__main__":
    import jax
    _d = setup_inputs()
    print(jax.jit(kernel)(*tuple(_d.values())))

</pallas_src>

<mosaic_0001>
#map = affine_map<(d0, d1) -> (0)>
#map1 = affine_map<(d0, d1) -> (0, 0)>
module attributes {stable_mosaic.version = 14 : i64} {
  func.func @_lora_embed_kernel(%arg0: i32, %arg1: i32, %arg2: memref<204800xi32, #tpu.memory_space<hbm>>, %arg3: memref<1000000x64xf32, #tpu.memory_space<hbm>>, %arg4: memref<8000000xf32, #tpu.memory_space<hbm>>, %arg5: memref<8x64xf32, #tpu.memory_space<hbm>>, %arg6: memref<204800x64xf32, #tpu.memory_space<hbm>>, %arg7: memref<640xi32, #tpu.memory_space<vmem>>, %arg8: memref<640xi32, #tpu.memory_space<vmem>>, %arg9: memref<5120xi32, #tpu.memory_space<vmem>>, %arg10: memref<5120xi32, #tpu.memory_space<vmem>>, %arg11: memref<640x64xf32, #tpu.memory_space<vmem>>, %arg12: memref<640x64xf32, #tpu.memory_space<vmem>>, %arg13: memref<5120xf32, #tpu.memory_space<vmem>>, %arg14: memref<5120xf32, #tpu.memory_space<vmem>>, %arg15: memref<8x64xf32, #tpu.memory_space<vmem>>, %arg16: memref<!tpu.dma_semaphore, #tpu.memory_space<semaphore_mem>>, %arg17: memref<!tpu.dma_semaphore, #tpu.memory_space<semaphore_mem>>, %arg18: memref<!tpu.dma_semaphore, #tpu.memory_space<semaphore_mem>>, %arg19: memref<!tpu.dma_semaphore, #tpu.memory_space<semaphore_mem>>, %arg20: memref<!tpu.dma_semaphore, #tpu.memory_space<semaphore_mem>>, %arg21: memref<!tpu.dma_semaphore, #tpu.memory_space<semaphore_mem>>) attributes {dimension_semantics = [#tpu.dimension_semantics<core_parallel>, #tpu.dimension_semantics<subcore_parallel>], iteration_bounds = array<i64: 2, 16>, scalar_prefetch = 0 : i64, scratch_operands = 15 : i64, tpu.core_type = #tpu.core_type<sc_vector_subcore>, window_params = [{transform_indices = #map}, {transform_indices = #map1}, {transform_indices = #map}, {transform_indices = #map1}, {transform_indices = #map1}]} {
    %mul3A = arith.constant 2 : i32
    %mul3A_0 = arith.muli %arg1, %mul3A : i32
    %add3A = arith.addi %mul3A_0, %arg0 : i32
    %mul3A_1 = arith.constant 6400 : i32
    %mul3A_2 = arith.muli %add3A, %mul3A_1 : i32
    "tpu.region"() ({
      %run_scoped3A = tpu.sem_alloc : memref<!tpu.dma_semaphore, #tpu.memory_space<semaphore_mem>>
      tpu.enqueue_dma source(%arg5 : memref<8x64xf32, #tpu.memory_space<hbm>>) target(%arg15 : memref<8x64xf32, #tpu.memory_space<vmem>>) target_semaphore(%run_scoped3A : memref<!tpu.dma_semaphore, #tpu.memory_space<semaphore_mem>>)
      tpu.wait_dma2 semaphore(%run_scoped3A : memref<!tpu.dma_semaphore, #tpu.memory_space<semaphore_mem>>) src(%arg5 : memref<8x64xf32, #tpu.memory_space<hbm>>) dst(%arg15 : memref<8x64xf32, #tpu.memory_space<vmem>>)
      tpu.yield
    }) : () -> ()
    %get3A = arith.constant 0 : i32
    %get3A_3 = arith.index_cast %get3A : i32 to index
    %get3A_4 = arith.constant 0 : index
    %get3A_5 = tpu.vector_load %arg15[%get3A_3, %get3A_4] {strides = array<i32>} : memref<8x64xf32, #tpu.memory_space<vmem>>, vector<1x16xf32>,
    %get3A_6 = vector.shape_cast %get3A_5 : vector<1x16xf32> to vector<16xf32>
    %mul3A_7 = arith.constant 2.000000e+01 : f32
    %mul3A_8 = vector.broadcast %mul3A_7 : f32 to vector<16xf32>
    %mul3A_9 = arith.mulf %get3A_6, %mul3A_8 : vector<16xf32>
    %get3A_10 = arith.constant 0 : i32
    %get3A_11 = arith.index_cast %get3A_10 : i32 to index
    %get3A_12 = arith.constant 16 : index
    %get3A_13 = tpu.vector_load %arg15[%get3A_11, %get3A_12] {strides = array<i32>} : memref<8x64xf32, #tpu.memory_space<vmem>>, vector<1x16xf32>,
    %get3A_14 = vector.shape_cast %get3A_13 : vector<1x16xf32> to vector<16xf32>
    %mul3A_15 = arith.constant 2.000000e+01 : f32
    %mul3A_16 = vector.broadcast %mul3A_15 : f32 to vector<16xf32>
    %mul3A_17 = arith.mulf %get3A_14, %mul3A_16 : vector<16xf32>
    %get3A_18 = arith.constant 0 : i32
    %get3A_19 = arith.index_cast %get3A_18 : i32 to index
    %get3A_20 = arith.constant 32 : index
    %get3A_21 = tpu.vector_load %arg15[%get3A_19, %get3A_20] {strides = array<i32>} : memref<8x64xf32, #tpu.memory_space<vmem>>, vector<1x16xf32>,
    %get3A_22 = vector.shape_cast %get3A_21 : vector<1x16xf32> to vector<16xf32>
    %mul3A_23 = arith.constant 2.000000e+01 : f32
    %mul3A_24 = vector.broadcast %mul3A_23 : f32 to vector<16xf32>
    %mul3A_25 = arith.mulf %get3A_22, %mul3A_24 : vector<16xf32>
    %get3A_26 = arith.constant 0 : i32
    %get3A_27 = arith.index_cast %get3A_26 : i32 to index
    %get3A_28 = arith.constant 48 : index
    %get3A_29 = tpu.vector_load %arg15[%get3A_27, %get3A_28] {strides = array<i32>} : memref<8x64xf32, #tpu.memory_space<vmem>>, vector<1x16xf32>,
    %get3A_30 = vector.shape_cast %get3A_29 : vector<1x16xf32> to vector<16xf32>
    %mul3A_31 = arith.constant 2.000000e+01 : f32
    %mul3A_32 = vector.broadcast %mul3A_31 : f32 to vector<16xf32>
    %mul3A_33 = arith.mulf %get3A_30, %mul3A_32 : vector<16xf32>
    %get3A_34 = arith.constant 1 : i32
    %get3A_35 = arith.index_cast %get3A_34 : i32 to index
    %get3A_36 = arith.constant 0 : index
    %get3A_37 = tpu.vector_load %arg15[%get3A_35, %get3A_36] {strides = array<i32>} : memref<8x64xf32, #tpu.memory_space<vmem>>, vector<1x16xf32>,
    %get3A_38 = vector.shape_cast %get3A_37 : vector<1x16xf32> to vector<16xf32>
    %mul3A_39 = arith.constant 2.000000e+01 : f32
    %mul3A_40 = vector.broadcast %mul3A_39 : f32 to vector<16xf32>
    %mul3A_41 = arith.mulf %get3A_38, %mul3A_40 : vector<16xf32>
    %get3A_42 = arith.constant 1 : i32
    %get3A_43 = arith.index_cast %get3A_42 : i32 to index
    %get3A_44 = arith.constant 16 : index
    %get3A_45 = tpu.vector_load %arg15[%get3A_43, %get3A_44] {strides = array<i32>} : memref<8x64xf32, #tpu.memory_space<vmem>>, vector<1x16xf32>,
    %get3A_46 = vector.shape_cast %get3A_45 : vector<1x16xf32> to vector<16xf32>
    %mul3A_47 = arith.constant 2.000000e+01 : f32
    %mul3A_48 = vector.broadcast %mul3A_47 : f32 to vector<16xf32>
    %mul3A_49 = arith.mulf %get3A_46, %mul3A_48 : vector<16xf32>
    %get3A_50 = arith.constant 1 : i32
    %get3A_51 = arith.index_cast %get3A_50 : i32 to index
    %get3A_52 = arith.constant 32 : index
    %get3A_53 = tpu.vector_load %arg15[%get3A_51, %get3A_52] {strides = array<i32>} : memref<8x64xf32, #tpu.memory_space<vmem>>, vector<1x16xf32>,
    %get3A_54 = vector.shape_cast %get3A_53 : vector<1x16xf32> to vector<16xf32>
    %mul3A_55 = arith.constant 2.000000e+01 : f32
    %mul3A_56 = vector.broadcast %mul3A_55 : f32 to vector<16xf32>
    %mul3A_57 = arith.mulf %get3A_54, %mul3A_56 : vector<16xf32>
    %get3A_58 = arith.constant 1 : i32
    %get3A_59 = arith.index_cast %get3A_58 : i32 to index
    %get3A_60 = arith.constant 48 : index
    %get3A_61 = tpu.vector_load %arg15[%get3A_59, %get3A_60] {strides = array<i32>} : memref<8x64xf32, #tpu.memory_space<vmem>>, vector<1x16xf32>,
    %get3A_62 = vector.shape_cast %get3A_61 : vector<1x16xf32> to vector<16xf32>
    %mul3A_63 = arith.constant 2.000000e+01 : f32
    %mul3A_64 = vector.broadcast %mul3A_63 : f32 to vector<16xf32>
    %mul3A_65 = arith.mulf %get3A_62, %mul3A_64 : vector<16xf32>
    %get3A_66 = arith.constant 2 : i32
    %get3A_67 = arith.index_cast %get3A_66 : i32 to index
    %get3A_68 = arith.constant 0 : index
    %get3A_69 = tpu.vector_load %arg15[%get3A_67, %get3A_68] {strides = array<i32>} : memref<8x64xf32, #tpu.memory_space<vmem>>, vector<1x16xf32>,
    %get3A_70 = vector.shape_cast %get3A_69 : vector<1x16xf32> to vector<16xf32>
    %mul3A_71 = arith.constant 2.000000e+01 : f32
    %mul3A_72 = vector.broadcast %mul3A_71 : f32 to vector<16xf32>
    %mul3A_73 = arith.mulf %get3A_70, %mul3A_72 : vector<16xf32>
    %get3A_74 = arith.constant 2 : i32
    %get3A_75 = arith.index_cast %get3A_74 : i32 to index
    %get3A_76 = arith.constant 16 : index
    %get3A_77 = tpu.vector_load %arg15[%get3A_75, %get3A_76] {strides = array<i32>} : memref<8x64xf32, #tpu.memory_space<vmem>>, vector<1x16xf32>,
    %get3A_78 = vector.shape_cast %get3A_77 : vector<1x16xf32> to vector<16xf32>
    %mul3A_79 = arith.constant 2.000000e+01 : f32
    %mul3A_80 = vector.broadcast %mul3A_79 : f32 to vector<16xf32>
    %mul3A_81 = arith.mulf %get3A_78, %mul3A_80 : vector<16xf32>
    %get3A_82 = arith.constant 2 : i32
    %get3A_83 = arith.index_cast %get3A_82 : i32 to index
    %get3A_84 = arith.constant 32 : index
    %get3A_85 = tpu.vector_load %arg15[%get3A_83, %get3A_84] {strides = array<i32>} : memref<8x64xf32, #tpu.memory_space<vmem>>, vector<1x16xf32>,
    %get3A_86 = vector.shape_cast %get3A_85 : vector<1x16xf32> to vector<16xf32>
    %mul3A_87 = arith.constant 2.000000e+01 : f32
    %mul3A_88 = vector.broadcast %mul3A_87 : f32 to vector<16xf32>
    %mul3A_89 = arith.mulf %get3A_86, %mul3A_88 : vector<16xf32>
    %get3A_90 = arith.constant 2 : i32
    %get3A_91 = arith.index_cast %get3A_90 : i32 to index
    %get3A_92 = arith.constant 48 : index
    %get3A_93 = tpu.vector_load %arg15[%get3A_91, %get3A_92] {strides = array<i32>} : memref<8x64xf32, #tpu.memory_space<vmem>>, vector<1x16xf32>,
    %get3A_94 = vector.shape_cast %get3A_93 : vector<1x16xf32> to vector<16xf32>
    %mul3A_95 = arith.constant 2.000000e+01 : f32
    %mul3A_96 = vector.broadcast %mul3A_95 : f32 to vector<16xf32>
    %mul3A_97 = arith.mulf %get3A_94, %mul3A_96 : vector<16xf32>
    %get3A_98 = arith.constant 3 : i32
    %get3A_99 = arith.index_cast %get3A_98 : i32 to index
    %get3A_100 = arith.constant 0 : index
    %get3A_101 = tpu.vector_load %arg15[%get3A_99, %get3A_100] {strides = array<i32>} : memref<8x64xf32, #tpu.memory_space<vmem>>, vector<1x16xf32>,
    %get3A_102 = vector.shape_cast %get3A_101 : vector<1x16xf32> to vector<16xf32>
    %mul3A_103 = arith.constant 2.000000e+01 : f32
    %mul3A_104 = vector.broadcast %mul3A_103 : f32 to vector<16xf32>
    %mul3A_105 = arith.mulf %get3A_102, %mul3A_104 : vector<16xf32>
    %get3A_106 = arith.constant 3 : i32
    %get3A_107 = arith.index_cast %get3A_106 : i32 to index
    %get3A_108 = arith.constant 16 : index
    %get3A_109 = tpu.vector_load %arg15[%get3A_107, %get3A_108] {strides = array<i32>} : memref<8x64xf32, #tpu.memory_space<vmem>>, vector<1x16xf32>,
    %get3A_110 = vector.shape_cast %get3A_109 : vector<1x16xf32> to vector<16xf32>
    %mul3A_111 = arith.constant 2.000000e+01 : f32
    %mul3A_112 = vector.broadcast %mul3A_111 : f32 to vector<16xf32>
    %mul3A_113 = arith.mulf %get3A_110, %mul3A_112 : vector<16xf32>
    %get3A_114 = arith.constant 3 : i32
    %get3A_115 = arith.index_cast %get3A_114 : i32 to index
    %get3A_116 = arith.constant 32 : index
    %get3A_117 = tpu.vector_load %arg15[%get3A_115, %get3A_116] {strides = array<i32>} : memref<8x64xf32, #tpu.memory_space<vmem>>, vector<1x16xf32>,
    %get3A_118 = vector.shape_cast %get3A_117 : vector<1x16xf32> to vector<16xf32>
    %mul3A_119 = arith.constant 2.000000e+01 : f32
    %mul3A_120 = vector.broadcast %mul3A_119 : f32 to vector<16xf32>
    %mul3A_121 = arith.mulf %get3A_118, %mul3A_120 : vector<16xf32>
    %get3A_122 = arith.constant 3 : i32
    %get3A_123 = arith.index_cast %get3A_122 : i32 to index
    %get3A_124 = arith.constant 48 : index
    %get3A_125 = tpu.vector_load %arg15[%get3A_123, %get3A_124] {strides = array<i32>} : memref<8x64xf32, #tpu.memory_space<vmem>>, vector<1x16xf32>,
    %get3A_126 = vector.shape_cast %get3A_125 : vector<1x16xf32> to vector<16xf32>
    %mul3A_127 = arith.constant 2.000000e+01 : f32
    %mul3A_128 = vector.broadcast %mul3A_127 : f32 to vector<16xf32>
    %mul3A_129 = arith.mulf %get3A_126, %mul3A_128 : vector<16xf32>
    %get3A_130 = arith.constant 4 : i32
    %get3A_131 = arith.index_cast %get3A_130 : i32 to index
    %get3A_132 = arith.constant 0 : index
    %get3A_133 = tpu.vector_load %arg15[%get3A_131, %get3A_132] {strides = array<i32>} : memref<8x64xf32, #tpu.memory_space<vmem>>, vector<1x16xf32>,
    %get3A_134 = vector.shape_cast %get3A_133 : vector<1x16xf32> to vector<16xf32>
    %mul3A_135 = arith.constant 2.000000e+01 : f32
    %mul3A_136 = vector.broadcast %mul3A_135 : f32 to vector<16xf32>
    %mul3A_137 = arith.mulf %get3A_134, %mul3A_136 : vector<16xf32>
    %get3A_138 = arith.constant 4 : i32
    %get3A_139 = arith.index_cast %get3A_138 : i32 to index
    %get3A_140 = arith.constant 16 : index
    %get3A_141 = tpu.vector_load %arg15[%get3A_139, %get3A_140] {strides = array<i32>} : memref<8x64xf32, #tpu.memory_space<vmem>>, vector<1x16xf32>,
    %get3A_142 = vector.shape_cast %get3A_141 : vector<1x16xf32> to vector<16xf32>
    %mul3A_143 = arith.constant 2.000000e+01 : f32
    %mul3A_144 = vector.broadcast %mul3A_143 : f32 to vector<16xf32>
    %mul3A_145 = arith.mulf %get3A_142, %mul3A_144 : vector<16xf32>
    %get3A_146 = arith.constant 4 : i32
    %get3A_147 = arith.index_cast %get3A_146 : i32 to index
    %get3A_148 = arith.constant 32 : index
    %get3A_149 = tpu.vector_load %arg15[%get3A_147, %get3A_148] {strides = array<i32>} : memref<8x64xf32, #tpu.memory_space<vmem>>, vector<1x16xf32>,
    %get3A_150 = vector.shape_cast %get3A_149 : vector<1x16xf32> to vector<16xf32>
    %mul3A_151 = arith.constant 2.000000e+01 : f32
    %mul3A_152 = vector.broadcast %mul3A_151 : f32 to vector<16xf32>
    %mul3A_153 = arith.mulf %get3A_150, %mul3A_152 : vector<16xf32>
    %get3A_154 = arith.constant 4 : i32
    %get3A_155 = arith.index_cast %get3A_154 : i32 to index
    %get3A_156 = arith.constant 48 : index
    %get3A_157 = tpu.vector_load %arg15[%get3A_155, %get3A_156] {strides = array<i32>} : memref<8x64xf32, #tpu.memory_space<vmem>>, vector<1x16xf32>,
    %get3A_158 = vector.shape_cast %get3A_157 : vector<1x16xf32> to vector<16xf32>
    %mul3A_159 = arith.constant 2.000000e+01 : f32
    %mul3A_160 = vector.broadcast %mul3A_159 : f32 to vector<16xf32>
    %mul3A_161 = arith.mulf %get3A_158, %mul3A_160 : vector<16xf32>
    %get3A_162 = arith.constant 5 : i32
    %get3A_163 = arith.index_cast %get3A_162 : i32 to index
    %get3A_164 = arith.constant 0 : index
    %get3A_165 = tpu.vector_load %arg15[%get3A_163, %get3A_164] {strides = array<i32>} : memref<8x64xf32, #tpu.memory_space<vmem>>, vector<1x16xf32>,
    %get3A_166 = vector.shape_cast %get3A_165 : vector<1x16xf32> to vector<16xf32>
    %mul3A_167 = arith.constant 2.000000e+01 : f32
    %mul3A_168 = vector.broadcast %mul3A_167 : f32 to vector<16xf32>
    %mul3A_169 = arith.mulf %get3A_166, %mul3A_168 : vector<16xf32>
    %get3A_170 = arith.constant 5 : i32
    %get3A_171 = arith.index_cast %get3A_170 : i32 to index
    %get3A_172 = arith.constant 16 : index
    %get3A_173 = tpu.vector_load %arg15[%get3A_171, %get3A_172] {strides = array<i32>} : memref<8x64xf32, #tpu.memory_space<vmem>>, vector<1x16xf32>,
    %get3A_174 = vector.shape_cast %get3A_173 : vector<1x16xf32> to vector<16xf32>
    %mul3A_175 = arith.constant 2.000000e+01 : f32
    %mul3A_176 = vector.broadcast %mul3A_175 : f32 to vector<16xf32>
    %mul3A_177 = arith.mulf %get3A_174, %mul3A_176 : vector<16xf32>
    %get3A_178 = arith.constant 5 : i32
    %get3A_179 = arith.index_cast %get3A_178 : i32 to index
    %get3A_180 = arith.constant 32 : index
    %get3A_181 = tpu.vector_load %arg15[%get3A_179, %get3A_180] {strides = array<i32>} : memref<8x64xf32, #tpu.memory_space<vmem>>, vector<1x16xf32>,
    %get3A_182 = vector.shape_cast %get3A_181 : vector<1x16xf32> to vector<16xf32>
    %mul3A_183 = arith.constant 2.000000e+01 : f32
    %mul3A_184 = vector.broadcast %mul3A_183 : f32 to vector<16xf32>
    %mul3A_185 = arith.mulf %get3A_182, %mul3A_184 : vector<16xf32>
    %get3A_186 = arith.constant 5 : i32
    %get3A_187 = arith.index_cast %get3A_186 : i32 to index
    %get3A_188 = arith.constant 48 : index
    %get3A_189 = tpu.vector_load %arg15[%get3A_187, %get3A_188] {strides = array<i32>} : memref<8x64xf32, #tpu.memory_space<vmem>>, vector<1x16xf32>,
    %get3A_190 = vector.shape_cast %get3A_189 : vector<1x16xf32> to vector<16xf32>
    %mul3A_191 = arith.constant 2.000000e+01 : f32
    %mul3A_192 = vector.broadcast %mul3A_191 : f32 to vector<16xf32>
    %mul3A_193 = arith.mulf %get3A_190, %mul3A_192 : vector<16xf32>
    %get3A_194 = arith.constant 6 : i32
    %get3A_195 = arith.index_cast %get3A_194 : i32 to index
    %get3A_196 = arith.constant 0 : index
    %get3A_197 = tpu.vector_load %arg15[%get3A_195, %get3A_196] {strides = array<i32>} : memref<8x64xf32, #tpu.memory_space<vmem>>, vector<1x16xf32>,
    %get3A_198 = vector.shape_cast %get3A_197 : vector<1x16xf32> to vector<16xf32>
    %mul3A_199 = arith.constant 2.000000e+01 : f32
    %mul3A_200 = vector.broadcast %mul3A_199 : f32 to vector<16xf32>
    %mul3A_201 = arith.mulf %get3A_198, %mul3A_200 : vector<16xf32>
    %get3A_202 = arith.constant 6 : i32
    %get3A_203 = arith.index_cast %get3A_202 : i32 to index
    %get3A_204 = arith.constant 16 : index
    %get3A_205 = tpu.vector_load %arg15[%get3A_203, %get3A_204] {strides = array<i32>} : memref<8x64xf32, #tpu.memory_space<vmem>>, vector<1x16xf32>,
    %get3A_206 = vector.shape_cast %get3A_205 : vector<1x16xf32> to vector<16xf32>
    %mul3A_207 = arith.constant 2.000000e+01 : f32
    %mul3A_208 = vector.broadcast %mul3A_207 : f32 to vector<16xf32>
    %mul3A_209 = arith.mulf %get3A_206, %mul3A_208 : vector<16xf32>
    %get3A_210 = arith.constant 6 : i32
    %get3A_211 = arith.index_cast %get3A_210 : i32 to index
    %get3A_212 = arith.constant 32 : index
    %get3A_213 = tpu.vector_load %arg15[%get3A_211, %get3A_212] {strides = array<i32>} : memref<8x64xf32, #tpu.memory_space<vmem>>, vector<1x16xf32>,
    %get3A_214 = vector.shape_cast %get3A_213 : vector<1x16xf32> to vector<16xf32>
    %mul3A_215 = arith.constant 2.000000e+01 : f32
    %mul3A_216 = vector.broadcast %mul3A_215 : f32 to vector<16xf32>
    %mul3A_217 = arith.mulf %get3A_214, %mul3A_216 : vector<16xf32>
    %get3A_218 = arith.constant 6 : i32
    %get3A_219 = arith.index_cast %get3A_218 : i32 to index
    %get3A_220 = arith.constant 48 : index
    %get3A_221 = tpu.vector_load %arg15[%get3A_219, %get3A_220] {strides = array<i32>} : memref<8x64xf32, #tpu.memory_space<vmem>>, vector<1x16xf32>,
    %get3A_222 = vector.shape_cast %get3A_221 : vector<1x16xf32> to vector<16xf32>
    %mul3A_223 = arith.constant 2.000000e+01 : f32
    %mul3A_224 = vector.broadcast %mul3A_223 : f32 to vector<16xf32>
    %mul3A_225 = arith.mulf %get3A_222, %mul3A_224 : vector<16xf32>
    %get3A_226 = arith.constant 7 : i32
    %get3A_227 = arith.index_cast %get3A_226 : i32 to index
    %get3A_228 = arith.constant 0 : index
    %get3A_229 = tpu.vector_load %arg15[%get3A_227, %get3A_228] {strides = array<i32>} : memref<8x64xf32, #tpu.memory_space<vmem>>, vector<1x16xf32>,
    %get3A_230 = vector.shape_cast %get3A_229 : vector<1x16xf32> to vector<16xf32>
    %mul3A_231 = arith.constant 2.000000e+01 : f32
    %mul3A_232 = vector.broadcast %mul3A_231 : f32 to vector<16xf32>
    %mul3A_233 = arith.mulf %get3A_230, %mul3A_232 : vector<16xf32>
    %get3A_234 = arith.constant 7 : i32
    %get3A_235 = arith.index_cast %get3A_234 : i32 to index
    %get3A_236 = arith.constant 16 : index
    %get3A_237 = tpu.vector_load %arg15[%get3A_235, %get3A_236] {strides = array<i32>} : memref<8x64xf32, #tpu.memory_space<vmem>>, vector<1x16xf32>,
    %get3A_238 = vector.shape_cast %get3A_237 : vector<1x16xf32> to vector<16xf32>
    %mul3A_239 = arith.constant 2.000000e+01 : f32
    %mul3A_240 = vector.broadcast %mul3A_239 : f32 to vector<16xf32>
    %mul3A_241 = arith.mulf %get3A_238, %mul3A_240 : vector<16xf32>
    %get3A_242 = arith.constant 7 : i32
    %get3A_243 = arith.index_cast %get3A_242 : i32 to index
    %get3A_244 = arith.constant 32 : index
    %get3A_245 = tpu.vector_load %arg15[%get3A_243, %get3A_244] {strides = array<i32>} : memref<8x64xf32, #tpu.memory_space<vmem>>, vector<1x16xf32>,
    %get3A_246 = vector.shape_cast %get3A_245 : vector<1x16xf32> to vector<16xf32>
    %mul3A_247 = arith.constant 2.000000e+01 : f32
    %mul3A_248 = vector.broadcast %mul3A_247 : f32 to vector<16xf32>
    %mul3A_249 = arith.mulf %get3A_246, %mul3A_248 : vector<16xf32>
    %get3A_250 = arith.constant 7 : i32
    %get3A_251 = arith.index_cast %get3A_250 : i32 to index
    %get3A_252 = arith.constant 48 : index
    %get3A_253 = tpu.vector_load %arg15[%get3A_251, %get3A_252] {strides = array<i32>} : memref<8x64xf32, #tpu.memory_space<vmem>>, vector<1x16xf32>,
    %get3A_254 = vector.shape_cast %get3A_253 : vector<1x16xf32> to vector<16xf32>
    %mul3A_255 = arith.constant 2.000000e+01 : f32
    %mul3A_256 = vector.broadcast %mul3A_255 : f32 to vector<16xf32>
    %mul3A_257 = arith.mulf %get3A_254, %mul3A_256 : vector<16xf32>
    %iota3A = tpu.iota {dimensions = array<i32: 0>} : vector<16xi32>
    %lt3A = arith.constant 8 : i32
    %lt3A_258 = vector.broadcast %lt3A : i32 to vector<16xi32>
    %lt3A_259 = arith.cmpi slt, %iota3A, %lt3A_258 : vector<16xi32>
    %jit3A = arith.constant 8 : i32
    %eq3A = arith.constant 0 : i32
    %eq3A_260 = arith.cmpi eq, %jit3A, %eq3A : i32
    %jit3A_261 = arith.constant 1 : i32
    %select_n3A = arith.select %eq3A_260, %jit3A_261, %jit3A : i32
    %rem3A = vector.broadcast %select_n3A : i32 to vector<16xi32>
    %rem3A_262 = arith.remsi %iota3A, %rem3A : vector<16xi32>
    %ne3A = arith.constant 0 : i32
    %ne3A_263 = vector.broadcast %ne3A : i32 to vector<16xi32>
    %ne3A_264 = arith.cmpi ne, %rem3A_262, %ne3A_263 : vector<16xi32>
    %lt3A_265 = arith.constant 0 : i32
    %lt3A_266 = vector.broadcast %lt3A_265 : i32 to vector<16xi32>
    %lt3A_267 = arith.cmpi slt, %rem3A_262, %lt3A_266 : vector<16xi32>
    %lt3A_268 = arith.constant 0 : i32
    %lt3A_269 = arith.cmpi slt, %select_n3A, %lt3A_268 : i32
    %ne3A_270 = vector.broadcast %lt3A_269 : i1 to vector<16xi1>
    %ne3A_271 = vector.broadcast %ne3A_270 : vector<16xi1> to vector<16xi1>
    %ne3A_272 = arith.xori %lt3A_267, %ne3A_271 : vector<16xi1>
    %and3A = arith.andi %ne3A_272, %ne3A_264 : vector<16xi1>
    %add3A_273 = vector.broadcast %select_n3A : i32 to vector<16xi32>
    %add3A_274 = arith.addi %rem3A_262, %add3A_273 : vector<16xi32>
    %select_n3A_275 = arith.select %and3A, %add3A_274, %rem3A_262 : vector<16xi1>, vector<16xi32>
    %add3A_276 = arith.constant 0 : i32
    %add3A_277 = arith.addi %mul3A_2, %add3A_276 : i32
    "tpu.region"() ({
      %run_scoped3A = tpu.sem_alloc : memref<!tpu.dma_semaphore, #tpu.memory_space<semaphore_mem>>
      %dma_start3A_583 = tpu.memref_slice %arg2[%add3A_277] : memref<204800xi32, #tpu.memory_space<hbm>> -> memref<640xi32, #tpu.memory_space<hbm>>
      %dma_start3A_584 = tpu.memref_slice %arg2[%add3A_277] : memref<204800xi32, #tpu.memory_space<hbm>> -> memref<640xi32, #tpu.memory_space<hbm>>
      tpu.enqueue_dma source(%dma_start3A_584 : memref<640xi32, #tpu.memory_space<hbm>>) target(%arg7 : memref<640xi32, #tpu.memory_space<vmem>>) target_semaphore(%run_scoped3A : memref<!tpu.dma_semaphore, #tpu.memory_space<semaphore_mem>>)
      %dma_wait3A_585 = tpu.memref_slice %arg2[%add3A_277] : memref<204800xi32, #tpu.memory_space<hbm>> -> memref<640xi32, #tpu.memory_space<hbm>>
      %dma_wait3A_586 = tpu.memref_slice %arg2[%add3A_277] : memref<204800xi32, #tpu.memory_space<hbm>> -> memref<640xi32, #tpu.memory_space<hbm>>
      tpu.wait_dma2 semaphore(%run_scoped3A : memref<!tpu.dma_semaphore, #tpu.memory_space<semaphore_mem>>) src(%dma_wait3A_586 : memref<640xi32, #tpu.memory_space<hbm>>) dst(%arg7 : memref<640xi32, #tpu.memory_space<vmem>>)
      tpu.yield
    }) : () -> ()
    %dma_start3A = arith.constant 0 : i32
    %dma_start3A_278 = arith.constant 0 : i32
    %dma_start3A_279 = tpu.memref_slice %arg3[%dma_start3A, %dma_start3A_278] : memref<1000000x64xf32, #tpu.memory_space<hbm>> -> memref<1000000x64xf32, #tpu.memory_space<hbm>>
    tpu.enqueue_indirect_dma source(%dma_start3A_279 : memref<1000000x64xf32, #tpu.memory_space<hbm>>) target(%arg11 : memref<640x64xf32, #tpu.memory_space<vmem>>) offsets(%arg7 : memref<640xi32, #tpu.memory_space<vmem>>) semaphore(%arg16 : memref<!tpu.dma_semaphore, #tpu.memory_space<semaphore_mem>>)
    %scan3A = arith.constant 0 : i32
    %scan3A_280 = arith.constant 0 : i32
    %scan3A_281 = arith.constant 40 : i32
    %scan3A_282 = arith.addi %scan3A_280, %scan3A_281 : i32
    %scan3A_283 = arith.constant 1 : i32
    %scan3A_284 = scf.for %scan3A_583 = %scan3A_280 to %scan3A_282 step %scan3A_283 iter_args(%scan3A_584 = %scan3A) -> (i32)  : i32 {
      %mul3A_585 = arith.constant 16 : i32
      %mul3A_586 = arith.muli %scan3A_583, %mul3A_585 : i32
      %get3A_587 = arith.index_cast %mul3A_586 : i32 to index
      %get3A_588 = tpu.vector_load %arg7[%get3A_587] {strides = array<i32>} : memref<640xi32, #tpu.memory_space<vmem>>, vector<16xi32>,
      %get3A_589 = vector.shape_cast %get3A_588 : vector<16xi32> to vector<16xi32>
      %slice3A = vector.extract_strided_slice %get3A_589 {offsets = [0], sizes = [1], strides = [1]} : vector<16xi32> to vector<1xi32>
      %squeeze3A = vector.extract %slice3A[0] : i32 from vector<1xi32>
      %slice3A_590 = vector.extract_strided_slice %get3A_589 {offsets = [1], sizes = [1], strides = [1]} : vector<16xi32> to vector<1xi32>
      %squeeze3A_591 = vector.extract %slice3A_590[0] : i32 from vector<1xi32>
      %broadcast_in_dim3A = vector.broadcast %squeeze3A : i32 to vector<16xi32>
      %broadcast_in_dim3A_592 = vector.broadcast %squeeze3A_591 : i32 to vector<16xi32>
      %select_n3A_593 = arith.select %lt3A_259, %broadcast_in_dim3A, %broadcast_in_dim3A_592 : vector<16xi1>, vector<16xi32>
      %mul3A_594 = arith.constant 8 : i32
      %mul3A_595 = vector.broadcast %mul3A_594 : i32 to vector<16xi32>
      %mul3A_596 = arith.muli %select_n3A_593, %mul3A_595 : vector<16xi32>
      %add3A_597 = arith.addi %mul3A_596, %select_n3A_275 : vector<16xi32>
      %mul3A_598 = arith.constant 16 : i32
      %mul3A_599 = arith.muli %scan3A_583, %mul3A_598 : i32
      %mul3A_600 = arith.constant 8 : i32
      %mul3A_601 = arith.muli %mul3A_599, %mul3A_600 : i32
      %add3A_602 = arith.constant 0 : i32
      %add3A_603 = arith.addi %mul3A_601, %add3A_602 : i32
      %swap3A = arith.index_cast %add3A_603 : i32 to index
      %swap3A_604 = tpu.vector_load %arg9[%swap3A] {strides = array<i32>} : memref<5120xi32, #tpu.memory_space<vmem>>, vector<16xi32>,
      %swap3A_605 = vector.shape_cast %swap3A_604 : vector<16xi32> to vector<16xi32>
      %swap3A_606 = vector.shape_cast %add3A_597 : vector<16xi32> to vector<16xi32>
      tpu.vector_store %arg9[%swap3A], %swap3A_606 {strides = array<i32>} : memref<5120xi32, #tpu.memory_space<vmem>>, vector<16xi32>,
      %slice3A_607 = vector.extract_strided_slice %get3A_589 {offsets = [2], sizes = [1], strides = [1]} : vector<16xi32> to vector<1xi32>
      %squeeze3A_608 = vector.extract %slice3A_607[0] : i32 from vector<1xi32>
      %slice3A_609 = vector.extract_strided_slice %get3A_589 {offsets = [3], sizes = [1], strides = [1]} : vector<16xi32> to vector<1xi32>
      %squeeze3A_610 = vector.extract %slice3A_609[0] : i32 from vector<1xi32>
      %broadcast_in_dim3A_611 = vector.broadcast %squeeze3A_608 : i32 to vector<16xi32>
      %broadcast_in_dim3A_612 = vector.broadcast %squeeze3A_610 : i32 to vector<16xi32>
      %select_n3A_613 = arith.select %lt3A_259, %broadcast_in_dim3A_611, %broadcast_in_dim3A_612 : vector<16xi1>, vector<16xi32>
      %mul3A_614 = arith.constant 8 : i32
      %mul3A_615 = vector.broadcast %mul3A_614 : i32 to vector<16xi32>
      %mul3A_616 = arith.muli %select_n3A_613, %mul3A_615 : vector<16xi32>
      %add3A_617 = arith.addi %mul3A_616, %select_n3A_275 : vector<16xi32>
      %mul3A_618 = arith.constant 16 : i32
      %mul3A_619 = arith.muli %scan3A_583, %mul3A_618 : i32
      %mul3A_620 = arith.constant 8 : i32
      %mul3A_621 = arith.muli %mul3A_619, %mul3A_620 : i32
      %add3A_622 = arith.constant 16 : i32
      %add3A_623 = arith.addi %mul3A_621, %add3A_622 : i32
      %swap3A_624 = arith.index_cast %add3A_623 : i32 to index
      %swap3A_625 = tpu.vector_load %arg9[%swap3A_624] {strides = array<i32>} : memref<5120xi32, #tpu.memory_space<vmem>>, vector<16xi32>,
      %swap3A_626 = vector.shape_cast %swap3A_625 : vector<16xi32> to vector<16xi32>
      %swap3A_627 = vector.shape_cast %add3A_617 : vector<16xi32> to vector<16xi32>
      tpu.vector_store %arg9[%swap3A_624], %swap3A_627 {strides = array<i32>} : memref<5120xi32, #tpu.memory_space<vmem>>, vector<16xi32>,
      %slice3A_628 = vector.extract_strided_slice %get3A_589 {offsets = [4], sizes = [1], strides = [1]} : vector<16xi32> to vector<1xi32>
      %squeeze3A_629 = vector.extract %slice3A_628[0] : i32 from vector<1xi32>
      %slice3A_630 = vector.extract_strided_slice %get3A_589 {offsets = [5], sizes = [1], strides = [1]} : vector<16xi32> to vector<1xi32>
      %squeeze3A_631 = vector.extract %slice3A_630[0] : i32 from vector<1xi32>
      %broadcast_in_dim3A_632 = vector.broadcast %squeeze3A_629 : i32 to vector<16xi32>
      %broadcast_in_dim3A_633 = vector.broadcast %squeeze3A_631 : i32 to vector<16xi32>
      %select_n3A_634 = arith.select %lt3A_259, %broadcast_in_dim3A_632, %broadcast_in_dim3A_633 : vector<16xi1>, vector<16xi32>
      %mul3A_635 = arith.constant 8 : i32
      %mul3A_636 = vector.broadcast %mul3A_635 : i32 to vector<16xi32>
      %mul3A_637 = arith.muli %select_n3A_634, %mul3A_636 : vector<16xi32>
      %add3A_638 = arith.addi %mul3A_637, %select_n3A_275 : vector<16xi32>
      %mul3A_639 = arith.constant 16 : i32
      %mul3A_640 = arith.muli %scan3A_583, %mul3A_639 : i32
      %mul3A_641 = arith.constant 8 : i32
      %mul3A_642 = arith.muli %mul3A_640, %mul3A_641 : i32
      %add3A_643 = arith.constant 32 : i32
      %add3A_644 = arith.addi %mul3A_642, %add3A_643 : i32
      %swap3A_645 = arith.index_cast %add3A_644 : i32 to index
      %swap3A_646 = tpu.vector_load %arg9[%swap3A_645] {strides = array<i32>} : memref<5120xi32, #tpu.memory_space<vmem>>, vector<16xi32>,
      %swap3A_647 = vector.shape_cast %swap3A_646 : vector<16xi32> to vector<16xi32>
      %swap3A_648 = vector.shape_cast %add3A_638 : vector<16xi32> to vector<16xi32>
      tpu.vector_store %arg9[%swap3A_645], %swap3A_648 {strides = array<i32>} : memref<5120xi32, #tpu.memory_space<vmem>>, vector<16xi32>,
      %slice3A_649 = vector.extract_strided_slice %get3A_589 {offsets = [6], sizes = [1], strides = [1]} : vector<16xi32> to vector<1xi32>
      %squeeze3A_650 = vector.extract %slice3A_649[0] : i32 from vector<1xi32>
      %slice3A_651 = vector.extract_strided_slice %get3A_589 {offsets = [7], sizes = [1], strides = [1]} : vector<16xi32> to vector<1xi32>
      %squeeze3A_652 = vector.extract %slice3A_651[0] : i32 from vector<1xi32>
      %broadcast_in_dim3A_653 = vector.broadcast %squeeze3A_650 : i32 to vector<16xi32>
      %broadcast_in_dim3A_654 = vector.broadcast %squeeze3A_652 : i32 to vector<16xi32>
      %select_n3A_655 = arith.select %lt3A_259, %broadcast_in_dim3A_653, %broadcast_in_dim3A_654 : vector<16xi1>, vector<16xi32>
      %mul3A_656 = arith.constant 8 : i32
      %mul3A_657 = vector.broadcast %mul3A_656 : i32 to vector<16xi32>
      %mul3A_658 = arith.muli %select_n3A_655, %mul3A_657 : vector<16xi32>
      %add3A_659 = arith.addi %mul3A_658, %select_n3A_275 : vector<16xi32>
      %mul3A_660 = arith.constant 16 : i32
      %mul3A_661 = arith.muli %scan3A_583, %mul3A_660 : i32
      %mul3A_662 = arith.constant 8 : i32
      %mul3A_663 = arith.muli %mul3A_661, %mul3A_662 : i32
      %add3A_664 = arith.constant 48 : i32
      %add3A_665 = arith.addi %mul3A_663, %add3A_664 : i32
      %swap3A_666 = arith.index_cast %add3A_665 : i32 to index
      %swap3A_667 = tpu.vector_load %arg9[%swap3A_666] {strides = array<i32>} : memref<5120xi32, #tpu.memory_space<vmem>>, vector<16xi32>,
      %swap3A_668 = vector.shape_cast %swap3A_667 : vector<16xi32> to vector<16xi32>
      %swap3A_669 = vector.shape_cast %add3A_659 : vector<16xi32> to vector<16xi32>
      tpu.vector_store %arg9[%swap3A_666], %swap3A_669 {strides = array<i32>} : memref<5120xi32, #tpu.memory_space<vmem>>, vector<16xi32>,
      %slice3A_670 = vector.extract_strided_slice %get3A_589 {offsets = [8], sizes = [1], strides = [1]} : vector<16xi32> to vector<1xi32>
      %squeeze3A_671 = vector.extract %slice3A_670[0] : i32 from vector<1xi32>
      %slice3A_672 = vector.extract_strided_slice %get3A_589 {offsets = [9], sizes = [1], strides = [1]} : vector<16xi32> to vector<1xi32>
      %squeeze3A_673 = vector.extract %slice3A_672[0] : i32 from vector<1xi32>
      %broadcast_in_dim3A_674 = vector.broadcast %squeeze3A_671 : i32 to vector<16xi32>
      %broadcast_in_dim3A_675 = vector.broadcast %squeeze3A_673 : i32 to vector<16xi32>
      %select_n3A_676 = arith.select %lt3A_259, %broadcast_in_dim3A_674, %broadcast_in_dim3A_675 : vector<16xi1>, vector<16xi32>
      %mul3A_677 = arith.constant 8 : i32
      %mul3A_678 = vector.broadcast %mul3A_677 : i32 to vector<16xi32>
      %mul3A_679 = arith.muli %select_n3A_676, %mul3A_678 : vector<16xi32>
      %add3A_680 = arith.addi %mul3A_679, %select_n3A_275 : vector<16xi32>
      %mul3A_681 = arith.constant 16 : i32
      %mul3A_682 = arith.muli %scan3A_583, %mul3A_681 : i32
      %mul3A_683 = arith.constant 8 : i32
      %mul3A_684 = arith.muli %mul3A_682, %mul3A_683 : i32
      %add3A_685 = arith.constant 64 : i32
      %add3A_686 = arith.addi %mul3A_684, %add3A_685 : i32
      %swap3A_687 = arith.index_cast %add3A_686 : i32 to index
      %swap3A_688 = tpu.vector_load %arg9[%swap3A_687] {strides = array<i32>} : memref<5120xi32, #tpu.memory_space<vmem>>, vector<16xi32>,
      %swap3A_689 = vector.shape_cast %swap3A_688 : vector<16xi32> to vector<16xi32>
      %swap3A_690 = vector.shape_cast %add3A_680 : vector<16xi32> to vector<16xi32>
      tpu.vector_store %arg9[%swap3A_687], %swap3A_690 {strides = array<i32>} : memref<5120xi32, #tpu.memory_space<vmem>>, vector<16xi32>,
      %slice3A_691 = vector.extract_strided_slice %get3A_589 {offsets = [10], sizes = [1], strides = [1]} : vector<16xi32> to vector<1xi32>
      %squeeze3A_692 = vector.extract %slice3A_691[0] : i32 from vector<1xi32>
      %slice3A_693 = vector.extract_strided_slice %get3A_589 {offsets = [11], sizes = [1], strides = [1]} : vector<16xi32> to vector<1xi32>
      %squeeze3A_694 = vector.extract %slice3A_693[0] : i32 from vector<1xi32>
      %broadcast_in_dim3A_695 = vector.broadcast %squeeze3A_692 : i32 to vector<16xi32>
      %broadcast_in_dim3A_696 = vector.broadcast %squeeze3A_694 : i32 to vector<16xi32>
      %select_n3A_697 = arith.select %lt3A_259, %broadcast_in_dim3A_695, %broadcast_in_dim3A_696 : vector<16xi1>, vector<16xi32>
      %mul3A_698 = arith.constant 8 : i32
      %mul3A_699 = vector.broadcast %mul3A_698 : i32 to vector<16xi32>
      %mul3A_700 = arith.muli %select_n3A_697, %mul3A_699 : vector<16xi32>
      %add3A_701 = arith.addi %mul3A_700, %select_n3A_275 : vector<16xi32>
      %mul3A_702 = arith.constant 16 : i32
      %mul3A_703 = arith.muli %scan3A_583, %mul3A_702 : i32
      %mul3A_704 = arith.constant 8 : i32
      %mul3A_705 = arith.muli %mul3A_703, %mul3A_704 : i32
      %add3A_706 = arith.constant 80 : i32
      %add3A_707 = arith.addi %mul3A_705, %add3A_706 : i32
      %swap3A_708 = arith.index_cast %add3A_707 : i32 to index
      %swap3A_709 = tpu.vector_load %arg9[%swap3A_708] {strides = array<i32>} : memref<5120xi32, #tpu.memory_space<vmem>>, vector<16xi32>,
      %swap3A_710 = vector.shape_cast %swap3A_709 : vector<16xi32> to vector<16xi32>
      %swap3A_711 = vector.shape_cast %add3A_701 : vector<16xi32> to vector<16xi32>
      tpu.vector_store %arg9[%swap3A_708], %swap3A_711 {strides = array<i32>} : memref<5120xi32, #tpu.memory_space<vmem>>, vector<16xi32>,
      %slice3A_712 = vector.extract_strided_slice %get3A_589 {offsets = [12], sizes = [1], strides = [1]} : vector<16xi32> to vector<1xi32>
      %squeeze3A_713 = vector.extract %slice3A_712[0] : i32 from vector<1xi32>
      %slice3A_714 = vector.extract_strided_slice %get3A_589 {offsets = [13], sizes = [1], strides = [1]} : vector<16xi32> to vector<1xi32>
      %squeeze3A_715 = vector.extract %slice3A_714[0] : i32 from vector<1xi32>
      %broadcast_in_dim3A_716 = vector.broadcast %squeeze3A_713 : i32 to vector<16xi32>
      %broadcast_in_dim3A_717 = vector.broadcast %squeeze3A_715 : i32 to vector<16xi32>
      %select_n3A_718 = arith.select %lt3A_259, %broadcast_in_dim3A_716, %broadcast_in_dim3A_717 : vector<16xi1>, vector<16xi32>
      %mul3A_719 = arith.constant 8 : i32
      %mul3A_720 = vector.broadcast %mul3A_719 : i32 to vector<16xi32>
      %mul3A_721 = arith.muli %select_n3A_718, %mul3A_720 : vector<16xi32>
      %add3A_722 = arith.addi %mul3A_721, %select_n3A_275 : vector<16xi32>
      %mul3A_723 = arith.constant 16 : i32
      %mul3A_724 = arith.muli %scan3A_583, %mul3A_723 : i32
      %mul3A_725 = arith.constant 8 : i32
      %mul3A_726 = arith.muli %mul3A_724, %mul3A_725 : i32
      %add3A_727 = arith.constant 96 : i32
      %add3A_728 = arith.addi %mul3A_726, %add3A_727 : i32
      %swap3A_729 = arith.index_cast %add3A_728 : i32 to index
      %swap3A_730 = tpu.vector_load %arg9[%swap3A_729] {strides = array<i32>} : memref<5120xi32, #tpu.memory_space<vmem>>, vector<16xi32>,
      %swap3A_731 = vector.shape_cast %swap3A_730 : vector<16xi32> to vector<16xi32>
      %swap3A_732 = vector.shape_cast %add3A_722 : vector<16xi32> to vector<16xi32>
      tpu.vector_store %arg9[%swap3A_729], %swap3A_732 {strides = array<i32>} : memref<5120xi32, #tpu.memory_space<vmem>>, vector<16xi32>,
      %slice3A_733 = vector.extract_strided_slice %get3A_589 {offsets = [14], sizes = [1], strides = [1]} : vector<16xi32> to vector<1xi32>
      %squeeze3A_734 = vector.extract %slice3A_733[0] : i32 from vector<1xi32>
      %slice3A_735 = vector.extract_strided_slice %get3A_589 {offsets = [15], sizes = [1], strides = [1]} : vector<16xi32> to vector<1xi32>
      %squeeze3A_736 = vector.extract %slice3A_735[0] : i32 from vector<1xi32>
      %broadcast_in_dim3A_737 = vector.broadcast %squeeze3A_734 : i32 to vector<16xi32>
      %broadcast_in_dim3A_738 = vector.broadcast %squeeze3A_736 : i32 to vector<16xi32>
      %select_n3A_739 = arith.select %lt3A_259, %broadcast_in_dim3A_737, %broadcast_in_dim3A_738 : vector<16xi1>, vector<16xi32>
      %mul3A_740 = arith.constant 8 : i32
      %mul3A_741 = vector.broadcast %mul3A_740 : i32 to vector<16xi32>
      %mul3A_742 = arith.muli %select_n3A_739, %mul3A_741 : vector<16xi32>
      %add3A_743 = arith.addi %mul3A_742, %select_n3A_275 : vector<16xi32>
      %mul3A_744 = arith.constant 16 : i32
      %mul3A_745 = arith.muli %scan3A_583, %mul3A_744 : i32
      %mul3A_746 = arith.constant 8 : i32
      %mul3A_747 = arith.muli %mul3A_745, %mul3A_746 : i32
      %add3A_748 = arith.constant 112 : i32
      %add3A_749 = arith.addi %mul3A_747, %add3A_748 : i32
      %swap3A_750 = arith.index_cast %add3A_749 : i32 to index
      %swap3A_751 = tpu.vector_load %arg9[%swap3A_750] {strides = array<i32>} : memref<5120xi32, #tpu.memory_space<vmem>>, vector<16xi32>,
      %swap3A_752 = vector.shape_cast %swap3A_751 : vector<16xi32> to vector<16xi32>
      %swap3A_753 = vector.shape_cast %add3A_743 : vector<16xi32> to vector<16xi32>
      tpu.vector_store %arg9[%swap3A_750], %swap3A_753 {strides = array<i32>} : memref<5120xi32, #tpu.memory_space<vmem>>, vector<16xi32>,
      %scan3A_754 = arith.constant 0 : i32
      scf.yield %scan3A_754 : i32
    }
    %scan3A_285 = arith.constant 40 : i32
    %dma_start3A_286 = arith.constant 0 : i32
    %dma_start3A_287 = tpu.memref_slice %arg4[%dma_start3A_286] : memref<8000000xf32, #tpu.memory_space<hbm>> -> memref<8000000xf32, #tpu.memory_space<hbm>>
    tpu.enqueue_indirect_dma source(%dma_start3A_287 : memref<8000000xf32, #tpu.memory_space<hbm>>) target(%arg13 : memref<5120xf32, #tpu.memory_space<vmem>>) offsets(%arg9 : memref<5120xi32, #tpu.memory_space<vmem>>) semaphore(%arg18 : memref<!tpu.dma_semaphore, #tpu.memory_space<semaphore_mem>>)
    %add3A_288 = arith.constant 640 : i32
    %add3A_289 = arith.addi %mul3A_2, %add3A_288 : i32
    "tpu.region"() ({
      %run_scoped3A = tpu.sem_alloc : memref<!tpu.dma_semaphore, #tpu.memory_space<semaphore_mem>>
      %dma_start3A_583 = tpu.memref_slice %arg2[%add3A_289] : memref<204800xi32, #tpu.memory_space<hbm>> -> memref<640xi32, #tpu.memory_space<hbm>>
      %dma_start3A_584 = tpu.memref_slice %arg2[%add3A_289] : memref<204800xi32, #tpu.memory_space<hbm>> -> memref<640xi32, #tpu.memory_space<hbm>>
      tpu.enqueue_dma source(%dma_start3A_584 : memref<640xi32, #tpu.memory_space<hbm>>) target(%arg8 : memref<640xi32, #tpu.memory_space<vmem>>) target_semaphore(%run_scoped3A : memref<!tpu.dma_semaphore, #tpu.memory_space<semaphore_mem>>)
      %dma_wait3A_585 = tpu.memref_slice %arg2[%add3A_289] : memref<204800xi32, #tpu.memory_space<hbm>> -> memref<640xi32, #tpu.memory_space<hbm>>
      %dma_wait3A_586 = tpu.memref_slice %arg2[%add3A_289] : memref<204800xi32, #tpu.memory_space<hbm>> -> memref<640xi32, #tpu.memory_space<hbm>>
      tpu.wait_dma2 semaphore(%run_scoped3A : memref<!tpu.dma_semaphore, #tpu.memory_space<semaphore_mem>>) src(%dma_wait3A_586 : memref<640xi32, #tpu.memory_space<hbm>>) dst(%arg8 : memref<640xi32, #tpu.memory_space<vmem>>)
      tpu.yield
    }) : () -> ()
    %dma_start3A_290 = arith.constant 0 : i32
    %dma_start3A_291 = arith.constant 0 : i32
    %dma_start3A_292 = tpu.memref_slice %arg3[%dma_start3A_290, %dma_start3A_291] : memref<1000000x64xf32, #tpu.memory_space<hbm>> -> memref<1000000x64xf32, #tpu.memory_space<hbm>>
    tpu.enqueue_indirect_dma source(%dma_start3A_292 : memref<1000000x64xf32, #tpu.memory_space<hbm>>) target(%arg12 : memref<640x64xf32, #tpu.memory_space<vmem>>) offsets(%arg8 : memref<640xi32, #tpu.memory_space<vmem>>) semaphore(%arg17 : memref<!tpu.dma_semaphore, #tpu.memory_space<semaphore_mem>>)
    %scan3A_293 = arith.constant 0 : i32
    %scan3A_294 = arith.constant 0 : i32
    %scan3A_295 = arith.constant 40 : i32
    %scan3A_296 = arith.addi %scan3A_294, %scan3A_295 : i32
    %scan3A_297 = arith.constant 1 : i32
    %scan3A_298 = scf.for %scan3A_583 = %scan3A_294 to %scan3A_296 step %scan3A_297 iter_args(%scan3A_584 = %scan3A_293) -> (i32)  : i32 {
      %mul3A_585 = arith.constant 16 : i32
      %mul3A_586 = arith.muli %scan3A_583, %mul3A_585 : i32
      %get3A_587 = arith.index_cast %mul3A_586 : i32 to index
      %get3A_588 = tpu.vector_load %arg8[%get3A_587] {strides = array<i32>} : memref<640xi32, #tpu.memory_space<vmem>>, vector<16xi32>,
      %get3A_589 = vector.shape_cast %get3A_588 : vector<16xi32> to vector<16xi32>
      %slice3A = vector.extract_strided_slice %get3A_589 {offsets = [0], sizes = [1], strides = [1]} : vector<16xi32> to vector<1xi32>
      %squeeze3A = vector.extract %slice3A[0] : i32 from vector<1xi32>
      %slice3A_590 = vector.extract_strided_slice %get3A_589 {offsets = [1], sizes = [1], strides = [1]} : vector<16xi32> to vector<1xi32>
      %squeeze3A_591 = vector.extract %slice3A_590[0] : i32 from vector<1xi32>
      %broadcast_in_dim3A = vector.broadcast %squeeze3A : i32 to vector<16xi32>
      %broadcast_in_dim3A_592 = vector.broadcast %squeeze3A_591 : i32 to vector<16xi32>
      %select_n3A_593 = arith.select %lt3A_259, %broadcast_in_dim3A, %broadcast_in_dim3A_592 : vector<16xi1>, vector<16xi32>
      %mul3A_594 = arith.constant 8 : i32
      %mul3A_595 = vector.broadcast %mul3A_594 : i32 to vector<16xi32>
      %mul3A_596 = arith.muli %select_n3A_593, %mul3A_595 : vector<16xi32>
      %add3A_597 = arith.addi %mul3A_596, %select_n3A_275 : vector<16xi32>
      %mul3A_598 = arith.constant 16 : i32
      %mul3A_599 = arith.muli %scan3A_583, %mul3A_598 : i32
      %mul3A_600 = arith.constant 8 : i32
      %mul3A_601 = arith.muli %mul3A_599, %mul3A_600 : i32
      %add3A_602 = arith.constant 0 : i32
      %add3A_603 = arith.addi %mul3A_601, %add3A_602 : i32
      %swap3A = arith.index_cast %add3A_603 : i32 to index
      %swap3A_604 = tpu.vector_load %arg10[%swap3A] {strides = array<i32>} : memref<5120xi32, #tpu.memory_space<vmem>>, vector<16xi32>,
      %swap3A_605 = vector.shape_cast %swap3A_604 : vector<16xi32> to vector<16xi32>
      %swap3A_606 = vector.shape_cast %add3A_597 : vector<16xi32> to vector<16xi32>
      tpu.vector_store %arg10[%swap3A], %swap3A_606 {strides = array<i32>} : memref<5120xi32, #tpu.memory_space<vmem>>, vector<16xi32>,
      %slice3A_607 = vector.extract_strided_slice %get3A_589 {offsets = [2], sizes = [1], strides = [1]} : vector<16xi32> to vector<1xi32>
      %squeeze3A_608 = vector.extract %slice3A_607[0] : i32 from vector<1xi32>
      %slice3A_609 = vector.extract_strided_slice %get3A_589 {offsets = [3], sizes = [1], strides = [1]} : vector<16xi32> to vector<1xi32>
      %squeeze3A_610 = vector.extract %slice3A_609[0] : i32 from vector<1xi32>
      %broadcast_in_dim3A_611 = vector.broadcast %squeeze3A_608 : i32 to vector<16xi32>
      %broadcast_in_dim3A_612 = vector.broadcast %squeeze3A_610 : i32 to vector<16xi32>
      %select_n3A_613 = arith.select %lt3A_259, %broadcast_in_dim3A_611, %broadcast_in_dim3A_612 : vector<16xi1>, vector<16xi32>
      %mul3A_614 = arith.constant 8 : i32
      %mul3A_615 = vector.broadcast %mul3A_614 : i32 to vector<16xi32>
      %mul3A_616 = arith.muli %select_n3A_613, %mul3A_615 : vector<16xi32>
      %add3A_617 = arith.addi %mul3A_616, %select_n3A_275 : vector<16xi32>
      %mul3A_618 = arith.constant 16 : i32
      %mul3A_619 = arith.muli %scan3A_583, %mul3A_618 : i32
      %mul3A_620 = arith.constant 8 : i32
      %mul3A_621 = arith.muli %mul3A_619, %mul3A_620 : i32
      %add3A_622 = arith.constant 16 : i32
      %add3A_623 = arith.addi %mul3A_621, %add3A_622 : i32
      %swap3A_624 = arith.index_cast %add3A_623 : i32 to index
      %swap3A_625 = tpu.vector_load %arg10[%swap3A_624] {strides = array<i32>} : memref<5120xi32, #tpu.memory_space<vmem>>, vector<16xi32>,
      %swap3A_626 = vector.shape_cast %swap3A_625 : vector<16xi32> to vector<16xi32>
      %swap3A_627 = vector.shape_cast %add3A_617 : vector<16xi32> to vector<16xi32>
      tpu.vector_store %arg10[%swap3A_624], %swap3A_627 {strides = array<i32>} : memref<5120xi32, #tpu.memory_space<vmem>>, vector<16xi32>,
      %slice3A_628 = vector.extract_strided_slice %get3A_589 {offsets = [4], sizes = [1], strides = [1]} : vector<16xi32> to vector<1xi32>
      %squeeze3A_629 = vector.extract %slice3A_628[0] : i32 from vector<1xi32>
      %slice3A_630 = vector.extract_strided_slice %get3A_589 {offsets = [5], sizes = [1], strides = [1]} : vector<16xi32> to vector<1xi32>
      %squeeze3A_631 = vector.extract %slice3A_630[0] : i32 from vector<1xi32>
      %broadcast_in_dim3A_632 = vector.broadcast %squeeze3A_629 : i32 to vector<16xi32>
      %broadcast_in_dim3A_633 = vector.broadcast %squeeze3A_631 : i32 to vector<16xi32>
      %select_n3A_634 = arith.select %lt3A_259, %broadcast_in_dim3A_632, %broadcast_in_dim3A_633 : vector<16xi1>, vector<16xi32>
      %mul3A_635 = arith.constant 8 : i32
      %mul3A_636 = vector.broadcast %mul3A_635 : i32 to vector<16xi32>
      %mul3A_637 = arith.muli %select_n3A_634, %mul3A_636 : vector<16xi32>
      %add3A_638 = arith.addi %mul3A_637, %select_n3A_275 : vector<16xi32>
      %mul3A_639 = arith.constant 16 : i32
      %mul3A_640 = arith.muli %scan3A_583, %mul3A_639 : i32
      %mul3A_641 = arith.constant 8 : i32
      %mul3A_642 = arith.muli %mul3A_640, %mul3A_641 : i32
      %add3A_643 = arith.constant 32 : i32
      %add3A_644 = arith.addi %mul3A_642, %add3A_643 : i32
      %swap3A_645 = arith.index_cast %add3A_644 : i32 to index
      %swap3A_646 = tpu.vector_load %arg10[%swap3A_645] {strides = array<i32>} : memref<5120xi32, #tpu.memory_space<vmem>>, vector<16xi32>,
      %swap3A_647 = vector.shape_cast %swap3A_646 : vector<16xi32> to vector<16xi32>
      %swap3A_648 = vector.shape_cast %add3A_638 : vector<16xi32> to vector<16xi32>
      tpu.vector_store %arg10[%swap3A_645], %swap3A_648 {strides = array<i32>} : memref<5120xi32, #tpu.memory_space<vmem>>, vector<16xi32>,
      %slice3A_649 = vector.extract_strided_slice %get3A_589 {offsets = [6], sizes = [1], strides = [1]} : vector<16xi32> to vector<1xi32>
      %squeeze3A_650 = vector.extract %slice3A_649[0] : i32 from vector<1xi32>
      %slice3A_651 = vector.extract_strided_slice %get3A_589 {offsets = [7], sizes = [1], strides = [1]} : vector<16xi32> to vector<1xi32>
      %squeeze3A_652 = vector.extract %slice3A_651[0] : i32 from vector<1xi32>
      %broadcast_in_dim3A_653 = vector.broadcast %squeeze3A_650 : i32 to vector<16xi32>
      %broadcast_in_dim3A_654 = vector.broadcast %squeeze3A_652 : i32 to vector<16xi32>
      %select_n3A_655 = arith.select %lt3A_259, %broadcast_in_dim3A_653, %broadcast_in_dim3A_654 : vector<16xi1>, vector<16xi32>
      %mul3A_656 = arith.constant 8 : i32
      %mul3A_657 = vector.broadcast %mul3A_656 : i32 to vector<16xi32>
      %mul3A_658 = arith.muli %select_n3A_655, %mul3A_657 : vector<16xi32>
      %add3A_659 = arith.addi %mul3A_658, %select_n3A_275 : vector<16xi32>
      %mul3A_660 = arith.constant 16 : i32
      %mul3A_661 = arith.muli %scan3A_583, %mul3A_660 : i32
      %mul3A_662 = arith.constant 8 : i32
      %mul3A_663 = arith.muli %mul3A_661, %mul3A_662 : i32
      %add3A_664 = arith.constant 48 : i32
      %add3A_665 = arith.addi %mul3A_663, %add3A_664 : i32
      %swap3A_666 = arith.index_cast %add3A_665 : i32 to index
      %swap3A_667 = tpu.vector_load %arg10[%swap3A_666] {strides = array<i32>} : memref<5120xi32, #tpu.memory_space<vmem>>, vector<16xi32>,
      %swap3A_668 = vector.shape_cast %swap3A_667 : vector<16xi32> to vector<16xi32>
      %swap3A_669 = vector.shape_cast %add3A_659 : vector<16xi32> to vector<16xi32>
      tpu.vector_store %arg10[%swap3A_666], %swap3A_669 {strides = array<i32>} : memref<5120xi32, #tpu.memory_space<vmem>>, vector<16xi32>,
      %slice3A_670 = vector.extract_strided_slice %get3A_589 {offsets = [8], sizes = [1], strides = [1]} : vector<16xi32> to vector<1xi32>
      %squeeze3A_671 = vector.extract %slice3A_670[0] : i32 from vector<1xi32>
      %slice3A_672 = vector.extract_strided_slice %get3A_589 {offsets = [9], sizes = [1], strides = [1]} : vector<16xi32> to vector<1xi32>
      %squeeze3A_673 = vector.extract %slice3A_672[0] : i32 from vector<1xi32>
      %broadcast_in_dim3A_674 = vector.broadcast %squeeze3A_671 : i32 to vector<16xi32>
      %broadcast_in_dim3A_675 = vector.broadcast %squeeze3A_673 : i32 to vector<16xi32>
      %select_n3A_676 = arith.select %lt3A_259, %broadcast_in_dim3A_674, %broadcast_in_dim3A_675 : vector<16xi1>, vector<16xi32>
      %mul3A_677 = arith.constant 8 : i32
      %mul3A_678 = vector.broadcast %mul3A_677 : i32 to vector<16xi32>
      %mul3A_679 = arith.muli %select_n3A_676, %mul3A_678 : vector<16xi32>
      %add3A_680 = arith.addi %mul3A_679, %select_n3A_275 : vector<16xi32>
      %mul3A_681 = arith.constant 16 : i32
      %mul3A_682 = arith.muli %scan3A_583, %mul3A_681 : i32
      %mul3A_683 = arith.constant 8 : i32
      %mul3A_684 = arith.muli %mul3A_682, %mul3A_683 : i32
      %add3A_685 = arith.constant 64 : i32
      %add3A_686 = arith.addi %mul3A_684, %add3A_685 : i32
      %swap3A_687 = arith.index_cast %add3A_686 : i32 to index
      %swap3A_688 = tpu.vector_load %arg10[%swap3A_687] {strides = array<i32>} : memref<5120xi32, #tpu.memory_space<vmem>>, vector<16xi32>,
      %swap3A_689 = vector.shape_cast %swap3A_688 : vector<16xi32> to vector<16xi32>
      %swap3A_690 = vector.shape_cast %add3A_680 : vector<16xi32> to vector<16xi32>
      tpu.vector_store %arg10[%swap3A_687], %swap3A_690 {strides = array<i32>} : memref<5120xi32, #tpu.memory_space<vmem>>, vector<16xi32>,
      %slice3A_691 = vector.extract_strided_slice %get3A_589 {offsets = [10], sizes = [1], strides = [1]} : vector<16xi32> to vector<1xi32>
      %squeeze3A_692 = vector.extract %slice3A_691[0] : i32 from vector<1xi32>
      %slice3A_693 = vector.extract_strided_slice %get3A_589 {offsets = [11], sizes = [1], strides = [1]} : vector<16xi32> to vector<1xi32>
      %squeeze3A_694 = vector.extract %slice3A_693[0] : i32 from vector<1xi32>
      %broadcast_in_dim3A_695 = vector.broadcast %squeeze3A_692 : i32 to vector<16xi32>
      %broadcast_in_dim3A_696 = vector.broadcast %squeeze3A_694 : i32 to vector<16xi32>
      %select_n3A_697 = arith.select %lt3A_259, %broadcast_in_dim3A_695, %broadcast_in_dim3A_696 : vector<16xi1>, vector<16xi32>
      %mul3A_698 = arith.constant 8 : i32
      %mul3A_699 = vector.broadcast %mul3A_698 : i32 to vector<16xi32>
      %mul3A_700 = arith.muli %select_n3A_697, %mul3A_699 : vector<16xi32>
      %add3A_701 = arith.addi %mul3A_700, %select_n3A_275 : vector<16xi32>
      %mul3A_702 = arith.constant 16 : i32
      %mul3A_703 = arith.muli %scan3A_583, %mul3A_702 : i32
      %mul3A_704 = arith.constant 8 : i32
      %mul3A_705 = arith.muli %mul3A_703, %mul3A_704 : i32
      %add3A_706 = arith.constant 80 : i32
      %add3A_707 = arith.addi %mul3A_705, %add3A_706 : i32
      %swap3A_708 = arith.index_cast %add3A_707 : i32 to index
      %swap3A_709 = tpu.vector_load %arg10[%swap3A_708] {strides = array<i32>} : memref<5120xi32, #tpu.memory_space<vmem>>, vector<16xi32>,
      %swap3A_710 = vector.shape_cast %swap3A_709 : vector<16xi32> to vector<16xi32>
      %swap3A_711 = vector.shape_cast %add3A_701 : vector<16xi32> to vector<16xi32>
      tpu.vector_store %arg10[%swap3A_708], %swap3A_711 {strides = array<i32>} : memref<5120xi32, #tpu.memory_space<vmem>>, vector<16xi32>,
      %slice3A_712 = vector.extract_strided_slice %get3A_589 {offsets = [12], sizes = [1], strides = [1]} : vector<16xi32> to vector<1xi32>
      %squeeze3A_713 = vector.extract %slice3A_712[0] : i32 from vector<1xi32>
      %slice3A_714 = vector.extract_strided_slice %get3A_589 {offsets = [13], sizes = [1], strides = [1]} : vector<16xi32> to vector<1xi32>
      %squeeze3A_715 = vector.extract %slice3A_714[0] : i32 from vector<1xi32>
      %broadcast_in_dim3A_716 = vector.broadcast %squeeze3A_713 : i32 to vector<16xi32>
      %broadcast_in_dim3A_717 = vector.broadcast %squeeze3A_715 : i32 to vector<16xi32>
      %select_n3A_718 = arith.select %lt3A_259, %broadcast_in_dim3A_716, %broadcast_in_dim3A_717 : vector<16xi1>, vector<16xi32>
      %mul3A_719 = arith.constant 8 : i32
      %mul3A_720 = vector.broadcast %mul3A_719 : i32 to vector<16xi32>
      %mul3A_721 = arith.muli %select_n3A_718, %mul3A_720 : vector<16xi32>
      %add3A_722 = arith.addi %mul3A_721, %select_n3A_275 : vector<16xi32>
      %mul3A_723 = arith.constant 16 : i32
      %mul3A_724 = arith.muli %scan3A_583, %mul3A_723 : i32
      %mul3A_725 = arith.constant 8 : i32
      %mul3A_726 = arith.muli %mul3A_724, %mul3A_725 : i32
      %add3A_727 = arith.constant 96 : i32
      %add3A_728 = arith.addi %mul3A_726, %add3A_727 : i32
      %swap3A_729 = arith.index_cast %add3A_728 : i32 to index
      %swap3A_730 = tpu.vector_load %arg10[%swap3A_729] {strides = array<i32>} : memref<5120xi32, #tpu.memory_space<vmem>>, vector<16xi32>,
      %swap3A_731 = vector.shape_cast %swap3A_730 : vector<16xi32> to vector<16xi32>
      %swap3A_732 = vector.shape_cast %add3A_722 : vector<16xi32> to vector<16xi32>
      tpu.vector_store %arg10[%swap3A_729], %swap3A_732 {strides = array<i32>} : memref<5120xi32, #tpu.memory_space<vmem>>, vector<16xi32>,
      %slice3A_733 = vector.extract_strided_slice %get3A_589 {offsets = [14], sizes = [1], strides = [1]} : vector<16xi32> to vector<1xi32>
      %squeeze3A_734 = vector.extract %slice3A_733[0] : i32 from vector<1xi32>
      %slice3A_735 = vector.extract_strided_slice %get3A_589 {offsets = [15], sizes = [1], strides = [1]} : vector<16xi32> to vector<1xi32>
      %squeeze3A_736 = vector.extract %slice3A_735[0] : i32 from vector<1xi32>
      %broadcast_in_dim3A_737 = vector.broadcast %squeeze3A_734 : i32 to vector<16xi32>
      %broadcast_in_dim3A_738 = vector.broadcast %squeeze3A_736 : i32 to vector<16xi32>
      %select_n3A_739 = arith.select %lt3A_259, %broadcast_in_dim3A_737, %broadcast_in_dim3A_738 : vector<16xi1>, vector<16xi32>
      %mul3A_740 = arith.constant 8 : i32
      %mul3A_741 = vector.broadcast %mul3A_740 : i32 to vector<16xi32>
      %mul3A_742 = arith.muli %select_n3A_739, %mul3A_741 : vector<16xi32>
      %add3A_743 = arith.addi %mul3A_742, %select_n3A_275 : vector<16xi32>
      %mul3A_744 = arith.constant 16 : i32
      %mul3A_745 = arith.muli %scan3A_583, %mul3A_744 : i32
      %mul3A_746 = arith.constant 8 : i32
      %mul3A_747 = arith.muli %mul3A_745, %mul3A_746 : i32
      %add3A_748 = arith.constant 112 : i32
      %add3A_749 = arith.addi %mul3A_747, %add3A_748 : i32
      %swap3A_750 = arith.index_cast %add3A_749 : i32 to index
      %swap3A_751 = tpu.vector_load %arg10[%swap3A_750] {strides = array<i32>} : memref<5120xi32, #tpu.memory_space<vmem>>, vector<16xi32>,
      %swap3A_752 = vector.shape_cast %swap3A_751 : vector<16xi32> to vector<16xi32>
      %swap3A_753 = vector.shape_cast %add3A_743 : vector<16xi32> to vector<16xi32>
      tpu.vector_store %arg10[%swap3A_750], %swap3A_753 {strides = array<i32>} : memref<5120xi32, #tpu.memory_space<vmem>>, vector<16xi32>,
      %scan3A_754 = arith.constant 0 : i32
      scf.yield %scan3A_754 : i32
    }
    %scan3A_299 = arith.constant 40 : i32
    %dma_start3A_300 = arith.constant 0 : i32
    %dma_start3A_301 = tpu.memref_slice %arg4[%dma_start3A_300] : memref<8000000xf32, #tpu.memory_space<hbm>> -> memref<8000000xf32, #tpu.memory_space<hbm>>
    tpu.enqueue_indirect_dma source(%dma_start3A_301 : memref<8000000xf32, #tpu.memory_space<hbm>>) target(%arg14 : memref<5120xf32, #tpu.memory_space<vmem>>) offsets(%arg10 : memref<5120xi32, #tpu.memory_space<vmem>>) semaphore(%arg19 : memref<!tpu.dma_semaphore, #tpu.memory_space<semaphore_mem>>)
    %dma_wait3A = arith.constant 0 : i32
    %dma_wait3A_302 = arith.constant 0 : i32
    %dma_wait3A_303 = tpu.memref_slice %arg3[%dma_wait3A, %dma_wait3A_302] : memref<1000000x64xf32, #tpu.memory_space<hbm>> -> memref<1000000x64xf32, #tpu.memory_space<hbm>>
    tpu.wait_indirect_dma semaphore(%arg16 : memref<!tpu.dma_semaphore, #tpu.memory_space<semaphore_mem>>) src(%dma_wait3A_303 : memref<1000000x64xf32, #tpu.memory_space<hbm>>) dst(%arg11 : memref<640x64xf32, #tpu.memory_space<vmem>>)
    %dma_wait3A_304 = arith.constant 0 : i32
    %dma_wait3A_305 = tpu.memref_slice %arg4[%dma_wait3A_304] : memref<8000000xf32, #tpu.memory_space<hbm>> -> memref<8000000xf32, #tpu.memory_space<hbm>>
    tpu.wait_indirect_dma semaphore(%arg18 : memref<!tpu.dma_semaphore, #tpu.memory_space<semaphore_mem>>) src(%dma_wait3A_305 : memref<8000000xf32, #tpu.memory_space<hbm>>) dst(%arg13 : memref<5120xf32, #tpu.memory_space<vmem>>)
    %add3A_306 = arith.constant 0 : i32
    %add3A_307 = arith.addi %mul3A_2, %add3A_306 : i32
    %dma_start3A_308 = arith.constant 0 : i32
    %dma_start3A_309 = tpu.memref_slice %arg6[%add3A_307, %dma_start3A_308] : memref<204800x64xf32, #tpu.memory_space<hbm>> -> memref<640x64xf32, #tpu.memory_space<hbm>>
    %dma_start3A_310 = arith.constant 0 : i32
    %dma_start3A_311 = tpu.memref_slice %arg6[%add3A_307, %dma_start3A_310] : memref<204800x64xf32, #tpu.memory_space<hbm>> -> memref<640x64xf32, #tpu.memory_space<hbm>>
    tpu.enqueue_dma source(%arg11 : memref<640x64xf32, #tpu.memory_space<vmem>>) target(%dma_start3A_311 : memref<640x64xf32, #tpu.memory_space<hbm>>) target_semaphore(%arg20 : memref<!tpu.dma_semaphore, #tpu.memory_space<semaphore_mem>>)
    %add3A_312 = arith.constant 0 : i32
    %add3A_313 = arith.addi %mul3A_2, %add3A_312 : i32
    %dma_wait3A_314 = arith.constant 0 : i32
    %dma_wait3A_315 = tpu.memref_slice %arg6[%add3A_313, %dma_wait3A_314] : memref<204800x64xf32, #tpu.memory_space<hbm>> -> memref<640x64xf32, #tpu.memory_space<hbm>>
    %dma_wait3A_316 = arith.constant 0 : i32
    %dma_wait3A_317 = tpu.memref_slice %arg6[%add3A_313, %dma_wait3A_316] : memref<204800x64xf32, #tpu.memory_space<hbm>> -> memref<640x64xf32, #tpu.memory_space<hbm>>
    tpu.wait_dma2 semaphore(%arg20 : memref<!tpu.dma_semaphore, #tpu.memory_space<semaphore_mem>>) src(%arg11 : memref<640x64xf32, #tpu.memory_space<vmem>>) dst(%dma_wait3A_317 : memref<640x64xf32, #tpu.memory_space<hbm>>)
    %add3A_318 = arith.constant 1280 : i32
    %add3A_319 = arith.addi %mul3A_2, %add3A_318 : i32
    "tpu.region"() ({
      %run_scoped3A = tpu.sem_alloc : memref<!tpu.dma_semaphore, #tpu.memory_space<semaphore_mem>>
      %dma_start3A_583 = tpu.memref_slice %arg2[%add3A_319] : memref<204800xi32, #tpu.memory_space<hbm>> -> memref<640xi32, #tpu.memory_space<hbm>>
      %dma_start3A_584 = tpu.memref_slice %arg2[%add3A_319] : memref<204800xi32, #tpu.memory_space<hbm>> -> memref<640xi32, #tpu.memory_space<hbm>>
      tpu.enqueue_dma source(%dma_start3A_584 : memref<640xi32, #tpu.memory_space<hbm>>) target(%arg7 : memref<640xi32, #tpu.memory_space<vmem>>) target_semaphore(%run_scoped3A : memref<!tpu.dma_semaphore, #tpu.memory_space<semaphore_mem>>)
      %dma_wait3A_585 = tpu.memref_slice %arg2[%add3A_319] : memref<204800xi32, #tpu.memory_space<hbm>> -> memref<640xi32, #tpu.memory_space<hbm>>
      %dma_wait3A_586 = tpu.memref_slice %arg2[%add3A_319] : memref<204800xi32, #tpu.memory_space<hbm>> -> memref<640xi32, #tpu.memory_space<hbm>>
      tpu.wait_dma2 semaphore(%run_scoped3A : memref<!tpu.dma_semaphore, #tpu.memory_space<semaphore_mem>>) src(%dma_wait3A_586 : memref<640xi32, #tpu.memory_space<hbm>>) dst(%arg7 : memref<640xi32, #tpu.memory_space<vmem>>)
      tpu.yield
    }) : () -> ()
    %dma_start3A_320 = arith.constant 0 : i32
    %dma_start3A_321 = arith.constant 0 : i32
    %dma_start3A_322 = tpu.memref_slice %arg3[%dma_start3A_320, %dma_start3A_321] : memref<1000000x64xf32, #tpu.memory_space<hbm>> -> memref<1000000x64xf32, #tpu.memory_space<hbm>>
    tpu.enqueue_indirect_dma source(%dma_start3A_322 : memref<1000000x64xf32, #tpu.memory_space<hbm>>) target(%arg11 : memref<640x64xf32, #tpu.memory_space<vmem>>) offsets(%arg7 : memref<640xi32, #tpu.memory_space<vmem>>) semaphore(%arg16 : memref<!tpu.dma_semaphore, #tpu.memory_space<semaphore_mem>>)
    %scan3A_323 = arith.constant 0 : i32
    %scan3A_324 = arith.constant 0 : i32
    %scan3A_325 = arith.constant 40 : i32
    %scan3A_326 = arith.addi %scan3A_324, %scan3A_325 : i32
    %scan3A_327 = arith.constant 1 : i32
    %scan3A_328 = scf.for %scan3A_583 = %scan3A_324 to %scan3A_326 step %scan3A_327 iter_args(%scan3A_584 = %scan3A_323) -> (i32)  : i32 {
      %mul3A_585 = arith.constant 16 : i32
      %mul3A_586 = arith.muli %scan3A_583, %mul3A_585 : i32
      %get3A_587 = arith.index_cast %mul3A_586 : i32 to index
      %get3A_588 = tpu.vector_load %arg7[%get3A_587] {strides = array<i32>} : memref<640xi32, #tpu.memory_space<vmem>>, vector<16xi32>,
      %get3A_589 = vector.shape_cast %get3A_588 : vector<16xi32> to vector<16xi32>
      %slice3A = vector.extract_strided_slice %get3A_589 {offsets = [0], sizes = [1], strides = [1]} : vector<16xi32> to vector<1xi32>
      %squeeze3A = vector.extract %slice3A[0] : i32 from vector<1xi32>
      %slice3A_590 = vector.extract_strided_slice %get3A_589 {offsets = [1], sizes = [1], strides = [1]} : vector<16xi32> to vector<1xi32>
      %squeeze3A_591 = vector.extract %slice3A_590[0] : i32 from vector<1xi32>
      %broadcast_in_dim3A = vector.broadcast %squeeze3A : i32 to vector<16xi32>
      %broadcast_in_dim3A_592 = vector.broadcast %squeeze3A_591 : i32 to vector<16xi32>
      %select_n3A_593 = arith.select %lt3A_259, %broadcast_in_dim3A, %broadcast_in_dim3A_592 : vector<16xi1>, vector<16xi32>
      %mul3A_594 = arith.constant 8 : i32
      %mul3A_595 = vector.broadcast %mul3A_594 : i32 to vector<16xi32>
      %mul3A_596 = arith.muli %select_n3A_593, %mul3A_595 : vector<16xi32>
      %add3A_597 = arith.addi %mul3A_596, %select_n3A_275 : vector<16xi32>
      %mul3A_598 = arith.constant 16 : i32
      %mul3A_599 = arith.muli %scan3A_583, %mul3A_598 : i32
      %mul3A_600 = arith.constant 8 : i32
      %mul3A_601 = arith.muli %mul3A_599, %mul3A_600 : i32
      %add3A_602 = arith.constant 0 : i32
      %add3A_603 = arith.addi %mul3A_601, %add3A_602 : i32
      %swap3A = arith.index_cast %add3A_603 : i32 to index
      %swap3A_604 = tpu.vector_load %arg9[%swap3A] {strides = array<i32>} : memref<5120xi32, #tpu.memory_space<vmem>>, vector<16xi32>,
      %swap3A_605 = vector.shape_cast %swap3A_604 : vector<16xi32> to vector<16xi32>
      %swap3A_606 = vector.shape_cast %add3A_597 : vector<16xi32> to vector<16xi32>
      tpu.vector_store %arg9[%swap3A], %swap3A_606 {strides = array<i32>} : memref<5120xi32, #tpu.memory_space<vmem>>, vector<16xi32>,
      %slice3A_607 = vector.extract_strided_slice %get3A_589 {offsets = [2], sizes = [1], strides = [1]} : vector<16xi32> to vector<1xi32>
      %squeeze3A_608 = vector.extract %slice3A_607[0] : i32 from vector<1xi32>
      %slice3A_609 = vector.extract_strided_slice %get3A_589 {offsets = [3], sizes = [1], strides = [1]} : vector<16xi32> to vector<1xi32>
      %squeeze3A_610 = vector.extract %slice3A_609[0] : i32 from vector<1xi32>
      %broadcast_in_dim3A_611 = vector.broadcast %squeeze3A_608 : i32 to vector<16xi32>
      %broadcast_in_dim3A_612 = vector.broadcast %squeeze3A_610 : i32 to vector<16xi32>
      %select_n3A_613 = arith.select %lt3A_259, %broadcast_in_dim3A_611, %broadcast_in_dim3A_612 : vector<16xi1>, vector<16xi32>
      %mul3A_614 = arith.constant 8 : i32
      %mul3A_615 = vector.broadcast %mul3A_614 : i32 to vector<16xi32>
      %mul3A_616 = arith.muli %select_n3A_613, %mul3A_615 : vector<16xi32>
      %add3A_617 = arith.addi %mul3A_616, %select_n3A_275 : vector<16xi32>
      %mul3A_618 = arith.constant 16 : i32
      %mul3A_619 = arith.muli %scan3A_583, %mul3A_618 : i32
      %mul3A_620 = arith.constant 8 : i32
      %mul3A_621 = arith.muli %mul3A_619, %mul3A_620 : i32
      %add3A_622 = arith.constant 16 : i32
      %add3A_623 = arith.addi %mul3A_621, %add3A_622 : i32
      %swap3A_624 = arith.index_cast %add3A_623 : i32 to index
      %swap3A_625 = tpu.vector_load %arg9[%swap3A_624] {strides = array<i32>} : memref<5120xi32, #tpu.memory_space<vmem>>, vector<16xi32>,
      %swap3A_626 = vector.shape_cast %swap3A_625 : vector<16xi32> to vector<16xi32>
      %swap3A_627 = vector.shape_cast %add3A_617 : vector<16xi32> to vector<16xi32>
      tpu.vector_store %arg9[%swap3A_624], %swap3A_627 {strides = array<i32>} : memref<5120xi32, #tpu.memory_space<vmem>>, vector<16xi32>,
      %slice3A_628 = vector.extract_strided_slice %get3A_589 {offsets = [4], sizes = [1], strides = [1]} : vector<16xi32> to vector<1xi32>
      %squeeze3A_629 = vector.extract %slice3A_628[0] : i32 from vector<1xi32>
      %slice3A_630 = vector.extract_strided_slice %get3A_589 {offsets = [5], sizes = [1], strides = [1]} : vector<16xi32> to vector<1xi32>
      %squeeze3A_631 = vector.extract %slice3A_630[0] : i32 from vector<1xi32>
      %broadcast_in_dim3A_632 = vector.broadcast %squeeze3A_629 : i32 to vector<16xi32>
      %broadcast_in_dim3A_633 = vector.broadcast %squeeze3A_631 : i32 to vector<16xi32>
      %select_n3A_634 = arith.select %lt3A_259, %broadcast_in_dim3A_632, %broadcast_in_dim3A_633 : vector<16xi1>, vector<16xi32>
      %mul3A_635 = arith.constant 8 : i32
      %mul3A_636 = vector.broadcast %mul3A_635 : i32 to vector<16xi32>
      %mul3A_637 = arith.muli %select_n3A_634, %mul3A_636 : vector<16xi32>
      %add3A_638 = arith.addi %mul3A_637, %select_n3A_275 : vector<16xi32>
      %mul3A_639 = arith.constant 16 : i32
      %mul3A_640 = arith.muli %scan3A_583, %mul3A_639 : i32
      %mul3A_641 = arith.constant 8 : i32
      %mul3A_642 = arith.muli %mul3A_640, %mul3A_641 : i32
      %add3A_643 = arith.constant 32 : i32
      %add3A_644 = arith.addi %mul3A_642, %add3A_643 : i32
      %swap3A_645 = arith.index_cast %add3A_644 : i32 to index
      %swap3A_646 = tpu.vector_load %arg9[%swap3A_645] {strides = array<i32>} : memref<5120xi32, #tpu.memory_space<vmem>>, vector<16xi32>,
      %swap3A_647 = vector.shape_cast %swap3A_646 : vector<16xi32> to vector<16xi32>
      %swap3A_648 = vector.shape_cast %add3A_638 : vector<16xi32> to vector<16xi32>
      tpu.vector_store %arg9[%swap3A_645], %swap3A_648 {strides = array<i32>} : memref<5120xi32, #tpu.memory_space<vmem>>, vector<16xi32>,
      %slice3A_649 = vector.extract_strided_slice %get3A_589 {offsets = [6], sizes = [1], strides = [1]} : vector<16xi32> to vector<1xi32>
      %squeeze3A_650 = vector.extract %slice3A_649[0] : i32 from vector<1xi32>
      %slice3A_651 = vector.extract_strided_slice %get3A_589 {offsets = [7], sizes = [1], strides = [1]} : vector<16xi32> to vector<1xi32>
      %squeeze3A_652 = vector.extract %slice3A_651[0] : i32 from vector<1xi32>
      %broadcast_in_dim3A_653 = vector.broadcast %squeeze3A_650 : i32 to vector<16xi32>
      %broadcast_in_dim3A_654 = vector.broadcast %squeeze3A_652 : i32 to vector<16xi32>
      %select_n3A_655 = arith.select %lt3A_259, %broadcast_in_dim3A_653, %broadcast_in_dim3A_654 : vector<16xi1>, vector<16xi32>
      %mul3A_656 = arith.constant 8 : i32
      %mul3A_657 = vector.broadcast %mul3A_656 : i32 to vector<16xi32>
      %mul3A_658 = arith.muli %select_n3A_655, %mul3A_657 : vector<16xi32>
      %add3A_659 = arith.addi %mul3A_658, %select_n3A_275 : vector<16xi32>
      %mul3A_660 = arith.constant 16 : i32
      %mul3A_661 = arith.muli %scan3A_583, %mul3A_660 : i32
      %mul3A_662 = arith.constant 8 : i32
      %mul3A_663 = arith.muli %mul3A_661, %mul3A_662 : i32
      %add3A_664 = arith.constant 48 : i32
      %add3A_665 = arith.addi %mul3A_663, %add3A_664 : i32
      %swap3A_666 = arith.index_cast %add3A_665 : i32 to index
      %swap3A_667 = tpu.vector_load %arg9[%swap3A_666] {strides = array<i32>} : memref<5120xi32, #tpu.memory_space<vmem>>, vector<16xi32>,
      %swap3A_668 = vector.shape_cast %swap3A_667 : vector<16xi32> to vector<16xi32>
      %swap3A_669 = vector.shape_cast %add3A_659 : vector<16xi32> to vector<16xi32>
      tpu.vector_store %arg9[%swap3A_666], %swap3A_669 {strides = array<i32>} : memref<5120xi32, #tpu.memory_space<vmem>>, vector<16xi32>,
      %slice3A_670 = vector.extract_strided_slice %get3A_589 {offsets = [8], sizes = [1], strides = [1]} : vector<16xi32> to vector<1xi32>
      %squeeze3A_671 = vector.extract %slice3A_670[0] : i32 from vector<1xi32>
      %slice3A_672 = vector.extract_strided_slice %get3A_589 {offsets = [9], sizes = [1], strides = [1]} : vector<16xi32> to vector<1xi32>
      %squeeze3A_673 = vector.extract %slice3A_672[0] : i32 from vector<1xi32>
      %broadcast_in_dim3A_674 = vector.broadcast %squeeze3A_671 : i32 to vector<16xi32>
      %broadcast_in_dim3A_675 = vector.broadcast %squeeze3A_673 : i32 to vector<16xi32>
      %select_n3A_676 = arith.select %lt3A_259, %broadcast_in_dim3A_674, %broadcast_in_dim3A_675 : vector<16xi1>, vector<16xi32>
      %mul3A_677 = arith.constant 8 : i32
      %mul3A_678 = vector.broadcast %mul3A_677 : i32 to vector<16xi32>
      %mul3A_679 = arith.muli %select_n3A_676, %mul3A_678 : vector<16xi32>
      %add3A_680 = arith.addi %mul3A_679, %select_n3A_275 : vector<16xi32>
      %mul3A_681 = arith.constant 16 : i32
      %mul3A_682 = arith.muli %scan3A_583, %mul3A_681 : i32
      %mul3A_683 = arith.constant 8 : i32
      %mul3A_684 = arith.muli %mul3A_682, %mul3A_683 : i32
      %add3A_685 = arith.constant 64 : i32
      %add3A_686 = arith.addi %mul3A_684, %add3A_685 : i32
      %swap3A_687 = arith.index_cast %add3A_686 : i32 to index
      %swap3A_688 = tpu.vector_load %arg9[%swap3A_687] {strides = array<i32>} : memref<5120xi32, #tpu.memory_space<vmem>>, vector<16xi32>,
      %swap3A_689 = vector.shape_cast %swap3A_688 : vector<16xi32> to vector<16xi32>
      %swap3A_690 = vector.shape_cast %add3A_680 : vector<16xi32> to vector<16xi32>
      tpu.vector_store %arg9[%swap3A_687], %swap3A_690 {strides = array<i32>} : memref<5120xi32, #tpu.memory_space<vmem>>, vector<16xi32>,
      %slice3A_691 = vector.extract_strided_slice %get3A_589 {offsets = [10], sizes = [1], strides = [1]} : vector<16xi32> to vector<1xi32>
      %squeeze3A_692 = vector.extract %slice3A_691[0] : i32 from vector<1xi32>
      %slice3A_693 = vector.extract_strided_slice %get3A_589 {offsets = [11], sizes = [1], strides = [1]} : vector<16xi32> to vector<1xi32>
      %squeeze3A_694 = vector.extract %slice3A_693[0] : i32 from vector<1xi32>
      %broadcast_in_dim3A_695 = vector.broadcast %squeeze3A_692 : i32 to vector<16xi32>
      %broadcast_in_dim3A_696 = vector.broadcast %squeeze3A_694 : i32 to vector<16xi32>
      %select_n3A_697 = arith.select %lt3A_259, %broadcast_in_dim3A_695, %broadcast_in_dim3A_696 : vector<16xi1>, vector<16xi32>
      %mul3A_698 = arith.constant 8 : i32
      %mul3A_699 = vector.broadcast %mul3A_698 : i32 to vector<16xi32>
      %mul3A_700 = arith.muli %select_n3A_697, %mul3A_699 : vector<16xi32>
      %add3A_701 = arith.addi %mul3A_700, %select_n3A_275 : vector<16xi32>
      %mul3A_702 = arith.constant 16 : i32
      %mul3A_703 = arith.muli %scan3A_583, %mul3A_702 : i32
      %mul3A_704 = arith.constant 8 : i32
      %mul3A_705 = arith.muli %mul3A_703, %mul3A_704 : i32
      %add3A_706 = arith.constant 80 : i32
      %add3A_707 = arith.addi %mul3A_705, %add3A_706 : i32
      %swap3A_708 = arith.index_cast %add3A_707 : i32 to index
      %swap3A_709 = tpu.vector_load %arg9[%swap3A_708] {strides = array<i32>} : memref<5120xi32, #tpu.memory_space<vmem>>, vector<16xi32>,
      %swap3A_710 = vector.shape_cast %swap3A_709 : vector<16xi32> to vector<16xi32>
      %swap3A_711 = vector.shape_cast %add3A_701 : vector<16xi32> to vector<16xi32>
      tpu.vector_store %arg9[%swap3A_708], %swap3A_711 {strides = array<i32>} : memref<5120xi32, #tpu.memory_space<vmem>>, vector<16xi32>,
      %slice3A_712 = vector.extract_strided_slice %get3A_589 {offsets = [12], sizes = [1], strides = [1]} : vector<16xi32> to vector<1xi32>
      %squeeze3A_713 = vector.extract %slice3A_712[0] : i32 from vector<1xi32>
      %slice3A_714 = vector.extract_strided_slice %get3A_589 {offsets = [13], sizes = [1], strides = [1]} : vector<16xi32> to vector<1xi32>
      %squeeze3A_715 = vector.extract %slice3A_714[0] : i32 from vector<1xi32>
      %broadcast_in_dim3A_716 = vector.broadcast %squeeze3A_713 : i32 to vector<16xi32>
      %broadcast_in_dim3A_717 = vector.broadcast %squeeze3A_715 : i32 to vector<16xi32>
      %select_n3A_718 = arith.select %lt3A_259, %broadcast_in_dim3A_716, %broadcast_in_dim3A_717 : vector<16xi1>, vector<16xi32>
      %mul3A_719 = arith.constant 8 : i32
      %mul3A_720 = vector.broadcast %mul3A_719 : i32 to vector<16xi32>
      %mul3A_721 = arith.muli %select_n3A_718, %mul3A_720 : vector<16xi32>
      %add3A_722 = arith.addi %mul3A_721, %select_n3A_275 : vector<16xi32>
      %mul3A_723 = arith.constant 16 : i32
      %mul3A_724 = arith.muli %scan3A_583, %mul3A_723 : i32
      %mul3A_725 = arith.constant 8 : i32
      %mul3A_726 = arith.muli %mul3A_724, %mul3A_725 : i32
      %add3A_727 = arith.constant 96 : i32
      %add3A_728 = arith.addi %mul3A_726, %add3A_727 : i32
      %swap3A_729 = arith.index_cast %add3A_728 : i32 to index
      %swap3A_730 = tpu.vector_load %arg9[%swap3A_729] {strides = array<i32>} : memref<5120xi32, #tpu.memory_space<vmem>>, vector<16xi32>,
      %swap3A_731 = vector.shape_cast %swap3A_730 : vector<16xi32> to vector<16xi32>
      %swap3A_732 = vector.shape_cast %add3A_722 : vector<16xi32> to vector<16xi32>
      tpu.vector_store %arg9[%swap3A_729], %swap3A_732 {strides = array<i32>} : memref<5120xi32, #tpu.memory_space<vmem>>, vector<16xi32>,
      %slice3A_733 = vector.extract_strided_slice %get3A_589 {offsets = [14], sizes = [1], strides = [1]} : vector<16xi32> to vector<1xi32>
      %squeeze3A_734 = vector.extract %slice3A_733[0] : i32 from vector<1xi32>
      %slice3A_735 = vector.extract_strided_slice %get3A_589 {offsets = [15], sizes = [1], strides = [1]} : vector<16xi32> to vector<1xi32>
      %squeeze3A_736 = vector.extract %slice3A_735[0] : i32 from vector<1xi32>
      %broadcast_in_dim3A_737 = vector.broadcast %squeeze3A_734 : i32 to vector<16xi32>
      %broadcast_in_dim3A_738 = vector.broadcast %squeeze3A_736 : i32 to vector<16xi32>
      %select_n3A_739 = arith.select %lt3A_259, %broadcast_in_dim3A_737, %broadcast_in_dim3A_738 : vector<16xi1>, vector<16xi32>
      %mul3A_740 = arith.constant 8 : i32
      %mul3A_741 = vector.broadcast %mul3A_740 : i32 to vector<16xi32>
      %mul3A_742 = arith.muli %select_n3A_739, %mul3A_741 : vector<16xi32>
      %add3A_743 = arith.addi %mul3A_742, %select_n3A_275 : vector<16xi32>
      %mul3A_744 = arith.constant 16 : i32
      %mul3A_745 = arith.muli %scan3A_583, %mul3A_744 : i32
      %mul3A_746 = arith.constant 8 : i32
      %mul3A_747 = arith.muli %mul3A_745, %mul3A_746 : i32
      %add3A_748 = arith.constant 112 : i32
      %add3A_749 = arith.addi %mul3A_747, %add3A_748 : i32
      %swap3A_750 = arith.index_cast %add3A_749 : i32 to index
      %swap3A_751 = tpu.vector_load %arg9[%swap3A_750] {strides = array<i32>} : memref<5120xi32, #tpu.memory_space<vmem>>, vector<16xi32>,
      %swap3A_752 = vector.shape_cast %swap3A_751 : vector<16xi32> to vector<16xi32>
      %swap3A_753 = vector.shape_cast %add3A_743 : vector<16xi32> to vector<16xi32>
      tpu.vector_store %arg9[%swap3A_750], %swap3A_753 {strides = array<i32>} : memref<5120xi32, #tpu.memory_space<vmem>>, vector<16xi32>,
      %scan3A_754 = arith.constant 0 : i32
      scf.yield %scan3A_754 : i32
    }
    %scan3A_329 = arith.constant 40 : i32
    %dma_start3A_330 = arith.constant 0 : i32
    %dma_start3A_331 = tpu.memref_slice %arg4[%dma_start3A_330] : memref<8000000xf32, #tpu.memory_space<hbm>> -> memref<8000000xf32, #tpu.memory_space<hbm>>
    tpu.enqueue_indirect_dma source(%dma_start3A_331 : memref<8000000xf32, #tpu.memory_space<hbm>>) target(%arg13 : memref<5120xf32, #tpu.memory_space<vmem>>) offsets(%arg9 : memref<5120xi32, #tpu.memory_space<vmem>>) semaphore(%arg18 : memref<!tpu.dma_semaphore, #tpu.memory_space<semaphore_mem>>)
    %dma_wait3A_332 = arith.constant 0 : i32
    %dma_wait3A_333 = arith.constant 0 : i32
    %dma_wait3A_334 = tpu.memref_slice %arg3[%dma_wait3A_332, %dma_wait3A_333] : memref<1000000x64xf32, #tpu.memory_space<hbm>> -> memref<1000000x64xf32, #tpu.memory_space<hbm>>
    tpu.wait_indirect_dma semaphore(%arg17 : memref<!tpu.dma_semaphore, #tpu.memory_space<semaphore_mem>>) src(%dma_wait3A_334 : memref<1000000x64xf32, #tpu.memory_space<hbm>>) dst(%arg12 : memref<640x64xf32, #tpu.memory_space<vmem>>)
    %dma_wait3A_335 = arith.constant 0 : i32
    %dma_wait3A_336 = tpu.memref_slice %arg4[%dma_wait3A_335] : memref<8000000xf32, #tpu.memory_space<hbm>> -> memref<8000000xf32, #tpu.memory_space<hbm>>
    tpu.wait_indirect_dma semaphore(%arg19 : memref<!tpu.dma_semaphore, #tpu.memory_space<semaphore_mem>>) src(%dma_wait3A_336 : memref<8000000xf32, #tpu.memory_space<hbm>>) dst(%arg14 : memref<5120xf32, #tpu.memory_space<vmem>>)
    %add3A_337 = arith.constant 640 : i32
    %add3A_338 = arith.addi %mul3A_2, %add3A_337 : i32
    %dma_start3A_339 = arith.constant 0 : i32
    %dma_start3A_340 = tpu.memref_slice %arg6[%add3A_338, %dma_start3A_339] : memref<204800x64xf32, #tpu.memory_space<hbm>> -> memref<640x64xf32, #tpu.memory_space<hbm>>
    %dma_start3A_341 = arith.constant 0 : i32
    %dma_start3A_342 = tpu.memref_slice %arg6[%add3A_338, %dma_start3A_341] : memref<204800x64xf32, #tpu.memory_space<hbm>> -> memref<640x64xf32, #tpu.memory_space<hbm>>
    tpu.enqueue_dma source(%arg12 : memref<640x64xf32, #tpu.memory_space<vmem>>) target(%dma_start3A_342 : memref<640x64xf32, #tpu.memory_space<hbm>>) target_semaphore(%arg21 : memref<!tpu.dma_semaphore, #tpu.memory_space<semaphore_mem>>)
    %add3A_343 = arith.constant 640 : i32
    %add3A_344 = arith.addi %mul3A_2, %add3A_343 : i32
    %dma_wait3A_345 = arith.constant 0 : i32
    %dma_wait3A_346 = tpu.memref_slice %arg6[%add3A_344, %dma_wait3A_345] : memref<204800x64xf32, #tpu.memory_space<hbm>> -> memref<640x64xf32, #tpu.memory_space<hbm>>
    %dma_wait3A_347 = arith.constant 0 : i32
    %dma_wait3A_348 = tpu.memref_slice %arg6[%add3A_344, %dma_wait3A_347] : memref<204800x64xf32, #tpu.memory_space<hbm>> -> memref<640x64xf32, #tpu.memory_space<hbm>>
    tpu.wait_dma2 semaphore(%arg21 : memref<!tpu.dma_semaphore, #tpu.memory_space<semaphore_mem>>) src(%arg12 : memref<640x64xf32, #tpu.memory_space<vmem>>) dst(%dma_wait3A_348 : memref<640x64xf32, #tpu.memory_space<hbm>>)
    %add3A_349 = arith.constant 1920 : i32
    %add3A_350 = arith.addi %mul3A_2, %add3A_349 : i32
    "tpu.region"() ({
      %run_scoped3A = tpu.sem_alloc : memref<!tpu.dma_semaphore, #tpu.memory_space<semaphore_mem>>
      %dma_start3A_583 = tpu.memref_slice %arg2[%add3A_350] : memref<204800xi32, #tpu.memory_space<hbm>> -> memref<640xi32, #tpu.memory_space<hbm>>
      %dma_start3A_584 = tpu.memref_slice %arg2[%add3A_350] : memref<204800xi32, #tpu.memory_space<hbm>> -> memref<640xi32, #tpu.memory_space<hbm>>
      tpu.enqueue_dma source(%dma_start3A_584 : memref<640xi32, #tpu.memory_space<hbm>>) target(%arg8 : memref<640xi32, #tpu.memory_space<vmem>>) target_semaphore(%run_scoped3A : memref<!tpu.dma_semaphore, #tpu.memory_space<semaphore_mem>>)
      %dma_wait3A_585 = tpu.memref_slice %arg2[%add3A_350] : memref<204800xi32, #tpu.memory_space<hbm>> -> memref<640xi32, #tpu.memory_space<hbm>>
      %dma_wait3A_586 = tpu.memref_slice %arg2[%add3A_350] : memref<204800xi32, #tpu.memory_space<hbm>> -> memref<640xi32, #tpu.memory_space<hbm>>
      tpu.wait_dma2 semaphore(%run_scoped3A : memref<!tpu.dma_semaphore, #tpu.memory_space<semaphore_mem>>) src(%dma_wait3A_586 : memref<640xi32, #tpu.memory_space<hbm>>) dst(%arg8 : memref<640xi32, #tpu.memory_space<vmem>>)
      tpu.yield
    }) : () -> ()
    %dma_start3A_351 = arith.constant 0 : i32
    %dma_start3A_352 = arith.constant 0 : i32
    %dma_start3A_353 = tpu.memref_slice %arg3[%dma_start3A_351, %dma_start3A_352] : memref<1000000x64xf32, #tpu.memory_space<hbm>> -> memref<1000000x64xf32, #tpu.memory_space<hbm>>
    tpu.enqueue_indirect_dma source(%dma_start3A_353 : memref<1000000x64xf32, #tpu.memory_space<hbm>>) target(%arg12 : memref<640x64xf32, #tpu.memory_space<vmem>>) offsets(%arg8 : memref<640xi32, #tpu.memory_space<vmem>>) semaphore(%arg17 : memref<!tpu.dma_semaphore, #tpu.memory_space<semaphore_mem>>)
    %scan3A_354 = arith.constant 0 : i32
    %scan3A_355 = arith.constant 0 : i32
    %scan3A_356 = arith.constant 40 : i32
    %scan3A_357 = arith.addi %scan3A_355, %scan3A_356 : i32
    %scan3A_358 = arith.constant 1 : i32
    %scan3A_359 = scf.for %scan3A_583 = %scan3A_355 to %scan3A_357 step %scan3A_358 iter_args(%scan3A_584 = %scan3A_354) -> (i32)  : i32 {
      %mul3A_585 = arith.constant 16 : i32
      %mul3A_586 = arith.muli %scan3A_583, %mul3A_585 : i32
      %get3A_587 = arith.index_cast %mul3A_586 : i32 to index
      %get3A_588 = tpu.vector_load %arg8[%get3A_587] {strides = array<i32>} : memref<640xi32, #tpu.memory_space<vmem>>, vector<16xi32>,
      %get3A_589 = vector.shape_cast %get3A_588 : vector<16xi32> to vector<16xi32>
      %slice3A = vector.extract_strided_slice %get3A_589 {offsets = [0], sizes = [1], strides = [1]} : vector<16xi32> to vector<1xi32>
      %squeeze3A = vector.extract %slice3A[0] : i32 from vector<1xi32>
      %slice3A_590 = vector.extract_strided_slice %get3A_589 {offsets = [1], sizes = [1], strides = [1]} : vector<16xi32> to vector<1xi32>
      %squeeze3A_591 = vector.extract %slice3A_590[0] : i32 from vector<1xi32>
      %broadcast_in_dim3A = vector.broadcast %squeeze3A : i32 to vector<16xi32>
      %broadcast_in_dim3A_592 = vector.broadcast %squeeze3A_591 : i32 to vector<16xi32>
      %select_n3A_593 = arith.select %lt3A_259, %broadcast_in_dim3A, %broadcast_in_dim3A_592 : vector<16xi1>, vector<16xi32>
      %mul3A_594 = arith.constant 8 : i32
      %mul3A_595 = vector.broadcast %mul3A_594 : i32 to vector<16xi32>
      %mul3A_596 = arith.muli %select_n3A_593, %mul3A_595 : vector<16xi32>
      %add3A_597 = arith.addi %mul3A_596, %select_n3A_275 : vector<16xi32>
      %mul3A_598 = arith.constant 16 : i32
      %mul3A_599 = arith.muli %scan3A_583, %mul3A_598 : i32
      %mul3A_600 = arith.constant 8 : i32
      %mul3A_601 = arith.muli %mul3A_599, %mul3A_600 : i32
      %add3A_602 = arith.constant 0 : i32
      %add3A_603 = arith.addi %mul3A_601, %add3A_602 : i32
      %swap3A = arith.index_cast %add3A_603 : i32 to index
      %swap3A_604 = tpu.vector_load %arg10[%swap3A] {strides = array<i32>} : memref<5120xi32, #tpu.memory_space<vmem>>, vector<16xi32>,
      %swap3A_605 = vector.shape_cast %swap3A_604 : vector<16xi32> to vector<16xi32>
      %swap3A_606 = vector.shape_cast %add3A_597 : vector<16xi32> to vector<16xi32>
      tpu.vector_store %arg10[%swap3A], %swap3A_606 {strides = array<i32>} : memref<5120xi32, #tpu.memory_space<vmem>>, vector<16xi32>,
      %slice3A_607 = vector.extract_strided_slice %get3A_589 {offsets = [2], sizes = [1], strides = [1]} : vector<16xi32> to vector<1xi32>
      %squeeze3A_608 = vector.extract %slice3A_607[0] : i32 from vector<1xi32>
      %slice3A_609 = vector.extract_strided_slice %get3A_589 {offsets = [3], sizes = [1], strides = [1]} : vector<16xi32> to vector<1xi32>
      %squeeze3A_610 = vector.extract %slice3A_609[0] : i32 from vector<1xi32>
      %broadcast_in_dim3A_611 = vector.broadcast %squeeze3A_608 : i32 to vector<16xi32>
      %broadcast_in_dim3A_612 = vector.broadcast %squeeze3A_610 : i32 to vector<16xi32>
      %select_n3A_613 = arith.select %lt3A_259, %broadcast_in_dim3A_611, %broadcast_in_dim3A_612 : vector<16xi1>, vector<16xi32>
      %mul3A_614 = arith.constant 8 : i32
      %mul3A_615 = vector.broadcast %mul3A_614 : i32 to vector<16xi32>
      %mul3A_616 = arith.muli %select_n3A_613, %mul3A_615 : vector<16xi32>
      %add3A_617 = arith.addi %mul3A_616, %select_n3A_275 : vector<16xi32>
      %mul3A_618 = arith.constant 16 : i32
      %mul3A_619 = arith.muli %scan3A_583, %mul3A_618 : i32
      %mul3A_620 = arith.constant 8 : i32
      %mul3A_621 = arith.muli %mul3A_619, %mul3A_620 : i32
      %add3A_622 = arith.constant 16 : i32
      %add3A_623 = arith.addi %mul3A_621, %add3A_622 : i32
      %swap3A_624 = arith.index_cast %add3A_623 : i32 to index
      %swap3A_625 = tpu.vector_load %arg10[%swap3A_624] {strides = array<i32>} : memref<5120xi32, #tpu.memory_space<vmem>>, vector<16xi32>,
      %swap3A_626 = vector.shape_cast %swap3A_625 : vector<16xi32> to vector<16xi32>
      %swap3A_627 = vector.shape_cast %add3A_617 : vector<16xi32> to vector<16xi32>
      tpu.vector_store %arg10[%swap3A_624], %swap3A_627 {strides = array<i32>} : memref<5120xi32, #tpu.memory_space<vmem>>, vector<16xi32>,
      %slice3A_628 = vector.extract_strided_slice %get3A_589 {offsets = [4], sizes = [1], strides = [1]} : vector<16xi32> to vector<1xi32>
      %squeeze3A_629 = vector.extract %slice3A_628[0] : i32 from vector<1xi32>
      %slice3A_630 = vector.extract_strided_slice %get3A_589 {offsets = [5], sizes = [1], strides = [1]} : vector<16xi32> to vector<1xi32>
      %squeeze3A_631 = vector.extract %slice3A_630[0] : i32 from vector<1xi32>
      %broadcast_in_dim3A_632 = vector.broadcast %squeeze3A_629 : i32 to vector<16xi32>
      %broadcast_in_dim3A_633 = vector.broadcast %squeeze3A_631 : i32 to vector<16xi32>
      %select_n3A_634 = arith.select %lt3A_259, %broadcast_in_dim3A_632, %broadcast_in_dim3A_633 : vector<16xi1>, vector<16xi32>
      %mul3A_635 = arith.constant 8 : i32
      %mul3A_636 = vector.broadcast %mul3A_635 : i32 to vector<16xi32>
      %mul3A_637 = arith.muli %select_n3A_634, %mul3A_636 : vector<16xi32>
      %add3A_638 = arith.addi %mul3A_637, %select_n3A_275 : vector<16xi32>
      %mul3A_639 = arith.constant 16 : i32
      %mul3A_640 = arith.muli %scan3A_583, %mul3A_639 : i32
      %mul3A_641 = arith.constant 8 : i32
      %mul3A_642 = arith.muli %mul3A_640, %mul3A_641 : i32
      %add3A_643 = arith.constant 32 : i32
      %add3A_644 = arith.addi %mul3A_642, %add3A_643 : i32
      %swap3A_645 = arith.index_cast %add3A_644 : i32 to index
      %swap3A_646 = tpu.vector_load %arg10[%swap3A_645] {strides = array<i32>} : memref<5120xi32, #tpu.memory_space<vmem>>, vector<16xi32>,
      %swap3A_647 = vector.shape_cast %swap3A_646 : vector<16xi32> to vector<16xi32>
      %swap3A_648 = vector.shape_cast %add3A_638 : vector<16xi32> to vector<16xi32>
      tpu.vector_store %arg10[%swap3A_645], %swap3A_648 {strides = array<i32>} : memref<5120xi32, #tpu.memory_space<vmem>>, vector<16xi32>,
      %slice3A_649 = vector.extract_strided_slice %get3A_589 {offsets = [6], sizes = [1], strides = [1]} : vector<16xi32> to vector<1xi32>
      %squeeze3A_650 = vector.extract %slice3A_649[0] : i32 from vector<1xi32>
      %slice3A_651 = vector.extract_strided_slice %get3A_589 {offsets = [7], sizes = [1], strides = [1]} : vector<16xi32> to vector<1xi32>
      %squeeze3A_652 = vector.extract %slice3A_651[0] : i32 from vector<1xi32>
      %broadcast_in_dim3A_653 = vector.broadcast %squeeze3A_650 : i32 to vector<16xi32>
      %broadcast_in_dim3A_654 = vector.broadcast %squeeze3A_652 : i32 to vector<16xi32>
      %select_n3A_655 = arith.select %lt3A_259, %broadcast_in_dim3A_653, %broadcast_in_dim3A_654 : vector<16xi1>, vector<16xi32>
      %mul3A_656 = arith.constant 8 : i32
      %mul3A_657 = vector.broadcast %mul3A_656 : i32 to vector<16xi32>
      %mul3A_658 = arith.muli %select_n3A_655, %mul3A_657 : vector<16xi32>
      %add3A_659 = arith.addi %mul3A_658, %select_n3A_275 : vector<16xi32>
      %mul3A_660 = arith.constant 16 : i32
      %mul3A_661 = arith.muli %scan3A_583, %mul3A_660 : i32
      %mul3A_662 = arith.constant 8 : i32
      %mul3A_663 = arith.muli %mul3A_661, %mul3A_662 : i32
      %add3A_664 = arith.constant 48 : i32
      %add3A_665 = arith.addi %mul3A_663, %add3A_664 : i32
      %swap3A_666 = arith.index_cast %add3A_665 : i32 to index
      %swap3A_667 = tpu.vector_load %arg10[%swap3A_666] {strides = array<i32>} : memref<5120xi32, #tpu.memory_space<vmem>>, vector<16xi32>,
      %swap3A_668 = vector.shape_cast %swap3A_667 : vector<16xi32> to vector<16xi32>
      %swap3A_669 = vector.shape_cast %add3A_659 : vector<16xi32> to vector<16xi32>
      tpu.vector_store %arg10[%swap3A_666], %swap3A_669 {strides = array<i32>} : memref<5120xi32, #tpu.memory_space<vmem>>, vector<16xi32>,
      %slice3A_670 = vector.extract_strided_slice %get3A_589 {offsets = [8], sizes = [1], strides = [1]} : vector<16xi32> to vector<1xi32>
      %squeeze3A_671 = vector.extract %slice3A_670[0] : i32 from vector<1xi32>
      %slice3A_672 = vector.extract_strided_slice %get3A_589 {offsets = [9], sizes = [1], strides = [1]} : vector<16xi32> to vector<1xi32>
      %squeeze3A_673 = vector.extract %slice3A_672[0] : i32 from vector<1xi32>
      %broadcast_in_dim3A_674 = vector.broadcast %squeeze3A_671 : i32 to vector<16xi32>
      %broadcast_in_dim3A_675 = vector.broadcast %squeeze3A_673 : i32 to vector<16xi32>
      %select_n3A_676 = arith.select %lt3A_259, %broadcast_in_dim3A_674, %broadcast_in_dim3A_675 : vector<16xi1>, vector<16xi32>
      %mul3A_677 = arith.constant 8 : i32
      %mul3A_678 = vector.broadcast %mul3A_677 : i32 to vector<16xi32>
      %mul3A_679 = arith.muli %select_n3A_676, %mul3A_678 : vector<16xi32>
      %add3A_680 = arith.addi %mul3A_679, %select_n3A_275 : vector<16xi32>
      %mul3A_681 = arith.constant 16 : i32
      %mul3A_682 = arith.muli %scan3A_583, %mul3A_681 : i32
      %mul3A_683 = arith.constant 8 : i32
      %mul3A_684 = arith.muli %mul3A_682, %mul3A_683 : i32
      %add3A_685 = arith.constant 64 : i32
      %add3A_686 = arith.addi %mul3A_684, %add3A_685 : i32
      %swap3A_687 = arith.index_cast %add3A_686 : i32 to index
      %swap3A_688 = tpu.vector_load %arg10[%swap3A_687] {strides = array<i32>} : memref<5120xi32, #tpu.memory_space<vmem>>, vector<16xi32>,
      %swap3A_689 = vector.shape_cast %swap3A_688 : vector<16xi32> to vector<16xi32>
      %swap3A_690 = vector.shape_cast %add3A_680 : vector<16xi32> to vector<16xi32>
      tpu.vector_store %arg10[%swap3A_687], %swap3A_690 {strides = array<i32>} : memref<5120xi32, #tpu.memory_space<vmem>>, vector<16xi32>,
      %slice3A_691 = vector.extract_strided_slice %get3A_589 {offsets = [10], sizes = [1], strides = [1]} : vector<16xi32> to vector<1xi32>
      %squeeze3A_692 = vector.extract %slice3A_691[0] : i32 from vector<1xi32>
      %slice3A_693 = vector.extract_strided_slice %get3A_589 {offsets = [11], sizes = [1], strides = [1]} : vector<16xi32> to vector<1xi32>
      %squeeze3A_694 = vector.extract %slice3A_693[0] : i32 from vector<1xi32>
      %broadcast_in_dim3A_695 = vector.broadcast %squeeze3A_692 : i32 to vector<16xi32>
      %broadcast_in_dim3A_696 = vector.broadcast %squeeze3A_694 : i32 to vector<16xi32>
      %select_n3A_697 = arith.select %lt3A_259, %broadcast_in_dim3A_695, %broadcast_in_dim3A_696 : vector<16xi1>, vector<16xi32>
      %mul3A_698 = arith.constant 8 : i32
      %mul3A_699 = vector.broadcast %mul3A_698 : i32 to vector<16xi32>
      %mul3A_700 = arith.muli %select_n3A_697, %mul3A_699 : vector<16xi32>
      %add3A_701 = arith.addi %mul3A_700, %select_n3A_275 : vector<16xi32>
      %mul3A_702 = arith.constant 16 : i32
      %mul3A_703 = arith.muli %scan3A_583, %mul3A_702 : i32
      %mul3A_704 = arith.constant 8 : i32
      %mul3A_705 = arith.muli %mul3A_703, %mul3A_704 : i32
      %add3A_706 = arith.constant 80 : i32
      %add3A_707 = arith.addi %mul3A_705, %add3A_706 : i32
      %swap3A_708 = arith.index_cast %add3A_707 : i32 to index
      %swap3A_709 = tpu.vector_load %arg10[%swap3A_708] {strides = array<i32>} : memref<5120xi32, #tpu.memory_space<vmem>>, vector<16xi32>,
      %swap3A_710 = vector.shape_cast %swap3A_709 : vector<16xi32> to vector<16xi32>
      %swap3A_711 = vector.shape_cast %add3A_701 : vector<16xi32> to vector<16xi32>
      tpu.vector_store %arg10[%swap3A_708], %swap3A_711 {strides = array<i32>} : memref<5120xi32, #tpu.memory_space<vmem>>, vector<16xi32>,
      %slice3A_712 = vector.extract_strided_slice %get3A_589 {offsets = [12], sizes = [1], strides = [1]} : vector<16xi32> to vector<1xi32>
      %squeeze3A_713 = vector.extract %slice3A_712[0] : i32 from vector<1xi32>
      %slice3A_714 = vector.extract_strided_slice %get3A_589 {offsets = [13], sizes = [1], strides = [1]} : vector<16xi32> to vector<1xi32>
      %squeeze3A_715 = vector.extract %slice3A_714[0] : i32 from vector<1xi32>
      %broadcast_in_dim3A_716 = vector.broadcast %squeeze3A_713 : i32 to vector<16xi32>
      %broadcast_in_dim3A_717 = vector.broadcast %squeeze3A_715 : i32 to vector<16xi32>
      %select_n3A_718 = arith.select %lt3A_259, %broadcast_in_dim3A_716, %broadcast_in_dim3A_717 : vector<16xi1>, vector<16xi32>
      %mul3A_719 = arith.constant 8 : i32
      %mul3A_720 = vector.broadcast %mul3A_719 : i32 to vector<16xi32>
      %mul3A_721 = arith.muli %select_n3A_718, %mul3A_720 : vector<16xi32>
      %add3A_722 = arith.addi %mul3A_721, %select_n3A_275 : vector<16xi32>
      %mul3A_723 = arith.constant 16 : i32
      %mul3A_724 = arith.muli %scan3A_583, %mul3A_723 : i32
      %mul3A_725 = arith.constant 8 : i32
      %mul3A_726 = arith.muli %mul3A_724, %mul3A_725 : i32
      %add3A_727 = arith.constant 96 : i32
      %add3A_728 = arith.addi %mul3A_726, %add3A_727 : i32
      %swap3A_729 = arith.index_cast %add3A_728 : i32 to index
      %swap3A_730 = tpu.vector_load %arg10[%swap3A_729] {strides = array<i32>} : memref<5120xi32, #tpu.memory_space<vmem>>, vector<16xi32>,
      %swap3A_731 = vector.shape_cast %swap3A_730 : vector<16xi32> to vector<16xi32>
      %swap3A_732 = vector.shape_cast %add3A_722 : vector<16xi32> to vector<16xi32>
      tpu.vector_store %arg10[%swap3A_729], %swap3A_732 {strides = array<i32>} : memref<5120xi32, #tpu.memory_space<vmem>>, vector<16xi32>,
      %slice3A_733 = vector.extract_strided_slice %get3A_589 {offsets = [14], sizes = [1], strides = [1]} : vector<16xi32> to vector<1xi32>
      %squeeze3A_734 = vector.extract %slice3A_733[0] : i32 from vector<1xi32>
      %slice3A_735 = vector.extract_strided_slice %get3A_589 {offsets = [15], sizes = [1], strides = [1]} : vector<16xi32> to vector<1xi32>
      %squeeze3A_736 = vector.extract %slice3A_735[0] : i32 from vector<1xi32>
      %broadcast_in_dim3A_737 = vector.broadcast %squeeze3A_734 : i32 to vector<16xi32>
      %broadcast_in_dim3A_738 = vector.broadcast %squeeze3A_736 : i32 to vector<16xi32>
      %select_n3A_739 = arith.select %lt3A_259, %broadcast_in_dim3A_737, %broadcast_in_dim3A_738 : vector<16xi1>, vector<16xi32>
      %mul3A_740 = arith.constant 8 : i32
      %mul3A_741 = vector.broadcast %mul3A_740 : i32 to vector<16xi32>
      %mul3A_742 = arith.muli %select_n3A_739, %mul3A_741 : vector<16xi32>
      %add3A_743 = arith.addi %mul3A_742, %select_n3A_275 : vector<16xi32>
      %mul3A_744 = arith.constant 16 : i32
      %mul3A_745 = arith.muli %scan3A_583, %mul3A_744 : i32
      %mul3A_746 = arith.constant 8 : i32
      %mul3A_747 = arith.muli %mul3A_745, %mul3A_746 : i32
      %add3A_748 = arith.constant 112 : i32
      %add3A_749 = arith.addi %mul3A_747, %add3A_748 : i32
      %swap3A_750 = arith.index_cast %add3A_749 : i32 to index
      %swap3A_751 = tpu.vector_load %arg10[%swap3A_750] {strides = array<i32>} : memref<5120xi32, #tpu.memory_space<vmem>>, vector<16xi32>,
      %swap3A_752 = vector.shape_cast %swap3A_751 : vector<16xi32> to vector<16xi32>
      %swap3A_753 = vector.shape_cast %add3A_743 : vector<16xi32> to vector<16xi32>
      tpu.vector_store %arg10[%swap3A_750], %swap3A_753 {strides = array<i32>} : memref<5120xi32, #tpu.memory_space<vmem>>, vector<16xi32>,
      %scan3A_754 = arith.constant 0 : i32
      scf.yield %scan3A_754 : i32
    }
    %scan3A_360 = arith.constant 40 : i32
    %dma_start3A_361 = arith.constant 0 : i32
    %dma_start3A_362 = tpu.memref_slice %arg4[%dma_start3A_361] : memref<8000000xf32, #tpu.memory_space<hbm>> -> memref<8000000xf32, #tpu.memory_space<hbm>>
    tpu.enqueue_indirect_dma source(%dma_start3A_362 : memref<8000000xf32, #tpu.memory_space<hbm>>) target(%arg14 : memref<5120xf32, #tpu.memory_space<vmem>>) offsets(%arg10 : memref<5120xi32, #tpu.memory_space<vmem>>) semaphore(%arg19 : memref<!tpu.dma_semaphore, #tpu.memory_space<semaphore_mem>>)
    %dma_wait3A_363 = arith.constant 0 : i32
    %dma_wait3A_364 = arith.constant 0 : i32
    %dma_wait3A_365 = tpu.memref_slice %arg3[%dma_wait3A_363, %dma_wait3A_364] : memref<1000000x64xf32, #tpu.memory_space<hbm>> -> memref<1000000x64xf32, #tpu.memory_space<hbm>>
    tpu.wait_indirect_dma semaphore(%arg16 : memref<!tpu.dma_semaphore, #tpu.memory_space<semaphore_mem>>) src(%dma_wait3A_365 : memref<1000000x64xf32, #tpu.memory_space<hbm>>) dst(%arg11 : memref<640x64xf32, #tpu.memory_space<vmem>>)
    %dma_wait3A_366 = arith.constant 0 : i32
    %dma_wait3A_367 = tpu.memref_slice %arg4[%dma_wait3A_366] : memref<8000000xf32, #tpu.memory_space<hbm>> -> memref<8000000xf32, #tpu.memory_space<hbm>>
    tpu.wait_indirect_dma semaphore(%arg18 : memref<!tpu.dma_semaphore, #tpu.memory_space<semaphore_mem>>) src(%dma_wait3A_367 : memref<8000000xf32, #tpu.memory_space<hbm>>) dst(%arg13 : memref<5120xf32, #tpu.memory_space<vmem>>)
    %add3A_368 = arith.constant 1280 : i32
    %add3A_369 = arith.addi %mul3A_2, %add3A_368 : i32
    %dma_start3A_370 = arith.constant 0 : i32
    %dma_start3A_371 = tpu.memref_slice %arg6[%add3A_369, %dma_start3A_370] : memref<204800x64xf32, #tpu.memory_space<hbm>> -> memref<640x64xf32, #tpu.memory_space<hbm>>
    %dma_start3A_372 = arith.constant 0 : i32
    %dma_start3A_373 = tpu.memref_slice %arg6[%add3A_369, %dma_start3A_372] : memref<204800x64xf32, #tpu.memory_space<hbm>> -> memref<640x64xf32, #tpu.memory_space<hbm>>
    tpu.enqueue_dma source(%arg11 : memref<640x64xf32, #tpu.memory_space<vmem>>) target(%dma_start3A_373 : memref<640x64xf32, #tpu.memory_space<hbm>>) target_semaphore(%arg20 : memref<!tpu.dma_semaphore, #tpu.memory_space<semaphore_mem>>)
    %add3A_374 = arith.constant 1280 : i32
    %add3A_375 = arith.addi %mul3A_2, %add3A_374 : i32
    %dma_wait3A_376 = arith.constant 0 : i32
    %dma_wait3A_377 = tpu.memref_slice %arg6[%add3A_375, %dma_wait3A_376] : memref<204800x64xf32, #tpu.memory_space<hbm>> -> memref<640x64xf32, #tpu.memory_space<hbm>>
    %dma_wait3A_378 = arith.constant 0 : i32
    %dma_wait3A_379 = tpu.memref_slice %arg6[%add3A_375, %dma_wait3A_378] : memref<204800x64xf32, #tpu.memory_space<hbm>> -> memref<640x64xf32, #tpu.memory_space<hbm>>
    tpu.wait_dma2 semaphore(%arg20 : memref<!tpu.dma_semaphore, #tpu.memory_space<semaphore_mem>>) src(%arg11 : memref<640x64xf32, #tpu.memory_space<vmem>>) dst(%dma_wait3A_379 : memref<640x64xf32, #tpu.memory_space<hbm>>)
    %add3A_380 = arith.constant 2560 : i32
    %add3A_381 = arith.addi %mul3A_2, %add3A_380 : i32
    "tpu.region"() ({
      %run_scoped3A = tpu.sem_alloc : memref<!tpu.dma_semaphore, #tpu.memory_space<semaphore_mem>>
      %dma_start3A_583 = tpu.memref_slice %arg2[%add3A_381] : memref<204800xi32, #tpu.memory_space<hbm>> -> memref<640xi32, #tpu.memory_space<hbm>>
      %dma_start3A_584 = tpu.memref_slice %arg2[%add3A_381] : memref<204800xi32, #tpu.memory_space<hbm>> -> memref<640xi32, #tpu.memory_space<hbm>>
      tpu.enqueue_dma source(%dma_start3A_584 : memref<640xi32, #tpu.memory_space<hbm>>) target(%arg7 : memref<640xi32, #tpu.memory_space<vmem>>) target_semaphore(%run_scoped3A : memref<!tpu.dma_semaphore, #tpu.memory_space<semaphore_mem>>)
      %dma_wait3A_585 = tpu.memref_slice %arg2[%add3A_381] : memref<204800xi32, #tpu.memory_space<hbm>> -> memref<640xi32, #tpu.memory_space<hbm>>
      %dma_wait3A_586 = tpu.memref_slice %arg2[%add3A_381] : memref<204800xi32, #tpu.memory_space<hbm>> -> memref<640xi32, #tpu.memory_space<hbm>>
      tpu.wait_dma2 semaphore(%run_scoped3A : memref<!tpu.dma_semaphore, #tpu.memory_space<semaphore_mem>>) src(%dma_wait3A_586 : memref<640xi32, #tpu.memory_space<hbm>>) dst(%arg7 : memref<640xi32, #tpu.memory_space<vmem>>)
      tpu.yield
    }) : () -> ()
    %dma_start3A_382 = arith.constant 0 : i32
    %dma_start3A_383 = arith.constant 0 : i32
    %dma_start3A_384 = tpu.memref_slice %arg3[%dma_start3A_382, %dma_start3A_383] : memref<1000000x64xf32, #tpu.memory_space<hbm>> -> memref<1000000x64xf32, #tpu.memory_space<hbm>>
    tpu.enqueue_indirect_dma source(%dma_start3A_384 : memref<1000000x64xf32, #tpu.memory_space<hbm>>) target(%arg11 : memref<640x64xf32, #tpu.memory_space<vmem>>) offsets(%arg7 : memref<640xi32, #tpu.memory_space<vmem>>) semaphore(%arg16 : memref<!tpu.dma_semaphore, #tpu.memory_space<semaphore_mem>>)
    %scan3A_385 = arith.constant 0 : i32
    %scan3A_386 = arith.constant 0 : i32
    %scan3A_387 = arith.constant 40 : i32
    %scan3A_388 = arith.addi %scan3A_386, %scan3A_387 : i32
    %scan3A_389 = arith.constant 1 : i32
    %scan3A_390 = scf.for %scan3A_583 = %scan3A_386 to %scan3A_388 step %scan3A_389 iter_args(%scan3A_584 = %scan3A_385) -> (i32)  : i32 {
      %mul3A_585 = arith.constant 16 : i32
      %mul3A_586 = arith.muli %scan3A_583, %mul3A_585 : i32
      %get3A_587 = arith.index_cast %mul3A_586 : i32 to index
      %get3A_588 = tpu.vector_load %arg7[%get3A_587] {strides = array<i32>} : memref<640xi32, #tpu.memory_space<vmem>>, vector<16xi32>,
      %get3A_589 = vector.shape_cast %get3A_588 : vector<16xi32> to vector<16xi32>
      %slice3A = vector.extract_strided_slice %get3A_589 {offsets = [0], sizes = [1], strides = [1]} : vector<16xi32> to vector<1xi32>
      %squeeze3A = vector.extract %slice3A[0] : i32 from vector<1xi32>
      %slice3A_590 = vector.extract_strided_slice %get3A_589 {offsets = [1], sizes = [1], strides = [1]} : vector<16xi32> to vector<1xi32>
      %squeeze3A_591 = vector.extract %slice3A_590[0] : i32 from vector<1xi32>
      %broadcast_in_dim3A = vector.broadcast %squeeze3A : i32 to vector<16xi32>
      %broadcast_in_dim3A_592 = vector.broadcast %squeeze3A_591 : i32 to vector<16xi32>
      %select_n3A_593 = arith.select %lt3A_259, %broadcast_in_dim3A, %broadcast_in_dim3A_592 : vector<16xi1>, vector<16xi32>
      %mul3A_594 = arith.constant 8 : i32
      %mul3A_595 = vector.broadcast %mul3A_594 : i32 to vector<16xi32>
      %mul3A_596 = arith.muli %select_n3A_593, %mul3A_595 : vector<16xi32>
      %add3A_597 = arith.addi %mul3A_596, %select_n3A_275 : vector<16xi32>
      %mul3A_598 = arith.constant 16 : i32
      %mul3A_599 = arith.muli %scan3A_583, %mul3A_598 : i32
      %mul3A_600 = arith.constant 8 : i32
      %mul3A_601 = arith.muli %mul3A_599, %mul3A_600 : i32
      %add3A_602 = arith.constant 0 : i32
      %add3A_603 = arith.addi %mul3A_601, %add3A_602 : i32
      %swap3A = arith.index_cast %add3A_603 : i32 to index
      %swap3A_604 = tpu.vector_load %arg9[%swap3A] {strides = array<i32>} : memref<5120xi32, #tpu.memory_space<vmem>>, vector<16xi32>,
      %swap3A_605 = vector.shape_cast %swap3A_604 : vector<16xi32> to vector<16xi32>
      %swap3A_606 = vector.shape_cast %add3A_597 : vector<16xi32> to vector<16xi32>
      tpu.vector_store %arg9[%swap3A], %swap3A_606 {strides = array<i32>} : memref<5120xi32, #tpu.memory_space<vmem>>, vector<16xi32>,
      %slice3A_607 = vector.extract_strided_slice %get3A_589 {offsets = [2], sizes = [1], strides = [1]} : vector<16xi32> to vector<1xi32>
      %squeeze3A_608 = vector.extract %slice3A_607[0] : i32 from vector<1xi32>
      %slice3A_609 = vector.extract_strided_slice %get3A_589 {offsets = [3], sizes = [1], strides = [1]} : vector<16xi32> to vector<1xi32>
      %squeeze3A_610 = vector.extract %slice3A_609[0] : i32 from vector<1xi32>
      %broadcast_in_dim3A_611 = vector.broadcast %squeeze3A_608 : i32 to vector<16xi32>
      %broadcast_in_dim3A_612 = vector.broadcast %squeeze3A_610 : i32 to vector<16xi32>
      %select_n3A_613 = arith.select %lt3A_259, %broadcast_in_dim3A_611, %broadcast_in_dim3A_612 : vector<16xi1>, vector<16xi32>
      %mul3A_614 = arith.constant 8 : i32
      %mul3A_615 = vector.broadcast %mul3A_614 : i32 to vector<16xi32>
      %mul3A_616 = arith.muli %select_n3A_613, %mul3A_615 : vector<16xi32>
      %add3A_617 = arith.addi %mul3A_616, %select_n3A_275 : vector<16xi32>
      %mul3A_618 = arith.constant 16 : i32
      %mul3A_619 = arith.muli %scan3A_583, %mul3A_618 : i32
      %mul3A_620 = arith.constant 8 : i32
      %mul3A_621 = arith.muli %mul3A_619, %mul3A_620 : i32
      %add3A_622 = arith.constant 16 : i32
      %add3A_623 = arith.addi %mul3A_621, %add3A_622 : i32
      %swap3A_624 = arith.index_cast %add3A_623 : i32 to index
      %swap3A_625 = tpu.vector_load %arg9[%swap3A_624] {strides = array<i32>} : memref<5120xi32, #tpu.memory_space<vmem>>, vector<16xi32>,
      %swap3A_626 = vector.shape_cast %swap3A_625 : vector<16xi32> to vector<16xi32>
      %swap3A_627 = vector.shape_cast %add3A_617 : vector<16xi32> to vector<16xi32>
      tpu.vector_store %arg9[%swap3A_624], %swap3A_627 {strides = array<i32>} : memref<5120xi32, #tpu.memory_space<vmem>>, vector<16xi32>,
      %slice3A_628 = vector.extract_strided_slice %get3A_589 {offsets = [4], sizes = [1], strides = [1]} : vector<16xi32> to vector<1xi32>
      %squeeze3A_629 = vector.extract %slice3A_628[0] : i32 from vector<1xi32>
      %slice3A_630 = vector.extract_strided_slice %get3A_589 {offsets = [5], sizes = [1], strides = [1]} : vector<16xi32> to vector<1xi32>
      %squeeze3A_631 = vector.extract %slice3A_630[0] : i32 from vector<1xi32>
      %broadcast_in_dim3A_632 = vector.broadcast %squeeze3A_629 : i32 to vector<16xi32>
      %broadcast_in_dim3A_633 = vector.broadcast %squeeze3A_631 : i32 to vector<16xi32>
      %select_n3A_634 = arith.select %lt3A_259, %broadcast_in_dim3A_632, %broadcast_in_dim3A_633 : vector<16xi1>, vector<16xi32>
      %mul3A_635 = arith.constant 8 : i32
      %mul3A_636 = vector.broadcast %mul3A_635 : i32 to vector<16xi32>
      %mul3A_637 = arith.muli %select_n3A_634, %mul3A_636 : vector<16xi32>
      %add3A_638 = arith.addi %mul3A_637, %select_n3A_275 : vector<16xi32>
      %mul3A_639 = arith.constant 16 : i32
      %mul3A_640 = arith.muli %scan3A_583, %mul3A_639 : i32
      %mul3A_641 = arith.constant 8 : i32
      %mul3A_642 = arith.muli %mul3A_640, %mul3A_641 : i32
      %add3A_643 = arith.constant 32 : i32
      %add3A_644 = arith.addi %mul3A_642, %add3A_643 : i32
      %swap3A_645 = arith.index_cast %add3A_644 : i32 to index
      %swap3A_646 = tpu.vector_load %arg9[%swap3A_645] {strides = array<i32>} : memref<5120xi32, #tpu.memory_space<vmem>>, vector<16xi32>,
      %swap3A_647 = vector.shape_cast %swap3A_646 : vector<16xi32> to vector<16xi32>
      %swap3A_648 = vector.shape_cast %add3A_638 : vector<16xi32> to vector<16xi32>
      tpu.vector_store %arg9[%swap3A_645], %swap3A_648 {strides = array<i32>} : memref<5120xi32, #tpu.memory_space<vmem>>, vector<16xi32>,
      %slice3A_649 = vector.extract_strided_slice %get3A_589 {offsets = [6], sizes = [1], strides = [1]} : vector<16xi32> to vector<1xi32>
      %squeeze3A_650 = vector.extract %slice3A_649[0] : i32 from vector<1xi32>
      %slice3A_651 = vector.extract_strided_slice %get3A_589 {offsets = [7], sizes = [1], strides = [1]} : vector<16xi32> to vector<1xi32>
      %squeeze3A_652 = vector.extract %slice3A_651[0] : i32 from vector<1xi32>
      %broadcast_in_dim3A_653 = vector.broadcast %squeeze3A_650 : i32 to vector<16xi32>
      %broadcast_in_dim3A_654 = vector.broadcast %squeeze3A_652 : i32 to vector<16xi32>
      %select_n3A_655 = arith.select %lt3A_259, %broadcast_in_dim3A_653, %broadcast_in_dim3A_654 : vector<16xi1>, vector<16xi32>
      %mul3A_656 = arith.constant 8 : i32
      %mul3A_657 = vector.broadcast %mul3A_656 : i32 to vector<16xi32>
      %mul3A_658 = arith.muli %select_n3A_655, %mul3A_657 : vector<16xi32>
      %add3A_659 = arith.addi %mul3A_658, %select_n3A_275 : vector<16xi32>
      %mul3A_660 = arith.constant 16 : i32
      %mul3A_661 = arith.muli %scan3A_583, %mul3A_660 : i32
      %mul3A_662 = arith.constant 8 : i32
      %mul3A_663 = arith.muli %mul3A_661, %mul3A_662 : i32
      %add3A_664 = arith.constant 48 : i32
      %add3A_665 = arith.addi %mul3A_663, %add3A_664 : i32
      %swap3A_666 = arith.index_cast %add3A_665 : i32 to index
      %swap3A_667 = tpu.vector_load %arg9[%swap3A_666] {strides = array<i32>} : memref<5120xi32, #tpu.memory_space<vmem>>, vector<16xi32>,
      %swap3A_668 = vector.shape_cast %swap3A_667 : vector<16xi32> to vector<16xi32>
      %swap3A_669 = vector.shape_cast %add3A_659 : vector<16xi32> to vector<16xi32>
      tpu.vector_store %arg9[%swap3A_666], %swap3A_669 {strides = array<i32>} : memref<5120xi32, #tpu.memory_space<vmem>>, vector<16xi32>,
      %slice3A_670 = vector.extract_strided_slice %get3A_589 {offsets = [8], sizes = [1], strides = [1]} : vector<16xi32> to vector<1xi32>
      %squeeze3A_671 = vector.extract %slice3A_670[0] : i32 from vector<1xi32>
      %slice3A_672 = vector.extract_strided_slice %get3A_589 {offsets = [9], sizes = [1], strides = [1]} : vector<16xi32> to vector<1xi32>
      %squeeze3A_673 = vector.extract %slice3A_672[0] : i32 from vector<1xi32>
      %broadcast_in_dim3A_674 = vector.broadcast %squeeze3A_671 : i32 to vector<16xi32>
      %broadcast_in_dim3A_675 = vector.broadcast %squeeze3A_673 : i32 to vector<16xi32>
      %select_n3A_676 = arith.select %lt3A_259, %broadcast_in_dim3A_674, %broadcast_in_dim3A_675 : vector<16xi1>, vector<16xi32>
      %mul3A_677 = arith.constant 8 : i32
      %mul3A_678 = vector.broadcast %mul3A_677 : i32 to vector<16xi32>
      %mul3A_679 = arith.muli %select_n3A_676, %mul3A_678 : vector<16xi32>
      %add3A_680 = arith.addi %mul3A_679, %select_n3A_275 : vector<16xi32>
      %mul3A_681 = arith.constant 16 : i32
      %mul3A_682 = arith.muli %scan3A_583, %mul3A_681 : i32
      %mul3A_683 = arith.constant 8 : i32
      %mul3A_684 = arith.muli %mul3A_682, %mul3A_683 : i32
      %add3A_685 = arith.constant 64 : i32
      %add3A_686 = arith.addi %mul3A_684, %add3A_685 : i32
      %swap3A_687 = arith.index_cast %add3A_686 : i32 to index
      %swap3A_688 = tpu.vector_load %arg9[%swap3A_687] {strides = array<i32>} : memref<5120xi32, #tpu.memory_space<vmem>>, vector<16xi32>,
      %swap3A_689 = vector.shape_cast %swap3A_688 : vector<16xi32> to vector<16xi32>
      %swap3A_690 = vector.shape_cast %add3A_680 : vector<16xi32> to vector<16xi32>
      tpu.vector_store %arg9[%swap3A_687], %swap3A_690 {strides = array<i32>} : memref<5120xi32, #tpu.memory_space<vmem>>, vector<16xi32>,
      %slice3A_691 = vector.extract_strided_slice %get3A_589 {offsets = [10], sizes = [1], strides = [1]} : vector<16xi32> to vector<1xi32>
      %squeeze3A_692 = vector.extract %slice3A_691[0] : i32 from vector<1xi32>
      %slice3A_693 = vector.extract_strided_slice %get3A_589 {offsets = [11], sizes = [1], strides = [1]} : vector<16xi32> to vector<1xi32>
      %squeeze3A_694 = vector.extract %slice3A_693[0] : i32 from vector<1xi32>
      %broadcast_in_dim3A_695 = vector.broadcast %squeeze3A_692 : i32 to vector<16xi32>
      %broadcast_in_dim3A_696 = vector.broadcast %squeeze3A_694 : i32 to vector<16xi32>
      %select_n3A_697 = arith.select %lt3A_259, %broadcast_in_dim3A_695, %broadcast_in_dim3A_696 : vector<16xi1>, vector<16xi32>
      %mul3A_698 = arith.constant 8 : i32
      %mul3A_699 = vector.broadcast %mul3A_698 : i32 to vector<16xi32>
      %mul3A_700 = arith.muli %select_n3A_697, %mul3A_699 : vector<16xi32>
      %add3A_701 = arith.addi %mul3A_700, %select_n3A_275 : vector<16xi32>
      %mul3A_702 = arith.constant 16 : i32
      %mul3A_703 = arith.muli %scan3A_583, %mul3A_702 : i32
      %mul3A_704 = arith.constant 8 : i32
      %mul3A_705 = arith.muli %mul3A_703, %mul3A_704 : i32
      %add3A_706 = arith.constant 80 : i32
      %add3A_707 = arith.addi %mul3A_705, %add3A_706 : i32
      %swap3A_708 = arith.index_cast %add3A_707 : i32 to index
      %swap3A_709 = tpu.vector_load %arg9[%swap3A_708] {strides = array<i32>} : memref<5120xi32, #tpu.memory_space<vmem>>, vector<16xi32>,
      %swap3A_710 = vector.shape_cast %swap3A_709 : vector<16xi32> to vector<16xi32>
      %swap3A_711 = vector.shape_cast %add3A_701 : vector<16xi32> to vector<16xi32>
      tpu.vector_store %arg9[%swap3A_708], %swap3A_711 {strides = array<i32>} : memref<5120xi32, #tpu.memory_space<vmem>>, vector<16xi32>,
      %slice3A_712 = vector.extract_strided_slice %get3A_589 {offsets = [12], sizes = [1], strides = [1]} : vector<16xi32> to vector<1xi32>
      %squeeze3A_713 = vector.extract %slice3A_712[0] : i32 from vector<1xi32>
      %slice3A_714 = vector.extract_strided_slice %get3A_589 {offsets = [13], sizes = [1], strides = [1]} : vector<16xi32> to vector<1xi32>
      %squeeze3A_715 = vector.extract %slice3A_714[0] : i32 from vector<1xi32>
      %broadcast_in_dim3A_716 = vector.broadcast %squeeze3A_713 : i32 to vector<16xi32>
      %broadcast_in_dim3A_717 = vector.broadcast %squeeze3A_715 : i32 to vector<16xi32>
      %select_n3A_718 = arith.select %lt3A_259, %broadcast_in_dim3A_716, %broadcast_in_dim3A_717 : vector<16xi1>, vector<16xi32>
      %mul3A_719 = arith.constant 8 : i32
      %mul3A_720 = vector.broadcast %mul3A_719 : i32 to vector<16xi32>
      %mul3A_721 = arith.muli %select_n3A_718, %mul3A_720 : vector<16xi32>
      %add3A_722 = arith.addi %mul3A_721, %select_n3A_275 : vector<16xi32>
      %mul3A_723 = arith.constant 16 : i32
      %mul3A_724 = arith.muli %scan3A_583, %mul3A_723 : i32
      %mul3A_725 = arith.constant 8 : i32
      %mul3A_726 = arith.muli %mul3A_724, %mul3A_725 : i32
      %add3A_727 = arith.constant 96 : i32
      %add3A_728 = arith.addi %mul3A_726, %add3A_727 : i32
      %swap3A_729 = arith.index_cast %add3A_728 : i32 to index
      %swap3A_730 = tpu.vector_load %arg9[%swap3A_729] {strides = array<i32>} : memref<5120xi32, #tpu.memory_space<vmem>>, vector<16xi32>,
      %swap3A_731 = vector.shape_cast %swap3A_730 : vector<16xi32> to vector<16xi32>
      %swap3A_732 = vector.shape_cast %add3A_722 : vector<16xi32> to vector<16xi32>
      tpu.vector_store %arg9[%swap3A_729], %swap3A_732 {strides = array<i32>} : memref<5120xi32, #tpu.memory_space<vmem>>, vector<16xi32>,
      %slice3A_733 = vector.extract_strided_slice %get3A_589 {offsets = [14], sizes = [1], strides = [1]} : vector<16xi32> to vector<1xi32>
      %squeeze3A_734 = vector.extract %slice3A_733[0] : i32 from vector<1xi32>
      %slice3A_735 = vector.extract_strided_slice %get3A_589 {offsets = [15], sizes = [1], strides = [1]} : vector<16xi32> to vector<1xi32>
      %squeeze3A_736 = vector.extract %slice3A_735[0] : i32 from vector<1xi32>
      %broadcast_in_dim3A_737 = vector.broadcast %squeeze3A_734 : i32 to vector<16xi32>
      %broadcast_in_dim3A_738 = vector.broadcast %squeeze3A_736 : i32 to vector<16xi32>
      %select_n3A_739 = arith.select %lt3A_259, %broadcast_in_dim3A_737, %broadcast_in_dim3A_738 : vector<16xi1>, vector<16xi32>
      %mul3A_740 = arith.constant 8 : i32
      %mul3A_741 = vector.broadcast %mul3A_740 : i32 to vector<16xi32>
      %mul3A_742 = arith.muli %select_n3A_739, %mul3A_741 : vector<16xi32>
      %add3A_743 = arith.addi %mul3A_742, %select_n3A_275 : vector<16xi32>
      %mul3A_744 = arith.constant 16 : i32
      %mul3A_745 = arith.muli %scan3A_583, %mul3A_744 : i32
      %mul3A_746 = arith.constant 8 : i32
      %mul3A_747 = arith.muli %mul3A_745, %mul3A_746 : i32
      %add3A_748 = arith.constant 112 : i32
      %add3A_749 = arith.addi %mul3A_747, %add3A_748 : i32
      %swap3A_750 = arith.index_cast %add3A_749 : i32 to index
      %swap3A_751 = tpu.vector_load %arg9[%swap3A_750] {strides = array<i32>} : memref<5120xi32, #tpu.memory_space<vmem>>, vector<16xi32>,
      %swap3A_752 = vector.shape_cast %swap3A_751 : vector<16xi32> to vector<16xi32>
      %swap3A_753 = vector.shape_cast %add3A_743 : vector<16xi32> to vector<16xi32>
      tpu.vector_store %arg9[%swap3A_750], %swap3A_753 {strides = array<i32>} : memref<5120xi32, #tpu.memory_space<vmem>>, vector<16xi32>,
      %scan3A_754 = arith.constant 0 : i32
      scf.yield %scan3A_754 : i32
    }
    %scan3A_391 = arith.constant 40 : i32
    %dma_start3A_392 = arith.constant 0 : i32
    %dma_start3A_393 = tpu.memref_slice %arg4[%dma_start3A_392] : memref<8000000xf32, #tpu.memory_space<hbm>> -> memref<8000000xf32, #tpu.memory_space<hbm>>
    tpu.enqueue_indirect_dma source(%dma_start3A_393 : memref<8000000xf32, #tpu.memory_space<hbm>>) target(%arg13 : memref<5120xf32, #tpu.memory_space<vmem>>) offsets(%arg9 : memref<5120xi32, #tpu.memory_space<vmem>>) semaphore(%arg18 : memref<!tpu.dma_semaphore, #tpu.memory_space<semaphore_mem>>)
    %dma_wait3A_394 = arith.constant 0 : i32
    %dma_wait3A_395 = arith.constant 0 : i32
    %dma_wait3A_396 = tpu.memref_slice %arg3[%dma_wait3A_394, %dma_wait3A_395] : memref<1000000x64xf32, #tpu.memory_space<hbm>> -> memref<1000000x64xf32, #tpu.memory_space<hbm>>
    tpu.wait_indirect_dma semaphore(%arg17 : memref<!tpu.dma_semaphore, #tpu.memory_space<semaphore_mem>>) src(%dma_wait3A_396 : memref<1000000x64xf32, #tpu.memory_space<hbm>>) dst(%arg12 : memref<640x64xf32, #tpu.memory_space<vmem>>)
    %dma_wait3A_397 = arith.constant 0 : i32
    %dma_wait3A_398 = tpu.memref_slice %arg4[%dma_wait3A_397] : memref<8000000xf32, #tpu.memory_space<hbm>> -> memref<8000000xf32, #tpu.memory_space<hbm>>
    tpu.wait_indirect_dma semaphore(%arg19 : memref<!tpu.dma_semaphore, #tpu.memory_space<semaphore_mem>>) src(%dma_wait3A_398 : memref<8000000xf32, #tpu.memory_space<hbm>>) dst(%arg14 : memref<5120xf32, #tpu.memory_space<vmem>>)
    %add3A_399 = arith.constant 1920 : i32
    %add3A_400 = arith.addi %mul3A_2, %add3A_399 : i32
    %dma_start3A_401 = arith.constant 0 : i32
    %dma_start3A_402 = tpu.memref_slice %arg6[%add3A_400, %dma_start3A_401] : memref<204800x64xf32, #tpu.memory_space<hbm>> -> memref<640x64xf32, #tpu.memory_space<hbm>>
    %dma_start3A_403 = arith.constant 0 : i32
    %dma_start3A_404 = tpu.memref_slice %arg6[%add3A_400, %dma_start3A_403] : memref<204800x64xf32, #tpu.memory_space<hbm>> -> memref<640x64xf32, #tpu.memory_space<hbm>>
    tpu.enqueue_dma source(%arg12 : memref<640x64xf32, #tpu.memory_space<vmem>>) target(%dma_start3A_404 : memref<640x64xf32, #tpu.memory_space<hbm>>) target_semaphore(%arg21 : memref<!tpu.dma_semaphore, #tpu.memory_space<semaphore_mem>>)
    %add3A_405 = arith.constant 1920 : i32
    %add3A_406 = arith.addi %mul3A_2, %add3A_405 : i32
    %dma_wait3A_407 = arith.constant 0 : i32
    %dma_wait3A_408 = tpu.memref_slice %arg6[%add3A_406, %dma_wait3A_407] : memref<204800x64xf32, #tpu.memory_space<hbm>> -> memref<640x64xf32, #tpu.memory_space<hbm>>
    %dma_wait3A_409 = arith.constant 0 : i32
    %dma_wait3A_410 = tpu.memref_slice %arg6[%add3A_406, %dma_wait3A_409] : memref<204800x64xf32, #tpu.memory_space<hbm>> -> memref<640x64xf32, #tpu.memory_space<hbm>>
    tpu.wait_dma2 semaphore(%arg21 : memref<!tpu.dma_semaphore, #tpu.memory_space<semaphore_mem>>) src(%arg12 : memref<640x64xf32, #tpu.memory_space<vmem>>) dst(%dma_wait3A_410 : memref<640x64xf32, #tpu.memory_space<hbm>>)
    %add3A_411 = arith.constant 3200 : i32
    %add3A_412 = arith.addi %mul3A_2, %add3A_411 : i32
    "tpu.region"() ({
      %run_scoped3A = tpu.sem_alloc : memref<!tpu.dma_semaphore, #tpu.memory_space<semaphore_mem>>
      %dma_start3A_583 = tpu.memref_slice %arg2[%add3A_412] : memref<204800xi32, #tpu.memory_space<hbm>> -> memref<640xi32, #tpu.memory_space<hbm>>
      %dma_start3A_584 = tpu.memref_slice %arg2[%add3A_412] : memref<204800xi32, #tpu.memory_space<hbm>> -> memref<640xi32, #tpu.memory_space<hbm>>
      tpu.enqueue_dma source(%dma_start3A_584 : memref<640xi32, #tpu.memory_space<hbm>>) target(%arg8 : memref<640xi32, #tpu.memory_space<vmem>>) target_semaphore(%run_scoped3A : memref<!tpu.dma_semaphore, #tpu.memory_space<semaphore_mem>>)
      %dma_wait3A_585 = tpu.memref_slice %arg2[%add3A_412] : memref<204800xi32, #tpu.memory_space<hbm>> -> memref<640xi32, #tpu.memory_space<hbm>>
      %dma_wait3A_586 = tpu.memref_slice %arg2[%add3A_412] : memref<204800xi32, #tpu.memory_space<hbm>> -> memref<640xi32, #tpu.memory_space<hbm>>
      tpu.wait_dma2 semaphore(%run_scoped3A : memref<!tpu.dma_semaphore, #tpu.memory_space<semaphore_mem>>) src(%dma_wait3A_586 : memref<640xi32, #tpu.memory_space<hbm>>) dst(%arg8 : memref<640xi32, #tpu.memory_space<vmem>>)
      tpu.yield
    }) : () -> ()
    %dma_start3A_413 = arith.constant 0 : i32
    %dma_start3A_414 = arith.constant 0 : i32
    %dma_start3A_415 = tpu.memref_slice %arg3[%dma_start3A_413, %dma_start3A_414] : memref<1000000x64xf32, #tpu.memory_space<hbm>> -> memref<1000000x64xf32, #tpu.memory_space<hbm>>
    tpu.enqueue_indirect_dma source(%dma_start3A_415 : memref<1000000x64xf32, #tpu.memory_space<hbm>>) target(%arg12 : memref<640x64xf32, #tpu.memory_space<vmem>>) offsets(%arg8 : memref<640xi32, #tpu.memory_space<vmem>>) semaphore(%arg17 : memref<!tpu.dma_semaphore, #tpu.memory_space<semaphore_mem>>)
    %scan3A_416 = arith.constant 0 : i32
    %scan3A_417 = arith.constant 0 : i32
    %scan3A_418 = arith.constant 40 : i32
    %scan3A_419 = arith.addi %scan3A_417, %scan3A_418 : i32
    %scan3A_420 = arith.constant 1 : i32
    %scan3A_421 = scf.for %scan3A_583 = %scan3A_417 to %scan3A_419 step %scan3A_420 iter_args(%scan3A_584 = %scan3A_416) -> (i32)  : i32 {
      %mul3A_585 = arith.constant 16 : i32
      %mul3A_586 = arith.muli %scan3A_583, %mul3A_585 : i32
      %get3A_587 = arith.index_cast %mul3A_586 : i32 to index
      %get3A_588 = tpu.vector_load %arg8[%get3A_587] {strides = array<i32>} : memref<640xi32, #tpu.memory_space<vmem>>, vector<16xi32>,
      %get3A_589 = vector.shape_cast %get3A_588 : vector<16xi32> to vector<16xi32>
      %slice3A = vector.extract_strided_slice %get3A_589 {offsets = [0], sizes = [1], strides = [1]} : vector<16xi32> to vector<1xi32>
      %squeeze3A = vector.extract %slice3A[0] : i32 from vector<1xi32>
      %slice3A_590 = vector.extract_strided_slice %get3A_589 {offsets = [1], sizes = [1], strides = [1]} : vector<16xi32> to vector<1xi32>
      %squeeze3A_591 = vector.extract %slice3A_590[0] : i32 from vector<1xi32>
      %broadcast_in_dim3A = vector.broadcast %squeeze3A : i32 to vector<16xi32>
      %broadcast_in_dim3A_592 = vector.broadcast %squeeze3A_591 : i32 to vector<16xi32>
      %select_n3A_593 = arith.select %lt3A_259, %broadcast_in_dim3A, %broadcast_in_dim3A_592 : vector<16xi1>, vector<16xi32>
      %mul3A_594 = arith.constant 8 : i32
      %mul3A_595 = vector.broadcast %mul3A_594 : i32 to vector<16xi32>
      %mul3A_596 = arith.muli %select_n3A_593, %mul3A_595 : vector<16xi32>
      %add3A_597 = arith.addi %mul3A_596, %select_n3A_275 : vector<16xi32>
      %mul3A_598 = arith.constant 16 : i32
      %mul3A_599 = arith.muli %scan3A_583, %mul3A_598 : i32
      %mul3A_600 = arith.constant 8 : i32
      %mul3A_601 = arith.muli %mul3A_599, %mul3A_600 : i32
      %add3A_602 = arith.constant 0 : i32
      %add3A_603 = arith.addi %mul3A_601, %add3A_602 : i32
      %swap3A = arith.index_cast %add3A_603 : i32 to index
      %swap3A_604 = tpu.vector_load %arg10[%swap3A] {strides = array<i32>} : memref<5120xi32, #tpu.memory_space<vmem>>, vector<16xi32>,
      %swap3A_605 = vector.shape_cast %swap3A_604 : vector<16xi32> to vector<16xi32>
      %swap3A_606 = vector.shape_cast %add3A_597 : vector<16xi32> to vector<16xi32>
      tpu.vector_store %arg10[%swap3A], %swap3A_606 {strides = array<i32>} : memref<5120xi32, #tpu.memory_space<vmem>>, vector<16xi32>,
      %slice3A_607 = vector.extract_strided_slice %get3A_589 {offsets = [2], sizes = [1], strides = [1]} : vector<16xi32> to vector<1xi32>
      %squeeze3A_608 = vector.extract %slice3A_607[0] : i32 from vector<1xi32>
      %slice3A_609 = vector.extract_strided_slice %get3A_589 {offsets = [3], sizes = [1], strides = [1]} : vector<16xi32> to vector<1xi32>
      %squeeze3A_610 = vector.extract %slice3A_609[0] : i32 from vector<1xi32>
      %broadcast_in_dim3A_611 = vector.broadcast %squeeze3A_608 : i32 to vector<16xi32>
      %broadcast_in_dim3A_612 = vector.broadcast %squeeze3A_610 : i32 to vector<16xi32>
      %select_n3A_613 = arith.select %lt3A_259, %broadcast_in_dim3A_611, %broadcast_in_dim3A_612 : vector<16xi1>, vector<16xi32>
      %mul3A_614 = arith.constant 8 : i32
      %mul3A_615 = vector.broadcast %mul3A_614 : i32 to vector<16xi32>
      %mul3A_616 = arith.muli %select_n3A_613, %mul3A_615 : vector<16xi32>
      %add3A_617 = arith.addi %mul3A_616, %select_n3A_275 : vector<16xi32>
      %mul3A_618 = arith.constant 16 : i32
      %mul3A_619 = arith.muli %scan3A_583, %mul3A_618 : i32
      %mul3A_620 = arith.constant 8 : i32
      %mul3A_621 = arith.muli %mul3A_619, %mul3A_620 : i32
      %add3A_622 = arith.constant 16 : i32
      %add3A_623 = arith.addi %mul3A_621, %add3A_622 : i32
      %swap3A_624 = arith.index_cast %add3A_623 : i32 to index
      %swap3A_625 = tpu.vector_load %arg10[%swap3A_624] {strides = array<i32>} : memref<5120xi32, #tpu.memory_space<vmem>>, vector<16xi32>,
      %swap3A_626 = vector.shape_cast %swap3A_625 : vector<16xi32> to vector<16xi32>
      %swap3A_627 = vector.shape_cast %add3A_617 : vector<16xi32> to vector<16xi32>
      tpu.vector_store %arg10[%swap3A_624], %swap3A_627 {strides = array<i32>} : memref<5120xi32, #tpu.memory_space<vmem>>, vector<16xi32>,
      %slice3A_628 = vector.extract_strided_slice %get3A_589 {offsets = [4], sizes = [1], strides = [1]} : vector<16xi32> to vector<1xi32>
      %squeeze3A_629 = vector.extract %slice3A_628[0] : i32 from vector<1xi32>
      %slice3A_630 = vector.extract_strided_slice %get3A_589 {offsets = [5], sizes = [1], strides = [1]} : vector<16xi32> to vector<1xi32>
      %squeeze3A_631 = vector.extract %slice3A_630[0] : i32 from vector<1xi32>
      %broadcast_in_dim3A_632 = vector.broadcast %squeeze3A_629 : i32 to vector<16xi32>
      %broadcast_in_dim3A_633 = vector.broadcast %squeeze3A_631 : i32 to vector<16xi32>
      %select_n3A_634 = arith.select %lt3A_259, %broadcast_in_dim3A_632, %broadcast_in_dim3A_633 : vector<16xi1>, vector<16xi32>
      %mul3A_635 = arith.constant 8 : i32
      %mul3A_636 = vector.broadcast %mul3A_635 : i32 to vector<16xi32>
      %mul3A_637 = arith.muli %select_n3A_634, %mul3A_636 : vector<16xi32>
      %add3A_638 = arith.addi %mul3A_637, %select_n3A_275 : vector<16xi32>
      %mul3A_639 = arith.constant 16 : i32
      %mul3A_640 = arith.muli %scan3A_583, %mul3A_639 : i32
      %mul3A_641 = arith.constant 8 : i32
      %mul3A_642 = arith.muli %mul3A_640, %mul3A_641 : i32
      %add3A_643 = arith.constant 32 : i32
      %add3A_644 = arith.addi %mul3A_642, %add3A_643 : i32
      %swap3A_645 = arith.index_cast %add3A_644 : i32 to index
      %swap3A_646 = tpu.vector_load %arg10[%swap3A_645] {strides = array<i32>} : memref<5120xi32, #tpu.memory_space<vmem>>, vector<16xi32>,
      %swap3A_647 = vector.shape_cast %swap3A_646 : vector<16xi32> to vector<16xi32>
      %swap3A_648 = vector.shape_cast %add3A_638 : vector<16xi32> to vector<16xi32>
      tpu.vector_store %arg10[%swap3A_645], %swap3A_648 {strides = array<i32>} : memref<5120xi32, #tpu.memory_space<vmem>>, vector<16xi32>,
      %slice3A_649 = vector.extract_strided_slice %get3A_589 {offsets = [6], sizes = [1], strides = [1]} : vector<16xi32> to vector<1xi32>
      %squeeze3A_650 = vector.extract %slice3A_649[0] : i32 from vector<1xi32>
      %slice3A_651 = vector.extract_strided_slice %get3A_589 {offsets = [7], sizes = [1], strides = [1]} : vector<16xi32> to vector<1xi32>
      %squeeze3A_652 = vector.extract %slice3A_651[0] : i32 from vector<1xi32>
      %broadcast_in_dim3A_653 = vector.broadcast %squeeze3A_650 : i32 to vector<16xi32>
      %broadcast_in_dim3A_654 = vector.broadcast %squeeze3A_652 : i32 to vector<16xi32>
      %select_n3A_655 = arith.select %lt3A_259, %broadcast_in_dim3A_653, %broadcast_in_dim3A_654 : vector<16xi1>, vector<16xi32>
      %mul3A_656 = arith.constant 8 : i32
      %mul3A_657 = vector.broadcast %mul3A_656 : i32 to vector<16xi32>
      %mul3A_658 = arith.muli %select_n3A_655, %mul3A_657 : vector<16xi32>
      %add3A_659 = arith.addi %mul3A_658, %select_n3A_275 : vector<16xi32>
      %mul3A_660 = arith.constant 16 : i32
      %mul3A_661 = arith.muli %scan3A_583, %mul3A_660 : i32
      %mul3A_662 = arith.constant 8 : i32
      %mul3A_663 = arith.muli %mul3A_661, %mul3A_662 : i32
      %add3A_664 = arith.constant 48 : i32
      %add3A_665 = arith.addi %mul3A_663, %add3A_664 : i32
      %swap3A_666 = arith.index_cast %add3A_665 : i32 to index
      %swap3A_667 = tpu.vector_load %arg10[%swap3A_666] {strides = array<i32>} : memref<5120xi32, #tpu.memory_space<vmem>>, vector<16xi32>,
      %swap3A_668 = vector.shape_cast %swap3A_667 : vector<16xi32> to vector<16xi32>
      %swap3A_669 = vector.shape_cast %add3A_659 : vector<16xi32> to vector<16xi32>
      tpu.vector_store %arg10[%swap3A_666], %swap3A_669 {strides = array<i32>} : memref<5120xi32, #tpu.memory_space<vmem>>, vector<16xi32>,
      %slice3A_670 = vector.extract_strided_slice %get3A_589 {offsets = [8], sizes = [1], strides = [1]} : vector<16xi32> to vector<1xi32>
      %squeeze3A_671 = vector.extract %slice3A_670[0] : i32 from vector<1xi32>
      %slice3A_672 = vector.extract_strided_slice %get3A_589 {offsets = [9], sizes = [1], strides = [1]} : vector<16xi32> to vector<1xi32>
      %squeeze3A_673 = vector.extract %slice3A_672[0] : i32 from vector<1xi32>
      %broadcast_in_dim3A_674 = vector.broadcast %squeeze3A_671 : i32 to vector<16xi32>
      %broadcast_in_dim3A_675 = vector.broadcast %squeeze3A_673 : i32 to vector<16xi32>
      %select_n3A_676 = arith.select %lt3A_259, %broadcast_in_dim3A_674, %broadcast_in_dim3A_675 : vector<16xi1>, vector<16xi32>
      %mul3A_677 = arith.constant 8 : i32
      %mul3A_678 = vector.broadcast %mul3A_677 : i32 to vector<16xi32>
      %mul3A_679 = arith.muli %select_n3A_676, %mul3A_678 : vector<16xi32>
      %add3A_680 = arith.addi %mul3A_679, %select_n3A_275 : vector<16xi32>
      %mul3A_681 = arith.constant 16 : i32
      %mul3A_682 = arith.muli %scan3A_583, %mul3A_681 : i32
      %mul3A_683 = arith.constant 8 : i32
      %mul3A_684 = arith.muli %mul3A_682, %mul3A_683 : i32
      %add3A_685 = arith.constant 64 : i32
      %add3A_686 = arith.addi %mul3A_684, %add3A_685 : i32
      %swap3A_687 = arith.index_cast %add3A_686 : i32 to index
      %swap3A_688 = tpu.vector_load %arg10[%swap3A_687] {strides = array<i32>} : memref<5120xi32, #tpu.memory_space<vmem>>, vector<16xi32>,
      %swap3A_689 = vector.shape_cast %swap3A_688 : vector<16xi32> to vector<16xi32>
      %swap3A_690 = vector.shape_cast %add3A_680 : vector<16xi32> to vector<16xi32>
      tpu.vector_store %arg10[%swap3A_687], %swap3A_690 {strides = array<i32>} : memref<5120xi32, #tpu.memory_space<vmem>>, vector<16xi32>,
      %slice3A_691 = vector.extract_strided_slice %get3A_589 {offsets = [10], sizes = [1], strides = [1]} : vector<16xi32> to vector<1xi32>
      %squeeze3A_692 = vector.extract %slice3A_691[0] : i32 from vector<1xi32>
      %slice3A_693 = vector.extract_strided_slice %get3A_589 {offsets = [11], sizes = [1], strides = [1]} : vector<16xi32> to vector<1xi32>
      %squeeze3A_694 = vector.extract %slice3A_693[0] : i32 from vector<1xi32>
      %broadcast_in_dim3A_695 = vector.broadcast %squeeze3A_692 : i32 to vector<16xi32>
      %broadcast_in_dim3A_696 = vector.broadcast %squeeze3A_694 : i32 to vector<16xi32>
      %select_n3A_697 = arith.select %lt3A_259, %broadcast_in_dim3A_695, %broadcast_in_dim3A_696 : vector<16xi1>, vector<16xi32>
      %mul3A_698 = arith.constant 8 : i32
      %mul3A_699 = vector.broadcast %mul3A_698 : i32 to vector<16xi32>
      %mul3A_700 = arith.muli %select_n3A_697, %mul3A_699 : vector<16xi32>
      %add3A_701 = arith.addi %mul3A_700, %select_n3A_275 : vector<16xi32>
      %mul3A_702 = arith.constant 16 : i32
      %mul3A_703 = arith.muli %scan3A_583, %mul3A_702 : i32
      %mul3A_704 = arith.constant 8 : i32
      %mul3A_705 = arith.muli %mul3A_703, %mul3A_704 : i32
      %add3A_706 = arith.constant 80 : i32
      %add3A_707 = arith.addi %mul3A_705, %add3A_706 : i32
      %swap3A_708 = arith.index_cast %add3A_707 : i32 to index
      %swap3A_709 = tpu.vector_load %arg10[%swap3A_708] {strides = array<i32>} : memref<5120xi32, #tpu.memory_space<vmem>>, vector<16xi32>,
      %swap3A_710 = vector.shape_cast %swap3A_709 : vector<16xi32> to vector<16xi32>
      %swap3A_711 = vector.shape_cast %add3A_701 : vector<16xi32> to vector<16xi32>
      tpu.vector_store %arg10[%swap3A_708], %swap3A_711 {strides = array<i32>} : memref<5120xi32, #tpu.memory_space<vmem>>, vector<16xi32>,
      %slice3A_712 = vector.extract_strided_slice %get3A_589 {offsets = [12], sizes = [1], strides = [1]} : vector<16xi32> to vector<1xi32>
      %squeeze3A_713 = vector.extract %slice3A_712[0] : i32 from vector<1xi32>
      %slice3A_714 = vector.extract_strided_slice %get3A_589 {offsets = [13], sizes = [1], strides = [1]} : vector<16xi32> to vector<1xi32>
      %squeeze3A_715 = vector.extract %slice3A_714[0] : i32 from vector<1xi32>
      %broadcast_in_dim3A_716 = vector.broadcast %squeeze3A_713 : i32 to vector<16xi32>
      %broadcast_in_dim3A_717 = vector.broadcast %squeeze3A_715 : i32 to vector<16xi32>
      %select_n3A_718 = arith.select %lt3A_259, %broadcast_in_dim3A_716, %broadcast_in_dim3A_717 : vector<16xi1>, vector<16xi32>
      %mul3A_719 = arith.constant 8 : i32
      %mul3A_720 = vector.broadcast %mul3A_719 : i32 to vector<16xi32>
      %mul3A_721 = arith.muli %select_n3A_718, %mul3A_720 : vector<16xi32>
      %add3A_722 = arith.addi %mul3A_721, %select_n3A_275 : vector<16xi32>
      %mul3A_723 = arith.constant 16 : i32
      %mul3A_724 = arith.muli %scan3A_583, %mul3A_723 : i32
      %mul3A_725 = arith.constant 8 : i32
      %mul3A_726 = arith.muli %mul3A_724, %mul3A_725 : i32
      %add3A_727 = arith.constant 96 : i32
      %add3A_728 = arith.addi %mul3A_726, %add3A_727 : i32
      %swap3A_729 = arith.index_cast %add3A_728 : i32 to index
      %swap3A_730 = tpu.vector_load %arg10[%swap3A_729] {strides = array<i32>} : memref<5120xi32, #tpu.memory_space<vmem>>, vector<16xi32>,
      %swap3A_731 = vector.shape_cast %swap3A_730 : vector<16xi32> to vector<16xi32>
      %swap3A_732 = vector.shape_cast %add3A_722 : vector<16xi32> to vector<16xi32>
      tpu.vector_store %arg10[%swap3A_729], %swap3A_732 {strides = array<i32>} : memref<5120xi32, #tpu.memory_space<vmem>>, vector<16xi32>,
      %slice3A_733 = vector.extract_strided_slice %get3A_589 {offsets = [14], sizes = [1], strides = [1]} : vector<16xi32> to vector<1xi32>
      %squeeze3A_734 = vector.extract %slice3A_733[0] : i32 from vector<1xi32>
      %slice3A_735 = vector.extract_strided_slice %get3A_589 {offsets = [15], sizes = [1], strides = [1]} : vector<16xi32> to vector<1xi32>
      %squeeze3A_736 = vector.extract %slice3A_735[0] : i32 from vector<1xi32>
      %broadcast_in_dim3A_737 = vector.broadcast %squeeze3A_734 : i32 to vector<16xi32>
      %broadcast_in_dim3A_738 = vector.broadcast %squeeze3A_736 : i32 to vector<16xi32>
      %select_n3A_739 = arith.select %lt3A_259, %broadcast_in_dim3A_737, %broadcast_in_dim3A_738 : vector<16xi1>, vector<16xi32>
      %mul3A_740 = arith.constant 8 : i32
      %mul3A_741 = vector.broadcast %mul3A_740 : i32 to vector<16xi32>
      %mul3A_742 = arith.muli %select_n3A_739, %mul3A_741 : vector<16xi32>
      %add3A_743 = arith.addi %mul3A_742, %select_n3A_275 : vector<16xi32>
      %mul3A_744 = arith.constant 16 : i32
      %mul3A_745 = arith.muli %scan3A_583, %mul3A_744 : i32
      %mul3A_746 = arith.constant 8 : i32
      %mul3A_747 = arith.muli %mul3A_745, %mul3A_746 : i32
      %add3A_748 = arith.constant 112 : i32
      %add3A_749 = arith.addi %mul3A_747, %add3A_748 : i32
      %swap3A_750 = arith.index_cast %add3A_749 : i32 to index
      %swap3A_751 = tpu.vector_load %arg10[%swap3A_750] {strides = array<i32>} : memref<5120xi32, #tpu.memory_space<vmem>>, vector<16xi32>,
      %swap3A_752 = vector.shape_cast %swap3A_751 : vector<16xi32> to vector<16xi32>
      %swap3A_753 = vector.shape_cast %add3A_743 : vector<16xi32> to vector<16xi32>
      tpu.vector_store %arg10[%swap3A_750], %swap3A_753 {strides = array<i32>} : memref<5120xi32, #tpu.memory_space<vmem>>, vector<16xi32>,
      %scan3A_754 = arith.constant 0 : i32
      scf.yield %scan3A_754 : i32
    }
    %scan3A_422 = arith.constant 40 : i32
    %dma_start3A_423 = arith.constant 0 : i32
    %dma_start3A_424 = tpu.memref_slice %arg4[%dma_start3A_423] : memref<8000000xf32, #tpu.memory_space<hbm>> -> memref<8000000xf32, #tpu.memory_space<hbm>>
    tpu.enqueue_indirect_dma source(%dma_start3A_424 : memref<8000000xf32, #tpu.memory_space<hbm>>) target(%arg14 : memref<5120xf32, #tpu.memory_space<vmem>>) offsets(%arg10 : memref<5120xi32, #tpu.memory_space<vmem>>) semaphore(%arg19 : memref<!tpu.dma_semaphore, #tpu.memory_space<semaphore_mem>>)
    %dma_wait3A_425 = arith.constant 0 : i32
    %dma_wait3A_426 = arith.constant 0 : i32
    %dma_wait3A_427 = tpu.memref_slice %arg3[%dma_wait3A_425, %dma_wait3A_426] : memref<1000000x64xf32, #tpu.memory_space<hbm>> -> memref<1000000x64xf32, #tpu.memory_space<hbm>>
    tpu.wait_indirect_dma semaphore(%arg16 : memref<!tpu.dma_semaphore, #tpu.memory_space<semaphore_mem>>) src(%dma_wait3A_427 : memref<1000000x64xf32, #tpu.memory_space<hbm>>) dst(%arg11 : memref<640x64xf32, #tpu.memory_space<vmem>>)
    %dma_wait3A_428 = arith.constant 0 : i32
    %dma_wait3A_429 = tpu.memref_slice %arg4[%dma_wait3A_428] : memref<8000000xf32, #tpu.memory_space<hbm>> -> memref<8000000xf32, #tpu.memory_space<hbm>>
    tpu.wait_indirect_dma semaphore(%arg18 : memref<!tpu.dma_semaphore, #tpu.memory_space<semaphore_mem>>) src(%dma_wait3A_429 : memref<8000000xf32, #tpu.memory_space<hbm>>) dst(%arg13 : memref<5120xf32, #tpu.memory_space<vmem>>)
    %add3A_430 = arith.constant 2560 : i32
    %add3A_431 = arith.addi %mul3A_2, %add3A_430 : i32
    %dma_start3A_432 = arith.constant 0 : i32
    %dma_start3A_433 = tpu.memref_slice %arg6[%add3A_431, %dma_start3A_432] : memref<204800x64xf32, #tpu.memory_space<hbm>> -> memref<640x64xf32, #tpu.memory_space<hbm>>
    %dma_start3A_434 = arith.constant 0 : i32
    %dma_start3A_435 = tpu.memref_slice %arg6[%add3A_431, %dma_start3A_434] : memref<204800x64xf32, #tpu.memory_space<hbm>> -> memref<640x64xf32, #tpu.memory_space<hbm>>
    tpu.enqueue_dma source(%arg11 : memref<640x64xf32, #tpu.memory_space<vmem>>) target(%dma_start3A_435 : memref<640x64xf32, #tpu.memory_space<hbm>>) target_semaphore(%arg20 : memref<!tpu.dma_semaphore, #tpu.memory_space<semaphore_mem>>)
    %add3A_436 = arith.constant 2560 : i32
    %add3A_437 = arith.addi %mul3A_2, %add3A_436 : i32
    %dma_wait3A_438 = arith.constant 0 : i32
    %dma_wait3A_439 = tpu.memref_slice %arg6[%add3A_437, %dma_wait3A_438] : memref<204800x64xf32, #tpu.memory_space<hbm>> -> memref<640x64xf32, #tpu.memory_space<hbm>>
    %dma_wait3A_440 = arith.constant 0 : i32
    %dma_wait3A_441 = tpu.memref_slice %arg6[%add3A_437, %dma_wait3A_440] : memref<204800x64xf32, #tpu.memory_space<hbm>> -> memref<640x64xf32, #tpu.memory_space<hbm>>
    tpu.wait_dma2 semaphore(%arg20 : memref<!tpu.dma_semaphore, #tpu.memory_space<semaphore_mem>>) src(%arg11 : memref<640x64xf32, #tpu.memory_space<vmem>>) dst(%dma_wait3A_441 : memref<640x64xf32, #tpu.memory_space<hbm>>)
    %add3A_442 = arith.constant 3840 : i32
    %add3A_443 = arith.addi %mul3A_2, %add3A_442 : i32
    "tpu.region"() ({
      %run_scoped3A = tpu.sem_alloc : memref<!tpu.dma_semaphore, #tpu.memory_space<semaphore_mem>>
      %dma_start3A_583 = tpu.memref_slice %arg2[%add3A_443] : memref<204800xi32, #tpu.memory_space<hbm>> -> memref<640xi32, #tpu.memory_space<hbm>>
      %dma_start3A_584 = tpu.memref_slice %arg2[%add3A_443] : memref<204800xi32, #tpu.memory_space<hbm>> -> memref<640xi32, #tpu.memory_space<hbm>>
      tpu.enqueue_dma source(%dma_start3A_584 : memref<640xi32, #tpu.memory_space<hbm>>) target(%arg7 : memref<640xi32, #tpu.memory_space<vmem>>) target_semaphore(%run_scoped3A : memref<!tpu.dma_semaphore, #tpu.memory_space<semaphore_mem>>)
      %dma_wait3A_585 = tpu.memref_slice %arg2[%add3A_443] : memref<204800xi32, #tpu.memory_space<hbm>> -> memref<640xi32, #tpu.memory_space<hbm>>
      %dma_wait3A_586 = tpu.memref_slice %arg2[%add3A_443] : memref<204800xi32, #tpu.memory_space<hbm>> -> memref<640xi32, #tpu.memory_space<hbm>>
      tpu.wait_dma2 semaphore(%run_scoped3A : memref<!tpu.dma_semaphore, #tpu.memory_space<semaphore_mem>>) src(%dma_wait3A_586 : memref<640xi32, #tpu.memory_space<hbm>>) dst(%arg7 : memref<640xi32, #tpu.memory_space<vmem>>)
      tpu.yield
    }) : () -> ()
    %dma_start3A_444 = arith.constant 0 : i32
    %dma_start3A_445 = arith.constant 0 : i32
    %dma_start3A_446 = tpu.memref_slice %arg3[%dma_start3A_444, %dma_start3A_445] : memref<1000000x64xf32, #tpu.memory_space<hbm>> -> memref<1000000x64xf32, #tpu.memory_space<hbm>>
    tpu.enqueue_indirect_dma source(%dma_start3A_446 : memref<1000000x64xf32, #tpu.memory_space<hbm>>) target(%arg11 : memref<640x64xf32, #tpu.memory_space<vmem>>) offsets(%arg7 : memref<640xi32, #tpu.memory_space<vmem>>) semaphore(%arg16 : memref<!tpu.dma_semaphore, #tpu.memory_space<semaphore_mem>>)
    %scan3A_447 = arith.constant 0 : i32
    %scan3A_448 = arith.constant 0 : i32
    %scan3A_449 = arith.constant 40 : i32
    %scan3A_450 = arith.addi %scan3A_448, %scan3A_449 : i32
    %scan3A_451 = arith.constant 1 : i32
    %scan3A_452 = scf.for %scan3A_583 = %scan3A_448 to %scan3A_450 step %scan3A_451 iter_args(%scan3A_584 = %scan3A_447) -> (i32)  : i32 {
      %mul3A_585 = arith.constant 16 : i32
      %mul3A_586 = arith.muli %scan3A_583, %mul3A_585 : i32
      %get3A_587 = arith.index_cast %mul3A_586 : i32 to index
      %get3A_588 = tpu.vector_load %arg7[%get3A_587] {strides = array<i32>} : memref<640xi32, #tpu.memory_space<vmem>>, vector<16xi32>,
      %get3A_589 = vector.shape_cast %get3A_588 : vector<16xi32> to vector<16xi32>
      %slice3A = vector.extract_strided_slice %get3A_589 {offsets = [0], sizes = [1], strides = [1]} : vector<16xi32> to vector<1xi32>
      %squeeze3A = vector.extract %slice3A[0] : i32 from vector<1xi32>
      %slice3A_590 = vector.extract_strided_slice %get3A_589 {offsets = [1], sizes = [1], strides = [1]} : vector<16xi32> to vector<1xi32>
      %squeeze3A_591 = vector.extract %slice3A_590[0] : i32 from vector<1xi32>
      %broadcast_in_dim3A = vector.broadcast %squeeze3A : i32 to vector<16xi32>
      %broadcast_in_dim3A_592 = vector.broadcast %squeeze3A_591 : i32 to vector<16xi32>
      %select_n3A_593 = arith.select %lt3A_259, %broadcast_in_dim3A, %broadcast_in_dim3A_592 : vector<16xi1>, vector<16xi32>
      %mul3A_594 = arith.constant 8 : i32
      %mul3A_595 = vector.broadcast %mul3A_594 : i32 to vector<16xi32>
      %mul3A_596 = arith.muli %select_n3A_593, %mul3A_595 : vector<16xi32>
      %add3A_597 = arith.addi %mul3A_596, %select_n3A_275 : vector<16xi32>
      %mul3A_598 = arith.constant 16 : i32
      %mul3A_599 = arith.muli %scan3A_583, %mul3A_598 : i32
      %mul3A_600 = arith.constant 8 : i32
      %mul3A_601 = arith.muli %mul3A_599, %mul3A_600 : i32
      %add3A_602 = arith.constant 0 : i32
      %add3A_603 = arith.addi %mul3A_601, %add3A_602 : i32
      %swap3A = arith.index_cast %add3A_603 : i32 to index
      %swap3A_604 = tpu.vector_load %arg9[%swap3A] {strides = array<i32>} : memref<5120xi32, #tpu.memory_space<vmem>>, vector<16xi32>,
      %swap3A_605 = vector.shape_cast %swap3A_604 : vector<16xi32> to vector<16xi32>
      %swap3A_606 = vector.shape_cast %add3A_597 : vector<16xi32> to vector<16xi32>
      tpu.vector_store %arg9[%swap3A], %swap3A_606 {strides = array<i32>} : memref<5120xi32, #tpu.memory_space<vmem>>, vector<16xi32>,
      %slice3A_607 = vector.extract_strided_slice %get3A_589 {offsets = [2], sizes = [1], strides = [1]} : vector<16xi32> to vector<1xi32>
      %squeeze3A_608 = vector.extract %slice3A_607[0] : i32 from vector<1xi32>
      %slice3A_609 = vector.extract_strided_slice %get3A_589 {offsets = [3], sizes = [1], strides = [1]} : vector<16xi32> to vector<1xi32>
      %squeeze3A_610 = vector.extract %slice3A_609[0] : i32 from vector<1xi32>
      %broadcast_in_dim3A_611 = vector.broadcast %squeeze3A_608 : i32 to vector<16xi32>
      %broadcast_in_dim3A_612 = vector.broadcast %squeeze3A_610 : i32 to vector<16xi32>
      %select_n3A_613 = arith.select %lt3A_259, %broadcast_in_dim3A_611, %broadcast_in_dim3A_612 : vector<16xi1>, vector<16xi32>
      %mul3A_614 = arith.constant 8 : i32
      %mul3A_615 = vector.broadcast %mul3A_614 : i32 to vector<16xi32>
      %mul3A_616 = arith.muli %select_n3A_613, %mul3A_615 : vector<16xi32>
      %add3A_617 = arith.addi %mul3A_616, %select_n3A_275 : vector<16xi32>
      %mul3A_618 = arith.constant 16 : i32
      %mul3A_619 = arith.muli %scan3A_583, %mul3A_618 : i32
      %mul3A_620 = arith.constant 8 : i32
      %mul3A_621 = arith.muli %mul3A_619, %mul3A_620 : i32
      %add3A_622 = arith.constant 16 : i32
      %add3A_623 = arith.addi %mul3A_621, %add3A_622 : i32
      %swap3A_624 = arith.index_cast %add3A_623 : i32 to index
      %swap3A_625 = tpu.vector_load %arg9[%swap3A_624] {strides = array<i32>} : memref<5120xi32, #tpu.memory_space<vmem>>, vector<16xi32>,
      %swap3A_626 = vector.shape_cast %swap3A_625 : vector<16xi32> to vector<16xi32>
      %swap3A_627 = vector.shape_cast %add3A_617 : vector<16xi32> to vector<16xi32>
      tpu.vector_store %arg9[%swap3A_624], %swap3A_627 {strides = array<i32>} : memref<5120xi32, #tpu.memory_space<vmem>>, vector<16xi32>,
      %slice3A_628 = vector.extract_strided_slice %get3A_589 {offsets = [4], sizes = [1], strides = [1]} : vector<16xi32> to vector<1xi32>
      %squeeze3A_629 = vector.extract %slice3A_628[0] : i32 from vector<1xi32>
      %slice3A_630 = vector.extract_strided_slice %get3A_589 {offsets = [5], sizes = [1], strides = [1]} : vector<16xi32> to vector<1xi32>
      %squeeze3A_631 = vector.extract %slice3A_630[0] : i32 from vector<1xi32>
      %broadcast_in_dim3A_632 = vector.broadcast %squeeze3A_629 : i32 to vector<16xi32>
      %broadcast_in_dim3A_633 = vector.broadcast %squeeze3A_631 : i32 to vector<16xi32>
      %select_n3A_634 = arith.select %lt3A_259, %broadcast_in_dim3A_632, %broadcast_in_dim3A_633 : vector<16xi1>, vector<16xi32>
      %mul3A_635 = arith.constant 8 : i32
      %mul3A_636 = vector.broadcast %mul3A_635 : i32 to vector<16xi32>
      %mul3A_637 = arith.muli %select_n3A_634, %mul3A_636 : vector<16xi32>
      %add3A_638 = arith.addi %mul3A_637, %select_n3A_275 : vector<16xi32>
      %mul3A_639 = arith.constant 16 : i32
      %mul3A_640 = arith.muli %scan3A_583, %mul3A_639 : i32
      %mul3A_641 = arith.constant 8 : i32
      %mul3A_642 = arith.muli %mul3A_640, %mul3A_641 : i32
      %add3A_643 = arith.constant 32 : i32
      %add3A_644 = arith.addi %mul3A_642, %add3A_643 : i32
      %swap3A_645 = arith.index_cast %add3A_644 : i32 to index
      %swap3A_646 = tpu.vector_load %arg9[%swap3A_645] {strides = array<i32>} : memref<5120xi32, #tpu.memory_space<vmem>>, vector<16xi32>,
      %swap3A_647 = vector.shape_cast %swap3A_646 : vector<16xi32> to vector<16xi32>
      %swap3A_648 = vector.shape_cast %add3A_638 : vector<16xi32> to vector<16xi32>
      tpu.vector_store %arg9[%swap3A_645], %swap3A_648 {strides = array<i32>} : memref<5120xi32, #tpu.memory_space<vmem>>, vector<16xi32>,
      %slice3A_649 = vector.extract_strided_slice %get3A_589 {offsets = [6], sizes = [1], strides = [1]} : vector<16xi32> to vector<1xi32>
      %squeeze3A_650 = vector.extract %slice3A_649[0] : i32 from vector<1xi32>
      %slice3A_651 = vector.extract_strided_slice %get3A_589 {offsets = [7], sizes = [1], strides = [1]} : vector<16xi32> to vector<1xi32>
      %squeeze3A_652 = vector.extract %slice3A_651[0] : i32 from vector<1xi32>
      %broadcast_in_dim3A_653 = vector.broadcast %squeeze3A_650 : i32 to vector<16xi32>
      %broadcast_in_dim3A_654 = vector.broadcast %squeeze3A_652 : i32 to vector<16xi32>
      %select_n3A_655 = arith.select %lt3A_259, %broadcast_in_dim3A_653, %broadcast_in_dim3A_654 : vector<16xi1>, vector<16xi32>
      %mul3A_656 = arith.constant 8 : i32
      %mul3A_657 = vector.broadcast %mul3A_656 : i32 to vector<16xi32>
      %mul3A_658 = arith.muli %select_n3A_655, %mul3A_657 : vector<16xi32>
      %add3A_659 = arith.addi %mul3A_658, %select_n3A_275 : vector<16xi32>
      %mul3A_660 = arith.constant 16 : i32
      %mul3A_661 = arith.muli %scan3A_583, %mul3A_660 : i32
      %mul3A_662 = arith.constant 8 : i32
      %mul3A_663 = arith.muli %mul3A_661, %mul3A_662 : i32
      %add3A_664 = arith.constant 48 : i32
      %add3A_665 = arith.addi %mul3A_663, %add3A_664 : i32
      %swap3A_666 = arith.index_cast %add3A_665 : i32 to index
      %swap3A_667 = tpu.vector_load %arg9[%swap3A_666] {strides = array<i32>} : memref<5120xi32, #tpu.memory_space<vmem>>, vector<16xi32>,
      %swap3A_668 = vector.shape_cast %swap3A_667 : vector<16xi32> to vector<16xi32>
      %swap3A_669 = vector.shape_cast %add3A_659 : vector<16xi32> to vector<16xi32>
      tpu.vector_store %arg9[%swap3A_666], %swap3A_669 {strides = array<i32>} : memref<5120xi32, #tpu.memory_space<vmem>>, vector<16xi32>,
      %slice3A_670 = vector.extract_strided_slice %get3A_589 {offsets = [8], sizes = [1], strides = [1]} : vector<16xi32> to vector<1xi32>
      %squeeze3A_671 = vector.extract %slice3A_670[0] : i32 from vector<1xi32>
      %slice3A_672 = vector.extract_strided_slice %get3A_589 {offsets = [9], sizes = [1], strides = [1]} : vector<16xi32> to vector<1xi32>
      %squeeze3A_673 = vector.extract %slice3A_672[0] : i32 from vector<1xi32>
      %broadcast_in_dim3A_674 = vector.broadcast %squeeze3A_671 : i32 to vector<16xi32>
      %broadcast_in_dim3A_675 = vector.broadcast %squeeze3A_673 : i32 to vector<16xi32>
      %select_n3A_676 = arith.select %lt3A_259, %broadcast_in_dim3A_674, %broadcast_in_dim3A_675 : vector<16xi1>, vector<16xi32>
      %mul3A_677 = arith.constant 8 : i32
      %mul3A_678 = vector.broadcast %mul3A_677 : i32 to vector<16xi32>
      %mul3A_679 = arith.muli %select_n3A_676, %mul3A_678 : vector<16xi32>
      %add3A_680 = arith.addi %mul3A_679, %select_n3A_275 : vector<16xi32>
      %mul3A_681 = arith.constant 16 : i32
      %mul3A_682 = arith.muli %scan3A_583, %mul3A_681 : i32
      %mul3A_683 = arith.constant 8 : i32
      %mul3A_684 = arith.muli %mul3A_682, %mul3A_683 : i32
      %add3A_685 = arith.constant 64 : i32
      %add3A_686 = arith.addi %mul3A_684, %add3A_685 : i32
      %swap3A_687 = arith.index_cast %add3A_686 : i32 to index
      %swap3A_688 = tpu.vector_load %arg9[%swap3A_687] {strides = array<i32>} : memref<5120xi32, #tpu.memory_space<vmem>>, vector<16xi32>,
      %swap3A_689 = vector.shape_cast %swap3A_688 : vector<16xi32> to vector<16xi32>
      %swap3A_690 = vector.shape_cast %add3A_680 : vector<16xi32> to vector<16xi32>
      tpu.vector_store %arg9[%swap3A_687], %swap3A_690 {strides = array<i32>} : memref<5120xi32, #tpu.memory_space<vmem>>, vector<16xi32>,
      %slice3A_691 = vector.extract_strided_slice %get3A_589 {offsets = [10], sizes = [1], strides = [1]} : vector<16xi32> to vector<1xi32>
      %squeeze3A_692 = vector.extract %slice3A_691[0] : i32 from vector<1xi32>
      %slice3A_693 = vector.extract_strided_slice %get3A_589 {offsets = [11], sizes = [1], strides = [1]} : vector<16xi32> to vector<1xi32>
      %squeeze3A_694 = vector.extract %slice3A_693[0] : i32 from vector<1xi32>
      %broadcast_in_dim3A_695 = vector.broadcast %squeeze3A_692 : i32 to vector<16xi32>
      %broadcast_in_dim3A_696 = vector.broadcast %squeeze3A_694 : i32 to vector<16xi32>
      %select_n3A_697 = arith.select %lt3A_259, %broadcast_in_dim3A_695, %broadcast_in_dim3A_696 : vector<16xi1>, vector<16xi32>
      %mul3A_698 = arith.constant 8 : i32
      %mul3A_699 = vector.broadcast %mul3A_698 : i32 to vector<16xi32>
      %mul3A_700 = arith.muli %select_n3A_697, %mul3A_699 : vector<16xi32>
      %add3A_701 = arith.addi %mul3A_700, %select_n3A_275 : vector<16xi32>
      %mul3A_702 = arith.constant 16 : i32
      %mul3A_703 = arith.muli %scan3A_583, %mul3A_702 : i32
      %mul3A_704 = arith.constant 8 : i32
      %mul3A_705 = arith.muli %mul3A_703, %mul3A_704 : i32
      %add3A_706 = arith.constant 80 : i32
      %add3A_707 = arith.addi %mul3A_705, %add3A_706 : i32
      %swap3A_708 = arith.index_cast %add3A_707 : i32 to index
      %swap3A_709 = tpu.vector_load %arg9[%swap3A_708] {strides = array<i32>} : memref<5120xi32, #tpu.memory_space<vmem>>, vector<16xi32>,
      %swap3A_710 = vector.shape_cast %swap3A_709 : vector<16xi32> to vector<16xi32>
      %swap3A_711 = vector.shape_cast %add3A_701 : vector<16xi32> to vector<16xi32>
      tpu.vector_store %arg9[%swap3A_708], %swap3A_711 {strides = array<i32>} : memref<5120xi32, #tpu.memory_space<vmem>>, vector<16xi32>,
      %slice3A_712 = vector.extract_strided_slice %get3A_589 {offsets = [12], sizes = [1], strides = [1]} : vector<16xi32> to vector<1xi32>
      %squeeze3A_713 = vector.extract %slice3A_712[0] : i32 from vector<1xi32>
      %slice3A_714 = vector.extract_strided_slice %get3A_589 {offsets = [13], sizes = [1], strides = [1]} : vector<16xi32> to vector<1xi32>
      %squeeze3A_715 = vector.extract %slice3A_714[0] : i32 from vector<1xi32>
      %broadcast_in_dim3A_716 = vector.broadcast %squeeze3A_713 : i32 to vector<16xi32>
      %broadcast_in_dim3A_717 = vector.broadcast %squeeze3A_715 : i32 to vector<16xi32>
      %select_n3A_718 = arith.select %lt3A_259, %broadcast_in_dim3A_716, %broadcast_in_dim3A_717 : vector<16xi1>, vector<16xi32>
      %mul3A_719 = arith.constant 8 : i32
      %mul3A_720 = vector.broadcast %mul3A_719 : i32 to vector<16xi32>
      %mul3A_721 = arith.muli %select_n3A_718, %mul3A_720 : vector<16xi32>
      %add3A_722 = arith.addi %mul3A_721, %select_n3A_275 : vector<16xi32>
      %mul3A_723 = arith.constant 16 : i32
      %mul3A_724 = arith.muli %scan3A_583, %mul3A_723 : i32
      %mul3A_725 = arith.constant 8 : i32
      %mul3A_726 = arith.muli %mul3A_724, %mul3A_725 : i32
      %add3A_727 = arith.constant 96 : i32
      %add3A_728 = arith.addi %mul3A_726, %add3A_727 : i32
      %swap3A_729 = arith.index_cast %add3A_728 : i32 to index
      %swap3A_730 = tpu.vector_load %arg9[%swap3A_729] {strides = array<i32>} : memref<5120xi32, #tpu.memory_space<vmem>>, vector<16xi32>,
      %swap3A_731 = vector.shape_cast %swap3A_730 : vector<16xi32> to vector<16xi32>
      %swap3A_732 = vector.shape_cast %add3A_722 : vector<16xi32> to vector<16xi32>
      tpu.vector_store %arg9[%swap3A_729], %swap3A_732 {strides = array<i32>} : memref<5120xi32, #tpu.memory_space<vmem>>, vector<16xi32>,
      %slice3A_733 = vector.extract_strided_slice %get3A_589 {offsets = [14], sizes = [1], strides = [1]} : vector<16xi32> to vector<1xi32>
      %squeeze3A_734 = vector.extract %slice3A_733[0] : i32 from vector<1xi32>
      %slice3A_735 = vector.extract_strided_slice %get3A_589 {offsets = [15], sizes = [1], strides = [1]} : vector<16xi32> to vector<1xi32>
      %squeeze3A_736 = vector.extract %slice3A_735[0] : i32 from vector<1xi32>
      %broadcast_in_dim3A_737 = vector.broadcast %squeeze3A_734 : i32 to vector<16xi32>
      %broadcast_in_dim3A_738 = vector.broadcast %squeeze3A_736 : i32 to vector<16xi32>
      %select_n3A_739 = arith.select %lt3A_259, %broadcast_in_dim3A_737, %broadcast_in_dim3A_738 : vector<16xi1>, vector<16xi32>
      %mul3A_740 = arith.constant 8 : i32
      %mul3A_741 = vector.broadcast %mul3A_740 : i32 to vector<16xi32>
      %mul3A_742 = arith.muli %select_n3A_739, %mul3A_741 : vector<16xi32>
      %add3A_743 = arith.addi %mul3A_742, %select_n3A_275 : vector<16xi32>
      %mul3A_744 = arith.constant 16 : i32
      %mul3A_745 = arith.muli %scan3A_583, %mul3A_744 : i32
      %mul3A_746 = arith.constant 8 : i32
      %mul3A_747 = arith.muli %mul3A_745, %mul3A_746 : i32
      %add3A_748 = arith.constant 112 : i32
      %add3A_749 = arith.addi %mul3A_747, %add3A_748 : i32
      %swap3A_750 = arith.index_cast %add3A_749 : i32 to index
      %swap3A_751 = tpu.vector_load %arg9[%swap3A_750] {strides = array<i32>} : memref<5120xi32, #tpu.memory_space<vmem>>, vector<16xi32>,
      %swap3A_752 = vector.shape_cast %swap3A_751 : vector<16xi32> to vector<16xi32>
      %swap3A_753 = vector.shape_cast %add3A_743 : vector<16xi32> to vector<16xi32>
      tpu.vector_store %arg9[%swap3A_750], %swap3A_753 {strides = array<i32>} : memref<5120xi32, #tpu.memory_space<vmem>>, vector<16xi32>,
      %scan3A_754 = arith.constant 0 : i32
      scf.yield %scan3A_754 : i32
    }
    %scan3A_453 = arith.constant 40 : i32
    %dma_start3A_454 = arith.constant 0 : i32
    %dma_start3A_455 = tpu.memref_slice %arg4[%dma_start3A_454] : memref<8000000xf32, #tpu.memory_space<hbm>> -> memref<8000000xf32, #tpu.memory_space<hbm>>
    tpu.enqueue_indirect_dma source(%dma_start3A_455 : memref<8000000xf32, #tpu.memory_space<hbm>>) target(%arg13 : memref<5120xf32, #tpu.memory_space<vmem>>) offsets(%arg9 : memref<5120xi32, #tpu.memory_space<vmem>>) semaphore(%arg18 : memref<!tpu.dma_semaphore, #tpu.memory_space<semaphore_mem>>)
    %dma_wait3A_456 = arith.constant 0 : i32
    %dma_wait3A_457 = arith.constant 0 : i32
    %dma_wait3A_458 = tpu.memref_slice %arg3[%dma_wait3A_456, %dma_wait3A_457] : memref<1000000x64xf32, #tpu.memory_space<hbm>> -> memref<1000000x64xf32, #tpu.memory_space<hbm>>
    tpu.wait_indirect_dma semaphore(%arg17 : memref<!tpu.dma_semaphore, #tpu.memory_space<semaphore_mem>>) src(%dma_wait3A_458 : memref<1000000x64xf32, #tpu.memory_space<hbm>>) dst(%arg12 : memref<640x64xf32, #tpu.memory_space<vmem>>)
    %dma_wait3A_459 = arith.constant 0 : i32
    %dma_wait3A_460 = tpu.memref_slice %arg4[%dma_wait3A_459] : memref<8000000xf32, #tpu.memory_space<hbm>> -> memref<8000000xf32, #tpu.memory_space<hbm>>
    tpu.wait_indirect_dma semaphore(%arg19 : memref<!tpu.dma_semaphore, #tpu.memory_space<semaphore_mem>>) src(%dma_wait3A_460 : memref<8000000xf32, #tpu.memory_space<hbm>>) dst(%arg14 : memref<5120xf32, #tpu.memory_space<vmem>>)
    %add3A_461 = arith.constant 3200 : i32
    %add3A_462 = arith.addi %mul3A_2, %add3A_461 : i32
    %dma_start3A_463 = arith.constant 0 : i32
    %dma_start3A_464 = tpu.memref_slice %arg6[%add3A_462, %dma_start3A_463] : memref<204800x64xf32, #tpu.memory_space<hbm>> -> memref<640x64xf32, #tpu.memory_space<hbm>>
    %dma_start3A_465 = arith.constant 0 : i32
    %dma_start3A_466 = tpu.memref_slice %arg6[%add3A_462, %dma_start3A_465] : memref<204800x64xf32, #tpu.memory_space<hbm>> -> memref<640x64xf32, #tpu.memory_space<hbm>>
    tpu.enqueue_dma source(%arg12 : memref<640x64xf32, #tpu.memory_space<vmem>>) target(%dma_start3A_466 : memref<640x64xf32, #tpu.memory_space<hbm>>) target_semaphore(%arg21 : memref<!tpu.dma_semaphore, #tpu.memory_space<semaphore_mem>>)
    %add3A_467 = arith.constant 3200 : i32
    %add3A_468 = arith.addi %mul3A_2, %add3A_467 : i32
    %dma_wait3A_469 = arith.constant 0 : i32
    %dma_wait3A_470 = tpu.memref_slice %arg6[%add3A_468, %dma_wait3A_469] : memref<204800x64xf32, #tpu.memory_space<hbm>> -> memref<640x64xf32, #tpu.memory_space<hbm>>
    %dma_wait3A_471 = arith.constant 0 : i32
    %dma_wait3A_472 = tpu.memref_slice %arg6[%add3A_468, %dma_wait3A_471] : memref<204800x64xf32, #tpu.memory_space<hbm>> -> memref<640x64xf32, #tpu.memory_space<hbm>>
    tpu.wait_dma2 semaphore(%arg21 : memref<!tpu.dma_semaphore, #tpu.memory_space<semaphore_mem>>) src(%arg12 : memref<640x64xf32, #tpu.memory_space<vmem>>) dst(%dma_wait3A_472 : memref<640x64xf32, #tpu.memory_space<hbm>>)
    %add3A_473 = arith.constant 4480 : i32
    %add3A_474 = arith.addi %mul3A_2, %add3A_473 : i32
    "tpu.region"() ({
      %run_scoped3A = tpu.sem_alloc : memref<!tpu.dma_semaphore, #tpu.memory_space<semaphore_mem>>
      %dma_start3A_583 = tpu.memref_slice %arg2[%add3A_474] : memref<204800xi32, #tpu.memory_space<hbm>> -> memref<640xi32, #tpu.memory_space<hbm>>
      %dma_start3A_584 = tpu.memref_slice %arg2[%add3A_474] : memref<204800xi32, #tpu.memory_space<hbm>> -> memref<640xi32, #tpu.memory_space<hbm>>
      tpu.enqueue_dma source(%dma_start3A_584 : memref<640xi32, #tpu.memory_space<hbm>>) target(%arg8 : memref<640xi32, #tpu.memory_space<vmem>>) target_semaphore(%run_scoped3A : memref<!tpu.dma_semaphore, #tpu.memory_space<semaphore_mem>>)
      %dma_wait3A_585 = tpu.memref_slice %arg2[%add3A_474] : memref<204800xi32, #tpu.memory_space<hbm>> -> memref<640xi32, #tpu.memory_space<hbm>>
      %dma_wait3A_586 = tpu.memref_slice %arg2[%add3A_474] : memref<204800xi32, #tpu.memory_space<hbm>> -> memref<640xi32, #tpu.memory_space<hbm>>
      tpu.wait_dma2 semaphore(%run_scoped3A : memref<!tpu.dma_semaphore, #tpu.memory_space<semaphore_mem>>) src(%dma_wait3A_586 : memref<640xi32, #tpu.memory_space<hbm>>) dst(%arg8 : memref<640xi32, #tpu.memory_space<vmem>>)
      tpu.yield
    }) : () -> ()
    %dma_start3A_475 = arith.constant 0 : i32
    %dma_start3A_476 = arith.constant 0 : i32
    %dma_start3A_477 = tpu.memref_slice %arg3[%dma_start3A_475, %dma_start3A_476] : memref<1000000x64xf32, #tpu.memory_space<hbm>> -> memref<1000000x64xf32, #tpu.memory_space<hbm>>
    tpu.enqueue_indirect_dma source(%dma_start3A_477 : memref<1000000x64xf32, #tpu.memory_space<hbm>>) target(%arg12 : memref<640x64xf32, #tpu.memory_space<vmem>>) offsets(%arg8 : memref<640xi32, #tpu.memory_space<vmem>>) semaphore(%arg17 : memref<!tpu.dma_semaphore, #tpu.memory_space<semaphore_mem>>)
    %scan3A_478 = arith.constant 0 : i32
    %scan3A_479 = arith.constant 0 : i32
    %scan3A_480 = arith.constant 40 : i32
    %scan3A_481 = arith.addi %scan3A_479, %scan3A_480 : i32
    %scan3A_482 = arith.constant 1 : i32
    %scan3A_483 = scf.for %scan3A_583 = %scan3A_479 to %scan3A_481 step %scan3A_482 iter_args(%scan3A_584 = %scan3A_478) -> (i32)  : i32 {
      %mul3A_585 = arith.constant 16 : i32
      %mul3A_586 = arith.muli %scan3A_583, %mul3A_585 : i32
      %get3A_587 = arith.index_cast %mul3A_586 : i32 to index
      %get3A_588 = tpu.vector_load %arg8[%get3A_587] {strides = array<i32>} : memref<640xi32, #tpu.memory_space<vmem>>, vector<16xi32>,
      %get3A_589 = vector.shape_cast %get3A_588 : vector<16xi32> to vector<16xi32>
      %slice3A = vector.extract_strided_slice %get3A_589 {offsets = [0], sizes = [1], strides = [1]} : vector<16xi32> to vector<1xi32>
      %squeeze3A = vector.extract %slice3A[0] : i32 from vector<1xi32>
      %slice3A_590 = vector.extract_strided_slice %get3A_589 {offsets = [1], sizes = [1], strides = [1]} : vector<16xi32> to vector<1xi32>
      %squeeze3A_591 = vector.extract %slice3A_590[0] : i32 from vector<1xi32>
      %broadcast_in_dim3A = vector.broadcast %squeeze3A : i32 to vector<16xi32>
      %broadcast_in_dim3A_592 = vector.broadcast %squeeze3A_591 : i32 to vector<16xi32>
      %select_n3A_593 = arith.select %lt3A_259, %broadcast_in_dim3A, %broadcast_in_dim3A_592 : vector<16xi1>, vector<16xi32>
      %mul3A_594 = arith.constant 8 : i32
      %mul3A_595 = vector.broadcast %mul3A_594 : i32 to vector<16xi32>
      %mul3A_596 = arith.muli %select_n3A_593, %mul3A_595 : vector<16xi32>
      %add3A_597 = arith.addi %mul3A_596, %select_n3A_275 : vector<16xi32>
      %mul3A_598 = arith.constant 16 : i32
      %mul3A_599 = arith.muli %scan3A_583, %mul3A_598 : i32
      %mul3A_600 = arith.constant 8 : i32
      %mul3A_601 = arith.muli %mul3A_599, %mul3A_600 : i32
      %add3A_602 = arith.constant 0 : i32
      %add3A_603 = arith.addi %mul3A_601, %add3A_602 : i32
      %swap3A = arith.index_cast %add3A_603 : i32 to index
      %swap3A_604 = tpu.vector_load %arg10[%swap3A] {strides = array<i32>} : memref<5120xi32, #tpu.memory_space<vmem>>, vector<16xi32>,
      %swap3A_605 = vector.shape_cast %swap3A_604 : vector<16xi32> to vector<16xi32>
      %swap3A_606 = vector.shape_cast %add3A_597 : vector<16xi32> to vector<16xi32>
      tpu.vector_store %arg10[%swap3A], %swap3A_606 {strides = array<i32>} : memref<5120xi32, #tpu.memory_space<vmem>>, vector<16xi32>,
      %slice3A_607 = vector.extract_strided_slice %get3A_589 {offsets = [2], sizes = [1], strides = [1]} : vector<16xi32> to vector<1xi32>
      %squeeze3A_608 = vector.extract %slice3A_607[0] : i32 from vector<1xi32>
      %slice3A_609 = vector.extract_strided_slice %get3A_589 {offsets = [3], sizes = [1], strides = [1]} : vector<16xi32> to vector<1xi32>
      %squeeze3A_610 = vector.extract %slice3A_609[0] : i32 from vector<1xi32>
      %broadcast_in_dim3A_611 = vector.broadcast %squeeze3A_608 : i32 to vector<16xi32>
      %broadcast_in_dim3A_612 = vector.broadcast %squeeze3A_610 : i32 to vector<16xi32>
      %select_n3A_613 = arith.select %lt3A_259, %broadcast_in_dim3A_611, %broadcast_in_dim3A_612 : vector<16xi1>, vector<16xi32>
      %mul3A_614 = arith.constant 8 : i32
      %mul3A_615 = vector.broadcast %mul3A_614 : i32 to vector<16xi32>
      %mul3A_616 = arith.muli %select_n3A_613, %mul3A_615 : vector<16xi32>
      %add3A_617 = arith.addi %mul3A_616, %select_n3A_275 : vector<16xi32>
      %mul3A_618 = arith.constant 16 : i32
      %mul3A_619 = arith.muli %scan3A_583, %mul3A_618 : i32
      %mul3A_620 = arith.constant 8 : i32
      %mul3A_621 = arith.muli %mul3A_619, %mul3A_620 : i32
      %add3A_622 = arith.constant 16 : i32
      %add3A_623 = arith.addi %mul3A_621, %add3A_622 : i32
      %swap3A_624 = arith.index_cast %add3A_623 : i32 to index
      %swap3A_625 = tpu.vector_load %arg10[%swap3A_624] {strides = array<i32>} : memref<5120xi32, #tpu.memory_space<vmem>>, vector<16xi32>,
      %swap3A_626 = vector.shape_cast %swap3A_625 : vector<16xi32> to vector<16xi32>
      %swap3A_627 = vector.shape_cast %add3A_617 : vector<16xi32> to vector<16xi32>
      tpu.vector_store %arg10[%swap3A_624], %swap3A_627 {strides = array<i32>} : memref<5120xi32, #tpu.memory_space<vmem>>, vector<16xi32>,
      %slice3A_628 = vector.extract_strided_slice %get3A_589 {offsets = [4], sizes = [1], strides = [1]} : vector<16xi32> to vector<1xi32>
      %squeeze3A_629 = vector.extract %slice3A_628[0] : i32 from vector<1xi32>
      %slice3A_630 = vector.extract_strided_slice %get3A_589 {offsets = [5], sizes = [1], strides = [1]} : vector<16xi32> to vector<1xi32>
      %squeeze3A_631 = vector.extract %slice3A_630[0] : i32 from vector<1xi32>
      %broadcast_in_dim3A_632 = vector.broadcast %squeeze3A_629 : i32 to vector<16xi32>
      %broadcast_in_dim3A_633 = vector.broadcast %squeeze3A_631 : i32 to vector<16xi32>
      %select_n3A_634 = arith.select %lt3A_259, %broadcast_in_dim3A_632, %broadcast_in_dim3A_633 : vector<16xi1>, vector<16xi32>
      %mul3A_635 = arith.constant 8 : i32
      %mul3A_636 = vector.broadcast %mul3A_635 : i32 to vector<16xi32>
      %mul3A_637 = arith.muli %select_n3A_634, %mul3A_636 : vector<16xi32>
      %add3A_638 = arith.addi %mul3A_637, %select_n3A_275 : vector<16xi32>
      %mul3A_639 = arith.constant 16 : i32
      %mul3A_640 = arith.muli %scan3A_583, %mul3A_639 : i32
      %mul3A_641 = arith.constant 8 : i32
      %mul3A_642 = arith.muli %mul3A_640, %mul3A_641 : i32
      %add3A_643 = arith.constant 32 : i32
      %add3A_644 = arith.addi %mul3A_642, %add3A_643 : i32
      %swap3A_645 = arith.index_cast %add3A_644 : i32 to index
      %swap3A_646 = tpu.vector_load %arg10[%swap3A_645] {strides = array<i32>} : memref<5120xi32, #tpu.memory_space<vmem>>, vector<16xi32>,
      %swap3A_647 = vector.shape_cast %swap3A_646 : vector<16xi32> to vector<16xi32>
      %swap3A_648 = vector.shape_cast %add3A_638 : vector<16xi32> to vector<16xi32>
      tpu.vector_store %arg10[%swap3A_645], %swap3A_648 {strides = array<i32>} : memref<5120xi32, #tpu.memory_space<vmem>>, vector<16xi32>,
      %slice3A_649 = vector.extract_strided_slice %get3A_589 {offsets = [6], sizes = [1], strides = [1]} : vector<16xi32> to vector<1xi32>
      %squeeze3A_650 = vector.extract %slice3A_649[0] : i32 from vector<1xi32>
      %slice3A_651 = vector.extract_strided_slice %get3A_589 {offsets = [7], sizes = [1], strides = [1]} : vector<16xi32> to vector<1xi32>
      %squeeze3A_652 = vector.extract %slice3A_651[0] : i32 from vector<1xi32>
      %broadcast_in_dim3A_653 = vector.broadcast %squeeze3A_650 : i32 to vector<16xi32>
      %broadcast_in_dim3A_654 = vector.broadcast %squeeze3A_652 : i32 to vector<16xi32>
      %select_n3A_655 = arith.select %lt3A_259, %broadcast_in_dim3A_653, %broadcast_in_dim3A_654 : vector<16xi1>, vector<16xi32>
      %mul3A_656 = arith.constant 8 : i32
      %mul3A_657 = vector.broadcast %mul3A_656 : i32 to vector<16xi32>
      %mul3A_658 = arith.muli %select_n3A_655, %mul3A_657 : vector<16xi32>
      %add3A_659 = arith.addi %mul3A_658, %select_n3A_275 : vector<16xi32>
      %mul3A_660 = arith.constant 16 : i32
      %mul3A_661 = arith.muli %scan3A_583, %mul3A_660 : i32
      %mul3A_662 = arith.constant 8 : i32
      %mul3A_663 = arith.muli %mul3A_661, %mul3A_662 : i32
      %add3A_664 = arith.constant 48 : i32
      %add3A_665 = arith.addi %mul3A_663, %add3A_664 : i32
      %swap3A_666 = arith.index_cast %add3A_665 : i32 to index
      %swap3A_667 = tpu.vector_load %arg10[%swap3A_666] {strides = array<i32>} : memref<5120xi32, #tpu.memory_space<vmem>>, vector<16xi32>,
      %swap3A_668 = vector.shape_cast %swap3A_667 : vector<16xi32> to vector<16xi32>
      %swap3A_669 = vector.shape_cast %add3A_659 : vector<16xi32> to vector<16xi32>
      tpu.vector_store %arg10[%swap3A_666], %swap3A_669 {strides = array<i32>} : memref<5120xi32, #tpu.memory_space<vmem>>, vector<16xi32>,
      %slice3A_670 = vector.extract_strided_slice %get3A_589 {offsets = [8], sizes = [1], strides = [1]} : vector<16xi32> to vector<1xi32>
      %squeeze3A_671 = vector.extract %slice3A_670[0] : i32 from vector<1xi32>
      %slice3A_672 = vector.extract_strided_slice %get3A_589 {offsets = [9], sizes = [1], strides = [1]} : vector<16xi32> to vector<1xi32>
      %squeeze3A_673 = vector.extract %slice3A_672[0] : i32 from vector<1xi32>
      %broadcast_in_dim3A_674 = vector.broadcast %squeeze3A_671 : i32 to vector<16xi32>
      %broadcast_in_dim3A_675 = vector.broadcast %squeeze3A_673 : i32 to vector<16xi32>
      %select_n3A_676 = arith.select %lt3A_259, %broadcast_in_dim3A_674, %broadcast_in_dim3A_675 : vector<16xi1>, vector<16xi32>
      %mul3A_677 = arith.constant 8 : i32
      %mul3A_678 = vector.broadcast %mul3A_677 : i32 to vector<16xi32>
      %mul3A_679 = arith.muli %select_n3A_676, %mul3A_678 : vector<16xi32>
      %add3A_680 = arith.addi %mul3A_679, %select_n3A_275 : vector<16xi32>
      %mul3A_681 = arith.constant 16 : i32
      %mul3A_682 = arith.muli %scan3A_583, %mul3A_681 : i32
      %mul3A_683 = arith.constant 8 : i32
      %mul3A_684 = arith.muli %mul3A_682, %mul3A_683 : i32
      %add3A_685 = arith.constant 64 : i32
      %add3A_686 = arith.addi %mul3A_684, %add3A_685 : i32
      %swap3A_687 = arith.index_cast %add3A_686 : i32 to index
      %swap3A_688 = tpu.vector_load %arg10[%swap3A_687] {strides = array<i32>} : memref<5120xi32, #tpu.memory_space<vmem>>, vector<16xi32>,
      %swap3A_689 = vector.shape_cast %swap3A_688 : vector<16xi32> to vector<16xi32>
      %swap3A_690 = vector.shape_cast %add3A_680 : vector<16xi32> to vector<16xi32>
      tpu.vector_store %arg10[%swap3A_687], %swap3A_690 {strides = array<i32>} : memref<5120xi32, #tpu.memory_space<vmem>>, vector<16xi32>,
      %slice3A_691 = vector.extract_strided_slice %get3A_589 {offsets = [10], sizes = [1], strides = [1]} : vector<16xi32> to vector<1xi32>
      %squeeze3A_692 = vector.extract %slice3A_691[0] : i32 from vector<1xi32>
      %slice3A_693 = vector.extract_strided_slice %get3A_589 {offsets = [11], sizes = [1], strides = [1]} : vector<16xi32> to vector<1xi32>
      %squeeze3A_694 = vector.extract %slice3A_693[0] : i32 from vector<1xi32>
      %broadcast_in_dim3A_695 = vector.broadcast %squeeze3A_692 : i32 to vector<16xi32>
      %broadcast_in_dim3A_696 = vector.broadcast %squeeze3A_694 : i32 to vector<16xi32>
      %select_n3A_697 = arith.select %lt3A_259, %broadcast_in_dim3A_695, %broadcast_in_dim3A_696 : vector<16xi1>, vector<16xi32>
      %mul3A_698 = arith.constant 8 : i32
      %mul3A_699 = vector.broadcast %mul3A_698 : i32 to vector<16xi32>
      %mul3A_700 = arith.muli %select_n3A_697, %mul3A_699 : vector<16xi32>
      %add3A_701 = arith.addi %mul3A_700, %select_n3A_275 : vector<16xi32>
      %mul3A_702 = arith.constant 16 : i32
      %mul3A_703 = arith.muli %scan3A_583, %mul3A_702 : i32
      %mul3A_704 = arith.constant 8 : i32
      %mul3A_705 = arith.muli %mul3A_703, %mul3A_704 : i32
      %add3A_706 = arith.constant 80 : i32
      %add3A_707 = arith.addi %mul3A_705, %add3A_706 : i32
      %swap3A_708 = arith.index_cast %add3A_707 : i32 to index
      %swap3A_709 = tpu.vector_load %arg10[%swap3A_708] {strides = array<i32>} : memref<5120xi32, #tpu.memory_space<vmem>>, vector<16xi32>,
      %swap3A_710 = vector.shape_cast %swap3A_709 : vector<16xi32> to vector<16xi32>
      %swap3A_711 = vector.shape_cast %add3A_701 : vector<16xi32> to vector<16xi32>
      tpu.vector_store %arg10[%swap3A_708], %swap3A_711 {strides = array<i32>} : memref<5120xi32, #tpu.memory_space<vmem>>, vector<16xi32>,
      %slice3A_712 = vector.extract_strided_slice %get3A_589 {offsets = [12], sizes = [1], strides = [1]} : vector<16xi32> to vector<1xi32>
      %squeeze3A_713 = vector.extract %slice3A_712[0] : i32 from vector<1xi32>
      %slice3A_714 = vector.extract_strided_slice %get3A_589 {offsets = [13], sizes = [1], strides = [1]} : vector<16xi32> to vector<1xi32>
      %squeeze3A_715 = vector.extract %slice3A_714[0] : i32 from vector<1xi32>
      %broadcast_in_dim3A_716 = vector.broadcast %squeeze3A_713 : i32 to vector<16xi32>
      %broadcast_in_dim3A_717 = vector.broadcast %squeeze3A_715 : i32 to vector<16xi32>
      %select_n3A_718 = arith.select %lt3A_259, %broadcast_in_dim3A_716, %broadcast_in_dim3A_717 : vector<16xi1>, vector<16xi32>
      %mul3A_719 = arith.constant 8 : i32
      %mul3A_720 = vector.broadcast %mul3A_719 : i32 to vector<16xi32>
      %mul3A_721 = arith.muli %select_n3A_718, %mul3A_720 : vector<16xi32>
      %add3A_722 = arith.addi %mul3A_721, %select_n3A_275 : vector<16xi32>
      %mul3A_723 = arith.constant 16 : i32
      %mul3A_724 = arith.muli %scan3A_583, %mul3A_723 : i32
      %mul3A_725 = arith.constant 8 : i32
      %mul3A_726 = arith.muli %mul3A_724, %mul3A_725 : i32
      %add3A_727 = arith.constant 96 : i32
      %add3A_728 = arith.addi %mul3A_726, %add3A_727 : i32
      %swap3A_729 = arith.index_cast %add3A_728 : i32 to index
      %swap3A_730 = tpu.vector_load %arg10[%swap3A_729] {strides = array<i32>} : memref<5120xi32, #tpu.memory_space<vmem>>, vector<16xi32>,
      %swap3A_731 = vector.shape_cast %swap3A_730 : vector<16xi32> to vector<16xi32>
      %swap3A_732 = vector.shape_cast %add3A_722 : vector<16xi32> to vector<16xi32>
      tpu.vector_store %arg10[%swap3A_729], %swap3A_732 {strides = array<i32>} : memref<5120xi32, #tpu.memory_space<vmem>>, vector<16xi32>,
      %slice3A_733 = vector.extract_strided_slice %get3A_589 {offsets = [14], sizes = [1], strides = [1]} : vector<16xi32> to vector<1xi32>
      %squeeze3A_734 = vector.extract %slice3A_733[0] : i32 from vector<1xi32>
      %slice3A_735 = vector.extract_strided_slice %get3A_589 {offsets = [15], sizes = [1], strides = [1]} : vector<16xi32> to vector<1xi32>
      %squeeze3A_736 = vector.extract %slice3A_735[0] : i32 from vector<1xi32>
      %broadcast_in_dim3A_737 = vector.broadcast %squeeze3A_734 : i32 to vector<16xi32>
      %broadcast_in_dim3A_738 = vector.broadcast %squeeze3A_736 : i32 to vector<16xi32>
      %select_n3A_739 = arith.select %lt3A_259, %broadcast_in_dim3A_737, %broadcast_in_dim3A_738 : vector<16xi1>, vector<16xi32>
      %mul3A_740 = arith.constant 8 : i32
      %mul3A_741 = vector.broadcast %mul3A_740 : i32 to vector<16xi32>
      %mul3A_742 = arith.muli %select_n3A_739, %mul3A_741 : vector<16xi32>
      %add3A_743 = arith.addi %mul3A_742, %select_n3A_275 : vector<16xi32>
      %mul3A_744 = arith.constant 16 : i32
      %mul3A_745 = arith.muli %scan3A_583, %mul3A_744 : i32
      %mul3A_746 = arith.constant 8 : i32
      %mul3A_747 = arith.muli %mul3A_745, %mul3A_746 : i32
      %add3A_748 = arith.constant 112 : i32
      %add3A_749 = arith.addi %mul3A_747, %add3A_748 : i32
      %swap3A_750 = arith.index_cast %add3A_749 : i32 to index
      %swap3A_751 = tpu.vector_load %arg10[%swap3A_750] {strides = array<i32>} : memref<5120xi32, #tpu.memory_space<vmem>>, vector<16xi32>,
      %swap3A_752 = vector.shape_cast %swap3A_751 : vector<16xi32> to vector<16xi32>
      %swap3A_753 = vector.shape_cast %add3A_743 : vector<16xi32> to vector<16xi32>
      tpu.vector_store %arg10[%swap3A_750], %swap3A_753 {strides = array<i32>} : memref<5120xi32, #tpu.memory_space<vmem>>, vector<16xi32>,
      %scan3A_754 = arith.constant 0 : i32
      scf.yield %scan3A_754 : i32
    }
    %scan3A_484 = arith.constant 40 : i32
    %dma_start3A_485 = arith.constant 0 : i32
    %dma_start3A_486 = tpu.memref_slice %arg4[%dma_start3A_485] : memref<8000000xf32, #tpu.memory_space<hbm>> -> memref<8000000xf32, #tpu.memory_space<hbm>>
    tpu.enqueue_indirect_dma source(%dma_start3A_486 : memref<8000000xf32, #tpu.memory_space<hbm>>) target(%arg14 : memref<5120xf32, #tpu.memory_space<vmem>>) offsets(%arg10 : memref<5120xi32, #tpu.memory_space<vmem>>) semaphore(%arg19 : memref<!tpu.dma_semaphore, #tpu.memory_space<semaphore_mem>>)
    %dma_wait3A_487 = arith.constant 0 : i32
    %dma_wait3A_488 = arith.constant 0 : i32
    %dma_wait3A_489 = tpu.memref_slice %arg3[%dma_wait3A_487, %dma_wait3A_488] : memref<1000000x64xf32, #tpu.memory_space<hbm>> -> memref<1000000x64xf32, #tpu.memory_space<hbm>>
    tpu.wait_indirect_dma semaphore(%arg16 : memref<!tpu.dma_semaphore, #tpu.memory_space<semaphore_mem>>) src(%dma_wait3A_489 : memref<1000000x64xf32, #tpu.memory_space<hbm>>) dst(%arg11 : memref<640x64xf32, #tpu.memory_space<vmem>>)
    %dma_wait3A_490 = arith.constant 0 : i32
    %dma_wait3A_491 = tpu.memref_slice %arg4[%dma_wait3A_490] : memref<8000000xf32, #tpu.memory_space<hbm>> -> memref<8000000xf32, #tpu.memory_space<hbm>>
    tpu.wait_indirect_dma semaphore(%arg18 : memref<!tpu.dma_semaphore, #tpu.memory_space<semaphore_mem>>) src(%dma_wait3A_491 : memref<8000000xf32, #tpu.memory_space<hbm>>) dst(%arg13 : memref<5120xf32, #tpu.memory_space<vmem>>)
    %add3A_492 = arith.constant 3840 : i32
    %add3A_493 = arith.addi %mul3A_2, %add3A_492 : i32
    %dma_start3A_494 = arith.constant 0 : i32
    %dma_start3A_495 = tpu.memref_slice %arg6[%add3A_493, %dma_start3A_494] : memref<204800x64xf32, #tpu.memory_space<hbm>> -> memref<640x64xf32, #tpu.memory_space<hbm>>
    %dma_start3A_496 = arith.constant 0 : i32
    %dma_start3A_497 = tpu.memref_slice %arg6[%add3A_493, %dma_start3A_496] : memref<204800x64xf32, #tpu.memory_space<hbm>> -> memref<640x64xf32, #tpu.memory_space<hbm>>
    tpu.enqueue_dma source(%arg11 : memref<640x64xf32, #tpu.memory_space<vmem>>) target(%dma_start3A_497 : memref<640x64xf32, #tpu.memory_space<hbm>>) target_semaphore(%arg20 : memref<!tpu.dma_semaphore, #tpu.memory_space<semaphore_mem>>)
    %add3A_498 = arith.constant 3840 : i32
    %add3A_499 = arith.addi %mul3A_2, %add3A_498 : i32
    %dma_wait3A_500 = arith.constant 0 : i32
    %dma_wait3A_501 = tpu.memref_slice %arg6[%add3A_499, %dma_wait3A_500] : memref<204800x64xf32, #tpu.memory_space<hbm>> -> memref<640x64xf32, #tpu.memory_space<hbm>>
    %dma_wait3A_502 = arith.constant 0 : i32
    %dma_wait3A_503 = tpu.memref_slice %arg6[%add3A_499, %dma_wait3A_502] : memref<204800x64xf32, #tpu.memory_space<hbm>> -> memref<640x64xf32, #tpu.memory_space<hbm>>
    tpu.wait_dma2 semaphore(%arg20 : memref<!tpu.dma_semaphore, #tpu.memory_space<semaphore_mem>>) src(%arg11 : memref<640x64xf32, #tpu.memory_space<vmem>>) dst(%dma_wait3A_503 : memref<640x64xf32, #tpu.memory_space<hbm>>)
    %add3A_504 = arith.constant 5120 : i32
    %add3A_505 = arith.addi %mul3A_2, %add3A_504 : i32
    "tpu.region"() ({
      %run_scoped3A = tpu.sem_alloc : memref<!tpu.dma_semaphore, #tpu.memory_space<semaphore_mem>>
      %dma_start3A_583 = tpu.memref_slice %arg2[%add3A_505] : memref<204800xi32, #tpu.memory_space<hbm>> -> memref<640xi32, #tpu.memory_space<hbm>>
      %dma_start3A_584 = tpu.memref_slice %arg2[%add3A_505] : memref<204800xi32, #tpu.memory_space<hbm>> -> memref<640xi32, #tpu.memory_space<hbm>>
      tpu.enqueue_dma source(%dma_start3A_584 : memref<640xi32, #tpu.memory_space<hbm>>) target(%arg7 : memref<640xi32, #tpu.memory_space<vmem>>) target_semaphore(%run_scoped3A : memref<!tpu.dma_semaphore, #tpu.memory_space<semaphore_mem>>)
      %dma_wait3A_585 = tpu.memref_slice %arg2[%add3A_505] : memref<204800xi32, #tpu.memory_space<hbm>> -> memref<640xi32, #tpu.memory_space<hbm>>
      %dma_wait3A_586 = tpu.memref_slice %arg2[%add3A_505] : memref<204800xi32, #tpu.memory_space<hbm>> -> memref<640xi32, #tpu.memory_space<hbm>>
      tpu.wait_dma2 semaphore(%run_scoped3A : memref<!tpu.dma_semaphore, #tpu.memory_space<semaphore_mem>>) src(%dma_wait3A_586 : memref<640xi32, #tpu.memory_space<hbm>>) dst(%arg7 : memref<640xi32, #tpu.memory_space<vmem>>)
      tpu.yield
    }) : () -> ()
    %dma_start3A_506 = arith.constant 0 : i32
    %dma_start3A_507 = arith.constant 0 : i32
    %dma_start3A_508 = tpu.memref_slice %arg3[%dma_start3A_506, %dma_start3A_507] : memref<1000000x64xf32, #tpu.memory_space<hbm>> -> memref<1000000x64xf32, #tpu.memory_space<hbm>>
    tpu.enqueue_indirect_dma source(%dma_start3A_508 : memref<1000000x64xf32, #tpu.memory_space<hbm>>) target(%arg11 : memref<640x64xf32, #tpu.memory_space<vmem>>) offsets(%arg7 : memref<640xi32, #tpu.memory_space<vmem>>) semaphore(%arg16 : memref<!tpu.dma_semaphore, #tpu.memory_space<semaphore_mem>>)
    %scan3A_509 = arith.constant 0 : i32
    %scan3A_510 = arith.constant 0 : i32
    %scan3A_511 = arith.constant 40 : i32
    %scan3A_512 = arith.addi %scan3A_510, %scan3A_511 : i32
    %scan3A_513 = arith.constant 1 : i32
    %scan3A_514 = scf.for %scan3A_583 = %scan3A_510 to %scan3A_512 step %scan3A_513 iter_args(%scan3A_584 = %scan3A_509) -> (i32)  : i32 {
      %mul3A_585 = arith.constant 16 : i32
      %mul3A_586 = arith.muli %scan3A_583, %mul3A_585 : i32
      %get3A_587 = arith.index_cast %mul3A_586 : i32 to index
      %get3A_588 = tpu.vector_load %arg7[%get3A_587] {strides = array<i32>} : memref<640xi32, #tpu.memory_space<vmem>>, vector<16xi32>,
      %get3A_589 = vector.shape_cast %get3A_588 : vector<16xi32> to vector<16xi32>
      %slice3A = vector.extract_strided_slice %get3A_589 {offsets = [0], sizes = [1], strides = [1]} : vector<16xi32> to vector<1xi32>
      %squeeze3A = vector.extract %slice3A[0] : i32 from vector<1xi32>
      %slice3A_590 = vector.extract_strided_slice %get3A_589 {offsets = [1], sizes = [1], strides = [1]} : vector<16xi32> to vector<1xi32>
      %squeeze3A_591 = vector.extract %slice3A_590[0] : i32 from vector<1xi32>
      %broadcast_in_dim3A = vector.broadcast %squeeze3A : i32 to vector<16xi32>
      %broadcast_in_dim3A_592 = vector.broadcast %squeeze3A_591 : i32 to vector<16xi32>
      %select_n3A_593 = arith.select %lt3A_259, %broadcast_in_dim3A, %broadcast_in_dim3A_592 : vector<16xi1>, vector<16xi32>
      %mul3A_594 = arith.constant 8 : i32
      %mul3A_595 = vector.broadcast %mul3A_594 : i32 to vector<16xi32>
      %mul3A_596 = arith.muli %select_n3A_593, %mul3A_595 : vector<16xi32>
      %add3A_597 = arith.addi %mul3A_596, %select_n3A_275 : vector<16xi32>
      %mul3A_598 = arith.constant 16 : i32
      %mul3A_599 = arith.muli %scan3A_583, %mul3A_598 : i32
      %mul3A_600 = arith.constant 8 : i32
      %mul3A_601 = arith.muli %mul3A_599, %mul3A_600 : i32
      %add3A_602 = arith.constant 0 : i32
      %add3A_603 = arith.addi %mul3A_601, %add3A_602 : i32
      %swap3A = arith.index_cast %add3A_603 : i32 to index
      %swap3A_604 = tpu.vector_load %arg9[%swap3A] {strides = array<i32>} : memref<5120xi32, #tpu.memory_space<vmem>>, vector<16xi32>,
      %swap3A_605 = vector.shape_cast %swap3A_604 : vector<16xi32> to vector<16xi32>
      %swap3A_606 = vector.shape_cast %add3A_597 : vector<16xi32> to vector<16xi32>
      tpu.vector_store %arg9[%swap3A], %swap3A_606 {strides = array<i32>} : memref<5120xi32, #tpu.memory_space<vmem>>, vector<16xi32>,
      %slice3A_607 = vector.extract_strided_slice %get3A_589 {offsets = [2], sizes = [1], strides = [1]} : vector<16xi32> to vector<1xi32>
      %squeeze3A_608 = vector.extract %slice3A_607[0] : i32 from vector<1xi32>
      %slice3A_609 = vector.extract_strided_slice %get3A_589 {offsets = [3], sizes = [1], strides = [1]} : vector<16xi32> to vector<1xi32>
      %squeeze3A_610 = vector.extract %slice3A_609[0] : i32 from vector<1xi32>
      %broadcast_in_dim3A_611 = vector.broadcast %squeeze3A_608 : i32 to vector<16xi32>
      %broadcast_in_dim3A_612 = vector.broadcast %squeeze3A_610 : i32 to vector<16xi32>
      %select_n3A_613 = arith.select %lt3A_259, %broadcast_in_dim3A_611, %broadcast_in_dim3A_612 : vector<16xi1>, vector<16xi32>
      %mul3A_614 = arith.constant 8 : i32
      %mul3A_615 = vector.broadcast %mul3A_614 : i32 to vector<16xi32>
      %mul3A_616 = arith.muli %select_n3A_613, %mul3A_615 : vector<16xi32>
      %add3A_617 = arith.addi %mul3A_616, %select_n3A_275 : vector<16xi32>
      %mul3A_618 = arith.constant 16 : i32
      %mul3A_619 = arith.muli %scan3A_583, %mul3A_618 : i32
      %mul3A_620 = arith.constant 8 : i32
      %mul3A_621 = arith.muli %mul3A_619, %mul3A_620 : i32
      %add3A_622 = arith.constant 16 : i32
      %add3A_623 = arith.addi %mul3A_621, %add3A_622 : i32
      %swap3A_624 = arith.index_cast %add3A_623 : i32 to index
      %swap3A_625 = tpu.vector_load %arg9[%swap3A_624] {strides = array<i32>} : memref<5120xi32, #tpu.memory_space<vmem>>, vector<16xi32>,
      %swap3A_626 = vector.shape_cast %swap3A_625 : vector<16xi32> to vector<16xi32>
      %swap3A_627 = vector.shape_cast %add3A_617 : vector<16xi32> to vector<16xi32>
      tpu.vector_store %arg9[%swap3A_624], %swap3A_627 {strides = array<i32>} : memref<5120xi32, #tpu.memory_space<vmem>>, vector<16xi32>,
      %slice3A_628 = vector.extract_strided_slice %get3A_589 {offsets = [4], sizes = [1], strides = [1]} : vector<16xi32> to vector<1xi32>
      %squeeze3A_629 = vector.extract %slice3A_628[0] : i32 from vector<1xi32>
      %slice3A_630 = vector.extract_strided_slice %get3A_589 {offsets = [5], sizes = [1], strides = [1]} : vector<16xi32> to vector<1xi32>
      %squeeze3A_631 = vector.extract %slice3A_630[0] : i32 from vector<1xi32>
      %broadcast_in_dim3A_632 = vector.broadcast %squeeze3A_629 : i32 to vector<16xi32>
      %broadcast_in_dim3A_633 = vector.broadcast %squeeze3A_631 : i32 to vector<16xi32>
      %select_n3A_634 = arith.select %lt3A_259, %broadcast_in_dim3A_632, %broadcast_in_dim3A_633 : vector<16xi1>, vector<16xi32>
      %mul3A_635 = arith.constant 8 : i32
      %mul3A_636 = vector.broadcast %mul3A_635 : i32 to vector<16xi32>
      %mul3A_637 = arith.muli %select_n3A_634, %mul3A_636 : vector<16xi32>
      %add3A_638 = arith.addi %mul3A_637, %select_n3A_275 : vector<16xi32>
      %mul3A_639 = arith.constant 16 : i32
      %mul3A_640 = arith.muli %scan3A_583, %mul3A_639 : i32
      %mul3A_641 = arith.constant 8 : i32
      %mul3A_642 = arith.muli %mul3A_640, %mul3A_641 : i32
      %add3A_643 = arith.constant 32 : i32
      %add3A_644 = arith.addi %mul3A_642, %add3A_643 : i32
      %swap3A_645 = arith.index_cast %add3A_644 : i32 to index
      %swap3A_646 = tpu.vector_load %arg9[%swap3A_645] {strides = array<i32>} : memref<5120xi32, #tpu.memory_space<vmem>>, vector<16xi32>,
      %swap3A_647 = vector.shape_cast %swap3A_646 : vector<16xi32> to vector<16xi32>
      %swap3A_648 = vector.shape_cast %add3A_638 : vector<16xi32> to vector<16xi32>
      tpu.vector_store %arg9[%swap3A_645], %swap3A_648 {strides = array<i32>} : memref<5120xi32, #tpu.memory_space<vmem>>, vector<16xi32>,
      %slice3A_649 = vector.extract_strided_slice %get3A_589 {offsets = [6], sizes = [1], strides = [1]} : vector<16xi32> to vector<1xi32>
      %squeeze3A_650 = vector.extract %slice3A_649[0] : i32 from vector<1xi32>
      %slice3A_651 = vector.extract_strided_slice %get3A_589 {offsets = [7], sizes = [1], strides = [1]} : vector<16xi32> to vector<1xi32>
      %squeeze3A_652 = vector.extract %slice3A_651[0] : i32 from vector<1xi32>
      %broadcast_in_dim3A_653 = vector.broadcast %squeeze3A_650 : i32 to vector<16xi32>
      %broadcast_in_dim3A_654 = vector.broadcast %squeeze3A_652 : i32 to vector<16xi32>
      %select_n3A_655 = arith.select %lt3A_259, %broadcast_in_dim3A_653, %broadcast_in_dim3A_654 : vector<16xi1>, vector<16xi32>
      %mul3A_656 = arith.constant 8 : i32
      %mul3A_657 = vector.broadcast %mul3A_656 : i32 to vector<16xi32>
      %mul3A_658 = arith.muli %select_n3A_655, %mul3A_657 : vector<16xi32>
      %add3A_659 = arith.addi %mul3A_658, %select_n3A_275 : vector<16xi32>
      %mul3A_660 = arith.constant 16 : i32
      %mul3A_661 = arith.muli %scan3A_583, %mul3A_660 : i32
      %mul3A_662 = arith.constant 8 : i32
      %mul3A_663 = arith.muli %mul3A_661, %mul3A_662 : i32
      %add3A_664 = arith.constant 48 : i32
      %add3A_665 = arith.addi %mul3A_663, %add3A_664 : i32
      %swap3A_666 = arith.index_cast %add3A_665 : i32 to index
      %swap3A_667 = tpu.vector_load %arg9[%swap3A_666] {strides = array<i32>} : memref<5120xi32, #tpu.memory_space<vmem>>, vector<16xi32>,
      %swap3A_668 = vector.shape_cast %swap3A_667 : vector<16xi32> to vector<16xi32>
      %swap3A_669 = vector.shape_cast %add3A_659 : vector<16xi32> to vector<16xi32>
      tpu.vector_store %arg9[%swap3A_666], %swap3A_669 {strides = array<i32>} : memref<5120xi32, #tpu.memory_space<vmem>>, vector<16xi32>,
      %slice3A_670 = vector.extract_strided_slice %get3A_589 {offsets = [8], sizes = [1], strides = [1]} : vector<16xi32> to vector<1xi32>
      %squeeze3A_671 = vector.extract %slice3A_670[0] : i32 from vector<1xi32>
      %slice3A_672 = vector.extract_strided_slice %get3A_589 {offsets = [9], sizes = [1], strides = [1]} : vector<16xi32> to vector<1xi32>
      %squeeze3A_673 = vector.extract %slice3A_672[0] : i32 from vector<1xi32>
      %broadcast_in_dim3A_674 = vector.broadcast %squeeze3A_671 : i32 to vector<16xi32>
      %broadcast_in_dim3A_675 = vector.broadcast %squeeze3A_673 : i32 to vector<16xi32>
      %select_n3A_676 = arith.select %lt3A_259, %broadcast_in_dim3A_674, %broadcast_in_dim3A_675 : vector<16xi1>, vector<16xi32>
      %mul3A_677 = arith.constant 8 : i32
      %mul3A_678 = vector.broadcast %mul3A_677 : i32 to vector<16xi32>
      %mul3A_679 = arith.muli %select_n3A_676, %mul3A_678 : vector<16xi32>
      %add3A_680 = arith.addi %mul3A_679, %select_n3A_275 : vector<16xi32>
      %mul3A_681 = arith.constant 16 : i32
      %mul3A_682 = arith.muli %scan3A_583, %mul3A_681 : i32
      %mul3A_683 = arith.constant 8 : i32
      %mul3A_684 = arith.muli %mul3A_682, %mul3A_683 : i32
      %add3A_685 = arith.constant 64 : i32
      %add3A_686 = arith.addi %mul3A_684, %add3A_685 : i32
      %swap3A_687 = arith.index_cast %add3A_686 : i32 to index
      %swap3A_688 = tpu.vector_load %arg9[%swap3A_687] {strides = array<i32>} : memref<5120xi32, #tpu.memory_space<vmem>>, vector<16xi32>,
      %swap3A_689 = vector.shape_cast %swap3A_688 : vector<16xi32> to vector<16xi32>
      %swap3A_690 = vector.shape_cast %add3A_680 : vector<16xi32> to vector<16xi32>
      tpu.vector_store %arg9[%swap3A_687], %swap3A_690 {strides = array<i32>} : memref<5120xi32, #tpu.memory_space<vmem>>, vector<16xi32>,
      %slice3A_691 = vector.extract_strided_slice %get3A_589 {offsets = [10], sizes = [1], strides = [1]} : vector<16xi32> to vector<1xi32>
      %squeeze3A_692 = vector.extract %slice3A_691[0] : i32 from vector<1xi32>
      %slice3A_693 = vector.extract_strided_slice %get3A_589 {offsets = [11], sizes = [1], strides = [1]} : vector<16xi32> to vector<1xi32>
      %squeeze3A_694 = vector.extract %slice3A_693[0] : i32 from vector<1xi32>
      %broadcast_in_dim3A_695 = vector.broadcast %squeeze3A_692 : i32 to vector<16xi32>
      %broadcast_in_dim3A_696 = vector.broadcast %squeeze3A_694 : i32 to vector<16xi32>
      %select_n3A_697 = arith.select %lt3A_259, %broadcast_in_dim3A_695, %broadcast_in_dim3A_696 : vector<16xi1>, vector<16xi32>
      %mul3A_698 = arith.constant 8 : i32
      %mul3A_699 = vector.broadcast %mul3A_698 : i32 to vector<16xi32>
      %mul3A_700 = arith.muli %select_n3A_697, %mul3A_699 : vector<16xi32>
      %add3A_701 = arith.addi %mul3A_700, %select_n3A_275 : vector<16xi32>
      %mul3A_702 = arith.constant 16 : i32
      %mul3A_703 = arith.muli %scan3A_583, %mul3A_702 : i32
      %mul3A_704 = arith.constant 8 : i32
      %mul3A_705 = arith.muli %mul3A_703, %mul3A_704 : i32
      %add3A_706 = arith.constant 80 : i32
      %add3A_707 = arith.addi %mul3A_705, %add3A_706 : i32
      %swap3A_708 = arith.index_cast %add3A_707 : i32 to index
      %swap3A_709 = tpu.vector_load %arg9[%swap3A_708] {strides = array<i32>} : memref<5120xi32, #tpu.memory_space<vmem>>, vector<16xi32>,
      %swap3A_710 = vector.shape_cast %swap3A_709 : vector<16xi32> to vector<16xi32>
      %swap3A_711 = vector.shape_cast %add3A_701 : vector<16xi32> to vector<16xi32>
      tpu.vector_store %arg9[%swap3A_708], %swap3A_711 {strides = array<i32>} : memref<5120xi32, #tpu.memory_space<vmem>>, vector<16xi32>,
      %slice3A_712 = vector.extract_strided_slice %get3A_589 {offsets = [12], sizes = [1], strides = [1]} : vector<16xi32> to vector<1xi32>
      %squeeze3A_713 = vector.extract %slice3A_712[0] : i32 from vector<1xi32>
      %slice3A_714 = vector.extract_strided_slice %get3A_589 {offsets = [13], sizes = [1], strides = [1]} : vector<16xi32> to vector<1xi32>
      %squeeze3A_715 = vector.extract %slice3A_714[0] : i32 from vector<1xi32>
      %broadcast_in_dim3A_716 = vector.broadcast %squeeze3A_713 : i32 to vector<16xi32>
      %broadcast_in_dim3A_717 = vector.broadcast %squeeze3A_715 : i32 to vector<16xi32>
      %select_n3A_718 = arith.select %lt3A_259, %broadcast_in_dim3A_716, %broadcast_in_dim3A_717 : vector<16xi1>, vector<16xi32>
      %mul3A_719 = arith.constant 8 : i32
      %mul3A_720 = vector.broadcast %mul3A_719 : i32 to vector<16xi32>
      %mul3A_721 = arith.muli %select_n3A_718, %mul3A_720 : vector<16xi32>
      %add3A_722 = arith.addi %mul3A_721, %select_n3A_275 : vector<16xi32>
      %mul3A_723 = arith.constant 16 : i32
      %mul3A_724 = arith.muli %scan3A_583, %mul3A_723 : i32
      %mul3A_725 = arith.constant 8 : i32
      %mul3A_726 = arith.muli %mul3A_724, %mul3A_725 : i32
      %add3A_727 = arith.constant 96 : i32
      %add3A_728 = arith.addi %mul3A_726, %add3A_727 : i32
      %swap3A_729 = arith.index_cast %add3A_728 : i32 to index
      %swap3A_730 = tpu.vector_load %arg9[%swap3A_729] {strides = array<i32>} : memref<5120xi32, #tpu.memory_space<vmem>>, vector<16xi32>,
      %swap3A_731 = vector.shape_cast %swap3A_730 : vector<16xi32> to vector<16xi32>
      %swap3A_732 = vector.shape_cast %add3A_722 : vector<16xi32> to vector<16xi32>
      tpu.vector_store %arg9[%swap3A_729], %swap3A_732 {strides = array<i32>} : memref<5120xi32, #tpu.memory_space<vmem>>, vector<16xi32>,
      %slice3A_733 = vector.extract_strided_slice %get3A_589 {offsets = [14], sizes = [1], strides = [1]} : vector<16xi32> to vector<1xi32>
      %squeeze3A_734 = vector.extract %slice3A_733[0] : i32 from vector<1xi32>
      %slice3A_735 = vector.extract_strided_slice %get3A_589 {offsets = [15], sizes = [1], strides = [1]} : vector<16xi32> to vector<1xi32>
      %squeeze3A_736 = vector.extract %slice3A_735[0] : i32 from vector<1xi32>
      %broadcast_in_dim3A_737 = vector.broadcast %squeeze3A_734 : i32 to vector<16xi32>
      %broadcast_in_dim3A_738 = vector.broadcast %squeeze3A_736 : i32 to vector<16xi32>
      %select_n3A_739 = arith.select %lt3A_259, %broadcast_in_dim3A_737, %broadcast_in_dim3A_738 : vector<16xi1>, vector<16xi32>
      %mul3A_740 = arith.constant 8 : i32
      %mul3A_741 = vector.broadcast %mul3A_740 : i32 to vector<16xi32>
      %mul3A_742 = arith.muli %select_n3A_739, %mul3A_741 : vector<16xi32>
      %add3A_743 = arith.addi %mul3A_742, %select_n3A_275 : vector<16xi32>
      %mul3A_744 = arith.constant 16 : i32
      %mul3A_745 = arith.muli %scan3A_583, %mul3A_744 : i32
      %mul3A_746 = arith.constant 8 : i32
      %mul3A_747 = arith.muli %mul3A_745, %mul3A_746 : i32
      %add3A_748 = arith.constant 112 : i32
      %add3A_749 = arith.addi %mul3A_747, %add3A_748 : i32
      %swap3A_750 = arith.index_cast %add3A_749 : i32 to index
      %swap3A_751 = tpu.vector_load %arg9[%swap3A_750] {strides = array<i32>} : memref<5120xi32, #tpu.memory_space<vmem>>, vector<16xi32>,
      %swap3A_752 = vector.shape_cast %swap3A_751 : vector<16xi32> to vector<16xi32>
      %swap3A_753 = vector.shape_cast %add3A_743 : vector<16xi32> to vector<16xi32>
      tpu.vector_store %arg9[%swap3A_750], %swap3A_753 {strides = array<i32>} : memref<5120xi32, #tpu.memory_space<vmem>>, vector<16xi32>,
      %scan3A_754 = arith.constant 0 : i32
      scf.yield %scan3A_754 : i32
    }
    %scan3A_515 = arith.constant 40 : i32
    %dma_start3A_516 = arith.constant 0 : i32
    %dma_start3A_517 = tpu.memref_slice %arg4[%dma_start3A_516] : memref<8000000xf32, #tpu.memory_space<hbm>> -> memref<8000000xf32, #tpu.memory_space<hbm>>
    tpu.enqueue_indirect_dma source(%dma_start3A_517 : memref<8000000xf32, #tpu.memory_space<hbm>>) target(%arg13 : memref<5120xf32, #tpu.memory_space<vmem>>) offsets(%arg9 : memref<5120xi32, #tpu.memory_space<vmem>>) semaphore(%arg18 : memref<!tpu.dma_semaphore, #tpu.memory_space<semaphore_mem>>)
    %dma_wait3A_518 = arith.constant 0 : i32
    %dma_wait3A_519 = arith.constant 0 : i32
    %dma_wait3A_520 = tpu.memref_slice %arg3[%dma_wait3A_518, %dma_wait3A_519] : memref<1000000x64xf32, #tpu.memory_space<hbm>> -> memref<1000000x64xf32, #tpu.memory_space<hbm>>
    tpu.wait_indirect_dma semaphore(%arg17 : memref<!tpu.dma_semaphore, #tpu.memory_space<semaphore_mem>>) src(%dma_wait3A_520 : memref<1000000x64xf32, #tpu.memory_space<hbm>>) dst(%arg12 : memref<640x64xf32, #tpu.memory_space<vmem>>)
    %dma_wait3A_521 = arith.constant 0 : i32
    %dma_wait3A_522 = tpu.memref_slice %arg4[%dma_wait3A_521] : memref<8000000xf32, #tpu.memory_space<hbm>> -> memref<8000000xf32, #tpu.memory_space<hbm>>
    tpu.wait_indirect_dma semaphore(%arg19 : memref<!tpu.dma_semaphore, #tpu.memory_space<semaphore_mem>>) src(%dma_wait3A_522 : memref<8000000xf32, #tpu.memory_space<hbm>>) dst(%arg14 : memref<5120xf32, #tpu.memory_space<vmem>>)
    %add3A_523 = arith.constant 4480 : i32
    %add3A_524 = arith.addi %mul3A_2, %add3A_523 : i32
    %dma_start3A_525 = arith.constant 0 : i32
    %dma_start3A_526 = tpu.memref_slice %arg6[%add3A_524, %dma_start3A_525] : memref<204800x64xf32, #tpu.memory_space<hbm>> -> memref<640x64xf32, #tpu.memory_space<hbm>>
    %dma_start3A_527 = arith.constant 0 : i32
    %dma_start3A_528 = tpu.memref_slice %arg6[%add3A_524, %dma_start3A_527] : memref<204800x64xf32, #tpu.memory_space<hbm>> -> memref<640x64xf32, #tpu.memory_space<hbm>>
    tpu.enqueue_dma source(%arg12 : memref<640x64xf32, #tpu.memory_space<vmem>>) target(%dma_start3A_528 : memref<640x64xf32, #tpu.memory_space<hbm>>) target_semaphore(%arg21 : memref<!tpu.dma_semaphore, #tpu.memory_space<semaphore_mem>>)
    %add3A_529 = arith.constant 4480 : i32
    %add3A_530 = arith.addi %mul3A_2, %add3A_529 : i32
    %dma_wait3A_531 = arith.constant 0 : i32
    %dma_wait3A_532 = tpu.memref_slice %arg6[%add3A_530, %dma_wait3A_531] : memref<204800x64xf32, #tpu.memory_space<hbm>> -> memref<640x64xf32, #tpu.memory_space<hbm>>
    %dma_wait3A_533 = arith.constant 0 : i32
    %dma_wait3A_534 = tpu.memref_slice %arg6[%add3A_530, %dma_wait3A_533] : memref<204800x64xf32, #tpu.memory_space<hbm>> -> memref<640x64xf32, #tpu.memory_space<hbm>>
    tpu.wait_dma2 semaphore(%arg21 : memref<!tpu.dma_semaphore, #tpu.memory_space<semaphore_mem>>) src(%arg12 : memref<640x64xf32, #tpu.memory_space<vmem>>) dst(%dma_wait3A_534 : memref<640x64xf32, #tpu.memory_space<hbm>>)
    %add3A_535 = arith.constant 5760 : i32
    %add3A_536 = arith.addi %mul3A_2, %add3A_535 : i32
    "tpu.region"() ({
      %run_scoped3A = tpu.sem_alloc : memref<!tpu.dma_semaphore, #tpu.memory_space<semaphore_mem>>
      %dma_start3A_583 = tpu.memref_slice %arg2[%add3A_536] : memref<204800xi32, #tpu.memory_space<hbm>> -> memref<640xi32, #tpu.memory_space<hbm>>
      %dma_start3A_584 = tpu.memref_slice %arg2[%add3A_536] : memref<204800xi32, #tpu.memory_space<hbm>> -> memref<640xi32, #tpu.memory_space<hbm>>
      tpu.enqueue_dma source(%dma_start3A_584 : memref<640xi32, #tpu.memory_space<hbm>>) target(%arg8 : memref<640xi32, #tpu.memory_space<vmem>>) target_semaphore(%run_scoped3A : memref<!tpu.dma_semaphore, #tpu.memory_space<semaphore_mem>>)
      %dma_wait3A_585 = tpu.memref_slice %arg2[%add3A_536] : memref<204800xi32, #tpu.memory_space<hbm>> -> memref<640xi32, #tpu.memory_space<hbm>>
      %dma_wait3A_586 = tpu.memref_slice %arg2[%add3A_536] : memref<204800xi32, #tpu.memory_space<hbm>> -> memref<640xi32, #tpu.memory_space<hbm>>
      tpu.wait_dma2 semaphore(%run_scoped3A : memref<!tpu.dma_semaphore, #tpu.memory_space<semaphore_mem>>) src(%dma_wait3A_586 : memref<640xi32, #tpu.memory_space<hbm>>) dst(%arg8 : memref<640xi32, #tpu.memory_space<vmem>>)
      tpu.yield
    }) : () -> ()
    %dma_start3A_537 = arith.constant 0 : i32
    %dma_start3A_538 = arith.constant 0 : i32
    %dma_start3A_539 = tpu.memref_slice %arg3[%dma_start3A_537, %dma_start3A_538] : memref<1000000x64xf32, #tpu.memory_space<hbm>> -> memref<1000000x64xf32, #tpu.memory_space<hbm>>
    tpu.enqueue_indirect_dma source(%dma_start3A_539 : memref<1000000x64xf32, #tpu.memory_space<hbm>>) target(%arg12 : memref<640x64xf32, #tpu.memory_space<vmem>>) offsets(%arg8 : memref<640xi32, #tpu.memory_space<vmem>>) semaphore(%arg17 : memref<!tpu.dma_semaphore, #tpu.memory_space<semaphore_mem>>)
    %scan3A_540 = arith.constant 0 : i32
    %scan3A_541 = arith.constant 0 : i32
    %scan3A_542 = arith.constant 40 : i32
    %scan3A_543 = arith.addi %scan3A_541, %scan3A_542 : i32
    %scan3A_544 = arith.constant 1 : i32
    %scan3A_545 = scf.for %scan3A_583 = %scan3A_541 to %scan3A_543 step %scan3A_544 iter_args(%scan3A_584 = %scan3A_540) -> (i32)  : i32 {
      %mul3A_585 = arith.constant 16 : i32
      %mul3A_586 = arith.muli %scan3A_583, %mul3A_585 : i32
      %get3A_587 = arith.index_cast %mul3A_586 : i32 to index
      %get3A_588 = tpu.vector_load %arg8[%get3A_587] {strides = array<i32>} : memref<640xi32, #tpu.memory_space<vmem>>, vector<16xi32>,
      %get3A_589 = vector.shape_cast %get3A_588 : vector<16xi32> to vector<16xi32>
      %slice3A = vector.extract_strided_slice %get3A_589 {offsets = [0], sizes = [1], strides = [1]} : vector<16xi32> to vector<1xi32>
      %squeeze3A = vector.extract %slice3A[0] : i32 from vector<1xi32>
      %slice3A_590 = vector.extract_strided_slice %get3A_589 {offsets = [1], sizes = [1], strides = [1]} : vector<16xi32> to vector<1xi32>
      %squeeze3A_591 = vector.extract %slice3A_590[0] : i32 from vector<1xi32>
      %broadcast_in_dim3A = vector.broadcast %squeeze3A : i32 to vector<16xi32>
      %broadcast_in_dim3A_592 = vector.broadcast %squeeze3A_591 : i32 to vector<16xi32>
      %select_n3A_593 = arith.select %lt3A_259, %broadcast_in_dim3A, %broadcast_in_dim3A_592 : vector<16xi1>, vector<16xi32>
      %mul3A_594 = arith.constant 8 : i32
      %mul3A_595 = vector.broadcast %mul3A_594 : i32 to vector<16xi32>
      %mul3A_596 = arith.muli %select_n3A_593, %mul3A_595 : vector<16xi32>
      %add3A_597 = arith.addi %mul3A_596, %select_n3A_275 : vector<16xi32>
      %mul3A_598 = arith.constant 16 : i32
      %mul3A_599 = arith.muli %scan3A_583, %mul3A_598 : i32
      %mul3A_600 = arith.constant 8 : i32
      %mul3A_601 = arith.muli %mul3A_599, %mul3A_600 : i32
      %add3A_602 = arith.constant 0 : i32
      %add3A_603 = arith.addi %mul3A_601, %add3A_602 : i32
      %swap3A = arith.index_cast %add3A_603 : i32 to index
      %swap3A_604 = tpu.vector_load %arg10[%swap3A] {strides = array<i32>} : memref<5120xi32, #tpu.memory_space<vmem>>, vector<16xi32>,
      %swap3A_605 = vector.shape_cast %swap3A_604 : vector<16xi32> to vector<16xi32>
      %swap3A_606 = vector.shape_cast %add3A_597 : vector<16xi32> to vector<16xi32>
      tpu.vector_store %arg10[%swap3A], %swap3A_606 {strides = array<i32>} : memref<5120xi32, #tpu.memory_space<vmem>>, vector<16xi32>,
      %slice3A_607 = vector.extract_strided_slice %get3A_589 {offsets = [2], sizes = [1], strides = [1]} : vector<16xi32> to vector<1xi32>
      %squeeze3A_608 = vector.extract %slice3A_607[0] : i32 from vector<1xi32>
      %slice3A_609 = vector.extract_strided_slice %get3A_589 {offsets = [3], sizes = [1], strides = [1]} : vector<16xi32> to vector<1xi32>
      %squeeze3A_610 = vector.extract %slice3A_609[0] : i32 from vector<1xi32>
      %broadcast_in_dim3A_611 = vector.broadcast %squeeze3A_608 : i32 to vector<16xi32>
      %broadcast_in_dim3A_612 = vector.broadcast %squeeze3A_610 : i32 to vector<16xi32>
      %select_n3A_613 = arith.select %lt3A_259, %broadcast_in_dim3A_611, %broadcast_in_dim3A_612 : vector<16xi1>, vector<16xi32>
      %mul3A_614 = arith.constant 8 : i32
      %mul3A_615 = vector.broadcast %mul3A_614 : i32 to vector<16xi32>
      %mul3A_616 = arith.muli %select_n3A_613, %mul3A_615 : vector<16xi32>
      %add3A_617 = arith.addi %mul3A_616, %select_n3A_275 : vector<16xi32>
      %mul3A_618 = arith.constant 16 : i32
      %mul3A_619 = arith.muli %scan3A_583, %mul3A_618 : i32
      %mul3A_620 = arith.constant 8 : i32
      %mul3A_621 = arith.muli %mul3A_619, %mul3A_620 : i32
      %add3A_622 = arith.constant 16 : i32
      %add3A_623 = arith.addi %mul3A_621, %add3A_622 : i32
      %swap3A_624 = arith.index_cast %add3A_623 : i32 to index
      %swap3A_625 = tpu.vector_load %arg10[%swap3A_624] {strides = array<i32>} : memref<5120xi32, #tpu.memory_space<vmem>>, vector<16xi32>,
      %swap3A_626 = vector.shape_cast %swap3A_625 : vector<16xi32> to vector<16xi32>
      %swap3A_627 = vector.shape_cast %add3A_617 : vector<16xi32> to vector<16xi32>
      tpu.vector_store %arg10[%swap3A_624], %swap3A_627 {strides = array<i32>} : memref<5120xi32, #tpu.memory_space<vmem>>, vector<16xi32>,
      %slice3A_628 = vector.extract_strided_slice %get3A_589 {offsets = [4], sizes = [1], strides = [1]} : vector<16xi32> to vector<1xi32>
      %squeeze3A_629 = vector.extract %slice3A_628[0] : i32 from vector<1xi32>
      %slice3A_630 = vector.extract_strided_slice %get3A_589 {offsets = [5], sizes = [1], strides = [1]} : vector<16xi32> to vector<1xi32>
      %squeeze3A_631 = vector.extract %slice3A_630[0] : i32 from vector<1xi32>
      %broadcast_in_dim3A_632 = vector.broadcast %squeeze3A_629 : i32 to vector<16xi32>
      %broadcast_in_dim3A_633 = vector.broadcast %squeeze3A_631 : i32 to vector<16xi32>
      %select_n3A_634 = arith.select %lt3A_259, %broadcast_in_dim3A_632, %broadcast_in_dim3A_633 : vector<16xi1>, vector<16xi32>
      %mul3A_635 = arith.constant 8 : i32
      %mul3A_636 = vector.broadcast %mul3A_635 : i32 to vector<16xi32>
      %mul3A_637 = arith.muli %select_n3A_634, %mul3A_636 : vector<16xi32>
      %add3A_638 = arith.addi %mul3A_637, %select_n3A_275 : vector<16xi32>
      %mul3A_639 = arith.constant 16 : i32
      %mul3A_640 = arith.muli %scan3A_583, %mul3A_639 : i32
      %mul3A_641 = arith.constant 8 : i32
      %mul3A_642 = arith.muli %mul3A_640, %mul3A_641 : i32
      %add3A_643 = arith.constant 32 : i32
      %add3A_644 = arith.addi %mul3A_642, %add3A_643 : i32
      %swap3A_645 = arith.index_cast %add3A_644 : i32 to index
      %swap3A_646 = tpu.vector_load %arg10[%swap3A_645] {strides = array<i32>} : memref<5120xi32, #tpu.memory_space<vmem>>, vector<16xi32>,
      %swap3A_647 = vector.shape_cast %swap3A_646 : vector<16xi32> to vector<16xi32>
      %swap3A_648 = vector.shape_cast %add3A_638 : vector<16xi32> to vector<16xi32>
      tpu.vector_store %arg10[%swap3A_645], %swap3A_648 {strides = array<i32>} : memref<5120xi32, #tpu.memory_space<vmem>>, vector<16xi32>,
      %slice3A_649 = vector.extract_strided_slice %get3A_589 {offsets = [6], sizes = [1], strides = [1]} : vector<16xi32> to vector<1xi32>
      %squeeze3A_650 = vector.extract %slice3A_649[0] : i32 from vector<1xi32>
      %slice3A_651 = vector.extract_strided_slice %get3A_589 {offsets = [7], sizes = [1], strides = [1]} : vector<16xi32> to vector<1xi32>
      %squeeze3A_652 = vector.extract %slice3A_651[0] : i32 from vector<1xi32>
      %broadcast_in_dim3A_653 = vector.broadcast %squeeze3A_650 : i32 to vector<16xi32>
      %broadcast_in_dim3A_654 = vector.broadcast %squeeze3A_652 : i32 to vector<16xi32>
      %select_n3A_655 = arith.select %lt3A_259, %broadcast_in_dim3A_653, %broadcast_in_dim3A_654 : vector<16xi1>, vector<16xi32>
      %mul3A_656 = arith.constant 8 : i32
      %mul3A_657 = vector.broadcast %mul3A_656 : i32 to vector<16xi32>
      %mul3A_658 = arith.muli %select_n3A_655, %mul3A_657 : vector<16xi32>
      %add3A_659 = arith.addi %mul3A_658, %select_n3A_275 : vector<16xi32>
      %mul3A_660 = arith.constant 16 : i32
      %mul3A_661 = arith.muli %scan3A_583, %mul3A_660 : i32
      %mul3A_662 = arith.constant 8 : i32
      %mul3A_663 = arith.muli %mul3A_661, %mul3A_662 : i32
      %add3A_664 = arith.constant 48 : i32
      %add3A_665 = arith.addi %mul3A_663, %add3A_664 : i32
      %swap3A_666 = arith.index_cast %add3A_665 : i32 to index
      %swap3A_667 = tpu.vector_load %arg10[%swap3A_666] {strides = array<i32>} : memref<5120xi32, #tpu.memory_space<vmem>>, vector<16xi32>,
      %swap3A_668 = vector.shape_cast %swap3A_667 : vector<16xi32> to vector<16xi32>
      %swap3A_669 = vector.shape_cast %add3A_659 : vector<16xi32> to vector<16xi32>
      tpu.vector_store %arg10[%swap3A_666], %swap3A_669 {strides = array<i32>} : memref<5120xi32, #tpu.memory_space<vmem>>, vector<16xi32>,
      %slice3A_670 = vector.extract_strided_slice %get3A_589 {offsets = [8], sizes = [1], strides = [1]} : vector<16xi32> to vector<1xi32>
      %squeeze3A_671 = vector.extract %slice3A_670[0] : i32 from vector<1xi32>
      %slice3A_672 = vector.extract_strided_slice %get3A_589 {offsets = [9], sizes = [1], strides = [1]} : vector<16xi32> to vector<1xi32>
      %squeeze3A_673 = vector.extract %slice3A_672[0] : i32 from vector<1xi32>
      %broadcast_in_dim3A_674 = vector.broadcast %squeeze3A_671 : i32 to vector<16xi32>
      %broadcast_in_dim3A_675 = vector.broadcast %squeeze3A_673 : i32 to vector<16xi32>
      %select_n3A_676 = arith.select %lt3A_259, %broadcast_in_dim3A_674, %broadcast_in_dim3A_675 : vector<16xi1>, vector<16xi32>
      %mul3A_677 = arith.constant 8 : i32
      %mul3A_678 = vector.broadcast %mul3A_677 : i32 to vector<16xi32>
      %mul3A_679 = arith.muli %select_n3A_676, %mul3A_678 : vector<16xi32>
      %add3A_680 = arith.addi %mul3A_679, %select_n3A_275 : vector<16xi32>
      %mul3A_681 = arith.constant 16 : i32
      %mul3A_682 = arith.muli %scan3A_583, %mul3A_681 : i32
      %mul3A_683 = arith.constant 8 : i32
      %mul3A_684 = arith.muli %mul3A_682, %mul3A_683 : i32
      %add3A_685 = arith.constant 64 : i32
      %add3A_686 = arith.addi %mul3A_684, %add3A_685 : i32
      %swap3A_687 = arith.index_cast %add3A_686 : i32 to index
      %swap3A_688 = tpu.vector_load %arg10[%swap3A_687] {strides = array<i32>} : memref<5120xi32, #tpu.memory_space<vmem>>, vector<16xi32>,
      %swap3A_689 = vector.shape_cast %swap3A_688 : vector<16xi32> to vector<16xi32>
      %swap3A_690 = vector.shape_cast %add3A_680 : vector<16xi32> to vector<16xi32>
      tpu.vector_store %arg10[%swap3A_687], %swap3A_690 {strides = array<i32>} : memref<5120xi32, #tpu.memory_space<vmem>>, vector<16xi32>,
      %slice3A_691 = vector.extract_strided_slice %get3A_589 {offsets = [10], sizes = [1], strides = [1]} : vector<16xi32> to vector<1xi32>
      %squeeze3A_692 = vector.extract %slice3A_691[0] : i32 from vector<1xi32>
      %slice3A_693 = vector.extract_strided_slice %get3A_589 {offsets = [11], sizes = [1], strides = [1]} : vector<16xi32> to vector<1xi32>
      %squeeze3A_694 = vector.extract %slice3A_693[0] : i32 from vector<1xi32>
      %broadcast_in_dim3A_695 = vector.broadcast %squeeze3A_692 : i32 to vector<16xi32>
      %broadcast_in_dim3A_696 = vector.broadcast %squeeze3A_694 : i32 to vector<16xi32>
      %select_n3A_697 = arith.select %lt3A_259, %broadcast_in_dim3A_695, %broadcast_in_dim3A_696 : vector<16xi1>, vector<16xi32>
      %mul3A_698 = arith.constant 8 : i32
      %mul3A_699 = vector.broadcast %mul3A_698 : i32 to vector<16xi32>
      %mul3A_700 = arith.muli %select_n3A_697, %mul3A_699 : vector<16xi32>
      %add3A_701 = arith.addi %mul3A_700, %select_n3A_275 : vector<16xi32>
      %mul3A_702 = arith.constant 16 : i32
      %mul3A_703 = arith.muli %scan3A_583, %mul3A_702 : i32
      %mul3A_704 = arith.constant 8 : i32
      %mul3A_705 = arith.muli %mul3A_703, %mul3A_704 : i32
      %add3A_706 = arith.constant 80 : i32
      %add3A_707 = arith.addi %mul3A_705, %add3A_706 : i32
      %swap3A_708 = arith.index_cast %add3A_707 : i32 to index
      %swap3A_709 = tpu.vector_load %arg10[%swap3A_708] {strides = array<i32>} : memref<5120xi32, #tpu.memory_space<vmem>>, vector<16xi32>,
      %swap3A_710 = vector.shape_cast %swap3A_709 : vector<16xi32> to vector<16xi32>
      %swap3A_711 = vector.shape_cast %add3A_701 : vector<16xi32> to vector<16xi32>
      tpu.vector_store %arg10[%swap3A_708], %swap3A_711 {strides = array<i32>} : memref<5120xi32, #tpu.memory_space<vmem>>, vector<16xi32>,
      %slice3A_712 = vector.extract_strided_slice %get3A_589 {offsets = [12], sizes = [1], strides = [1]} : vector<16xi32> to vector<1xi32>
      %squeeze3A_713 = vector.extract %slice3A_712[0] : i32 from vector<1xi32>
      %slice3A_714 = vector.extract_strided_slice %get3A_589 {offsets = [13], sizes = [1], strides = [1]} : vector<16xi32> to vector<1xi32>
      %squeeze3A_715 = vector.extract %slice3A_714[0] : i32 from vector<1xi32>
      %broadcast_in_dim3A_716 = vector.broadcast %squeeze3A_713 : i32 to vector<16xi32>
      %broadcast_in_dim3A_717 = vector.broadcast %squeeze3A_715 : i32 to vector<16xi32>
      %select_n3A_718 = arith.select %lt3A_259, %broadcast_in_dim3A_716, %broadcast_in_dim3A_717 : vector<16xi1>, vector<16xi32>
      %mul3A_719 = arith.constant 8 : i32
      %mul3A_720 = vector.broadcast %mul3A_719 : i32 to vector<16xi32>
      %mul3A_721 = arith.muli %select_n3A_718, %mul3A_720 : vector<16xi32>
      %add3A_722 = arith.addi %mul3A_721, %select_n3A_275 : vector<16xi32>
      %mul3A_723 = arith.constant 16 : i32
      %mul3A_724 = arith.muli %scan3A_583, %mul3A_723 : i32
      %mul3A_725 = arith.constant 8 : i32
      %mul3A_726 = arith.muli %mul3A_724, %mul3A_725 : i32
      %add3A_727 = arith.constant 96 : i32
      %add3A_728 = arith.addi %mul3A_726, %add3A_727 : i32
      %swap3A_729 = arith.index_cast %add3A_728 : i32 to index
      %swap3A_730 = tpu.vector_load %arg10[%swap3A_729] {strides = array<i32>} : memref<5120xi32, #tpu.memory_space<vmem>>, vector<16xi32>,
      %swap3A_731 = vector.shape_cast %swap3A_730 : vector<16xi32> to vector<16xi32>
      %swap3A_732 = vector.shape_cast %add3A_722 : vector<16xi32> to vector<16xi32>
      tpu.vector_store %arg10[%swap3A_729], %swap3A_732 {strides = array<i32>} : memref<5120xi32, #tpu.memory_space<vmem>>, vector<16xi32>,
      %slice3A_733 = vector.extract_strided_slice %get3A_589 {offsets = [14], sizes = [1], strides = [1]} : vector<16xi32> to vector<1xi32>
      %squeeze3A_734 = vector.extract %slice3A_733[0] : i32 from vector<1xi32>
      %slice3A_735 = vector.extract_strided_slice %get3A_589 {offsets = [15], sizes = [1], strides = [1]} : vector<16xi32> to vector<1xi32>
      %squeeze3A_736 = vector.extract %slice3A_735[0] : i32 from vector<1xi32>
      %broadcast_in_dim3A_737 = vector.broadcast %squeeze3A_734 : i32 to vector<16xi32>
      %broadcast_in_dim3A_738 = vector.broadcast %squeeze3A_736 : i32 to vector<16xi32>
      %select_n3A_739 = arith.select %lt3A_259, %broadcast_in_dim3A_737, %broadcast_in_dim3A_738 : vector<16xi1>, vector<16xi32>
      %mul3A_740 = arith.constant 8 : i32
      %mul3A_741 = vector.broadcast %mul3A_740 : i32 to vector<16xi32>
      %mul3A_742 = arith.muli %select_n3A_739, %mul3A_741 : vector<16xi32>
      %add3A_743 = arith.addi %mul3A_742, %select_n3A_275 : vector<16xi32>
      %mul3A_744 = arith.constant 16 : i32
      %mul3A_745 = arith.muli %scan3A_583, %mul3A_744 : i32
      %mul3A_746 = arith.constant 8 : i32
      %mul3A_747 = arith.muli %mul3A_745, %mul3A_746 : i32
      %add3A_748 = arith.constant 112 : i32
      %add3A_749 = arith.addi %mul3A_747, %add3A_748 : i32
      %swap3A_750 = arith.index_cast %add3A_749 : i32 to index
      %swap3A_751 = tpu.vector_load %arg10[%swap3A_750] {strides = array<i32>} : memref<5120xi32, #tpu.memory_space<vmem>>, vector<16xi32>,
      %swap3A_752 = vector.shape_cast %swap3A_751 : vector<16xi32> to vector<16xi32>
      %swap3A_753 = vector.shape_cast %add3A_743 : vector<16xi32> to vector<16xi32>
      tpu.vector_store %arg10[%swap3A_750], %swap3A_753 {strides = array<i32>} : memref<5120xi32, #tpu.memory_space<vmem>>, vector<16xi32>,
      %scan3A_754 = arith.constant 0 : i32
      scf.yield %scan3A_754 : i32
    }
    %scan3A_546 = arith.constant 40 : i32
    %dma_start3A_547 = arith.constant 0 : i32
    %dma_start3A_548 = tpu.memref_slice %arg4[%dma_start3A_547] : memref<8000000xf32, #tpu.memory_space<hbm>> -> memref<8000000xf32, #tpu.memory_space<hbm>>
    tpu.enqueue_indirect_dma source(%dma_start3A_548 : memref<8000000xf32, #tpu.memory_space<hbm>>) target(%arg14 : memref<5120xf32, #tpu.memory_space<vmem>>) offsets(%arg10 : memref<5120xi32, #tpu.memory_space<vmem>>) semaphore(%arg19 : memref<!tpu.dma_semaphore, #tpu.memory_space<semaphore_mem>>)
    %dma_wait3A_549 = arith.constant 0 : i32
    %dma_wait3A_550 = arith.constant 0 : i32
    %dma_wait3A_551 = tpu.memref_slice %arg3[%dma_wait3A_549, %dma_wait3A_550] : memref<1000000x64xf32, #tpu.memory_space<hbm>> -> memref<1000000x64xf32, #tpu.memory_space<hbm>>
    tpu.wait_indirect_dma semaphore(%arg16 : memref<!tpu.dma_semaphore, #tpu.memory_space<semaphore_mem>>) src(%dma_wait3A_551 : memref<1000000x64xf32, #tpu.memory_space<hbm>>) dst(%arg11 : memref<640x64xf32, #tpu.memory_space<vmem>>)
    %dma_wait3A_552 = arith.constant 0 : i32
    %dma_wait3A_553 = tpu.memref_slice %arg4[%dma_wait3A_552] : memref<8000000xf32, #tpu.memory_space<hbm>> -> memref<8000000xf32, #tpu.memory_space<hbm>>
    tpu.wait_indirect_dma semaphore(%arg18 : memref<!tpu.dma_semaphore, #tpu.memory_space<semaphore_mem>>) src(%dma_wait3A_553 : memref<8000000xf32, #tpu.memory_space<hbm>>) dst(%arg13 : memref<5120xf32, #tpu.memory_space<vmem>>)
    %add3A_554 = arith.constant 5120 : i32
    %add3A_555 = arith.addi %mul3A_2, %add3A_554 : i32
    %dma_start3A_556 = arith.constant 0 : i32
    %dma_start3A_557 = tpu.memref_slice %arg6[%add3A_555, %dma_start3A_556] : memref<204800x64xf32, #tpu.memory_space<hbm>> -> memref<640x64xf32, #tpu.memory_space<hbm>>
    %dma_start3A_558 = arith.constant 0 : i32
    %dma_start3A_559 = tpu.memref_slice %arg6[%add3A_555, %dma_start3A_558] : memref<204800x64xf32, #tpu.memory_space<hbm>> -> memref<640x64xf32, #tpu.memory_space<hbm>>
    tpu.enqueue_dma source(%arg11 : memref<640x64xf32, #tpu.memory_space<vmem>>) target(%dma_start3A_559 : memref<640x64xf32, #tpu.memory_space<hbm>>) target_semaphore(%arg20 : memref<!tpu.dma_semaphore, #tpu.memory_space<semaphore_mem>>)
    %dma_wait3A_560 = arith.constant 0 : i32
    %dma_wait3A_561 = arith.constant 0 : i32
    %dma_wait3A_562 = tpu.memref_slice %arg3[%dma_wait3A_560, %dma_wait3A_561] : memref<1000000x64xf32, #tpu.memory_space<hbm>> -> memref<1000000x64xf32, #tpu.memory_space<hbm>>
    tpu.wait_indirect_dma semaphore(%arg17 : memref<!tpu.dma_semaphore, #tpu.memory_space<semaphore_mem>>) src(%dma_wait3A_562 : memref<1000000x64xf32, #tpu.memory_space<hbm>>) dst(%arg12 : memref<640x64xf32, #tpu.memory_space<vmem>>)
    %dma_wait3A_563 = arith.constant 0 : i32
    %dma_wait3A_564 = tpu.memref_slice %arg4[%dma_wait3A_563] : memref<8000000xf32, #tpu.memory_space<hbm>> -> memref<8000000xf32, #tpu.memory_space<hbm>>
    tpu.wait_indirect_dma semaphore(%arg19 : memref<!tpu.dma_semaphore, #tpu.memory_space<semaphore_mem>>) src(%dma_wait3A_564 : memref<8000000xf32, #tpu.memory_space<hbm>>) dst(%arg14 : memref<5120xf32, #tpu.memory_space<vmem>>)
    %add3A_565 = arith.constant 5760 : i32
    %add3A_566 = arith.addi %mul3A_2, %add3A_565 : i32
    %dma_start3A_567 = arith.constant 0 : i32
    %dma_start3A_568 = tpu.memref_slice %arg6[%add3A_566, %dma_start3A_567] : memref<204800x64xf32, #tpu.memory_space<hbm>> -> memref<640x64xf32, #tpu.memory_space<hbm>>
    %dma_start3A_569 = arith.constant 0 : i32
    %dma_start3A_570 = tpu.memref_slice %arg6[%add3A_566, %dma_start3A_569] : memref<204800x64xf32, #tpu.memory_space<hbm>> -> memref<640x64xf32, #tpu.memory_space<hbm>>
    tpu.enqueue_dma source(%arg12 : memref<640x64xf32, #tpu.memory_space<vmem>>) target(%dma_start3A_570 : memref<640x64xf32, #tpu.memory_space<hbm>>) target_semaphore(%arg21 : memref<!tpu.dma_semaphore, #tpu.memory_space<semaphore_mem>>)
    %add3A_571 = arith.constant 5120 : i32
    %add3A_572 = arith.addi %mul3A_2, %add3A_571 : i32
    %dma_wait3A_573 = arith.constant 0 : i32
    %dma_wait3A_574 = tpu.memref_slice %arg6[%add3A_572, %dma_wait3A_573] : memref<204800x64xf32, #tpu.memory_space<hbm>> -> memref<640x64xf32, #tpu.memory_space<hbm>>
    %dma_wait3A_575 = arith.constant 0 : i32
    %dma_wait3A_576 = tpu.memref_slice %arg6[%add3A_572, %dma_wait3A_575] : memref<204800x64xf32, #tpu.memory_space<hbm>> -> memref<640x64xf32, #tpu.memory_space<hbm>>
    tpu.wait_dma2 semaphore(%arg20 : memref<!tpu.dma_semaphore, #tpu.memory_space<semaphore_mem>>) src(%arg11 : memref<640x64xf32, #tpu.memory_space<vmem>>) dst(%dma_wait3A_576 : memref<640x64xf32, #tpu.memory_space<hbm>>)
    %add3A_577 = arith.constant 5760 : i32
    %add3A_578 = arith.addi %mul3A_2, %add3A_577 : i32
    %dma_wait3A_579 = arith.constant 0 : i32
    %dma_wait3A_580 = tpu.memref_slice %arg6[%add3A_578, %dma_wait3A_579] : memref<204800x64xf32, #tpu.memory_space<hbm>> -> memref<640x64xf32, #tpu.memory_space<hbm>>
    %dma_wait3A_581 = arith.constant 0 : i32
    %dma_wait3A_582 = tpu.memref_slice %arg6[%add3A_578, %dma_wait3A_581] : memref<204800x64xf32, #tpu.memory_space<hbm>> -> memref<640x64xf32, #tpu.memory_space<hbm>>
    tpu.wait_dma2 semaphore(%arg21 : memref<!tpu.dma_semaphore, #tpu.memory_space<semaphore_mem>>) src(%arg12 : memref<640x64xf32, #tpu.memory_space<vmem>>) dst(%dma_wait3A_582 : memref<640x64xf32, #tpu.memory_space<hbm>>)
    return
  }
}

</mosaic_0001>

<sc_bundles>
// kernel: kernel.3.cloned.1.call-start
scs
__scs_entry_jumppad:
0x0: {  	(pc) =	sbr.rel $0x88, $3  }
0x1: {  	(tag) =	ssettag $0x0;
	lr =	simm.s32 $0x1  }
0x2: {  	[smem:$0x3F9D] =	sst lr;
	_ =	strace $0xD0000000  }
0x3: {  	_ = 	snop  }
0x4: {  	_ = 	snop  }
0x5: {  	_ = 	snop  }
0x6: {  	_ = 	snop  }
0x7: {  	_ = 	snop  }
__scs_overlays_trampoline_lowered:
0x8: {  	[smem:$0x3FAC] =	sst s0  }
0x9: {  	[smem:$0x3FAD] =	sst s1  }
0xa: {  	[smem:$0x3FAE] =	sst s2  }
0xb: {  	[smem:$0x3FAF] =	sst s3  }
0xc: {  	[smem:$0x3FB0] =	sst s4  }
0xd: {  	[smem:$0x3FB1] =	sst s5  }
0xe: {  	[smem:$0x3FB2] =	sst s6  }
0xf: {  	[smem:$0x3FB3] =	sst s7  }
0x10: {  	[smem:$0x3FB4] =	sst s8  }
0x11: {  	[smem:$0x3FB5] =	sst s9;
	s0 =	simm.s32 @!p0 $0x0  }
0x12: {  	s1 =	sld [smem:$0x3F9B];
	s0 =	simm.s32 @p0 $0x1  }
0x13: {  	[smem:$0x3FB6] =	sst s0;
	s0 =	simm.s32 @!p1 $0x0  }
0x14: {  	s2 =	sld [smem:$0x3F9A];
	s0 =	simm.s32 @p1 $0x1  }
0x15: {  	[smem:$0x3FB7] =	sst s0;
	s0 =	simm.s32 @!p2 $0x0  }
0x16: {  	s3 =	sld [smem:$0x3FDB];
	s0 =	simm.s32 @p2 $0x1  }
0x17: {  	s4 =	simm.s32 $0x1BF5;
	[smem:$0x3FB9] =	sst s0  }
0x18: {  	s0 =	sld [smem:$0x3F9C];
	_ =	swait.ge [sflag:s4], $0x0  }
0x19: {  	s7 =	sld [smem:$0x3F9D]  }
0x1a: {  	s8 =	sadd.s32 $0xFFFFE003, lr  }
0x1b: {  	s9 =	sadd.s32 $0xFFFFFEF7, lr;
	s5 =	simm.s32 $0xFFFFFFFF;
	p2 =	slt.u32 s8, $0xFFFFF086  }
0x1c: {  	p1 =	slt.u32 s9, $0xF7A;
	s5 =	simm.s32 @!p2 $0x0  }
0x1d: {  	s5 =	simm.s32 @p1 $0x1;
	p0 =	seq.s32 s7, s2  }
0x1e: {  	s7 =	smul.u32 @!p0 $0xF7A, s2;
	p2 =	seq.s32 @!p0 s5, $0x0  }
0x1f: {  	s9 =	smul.u32 $0xF7A, s1;
	s8 =	simm.s32 @!p0 $0x1BF5;
	p2 =	por !p2, p0  }
0x20: {  	[sflag:s8] =	ssyncset.s32 @!p0 $0xFFFFF086;
	s6 =	sadd.s32 @!p0 s3, s7;
	s7 =	simm.s32 @!p0 $0x108  }
0x21: {  	s3 =	sadd.s32 s3, s9;
	s6 =	sadd.s32 @!p0 $0x88, s6;
	s7 =	simm.s32 @p2 $0x1082  }
0x22: {  	[simem:s7], [sflag:s8] =	dma.local @!p0 [hbm:s6], $0xF7A  }
0x23: {  	s9 =	sor.u32 $0xD0000000, s2;
	s6 =	simm.s32 $0x108;
	_ =	swait.ge @!p0 [sflag:s8], $0x0  }
0x24: {  	s3 =	sadd.s32 $0x88, s3;
	s6 =	simm.s32 @!p1 $0x1082;
	[sflag:s4] =	ssyncset.s32 $0xFFFFF086  }
0x25: {  	[simem:s6], [sflag:s4] =	dma.local [hbm:s3], $0xF7A  }
0x26: {  	[smem:$0x3F9D] =	sst s1;
	(tag) =	ssettag s2;
	_ =	strace s9  }
0x27: {  	s1 =	sld [smem:$0x3FAD]  }
0x28: {  	s2 =	sld [smem:$0x3FAE]  }
0x29: {  	s4 =	sld [smem:$0x3FB0]  }
0x2a: {  	p0 =	seq.s32 s5, $0x0;
	s5 =	sld [smem:$0x3FB1]  }
0x2b: {  	s6 =	sld [smem:$0x3FB2]  }
0x2c: {  	s7 =	sld [smem:$0x3FB3]  }
0x2d: {  	s3 =	simm.s32 $0x108;
	s8 =	sld [smem:$0x3FB4]  }
0x2e: {  	s3 =	simm.s32 @!p0 $0x1082;
	s9 =	sld [smem:$0x3FB5]  }
0x2f: {  	lr =	sadd.s32 s0, s3;
	s0 =	sld [smem:$0x3FAC]  }
0x30: {  	s3 =	sld [smem:$0x3FAF]  }
0x31: {  	[smem:$0x3FB8] =	sst s10  }
0x32: {  	s10 =	sld [smem:$0x3FB6];
	_ =	sdelay $0x3  }
0x33: {  	p0 =	seq.s32 s10, $0x1;
	s10 =	sld [smem:$0x3FB8];
	_ =	sdelay $0x3  }
0x34: {  	[smem:$0x3FB8] =	sst s10  }
0x35: {  	s10 =	sld [smem:$0x3FB7];
	_ =	sdelay $0x3  }
0x36: {  	p1 =	seq.s32 s10, $0x1;
	s10 =	sld [smem:$0x3FB8];
	_ =	sdelay $0x3  }
0x37: {  	[smem:$0x3FB8] =	sst s10  }
0x38: {  	s10 =	sld [smem:$0x3FB9]  }
0x39: {  	_ = 	snop;
	(pc) =	sbr.ind lr, $3  }
0x3a: {  	_ = 	snop  }
0x3b: {  	_ = 	snop  }
0x3c: {  	p2 =	seq.s32 s10, $0x1;
	s10 =	sld [smem:$0x3FB8]  }
0x3d: {  	_ =	shalt  }
0x3e: {  	_ =	shalt  }
0x3f: {  	_ =	shalt  }
0x40: {  	_ =	shalt  }
0x41: {  	_ =	shalt  }
0x42: {  	_ =	shalt  }
0x43: {  	_ =	shalt  }
0x44: {  	_ =	shalt  }
0x45: {  	_ =	shalt  }
0x46: {  	_ =	shalt  }
0x47: {  	_ =	shalt  }
0x48: {  	_ =	shalt  }
0x49: {  	_ =	shalt  }
0x4a: {  	_ =	shalt  }
0x4b: {  	_ =	shalt  }
0x4c: {  	_ =	shalt  }
0x4d: {  	_ =	shalt  }
0x4e: {  	_ =	shalt  }
0x4f: {  	_ =	shalt  }
0x50: {  	_ =	shalt  }
0x51: {  	_ =	shalt  }
0x52: {  	_ =	shalt  }
0x53: {  	_ =	shalt  }
0x54: {  	_ =	shalt  }
0x55: {  	_ =	shalt  }
0x56: {  	_ =	shalt  }
0x57: {  	_ =	shalt  }
0x58: {  	_ =	shalt  }
0x59: {  	_ =	shalt  }
0x5a: {  	_ =	shalt  }
0x5b: {  	_ =	shalt  }
0x5c: {  	_ =	shalt  }
0x5d: {  	_ =	shalt  }
0x5e: {  	_ =	shalt  }
0x5f: {  	_ =	shalt  }
0x60: {  	_ =	shalt  }
0x61: {  	_ =	shalt  }
0x62: {  	_ =	shalt  }
0x63: {  	_ =	shalt  }
0x64: {  	_ =	shalt  }
0x65: {  	_ =	shalt  }
0x66: {  	_ =	shalt  }
0x67: {  	_ =	shalt  }
0x68: {  	_ =	shalt  }
0x69: {  	_ =	shalt  }
0x6a: {  	_ =	shalt  }
0x6b: {  	_ =	shalt  }
0x6c: {  	_ =	shalt  }
0x6d: {  	_ =	shalt  }
0x6e: {  	_ =	shalt  }
0x6f: {  	_ =	shalt  }
0x70: {  	_ =	shalt  }
0x71: {  	_ =	shalt  }
0x72: {  	_ =	shalt  }
0x73: {  	_ =	shalt  }
0x74: {  	_ =	shalt  }
0x75: {  	_ =	shalt  }
0x76: {  	_ =	shalt  }
0x77: {  	_ =	shalt  }
0x78: {  	_ =	shalt  }
0x79: {  	_ =	shalt  }
0x7a: {  	_ =	shalt  }
0x7b: {  	_ =	shalt  }
0x7c: {  	_ =	shalt  }
0x7d: {  	_ =	shalt  }
0x7e: {  	_ =	shalt  }
0x7f: {  	_ =	shalt  }
0x80: {  	_ =	shalt  }
0x81: {  	_ =	shalt  }
0x82: {  	_ =	shalt  }
0x83: {  	_ =	shalt  }
0x84: {  	_ =	shalt  }
0x85: {  	_ =	shalt  }
0x86: {  	_ =	shalt  }
0x87: {  	_ =	shalt  }
.Lfunc_end0:
.L_simem_size_0:
called_computation.1_lowered:
.L_overlay_start_0:
0x88: {  	s2 =	sld [smem:$0x3FD9]  }
0x89: {  	s3 =	sld [smem:$0x3FFE];
	_ =	sdelay $0x1  }
0x8a: {  	s1 =	srdreg.scid  }
0x8b: {  	s0 =	sand.u32 $0x1, s1  }
0x8c: {  	s17 =	sshll.u32 s0, $0xA;
	s2 =	sadd.s32 s3, s2  }
0x8d: {  	s2 =	sadd.s32 s2, s17  }
0x8e: {  	[smem:$0x3FC4] =	sst s2  }
0x8f: {  	_ = 	snop  }
0x90: {  	s2 =	sld [smem:$0x3FD0];
	(tm) =	ssettm $0x1  }
0x91: {  	s18 =	sld [smem:$0x3FFB];
	_ =	sdelay $0x3  }
0x92: {  	_ =	strace s18  }
0x93: {  	s3 =	sld [smem:$0x3FFC];
	_ =	sdelay $0x3  }
0x94: {  	_ =	strace s3  }
0x95: {  	s3 =	sld [smem:$0x3FFD];
	_ =	sdelay $0x3  }
0x96: {  	_ =	strace s3  }
0x97: {  	_ =	strace $0x8FFFFFFF  }
0x98: {  	s19 =	sld [smem:$0x3FDB];
	_ =	sdelay $0x1  }
0x99: {  	s4 =	simm.s32 $_scs_section_size  }
0x9a: {  	s5 =	simm.s32 $_size__tile_overlayer_lowered;
	s6 =	simm.s32 $_tile_overlayer_lowered  }
0x9b: {  	s22 =	simm.s32 $0x1BFF;
	s21 =	sshll.u32 s6, $0x1;
	s3 =	sadd.s32 s4, s19  }
0x9c: {  	s7 =	simm.s32 $0x0;
	s20 =	sshll.u32 s5, $0x1;
	s5 =	sadd.s32 s21, s3  }
0x9d: {  	[timem:s7], [sflag:s22] =	dma.local [hbm:s5], s20  }
0x9e: {  	_ =	swait.ge [sflag:s22], s20  }
0x9f: {  	s4 =	ssub.s32 $0x0, s20;
	[sflag:s22] =	ssyncset.done $0x0  }
0xa0: {  	[sflag:s22] =	ssyncadd.s32 s4;
	_ =	sdelay $0x1  }
0xa1: {  	s23 =	simm.s32 $0x1B8B  }
0xa2: {  	_ =	swait.ge [sflag:s23], $0x1  }
0xa3: {  	[sflag:s23] =	ssyncset.done $0x0  }
0xa4: {  	s25 =	simm.s32 $0x1B8E;
	s24 =	sld [smem:$0x3FFE];
	[sflag:s23] =	ssyncadd.s32 $0xFFFFFFFF  }
0xa5: {  	s26 =	simm.s32 $execute0_lowered;
	[smem:$0x3FD2] =	sst s25  }
0xa6: {  	s5 =	sshll.u32 s26, $0x1;
	_ =	strace $0x80000046;
	[dreg:$0x1] =	wrdreg $0xFFFFFFFF  }
0xa7: {  	s28 =	simm.s32 $_size_execute0_lowered;
	s3 =	sadd.s32 s3, s5;
	[dreg:$0x0] =	wrdreg $0x0  }
0xa8: {  	s5 =	sshll.u32 s28, $0x1;
	[dreg:$0x2] =	wrdreg s3  }
0xa9: {  	[dreg:$0x3] =	wrdreg s5  }
0xaa: {  	[dreg:$0x4] =	wrdreg $0xC0  }
0xab: {  	_ =	task [dreg:s7], $0x5FFFF  }
0xac: {  	[dreg:$0x1] =	wrdreg $0xFFFFFFFF  }
0xad: {  	[dreg:$0x0] =	wrdreg $0x60  }
0xae: {  	[dreg:$0x2] =	wrdreg s24  }
0xaf: {  	[dreg:$0x3] =	wrdreg s2  }
0xb0: {  	[dreg:$0x4] =	wrdreg $0x9  }
0xb1: {  	_ =	task.clear_ibuf [dreg:s7], $0x5FFFF;
	_ =	strace $0x90000046  }
0xb2: {  	s29 =	simm.s32 $0x9;
	_ =	strace $0x80000048  }
0xb3: {  	_ =	swait.ge [sflag:s29], $0x1  }
0xb4: {  	[sflag:s29] =	ssyncadd.s32 $0xFFFFFFFF  }
0xb5: {  	_ =	strace $0x90000048  }
0xb6: {  	_ =	sfence  }
0xb7: {  	s30 =	sld [smem:$0x0];
	_ =	sdelay $0x2  }
0xb8: {  	s31 =	sshll.u32 s1, $0xD;
	s1 =	sshrl.u32 s1, $0x2  }
0xb9: {  	s3 =	sand.u32 $0x4000, s31;
	s1 =	sadd.s32 s1, s30  }
0xba: {  	s0 =	sor.u32 s3, s0;
	s1 =	sshll.u32 s1, $0x11  }
0xbb: {  	s0 =	sor.u32 s1, s0  }
0xbc: {  	s0 =	sadd.s32 $0x8F2B, s0  }
0xbd: {  	[sflag:s0] =	ssyncadd.remote.s32 $0x1  }
0xbe: {  	_ =	sfence.sel $0xFFFF  }
0xbf: {  	[dreg:$0x0] =	wrdreg $0xFFFFFFFF;
	(pc) =	sbr.abs _section_cstart, $3  }
0xc0: {  	[dreg:$0x1] =	wrdreg $0xFFFFFFFF  }
0xc1: {  	_ =	task.clear_ibuf [dreg:s7], $0x2FFFF;
	_ =	strace $0x9FFFFFFF  }
0xc2: {  	(tm) =	ssettm $0x7FFFFFFF  }
0xc3: {  	_ =	shalt  }
tec
execute0_lowered:
.L_overlay_start_1:
0x0: {  	(tag) =	ssettag $0x1  }
0x1: {  	s0 =	rddreg [dreg:$0x0];
	s1 =	srdreg.scid  }
0x2: {  	s2 =	stileid.u32;
	s3 =	rddreg [dreg:$0x1]  }
0x3: {  	s29 =	simm.s32 $0x7;
	s30 =	simm.s32 $0x280;
	s31 =	simm.s32 $0x2D00  }
0x4: {  	s28 =	simm.s32 $0x16D00;
	s1 =	sand.u32 $0x1, s1;
	s2 =	sshll.u32 s2, $0x1  }
0x5: {  	s6 =	sadd.s32 $0xE00, s0;
	s4 =	sor.u32 s1, s2;
	s1 =	ssub.s32 $0x2, s1  }
0x6: {  	s2 =	simm.s32 $0x0;
	s5 =	smul.u32 $0x1900, s4;
	s7 =	sshrl.u32 s1, $0x1  }
0x7: {  	[smem:$0x7FF] =	sst s2;
	s4 =	smul.u32 $0xC800, s4;
	s1 =	ssub.s32 s1, s7  }
0x8: {  	s17 =	sshrl.u32 s5, $0x3;
	s8 =	sadd.s32 $0x280, s5;
	s9 =	sadd.s32 $0x500, s5  }
0x9: {  	s10 =	sadd.s32 $0x780, s5;
	s21 =	sadd.s32 $0xA00, s5;
	s11 =	sadd.s32 $0xC80, s5  }
0xa: {  	s14 =	sadd.s32 $0xF00, s5;
	s24 =	sadd.s32 $0x1180, s5;
	s25 =	sadd.s32 $0x1400, s5  }
0xb: {  	s5 =	sadd.s32 $0x1680, s5;
	s4 =	sadd.s32 s3, s4;
	s7 =	sadd.s32 s6, s17  }
0xc: {  	s18 =	sshrl.u32 s8, $0x3;
	s19 =	sshrl.u32 s9, $0x3;
	s20 =	sshrl.u32 s10, $0x3  }
0xd: {  	s12 =	sshrl.u32 s21, $0x3;
	s13 =	sshrl.u32 s11, $0x3;
	s23 =	sshrl.u32 s14, $0x3  }
0xe: {  	s15 =	sshrl.u32 s24, $0x3;
	s16 =	sshrl.u32 s25, $0x3;
	s17 =	sshll.u32 s8, $0x3  }
0xf: {  	s21 =	sshll.u32 s21, $0x3;
	s24 =	sshll.u32 s24, $0x3;
	s25 =	sshll.u32 s25, $0x3  }
0x10: {  	s8 =	simm.s32 $0x5;
	[dreg:$0x3] =	wrdreg s7;
	s7 =	sadd.s32 s6, s18  }
0x11: {  	s12 =	sadd.s32 s6, s12;
	s22 =	sadd.s32 s6, s13;
	s15 =	sadd.s32 s6, s15  }
0x12: {  	s26 =	sadd.s32 s6, s16;
	s16 =	sshrl.u32 s5, $0x3;
	[dreg:$0x4] =	wrdreg s7  }
0x13: {  	s18 =	sadd.s32 s3, s17;
	s17 =	sadd.s32 s3, s21;
	[dreg:$0x7] =	wrdreg s12  }
0x14: {  	s21 =	sadd.s32 s3, s25;
	s25 =	sadd.s32 $0x7200, s0;
	[dreg:$0x8] =	wrdreg s22  }
0x15: {  	s7 =	sadd.s32 s6, s19;
	s12 =	sadd.s32 s6, s23;
	[dreg:$0xa] =	wrdreg s15  }
0x16: {  	[dreg:$0xb] =	wrdreg s26;
	s19 =	sshll.u32 s9, $0x3;
	s22 =	sshll.u32 s11, $0x3  }
0x17: {  	s23 =	sshll.u32 s14, $0x3;
	s26 =	sshll.u32 s5, $0x3;
	s5 =	simm.s32 $0x18100  }
0x18: {  	s9 =	simm.s32 $0x2;
	s11 =	simm.s32 $0x6;
	[dreg:$0x5] =	wrdreg s7  }
0x19: {  	s7 =	sadd.s32 s6, s20;
	[dreg:$0x9] =	wrdreg s12;
	s6 =	sadd.s32 s6, s16  }
0x1a: {  	s20 =	sshll.u32 s10, $0x3;
	s10 =	simm.s32 $0x4;
	[dreg:$0x6] =	wrdreg s7  }
0x1b: {  	s12 =	simm.s32 $0x0;
	[dreg:$0xc] =	wrdreg s6;
	s16 =	sadd.s32 s3, s20  }
0x1c: {  	s20 =	sadd.s32 s3, s24;
	s24 =	sadd.s32 $0x16E4400, s0;
	s6 =	simm.s32 $0x1  }
0x1d: {  	s7 =	simm.s32 $0x3;
	_ =	strace $0x80000047;
	[dreg:$0xd] =	wrdreg s4  }
0x1e: {  	[dreg:$0xe] =	wrdreg s18;
	s4 =	sadd.s32 s3, s19;
	s18 =	sadd.s32 s3, s22  }
0x1f: {  	s19 =	sadd.s32 s3, s23;
	s22 =	sadd.s32 $0xF43200, s0;
	s23 =	sadd.s32 s3, s26  }
0x20: {  	v0 =	vlaneseq.u32;
	s26 =	smax.u32 s1, $0x1;
	s1 =	simm.s32 $0x1400;
	s0 =	simm.s32 $0x500  }
0x21: {  	vm0 =	vmmov $0xff;
	v0 =	vand.u32 $0x7, v0;
	s3 =	simm.s32 $0xCD00;
	[dreg:$0xf] =	wrdreg s4;
	s4 =	simm.s32 $0x1900  }
.LBB2_1:
0x22: {  	s13 =	simm.s32 $0x19500  }
0x23: {  	[tilespmem:s13], [sflag:$0x7] =	stream.linear.gather [hbm4b:s25+s2], $0x200, $0x38;
	[tilespmem:$0x19700] =	vst v63  }
0x24: {  	_ =	swait.ge [sflag:s29], $0x200  }
0x25: {  	[sflag:s29] =	ssyncset.done $0x0  }
0x26: {  	s14 =	rddreg [dreg:$0x3];
	[sflag:s29] =	ssyncadd.s32 $0xFFFFFE00  }
0x27: {  	[tilespmem:s2], [sflag:$0x7] =	stream.linear.gather [hbm4b:s14+s2], $0x280, $0x38;
	[tilespmem:$0x19700] =	vst v63  }
0x28: {  	_ =	swait.ge [sflag:s29], $0x280  }
0x29: {  	[sflag:s29] =	ssyncset.done $0x0  }
0x2a: {  	s15 =	simm.s32 $0x0;
	[sflag:s29] =	ssyncadd.s32 $0xFFFFFD80  }
0x2b: {  	[tilespmem:s31], [sflag:$0x1] =	stream.indirect.gather [hbm4b:s22+s30], $0x40, s2, s30, $0xb8;
	[tilespmem:$0x19700] =	vst v63  }
0x2c: {  	v1 =	vld [tilespmem:s15+$0x0];
	_ =	sdelay $0x4  }
0x2d: {  	v2 =	vbroadcast v1, $0x0  }
0x2e: {  	v3 =	vbroadcast v1, $0x1;
	v4 =	vbroadcast v1, $0x2  }
0x2f: {  	v5 =	vbroadcast v1, $0x3;
	v6 =	vbroadcast v1, $0x5  }
0x30: {  	v55 =	vbroadcast v1, $0x6;
	v56 =	vbroadcast v1, $0x7  }
0x31: {  	v7 =	vbroadcast v1, $0x8;
	v8 =	vbroadcast v1, $0x9  }
0x32: {  	v57 =	vbroadcast v1, $0xA;
	v9 =	vbroadcast v1, $0xB  }
0x33: {  	v59 =	vbroadcast v1, $0xC;
	v61 =	vbroadcast v1, $0xD  }
0x34: {  	v62 =	vbroadcast v1, $0xE;
	v2 =	vsel vm0, v2, v3;
	v3 =	vbroadcast v1, $0x4  }
0x35: {  	v4 =	vsel vm0, v4, v5;
	v1 =	vbroadcast v1, $0xF;
	v2 =	vshll.u32 v2, $0x3  }
0x36: {  	s13 =	simm.s32 $0x540;
	v4 =	vshll.u32 v4, $0x3;
	v2 =	vor.u32 v0, v2;
	v3 =	vsel vm0, v3, v6  }
0x37: {  	v5 =	vsel vm0, v55, v56;
	v4 =	vor.u32 v0, v4;
	v3 =	vshll.u32 v3, $0x3;
	[tilespmem:s13+$0xFFFFFFC0] =	vst v2  }
0x38: {  	v1 =	vsel vm0, v62, v1;
	v2 =	vshll.u32 v5, $0x3;
	[tilespmem:s13+$0xFFFFFFD0] =	vst v4;
	v3 =	vor.u32 v0, v3  }
0x39: {  	v58 =	vsel vm0, v7, v8;
	v1 =	vshll.u32 v1, $0x3;
	v2 =	vor.u32 v0, v2;
	[tilespmem:s13+$0xFFFFFFE0] =	vst v3  }
0x3a: {  	v60 =	vshll.u32 v58, $0x3;
	v1 =	vor.u32 v0, v1;
	v3 =	vsel vm0, v57, v9;
	[tilespmem:s13+$0xFFFFFFF0] =	vst v2  }
0x3b: {  	v63 =	vsel vm0, v59, v61;
	v2 =	vor.u32 v0, v60;
	[tilespmem:s13+$0x30] =	vst v1;
	v3 =	vshll.u32 v3, $0x3  }
0x3c: {  	[tilespmem:s13+$0x0] =	vst v2;
	v2 =	vor.u32 v0, v3;
	v3 =	vshll.u32 v63, $0x3  }
0x3d: {  	[tilespmem:s13+$0x10] =	vst v2;
	v2 =	vor.u32 v0, v3  }
0x3e: {  	s14 =	simm.s32 $0x80;
	s15 =	simm.s32 $0x10;
	[tilespmem:s13+$0x20] =	vst v2  }
.LBB2_2:
0x3f: {  	p0 =	sne.s32 s14, $0x9C0;
	v1 =	vld [tilespmem:s15+$0x0];
	_ =	sdelay $0x4  }
0x40: {  	v2 =	vbroadcast v1, $0x0;
	v3 =	vbroadcast v1, $0x1  }
0x41: {  	v4 =	vbroadcast v1, $0x2;
	v5 =	vbroadcast v1, $0x3  }
0x42: {  	v6 =	vbroadcast v1, $0x5;
	v2 =	vsel vm0, v2, v3;
	v3 =	vbroadcast v1, $0x4  }
0x43: {  	v4 =	vsel vm0, v4, v5;
	v5 =	vbroadcast v1, $0x6;
	v2 =	vshll.u32 v2, $0x3  }
0x44: {  	s13 =	sadd.s32 $0x80, s13;
	v4 =	vshll.u32 v4, $0x3;
	v2 =	vor.u32 v0, v2;
	v3 =	vsel vm0, v3, v6  }
0x45: {  	[tilespmem:s13+$0xFFFFFFC0] =	vst v2;
	v2 =	vor.u32 v0, v4;
	v3 =	vshll.u32 v3, $0x3;
	v4 =	vbroadcast v1, $0x7  }
0x46: {  	v6 =	vbroadcast v1, $0x9;
	[tilespmem:s13+$0xFFFFFFD0] =	vst v2;
	v2 =	vor.u32 v0, v3;
	v3 =	vbroadcast v1, $0x8  }
0x47: {  	[tilespmem:s13+$0xFFFFFFE0] =	vst v2;
	v2 =	vsel vm0, v5, v4;
	v4 =	vbroadcast v1, $0xA;
	v5 =	vbroadcast v1, $0xB  }
0x48: {  	v2 =	vshll.u32 v2, $0x3;
	v3 =	vsel vm0, v3, v6;
	v6 =	vbroadcast v1, $0xC  }
0x49: {  	v2 =	vor.u32 v0, v2;
	v3 =	vshll.u32 v3, $0x3;
	v4 =	vsel vm0, v4, v5  }
0x4a: {  	[tilespmem:s13+$0xFFFFFFF0] =	vst v2;
	v2 =	vor.u32 v0, v3;
	v3 =	vshll.u32 v4, $0x3;
	v4 =	vbroadcast v1, $0xD  }
0x4b: {  	[tilespmem:s13+$0x0] =	vst v2;
	v2 =	vor.u32 v0, v3;
	v3 =	vbroadcast v1, $0xE;
	v1 =	vbroadcast v1, $0xF  }
.Ltmp0:
0x4c: {  	[tilespmem:s13+$0x10] =	vst v2;
	v2 =	vsel vm0, v6, v4;
	(pc) =	sbr.rel @p0 .LBB2_2-.Ltmp0, $4  }
0x4d: {  	v2 =	vshll.u32 v2, $0x3;
	v1 =	vsel vm0, v3, v1  }
0x4e: {  	v2 =	vor.u32 v0, v2;
	v1 =	vshll.u32 v1, $0x3  }
0x4f: {  	[tilespmem:s13+$0x20] =	vst v2;
	v1 =	vor.u32 v0, v1  }
0x50: {  	s15 =	sshra.s32 s14, $0x2;
	s14 =	sadd.s32 $0x40, s14;
	[tilespmem:s13+$0x30] =	vst v1  }
0x51: {  	v1 =	vld [tilespmem:s15+$0x0];
	_ =	sdelay $0x4  }
0x52: {  	v2 =	vbroadcast v1, $0x0  }
0x53: {  	v3 =	vbroadcast v1, $0x1;
	v4 =	vbroadcast v1, $0x2  }
0x54: {  	v5 =	vbroadcast v1, $0x3;
	v6 =	vbroadcast v1, $0x5  }
0x55: {  	v40 =	vbroadcast v1, $0x6;
	v41 =	vbroadcast v1, $0x7  }
0x56: {  	v7 =	vbroadcast v1, $0x8;
	v8 =	vbroadcast v1, $0x9  }
0x57: {  	v42 =	vbroadcast v1, $0xA;
	v9 =	vbroadcast v1, $0xB  }
0x58: {  	v44 =	vbroadcast v1, $0xC;
	v46 =	vbroadcast v1, $0xD  }
0x59: {  	v47 =	vbroadcast v1, $0xE;
	v2 =	vsel vm0, v2, v3;
	v3 =	vbroadcast v1, $0x4  }
0x5a: {  	v4 =	vsel vm0, v4, v5;
	v1 =	vbroadcast v1, $0xF;
	v2 =	vshll.u32 v2, $0x3  }
0x5b: {  	s13 =	sadd.s32 $0x80, s13;
	v4 =	vshll.u32 v4, $0x3;
	v2 =	vor.u32 v0, v2;
	v3 =	vsel vm0, v3, v6  }
0x5c: {  	v5 =	vsel vm0, v40, v41;
	v4 =	vor.u32 v0, v4;
	v3 =	vshll.u32 v3, $0x3;
	[tilespmem:s13+$0xFFFFFFC0] =	vst v2  }
0x5d: {  	v1 =	vsel vm0, v47, v1;
	v2 =	vshll.u32 v5, $0x3;
	[tilespmem:s13+$0xFFFFFFD0] =	vst v4;
	v3 =	vor.u32 v0, v3  }
0x5e: {  	v43 =	vsel vm0, v7, v8;
	v1 =	vshll.u32 v1, $0x3;
	v2 =	vor.u32 v0, v2;
	[tilespmem:s13+$0xFFFFFFE0] =	vst v3  }
0x5f: {  	v45 =	vshll.u32 v43, $0x3;
	v1 =	vor.u32 v0, v1;
	v3 =	vsel vm0, v42, v9;
	[tilespmem:s13+$0xFFFFFFF0] =	vst v2  }
0x60: {  	v48 =	vsel vm0, v44, v46;
	v2 =	vor.u32 v0, v45;
	[tilespmem:s13+$0x30] =	vst v1;
	v3 =	vshll.u32 v3, $0x3  }
0x61: {  	[tilespmem:s13+$0x0] =	vst v2;
	v2 =	vor.u32 v0, v3;
	v3 =	vshll.u32 v48, $0x3  }
0x62: {  	[tilespmem:s13+$0x10] =	vst v2;
	v2 =	vor.u32 v0, v3  }
0x63: {  	[tilespmem:s13+$0x20] =	vst v2  }
0x64: {  	[tilespmem:s28], [sflag:$0x3] =	stream.indirect.gather [hbm4b:s24+s1], $0x1, s0, s1, $0xb8;
	[tilespmem:$0x19700] =	vst v63  }
0x65: {  	s15 =	simm.s32 $0x0;
	s14 =	rddreg [dreg:$0x4]  }
0x66: {  	[tilespmem:s30], [sflag:$0x7] =	stream.linear.gather [hbm4b:s14+s15], $0x280, $0x38;
	[tilespmem:$0x19700] =	vst v63  }
0x67: {  	_ =	swait.ge [sflag:s29], $0x280  }
0x68: {  	[sflag:s29] =	ssyncset.done $0x0  }
0x69: {  	s15 =	simm.s32 $0x0;
	[sflag:s29] =	ssyncadd.s32 $0xFFFFFD80  }
0x6a: {  	[tilespmem:s3], [sflag:$0x2] =	stream.indirect.gather [hbm4b:s22+s30], $0x40, s30, s30, $0xb8;
	[tilespmem:$0x19700] =	vst v63  }
0x6b: {  	v1 =	vld [tilespmem:s15+$0x280];
	_ =	sdelay $0x4  }
0x6c: {  	v2 =	vbroadcast v1, $0x0  }
0x6d: {  	v3 =	vbroadcast v1, $0x1;
	v49 =	vbroadcast v1, $0x2  }
0x6e: {  	v50 =	vbroadcast v1, $0x3;
	v51 =	vbroadcast v1, $0x5  }
0x6f: {  	v52 =	vbroadcast v1, $0x6;
	v53 =	vbroadcast v1, $0x7  }
0x70: {  	v54 =	vbroadcast v1, $0x8;
	v55 =	vbroadcast v1, $0x9  }
0x71: {  	v56 =	vbroadcast v1, $0xA;
	v57 =	vbroadcast v1, $0xB  }
0x72: {  	v59 =	vbroadcast v1, $0xC;
	v61 =	vbroadcast v1, $0xD  }
0x73: {  	v62 =	vbroadcast v1, $0xE;
	v2 =	vsel vm0, v2, v3;
	v3 =	vbroadcast v1, $0x4  }
0x74: {  	v4 =	vsel vm0, v49, v50;
	v1 =	vbroadcast v1, $0xF;
	v2 =	vshll.u32 v2, $0x3  }
0x75: {  	s13 =	simm.s32 $0x1940;
	v4 =	vshll.u32 v4, $0x3;
	v2 =	vor.u32 v0, v2;
	v3 =	vsel vm0, v3, v51  }
0x76: {  	v5 =	vsel vm0, v52, v53;
	v4 =	vor.u32 v0, v4;
	v3 =	vshll.u32 v3, $0x3;
	[tilespmem:s13+$0xFFFFFFC0] =	vst v2  }
0x77: {  	v1 =	vsel vm0, v62, v1;
	v2 =	vshll.u32 v5, $0x3;
	[tilespmem:s13+$0xFFFFFFD0] =	vst v4;
	v3 =	vor.u32 v0, v3  }
0x78: {  	v58 =	vsel vm0, v54, v55;
	v1 =	vshll.u32 v1, $0x3;
	v2 =	vor.u32 v0, v2;
	[tilespmem:s13+$0xFFFFFFE0] =	vst v3  }
0x79: {  	v60 =	vshll.u32 v58, $0x3;
	v1 =	vor.u32 v0, v1;
	v3 =	vsel vm0, v56, v57;
	[tilespmem:s13+$0xFFFFFFF0] =	vst v2  }
0x7a: {  	v63 =	vsel vm0, v59, v61;
	v2 =	vor.u32 v0, v60;
	[tilespmem:s13+$0x30] =	vst v1;
	v3 =	vshll.u32 v3, $0x3  }
0x7b: {  	[tilespmem:s13+$0x0] =	vst v2;
	v2 =	vor.u32 v0, v3;
	v3 =	vshll.u32 v63, $0x3  }
0x7c: {  	[tilespmem:s13+$0x10] =	vst v2;
	v2 =	vor.u32 v0, v3  }
0x7d: {  	s14 =	simm.s32 $0x80;
	s15 =	simm.s32 $0x10;
	[tilespmem:s13+$0x20] =	vst v2  }
.LBB2_4:
0x7e: {  	p0 =	sne.s32 s14, $0x9C0;
	v1 =	vld [tilespmem:s15+$0x280];
	_ =	sdelay $0x4  }
0x7f: {  	v2 =	vbroadcast v1, $0x0;
	v3 =	vbroadcast v1, $0x1  }
0x80: {  	v4 =	vbroadcast v1, $0x2;
	v5 =	vbroadcast v1, $0x3  }
0x81: {  	v6 =	vbroadcast v1, $0x5;
	v2 =	vsel vm0, v2, v3;
	v3 =	vbroadcast v1, $0x4  }
0x82: {  	v4 =	vsel vm0, v4, v5;
	v5 =	vbroadcast v1, $0x6;
	v2 =	vshll.u32 v2, $0x3  }
0x83: {  	s13 =	sadd.s32 $0x80, s13;
	v4 =	vshll.u32 v4, $0x3;
	v2 =	vor.u32 v0, v2;
	v3 =	vsel vm0, v3, v6  }
0x84: {  	[tilespmem:s13+$0xFFFFFFC0] =	vst v2;
	v2 =	vor.u32 v0, v4;
	v3 =	vshll.u32 v3, $0x3;
	v4 =	vbroadcast v1, $0x7  }
0x85: {  	v6 =	vbroadcast v1, $0x9;
	[tilespmem:s13+$0xFFFFFFD0] =	vst v2;
	v2 =	vor.u32 v0, v3;
	v3 =	vbroadcast v1, $0x8  }
0x86: {  	[tilespmem:s13+$0xFFFFFFE0] =	vst v2;
	v2 =	vsel vm0, v5, v4;
	v4 =	vbroadcast v1, $0xA;
	v5 =	vbroadcast v1, $0xB  }
0x87: {  	v2 =	vshll.u32 v2, $0x3;
	v3 =	vsel vm0, v3, v6;
	v6 =	vbroadcast v1, $0xC  }
0x88: {  	v2 =	vor.u32 v0, v2;
	v3 =	vshll.u32 v3, $0x3;
	v4 =	vsel vm0, v4, v5  }
0x89: {  	[tilespmem:s13+$0xFFFFFFF0] =	vst v2;
	v2 =	vor.u32 v0, v3;
	v3 =	vshll.u32 v4, $0x3;
	v4 =	vbroadcast v1, $0xD  }
0x8a: {  	[tilespmem:s13+$0x0] =	vst v2;
	v2 =	vor.u32 v0, v3;
	v3 =	vbroadcast v1, $0xE;
	v1 =	vbroadcast v1, $0xF  }
.Ltmp1:
0x8b: {  	[tilespmem:s13+$0x10] =	vst v2;
	v2 =	vsel vm0, v6, v4;
	(pc) =	sbr.rel @p0 .LBB2_4-.Ltmp1, $4  }
0x8c: {  	v2 =	vshll.u32 v2, $0x3;
	v1 =	vsel vm0, v3, v1  }
0x8d: {  	v2 =	vor.u32 v0, v2;
	v1 =	vshll.u32 v1, $0x3  }
0x8e: {  	[tilespmem:s13+$0x20] =	vst v2;
	v1 =	vor.u32 v0, v1  }
0x8f: {  	s15 =	sshra.s32 s14, $0x2;
	s14 =	sadd.s32 $0x40, s14;
	[tilespmem:s13+$0x30] =	vst v1  }
0x90: {  	v1 =	vld [tilespmem:s15+$0x280];
	_ =	sdelay $0x4  }
0x91: {  	v2 =	vbroadcast v1, $0x0  }
0x92: {  	v3 =	vbroadcast v1, $0x1;
	v4 =	vbroadcast v1, $0x2  }
0x93: {  	v5 =	vbroadcast v1, $0x3;
	v6 =	vbroadcast v1, $0x5  }
0x94: {  	v40 =	vbroadcast v1, $0x6;
	v41 =	vbroadcast v1, $0x7  }
0x95: {  	v7 =	vbroadcast v1, $0x8;
	v8 =	vbroadcast v1, $0x9  }
0x96: {  	v42 =	vbroadcast v1, $0xA;
	v9 =	vbroadcast v1, $0xB  }
0x97: {  	v44 =	vbroadcast v1, $0xC;
	v46 =	vbroadcast v1, $0xD  }
0x98: {  	v47 =	vbroadcast v1, $0xE;
	v2 =	vsel vm0, v2, v3;
	v3 =	vbroadcast v1, $0x4  }
0x99: {  	v4 =	vsel vm0, v4, v5;
	v1 =	vbroadcast v1, $0xF;
	v2 =	vshll.u32 v2, $0x3  }
0x9a: {  	s13 =	sadd.s32 $0x80, s13;
	v4 =	vshll.u32 v4, $0x3;
	v2 =	vor.u32 v0, v2;
	v3 =	vsel vm0, v3, v6  }
0x9b: {  	v5 =	vsel vm0, v40, v41;
	v4 =	vor.u32 v0, v4;
	v3 =	vshll.u32 v3, $0x3;
	[tilespmem:s13+$0xFFFFFFC0] =	vst v2  }
0x9c: {  	v1 =	vsel vm0, v47, v1;
	v2 =	vshll.u32 v5, $0x3;
	[tilespmem:s13+$0xFFFFFFD0] =	vst v4;
	v3 =	vor.u32 v0, v3  }
0x9d: {  	v43 =	vsel vm0, v7, v8;
	v1 =	vshll.u32 v1, $0x3;
	v2 =	vor.u32 v0, v2;
	[tilespmem:s13+$0xFFFFFFE0] =	vst v3  }
0x9e: {  	v45 =	vshll.u32 v43, $0x3;
	v1 =	vor.u32 v0, v1;
	v3 =	vsel vm0, v42, v9;
	[tilespmem:s13+$0xFFFFFFF0] =	vst v2  }
0x9f: {  	v48 =	vsel vm0, v44, v46;
	v2 =	vor.u32 v0, v45;
	[tilespmem:s13+$0x30] =	vst v1;
	v3 =	vshll.u32 v3, $0x3  }
0xa0: {  	[tilespmem:s13+$0x0] =	vst v2;
	v2 =	vor.u32 v0, v3;
	v3 =	vshll.u32 v48, $0x3  }
0xa1: {  	[tilespmem:s13+$0x10] =	vst v2;
	v2 =	vor.u32 v0, v3  }
0xa2: {  	[tilespmem:s13+$0x20] =	vst v2  }
0xa3: {  	[tilespmem:s5], [sflag:$0x4] =	stream.indirect.gather [hbm4b:s24+s1], $0x1, s4, s1, $0xb8;
	[tilespmem:$0x19700] =	vst v63  }
0xa4: {  	_ =	swait.ge [sflag:s6], $0xA000  }
0xa5: {  	[sflag:s6] =	ssyncset.done $0x0  }
0xa6: {  	[sflag:s6] =	ssyncadd.s32 $0xFFFF6000  }
0xa7: {  	_ =	swait.ge [sflag:s7], $0x1400  }
0xa8: {  	[sflag:s7] =	ssyncset.done $0x0  }
0xa9: {  	s13 =	simm.s32 $0x0;
	s14 =	rddreg [dreg:$0xd];
	[sflag:s7] =	ssyncadd.s32 $0xFFFFEC00  }
0xaa: {  	[hbm4b:s14+s13] =	stream.linear.scatter [tilespmem:s31], [sflag:$0x5], $0xA000, $0x38;
	[tilespmem:$0x19700] =	vst v63  }
0xab: {  	_ =	swait.ge [sflag:s8], $0xA000  }
0xac: {  	[sflag:s8] =	ssyncset.done $0x0  }
0xad: {  	s15 =	rddreg [dreg:$0x5];
	[sflag:s8] =	ssyncadd.s32 $0xFFFF6000  }
0xae: {  	[tilespmem:s13], [sflag:$0x7] =	stream.linear.gather [hbm4b:s15+s13], $0x280, $0x38;
	[tilespmem:$0x19700] =	vst v63  }
0xaf: {  	_ =	swait.ge [sflag:s29], $0x280  }
0xb0: {  	[sflag:s29] =	ssyncset.done $0x0  }
0xb1: {  	s15 =	simm.s32 $0x0;
	[sflag:s29] =	ssyncadd.s32 $0xFFFFFD80  }
0xb2: {  	[tilespmem:s31], [sflag:$0x1] =	stream.indirect.gather [hbm4b:s22+s30], $0x40, s13, s30, $0xb8;
	[tilespmem:$0x19700] =	vst v63  }
0xb3: {  	v1 =	vld [tilespmem:s15+$0x0];
	_ =	sdelay $0x4  }
0xb4: {  	v2 =	vbroadcast v1, $0x0  }
0xb5: {  	v3 =	vbroadcast v1, $0x1;
	v49 =	vbroadcast v1, $0x2  }
0xb6: {  	v50 =	vbroadcast v1, $0x3;
	v51 =	vbroadcast v1, $0x5  }
0xb7: {  	v52 =	vbroadcast v1, $0x6;
	v53 =	vbroadcast v1, $0x7  }
0xb8: {  	v54 =	vbroadcast v1, $0x8;
	v55 =	vbroadcast v1, $0x9  }
0xb9: {  	v56 =	vbroadcast v1, $0xA;
	v57 =	vbroadcast v1, $0xB  }
0xba: {  	v59 =	vbroadcast v1, $0xC;
	v61 =	vbroadcast v1, $0xD  }
0xbb: {  	v62 =	vbroadcast v1, $0xE;
	v2 =	vsel vm0, v2, v3;
	v3 =	vbroadcast v1, $0x4  }
0xbc: {  	v4 =	vsel vm0, v49, v50;
	v1 =	vbroadcast v1, $0xF;
	v2 =	vshll.u32 v2, $0x3  }
0xbd: {  	s13 =	simm.s32 $0x540;
	v4 =	vshll.u32 v4, $0x3;
	v2 =	vor.u32 v0, v2;
	v3 =	vsel vm0, v3, v51  }
0xbe: {  	v5 =	vsel vm0, v52, v53;
	v4 =	vor.u32 v0, v4;
	v3 =	vshll.u32 v3, $0x3;
	[tilespmem:s13+$0xFFFFFFC0] =	vst v2  }
0xbf: {  	v1 =	vsel vm0, v62, v1;
	v2 =	vshll.u32 v5, $0x3;
	[tilespmem:s13+$0xFFFFFFD0] =	vst v4;
	v3 =	vor.u32 v0, v3  }
0xc0: {  	v58 =	vsel vm0, v54, v55;
	v1 =	vshll.u32 v1, $0x3;
	v2 =	vor.u32 v0, v2;
	[tilespmem:s13+$0xFFFFFFE0] =	vst v3  }
0xc1: {  	v60 =	vshll.u32 v58, $0x3;
	v1 =	vor.u32 v0, v1;
	v3 =	vsel vm0, v56, v57;
	[tilespmem:s13+$0xFFFFFFF0] =	vst v2  }
0xc2: {  	v63 =	vsel vm0, v59, v61;
	v2 =	vor.u32 v0, v60;
	[tilespmem:s13+$0x30] =	vst v1;
	v3 =	vshll.u32 v3, $0x3  }
0xc3: {  	[tilespmem:s13+$0x0] =	vst v2;
	v2 =	vor.u32 v0, v3;
	v3 =	vshll.u32 v63, $0x3  }
0xc4: {  	[tilespmem:s13+$0x10] =	vst v2;
	v2 =	vor.u32 v0, v3  }
0xc5: {  	s14 =	simm.s32 $0x80;
	s15 =	simm.s32 $0x10;
	[tilespmem:s13+$0x20] =	vst v2  }
.LBB2_6:
0xc6: {  	p0 =	sne.s32 s14, $0x9C0;
	v1 =	vld [tilespmem:s15+$0x0];
	_ =	sdelay $0x4  }
0xc7: {  	v2 =	vbroadcast v1, $0x0;
	v3 =	vbroadcast v1, $0x1  }
0xc8: {  	v4 =	vbroadcast v1, $0x2;
	v5 =	vbroadcast v1, $0x3  }
0xc9: {  	v6 =	vbroadcast v1, $0x5;
	v2 =	vsel vm0, v2, v3;
	v3 =	vbroadcast v1, $0x4  }
0xca: {  	v4 =	vsel vm0, v4, v5;
	v5 =	vbroadcast v1, $0x6;
	v2 =	vshll.u32 v2, $0x3  }
0xcb: {  	s13 =	sadd.s32 $0x80, s13;
	v4 =	vshll.u32 v4, $0x3;
	v2 =	vor.u32 v0, v2;
	v3 =	vsel vm0, v3, v6  }
0xcc: {  	[tilespmem:s13+$0xFFFFFFC0] =	vst v2;
	v2 =	vor.u32 v0, v4;
	v3 =	vshll.u32 v3, $0x3;
	v4 =	vbroadcast v1, $0x7  }
0xcd: {  	v6 =	vbroadcast v1, $0x9;
	[tilespmem:s13+$0xFFFFFFD0] =	vst v2;
	v2 =	vor.u32 v0, v3;
	v3 =	vbroadcast v1, $0x8  }
0xce: {  	[tilespmem:s13+$0xFFFFFFE0] =	vst v2;
	v2 =	vsel vm0, v5, v4;
	v4 =	vbroadcast v1, $0xA;
	v5 =	vbroadcast v1, $0xB  }
0xcf: {  	v2 =	vshll.u32 v2, $0x3;
	v3 =	vsel vm0, v3, v6;
	v6 =	vbroadcast v1, $0xC  }
0xd0: {  	v2 =	vor.u32 v0, v2;
	v3 =	vshll.u32 v3, $0x3;
	v4 =	vsel vm0, v4, v5  }
0xd1: {  	[tilespmem:s13+$0xFFFFFFF0] =	vst v2;
	v2 =	vor.u32 v0, v3;
	v3 =	vshll.u32 v4, $0x3;
	v4 =	vbroadcast v1, $0xD  }
0xd2: {  	[tilespmem:s13+$0x0] =	vst v2;
	v2 =	vor.u32 v0, v3;
	v3 =	vbroadcast v1, $0xE;
	v1 =	vbroadcast v1, $0xF  }
.Ltmp2:
0xd3: {  	[tilespmem:s13+$0x10] =	vst v2;
	v2 =	vsel vm0, v6, v4;
	(pc) =	sbr.rel @p0 .LBB2_6-.Ltmp2, $4  }
0xd4: {  	v2 =	vshll.u32 v2, $0x3;
	v1 =	vsel vm0, v3, v1  }
0xd5: {  	v2 =	vor.u32 v0, v2;
	v1 =	vshll.u32 v1, $0x3  }
0xd6: {  	[tilespmem:s13+$0x20] =	vst v2;
	v1 =	vor.u32 v0, v1  }
0xd7: {  	s15 =	sshra.s32 s14, $0x2;
	s14 =	sadd.s32 $0x40, s14;
	[tilespmem:s13+$0x30] =	vst v1  }
0xd8: {  	v1 =	vld [tilespmem:s15+$0x0];
	_ =	sdelay $0x4  }
0xd9: {  	v2 =	vbroadcast v1, $0x0  }
0xda: {  	v3 =	vbroadcast v1, $0x1;
	v4 =	vbroadcast v1, $0x2  }
0xdb: {  	v5 =	vbroadcast v1, $0x3;
	v6 =	vbroadcast v1, $0x5  }
0xdc: {  	v40 =	vbroadcast v1, $0x6;
	v41 =	vbroadcast v1, $0x7  }
0xdd: {  	v7 =	vbroadcast v1, $0x8;
	v8 =	vbroadcast v1, $0x9  }
0xde: {  	v42 =	vbroadcast v1, $0xA;
	v9 =	vbroadcast v1, $0xB  }
0xdf: {  	v44 =	vbroadcast v1, $0xC;
	v46 =	vbroadcast v1, $0xD  }
0xe0: {  	v47 =	vbroadcast v1, $0xE;
	v2 =	vsel vm0, v2, v3;
	v3 =	vbroadcast v1, $0x4  }
0xe1: {  	v4 =	vsel vm0, v4, v5;
	v1 =	vbroadcast v1, $0xF;
	v2 =	vshll.u32 v2, $0x3  }
0xe2: {  	s13 =	sadd.s32 $0x80, s13;
	v4 =	vshll.u32 v4, $0x3;
	v2 =	vor.u32 v0, v2;
	v3 =	vsel vm0, v3, v6  }
0xe3: {  	v5 =	vsel vm0, v40, v41;
	v4 =	vor.u32 v0, v4;
	v3 =	vshll.u32 v3, $0x3;
	[tilespmem:s13+$0xFFFFFFC0] =	vst v2  }
0xe4: {  	v1 =	vsel vm0, v47, v1;
	v2 =	vshll.u32 v5, $0x3;
	[tilespmem:s13+$0xFFFFFFD0] =	vst v4;
	v3 =	vor.u32 v0, v3  }
0xe5: {  	v43 =	vsel vm0, v7, v8;
	v1 =	vshll.u32 v1, $0x3;
	v2 =	vor.u32 v0, v2;
	[tilespmem:s13+$0xFFFFFFE0] =	vst v3  }
0xe6: {  	v45 =	vshll.u32 v43, $0x3;
	v1 =	vor.u32 v0, v1;
	v3 =	vsel vm0, v42, v9;
	[tilespmem:s13+$0xFFFFFFF0] =	vst v2  }
0xe7: {  	v48 =	vsel vm0, v44, v46;
	v2 =	vor.u32 v0, v45;
	[tilespmem:s13+$0x30] =	vst v1;
	v3 =	vshll.u32 v3, $0x3  }
0xe8: {  	[tilespmem:s13+$0x0] =	vst v2;
	v2 =	vor.u32 v0, v3;
	v3 =	vshll.u32 v48, $0x3  }
0xe9: {  	[tilespmem:s13+$0x10] =	vst v2;
	v2 =	vor.u32 v0, v3  }
0xea: {  	[tilespmem:s13+$0x20] =	vst v2  }
0xeb: {  	[tilespmem:s28], [sflag:$0x3] =	stream.indirect.gather [hbm4b:s24+s1], $0x1, s0, s1, $0xb8;
	[tilespmem:$0x19700] =	vst v63  }
0xec: {  	_ =	swait.ge [sflag:s9], $0xA000  }
0xed: {  	[sflag:s9] =	ssyncset.done $0x0  }
0xee: {  	[sflag:s9] =	ssyncadd.s32 $0xFFFF6000  }
0xef: {  	_ =	swait.ge [sflag:s10], $0x1400  }
0xf0: {  	[sflag:s10] =	ssyncset.done $0x0  }
0xf1: {  	s13 =	simm.s32 $0x0;
	s14 =	rddreg [dreg:$0xe];
	[sflag:s10] =	ssyncadd.s32 $0xFFFFEC00  }
0xf2: {  	[hbm4b:s14+s13] =	stream.linear.scatter [tilespmem:s3], [sflag:$0x6], $0xA000, $0x38;
	[tilespmem:$0x19700] =	vst v63  }
0xf3: {  	_ =	swait.ge [sflag:s11], $0xA000  }
0xf4: {  	[sflag:s11] =	ssyncset.done $0x0  }
0xf5: {  	s15 =	rddreg [dreg:$0x6];
	[sflag:s11] =	ssyncadd.s32 $0xFFFF6000  }
0xf6: {  	[tilespmem:s30], [sflag:$0x7] =	stream.linear.gather [hbm4b:s15+s13], $0x280, $0x38;
	[tilespmem:$0x19700] =	vst v63  }
0xf7: {  	_ =	swait.ge [sflag:s29], $0x280  }
0xf8: {  	[sflag:s29] =	ssyncset.done $0x0  }
0xf9: {  	s15 =	simm.s32 $0x0;
	[sflag:s29] =	ssyncadd.s32 $0xFFFFFD80  }
0xfa: {  	[tilespmem:s3], [sflag:$0x2] =	stream.indirect.gather [hbm4b:s22+s30], $0x40, s30, s30, $0xb8;
	[tilespmem:$0x19700] =	vst v63  }
0xfb: {  	v1 =	vld [tilespmem:s15+$0x280];
	_ =	sdelay $0x4  }
0xfc: {  	v2 =	vbroadcast v1, $0x0  }
0xfd: {  	v3 =	vbroadcast v1, $0x1;
	v49 =	vbroadcast v1, $0x2  }
0xfe: {  	v50 =	vbroadcast v1, $0x3;
	v51 =	vbroadcast v1, $0x5  }
0xff: {  	v52 =	vbroadcast v1, $0x6;
	v53 =	vbroadcast v1, $0x7  }
0x100: {  	v54 =	vbroadcast v1, $0x8;
	v55 =	vbroadcast v1, $0x9  }
0x101: {  	v56 =	vbroadcast v1, $0xA;
	v57 =	vbroadcast v1, $0xB  }
0x102: {  	v59 =	vbroadcast v1, $0xC;
	v61 =	vbroadcast v1, $0xD  }
0x103: {  	v62 =	vbroadcast v1, $0xE;
	v2 =	vsel vm0, v2, v3;
	v3 =	vbroadcast v1, $0x4  }
0x104: {  	v4 =	vsel vm0, v49, v50;
	v1 =	vbroadcast v1, $0xF;
	v2 =	vshll.u32 v2, $0x3  }
0x105: {  	s13 =	simm.s32 $0x1940;
	v4 =	vshll.u32 v4, $0x3;
	v2 =	vor.u32 v0, v2;
	v3 =	vsel vm0, v3, v51  }
0x106: {  	v5 =	vsel vm0, v52, v53;
	v4 =	vor.u32 v0, v4;
	v3 =	vshll.u32 v3, $0x3;
	[tilespmem:s13+$0xFFFFFFC0] =	vst v2  }
0x107: {  	v1 =	vsel vm0, v62, v1;
	v2 =	vshll.u32 v5, $0x3;
	[tilespmem:s13+$0xFFFFFFD0] =	vst v4;
	v3 =	vor.u32 v0, v3  }
0x108: {  	v58 =	vsel vm0, v54, v55;
	v1 =	vshll.u32 v1, $0x3;
	v2 =	vor.u32 v0, v2;
	[tilespmem:s13+$0xFFFFFFE0] =	vst v3  }
0x109: {  	v60 =	vshll.u32 v58, $0x3;
	v1 =	vor.u32 v0, v1;
	v3 =	vsel vm0, v56, v57;
	[tilespmem:s13+$0xFFFFFFF0] =	vst v2  }
0x10a: {  	v63 =	vsel vm0, v59, v61;
	v2 =	vor.u32 v0, v60;
	[tilespmem:s13+$0x30] =	vst v1;
	v3 =	vshll.u32 v3, $0x3  }
0x10b: {  	[tilespmem:s13+$0x0] =	vst v2;
	v2 =	vor.u32 v0, v3;
	v3 =	vshll.u32 v63, $0x3  }
0x10c: {  	[tilespmem:s13+$0x10] =	vst v2;
	v2 =	vor.u32 v0, v3  }
0x10d: {  	s14 =	simm.s32 $0x80;
	s15 =	simm.s32 $0x10;
	[tilespmem:s13+$0x20] =	vst v2  }
.LBB2_8:
0x10e: {  	p0 =	sne.s32 s14, $0x9C0;
	v1 =	vld [tilespmem:s15+$0x280];
	_ =	sdelay $0x4  }
0x10f: {  	v2 =	vbroadcast v1, $0x0;
	v3 =	vbroadcast v1, $0x1  }
0x110: {  	v4 =	vbroadcast v1, $0x2;
	v5 =	vbroadcast v1, $0x3  }
0x111: {  	v6 =	vbroadcast v1, $0x5;
	v2 =	vsel vm0, v2, v3;
	v3 =	vbroadcast v1, $0x4  }
0x112: {  	v4 =	vsel vm0, v4, v5;
	v5 =	vbroadcast v1, $0x6;
	v2 =	vshll.u32 v2, $0x3  }
0x113: {  	s13 =	sadd.s32 $0x80, s13;
	v4 =	vshll.u32 v4, $0x3;
	v2 =	vor.u32 v0, v2;
	v3 =	vsel vm0, v3, v6  }
0x114: {  	[tilespmem:s13+$0xFFFFFFC0] =	vst v2;
	v2 =	vor.u32 v0, v4;
	v3 =	vshll.u32 v3, $0x3;
	v4 =	vbroadcast v1, $0x7  }
0x115: {  	v6 =	vbroadcast v1, $0x9;
	[tilespmem:s13+$0xFFFFFFD0] =	vst v2;
	v2 =	vor.u32 v0, v3;
	v3 =	vbroadcast v1, $0x8  }
0x116: {  	[tilespmem:s13+$0xFFFFFFE0] =	vst v2;
	v2 =	vsel vm0, v5, v4;
	v4 =	vbroadcast v1, $0xA;
	v5 =	vbroadcast v1, $0xB  }
0x117: {  	v2 =	vshll.u32 v2, $0x3;
	v3 =	vsel vm0, v3, v6;
	v6 =	vbroadcast v1, $0xC  }
0x118: {  	v2 =	vor.u32 v0, v2;
	v3 =	vshll.u32 v3, $0x3;
	v4 =	vsel vm0, v4, v5  }
0x119: {  	[tilespmem:s13+$0xFFFFFFF0] =	vst v2;
	v2 =	vor.u32 v0, v3;
	v3 =	vshll.u32 v4, $0x3;
	v4 =	vbroadcast v1, $0xD  }
0x11a: {  	[tilespmem:s13+$0x0] =	vst v2;
	v2 =	vor.u32 v0, v3;
	v3 =	vbroadcast v1, $0xE;
	v1 =	vbroadcast v1, $0xF  }
.Ltmp3:
0x11b: {  	[tilespmem:s13+$0x10] =	vst v2;
	v2 =	vsel vm0, v6, v4;
	(pc) =	sbr.rel @p0 .LBB2_8-.Ltmp3, $4  }
0x11c: {  	v2 =	vshll.u32 v2, $0x3;
	v1 =	vsel vm0, v3, v1  }
0x11d: {  	v2 =	vor.u32 v0, v2;
	v1 =	vshll.u32 v1, $0x3  }
0x11e: {  	[tilespmem:s13+$0x20] =	vst v2;
	v1 =	vor.u32 v0, v1  }
0x11f: {  	s15 =	sshra.s32 s14, $0x2;
	s14 =	sadd.s32 $0x40, s14;
	[tilespmem:s13+$0x30] =	vst v1  }
0x120: {  	v1 =	vld [tilespmem:s15+$0x280];
	_ =	sdelay $0x4  }
0x121: {  	v2 =	vbroadcast v1, $0x0  }
0x122: {  	v3 =	vbroadcast v1, $0x1;
	v4 =	vbroadcast v1, $0x2  }
0x123: {  	v5 =	vbroadcast v1, $0x3;
	v6 =	vbroadcast v1, $0x5  }
0x124: {  	v40 =	vbroadcast v1, $0x6;
	v41 =	vbroadcast v1, $0x7  }
0x125: {  	v7 =	vbroadcast v1, $0x8;
	v8 =	vbroadcast v1, $0x9  }
0x126: {  	v42 =	vbroadcast v1, $0xA;
	v9 =	vbroadcast v1, $0xB  }
0x127: {  	v44 =	vbroadcast v1, $0xC;
	v46 =	vbroadcast v1, $0xD  }
0x128: {  	v47 =	vbroadcast v1, $0xE;
	v2 =	vsel vm0, v2, v3;
	v3 =	vbroadcast v1, $0x4  }
0x129: {  	v4 =	vsel vm0, v4, v5;
	v1 =	vbroadcast v1, $0xF;
	v2 =	vshll.u32 v2, $0x3  }
0x12a: {  	s13 =	sadd.s32 $0x80, s13;
	v4 =	vshll.u32 v4, $0x3;
	v2 =	vor.u32 v0, v2;
	v3 =	vsel vm0, v3, v6  }
0x12b: {  	v5 =	vsel vm0, v40, v41;
	v4 =	vor.u32 v0, v4;
	v3 =	vshll.u32 v3, $0x3;
	[tilespmem:s13+$0xFFFFFFC0] =	vst v2  }
0x12c: {  	v1 =	vsel vm0, v47, v1;
	v2 =	vshll.u32 v5, $0x3;
	[tilespmem:s13+$0xFFFFFFD0] =	vst v4;
	v3 =	vor.u32 v0, v3  }
0x12d: {  	v43 =	vsel vm0, v7, v8;
	v1 =	vshll.u32 v1, $0x3;
	v2 =	vor.u32 v0, v2;
	[tilespmem:s13+$0xFFFFFFE0] =	vst v3  }
0x12e: {  	v45 =	vshll.u32 v43, $0x3;
	v1 =	vor.u32 v0, v1;
	v3 =	vsel vm0, v42, v9;
	[tilespmem:s13+$0xFFFFFFF0] =	vst v2  }
0x12f: {  	v48 =	vsel vm0, v44, v46;
	v2 =	vor.u32 v0, v45;
	[tilespmem:s13+$0x30] =	vst v1;
	v3 =	vshll.u32 v3, $0x3  }
0x130: {  	[tilespmem:s13+$0x0] =	vst v2;
	v2 =	vor.u32 v0, v3;
	v3 =	vshll.u32 v48, $0x3  }
0x131: {  	[tilespmem:s13+$0x10] =	vst v2;
	v2 =	vor.u32 v0, v3  }
0x132: {  	[tilespmem:s13+$0x20] =	vst v2  }
0x133: {  	[tilespmem:s5], [sflag:$0x4] =	stream.indirect.gather [hbm4b:s24+s1], $0x1, s4, s1, $0xb8;
	[tilespmem:$0x19700] =	vst v63  }
0x134: {  	_ =	swait.ge [sflag:s6], $0xA000  }
0x135: {  	[sflag:s6] =	ssyncset.done $0x0  }
0x136: {  	[sflag:s6] =	ssyncadd.s32 $0xFFFF6000  }
0x137: {  	_ =	swait.ge [sflag:s7], $0x1400  }
0x138: {  	[sflag:s7] =	ssyncset.done $0x0  }
0x139: {  	s13 =	simm.s32 $0x0;
	s14 =	rddreg [dreg:$0xf];
	[sflag:s7] =	ssyncadd.s32 $0xFFFFEC00  }
0x13a: {  	[hbm4b:s14+s13] =	stream.linear.scatter [tilespmem:s31], [sflag:$0x5], $0xA000, $0x38;
	[tilespmem:$0x19700] =	vst v63  }
0x13b: {  	_ =	swait.ge [sflag:s8], $0xA000  }
0x13c: {  	[sflag:s8] =	ssyncset.done $0x0  }
0x13d: {  	s15 =	rddreg [dreg:$0x7];
	[sflag:s8] =	ssyncadd.s32 $0xFFFF6000  }
0x13e: {  	[tilespmem:s13], [sflag:$0x7] =	stream.linear.gather [hbm4b:s15+s13], $0x280, $0x38;
	[tilespmem:$0x19700] =	vst v63  }
0x13f: {  	_ =	swait.ge [sflag:s29], $0x280  }
0x140: {  	[sflag:s29] =	ssyncset.done $0x0  }
0x141: {  	s15 =	simm.s32 $0x0;
	[sflag:s29] =	ssyncadd.s32 $0xFFFFFD80  }
0x142: {  	[tilespmem:s31], [sflag:$0x1] =	stream.indirect.gather [hbm4b:s22+s30], $0x40, s13, s30, $0xb8;
	[tilespmem:$0x19700] =	vst v63  }
0x143: {  	v1 =	vld [tilespmem:s15+$0x0];
	_ =	sdelay $0x4  }
0x144: {  	v2 =	vbroadcast v1, $0x0  }
0x145: {  	v3 =	vbroadcast v1, $0x1;
	v49 =	vbroadcast v1, $0x2  }
0x146: {  	v50 =	vbroadcast v1, $0x3;
	v51 =	vbroadcast v1, $0x5  }
0x147: {  	v52 =	vbroadcast v1, $0x6;
	v53 =	vbroadcast v1, $0x7  }
0x148: {  	v54 =	vbroadcast v1, $0x8;
	v55 =	vbroadcast v1, $0x9  }
0x149: {  	v56 =	vbroadcast v1, $0xA;
	v57 =	vbroadcast v1, $0xB  }
0x14a: {  	v59 =	vbroadcast v1, $0xC;
	v61 =	vbroadcast v1, $0xD  }
0x14b: {  	v62 =	vbroadcast v1, $0xE;
	v2 =	vsel vm0, v2, v3;
	v3 =	vbroadcast v1, $0x4  }
0x14c: {  	v4 =	vsel vm0, v49, v50;
	v1 =	vbroadcast v1, $0xF;
	v2 =	vshll.u32 v2, $0x3  }
0x14d: {  	s13 =	simm.s32 $0x540;
	v4 =	vshll.u32 v4, $0x3;
	v2 =	vor.u32 v0, v2;
	v3 =	vsel vm0, v3, v51  }
0x14e: {  	v5 =	vsel vm0, v52, v53;
	v4 =	vor.u32 v0, v4;
	v3 =	vshll.u32 v3, $0x3;
	[tilespmem:s13+$0xFFFFFFC0] =	vst v2  }
0x14f: {  	v1 =	vsel vm0, v62, v1;
	v2 =	vshll.u32 v5, $0x3;
	[tilespmem:s13+$0xFFFFFFD0] =	vst v4;
	v3 =	vor.u32 v0, v3  }
0x150: {  	v58 =	vsel vm0, v54, v55;
	v1 =	vshll.u32 v1, $0x3;
	v2 =	vor.u32 v0, v2;
	[tilespmem:s13+$0xFFFFFFE0] =	vst v3  }
0x151: {  	v60 =	vshll.u32 v58, $0x3;
	v1 =	vor.u32 v0, v1;
	v3 =	vsel vm0, v56, v57;
	[tilespmem:s13+$0xFFFFFFF0] =	vst v2  }
0x152: {  	v63 =	vsel vm0, v59, v61;
	v2 =	vor.u32 v0, v60;
	[tilespmem:s13+$0x30] =	vst v1;
	v3 =	vshll.u32 v3, $0x3  }
0x153: {  	[tilespmem:s13+$0x0] =	vst v2;
	v2 =	vor.u32 v0, v3;
	v3 =	vshll.u32 v63, $0x3  }
0x154: {  	[tilespmem:s13+$0x10] =	vst v2;
	v2 =	vor.u32 v0, v3  }
0x155: {  	s14 =	simm.s32 $0x80;
	s15 =	simm.s32 $0x10;
	[tilespmem:s13+$0x20] =	vst v2  }
.LBB2_10:
0x156: {  	p0 =	sne.s32 s14, $0x9C0;
	v1 =	vld [tilespmem:s15+$0x0];
	_ =	sdelay $0x4  }
0x157: {  	v2 =	vbroadcast v1, $0x0;
	v3 =	vbroadcast v1, $0x1  }
0x158: {  	v4 =	vbroadcast v1, $0x2;
	v5 =	vbroadcast v1, $0x3  }
0x159: {  	v6 =	vbroadcast v1, $0x5;
	v2 =	vsel vm0, v2, v3;
	v3 =	vbroadcast v1, $0x4  }
0x15a: {  	v4 =	vsel vm0, v4, v5;
	v5 =	vbroadcast v1, $0x6;
	v2 =	vshll.u32 v2, $0x3  }
0x15b: {  	s13 =	sadd.s32 $0x80, s13;
	v4 =	vshll.u32 v4, $0x3;
	v2 =	vor.u32 v0, v2;
	v3 =	vsel vm0, v3, v6  }
0x15c: {  	[tilespmem:s13+$0xFFFFFFC0] =	vst v2;
	v2 =	vor.u32 v0, v4;
	v3 =	vshll.u32 v3, $0x3;
	v4 =	vbroadcast v1, $0x7  }
0x15d: {  	v6 =	vbroadcast v1, $0x9;
	[tilespmem:s13+$0xFFFFFFD0] =	vst v2;
	v2 =	vor.u32 v0, v3;
	v3 =	vbroadcast v1, $0x8  }
0x15e: {  	[tilespmem:s13+$0xFFFFFFE0] =	vst v2;
	v2 =	vsel vm0, v5, v4;
	v4 =	vbroadcast v1, $0xA;
	v5 =	vbroadcast v1, $0xB  }
0x15f: {  	v2 =	vshll.u32 v2, $0x3;
	v3 =	vsel vm0, v3, v6;
	v6 =	vbroadcast v1, $0xC  }
0x160: {  	v2 =	vor.u32 v0, v2;
	v3 =	vshll.u32 v3, $0x3;
	v4 =	vsel vm0, v4, v5  }
0x161: {  	[tilespmem:s13+$0xFFFFFFF0] =	vst v2;
	v2 =	vor.u32 v0, v3;
	v3 =	vshll.u32 v4, $0x3;
	v4 =	vbroadcast v1, $0xD  }
0x162: {  	[tilespmem:s13+$0x0] =	vst v2;
	v2 =	vor.u32 v0, v3;
	v3 =	vbroadcast v1, $0xE;
	v1 =	vbroadcast v1, $0xF  }
.Ltmp4:
0x163: {  	[tilespmem:s13+$0x10] =	vst v2;
	v2 =	vsel vm0, v6, v4;
	(pc) =	sbr.rel @p0 .LBB2_10-.Ltmp4, $4  }
0x164: {  	v2 =	vshll.u32 v2, $0x3;
	v1 =	vsel vm0, v3, v1  }
0x165: {  	v2 =	vor.u32 v0, v2;
	v1 =	vshll.u32 v1, $0x3  }
0x166: {  	[tilespmem:s13+$0x20] =	vst v2;
	v1 =	vor.u32 v0, v1  }
0x167: {  	s15 =	sshra.s32 s14, $0x2;
	s14 =	sadd.s32 $0x40, s14;
	[tilespmem:s13+$0x30] =	vst v1  }
0x168: {  	v1 =	vld [tilespmem:s15+$0x0];
	_ =	sdelay $0x4  }
0x169: {  	v2 =	vbroadcast v1, $0x0  }
0x16a: {  	v3 =	vbroadcast v1, $0x1;
	v4 =	vbroadcast v1, $0x2  }
0x16b: {  	v5 =	vbroadcast v1, $0x3;
	v6 =	vbroadcast v1, $0x5  }
0x16c: {  	v40 =	vbroadcast v1, $0x6;
	v41 =	vbroadcast v1, $0x7  }
0x16d: {  	v7 =	vbroadcast v1, $0x8;
	v8 =	vbroadcast v1, $0x9  }
0x16e: {  	v42 =	vbroadcast v1, $0xA;
	v9 =	vbroadcast v1, $0xB  }
0x16f: {  	v44 =	vbroadcast v1, $0xC;
	v46 =	vbroadcast v1, $0xD  }
0x170: {  	v47 =	vbroadcast v1, $0xE;
	v2 =	vsel vm0, v2, v3;
	v3 =	vbroadcast v1, $0x4  }
0x171: {  	v4 =	vsel vm0, v4, v5;
	v1 =	vbroadcast v1, $0xF;
	v2 =	vshll.u32 v2, $0x3  }
0x172: {  	s13 =	sadd.s32 $0x80, s13;
	v4 =	vshll.u32 v4, $0x3;
	v2 =	vor.u32 v0, v2;
	v3 =	vsel vm0, v3, v6  }
0x173: {  	v5 =	vsel vm0, v40, v41;
	v4 =	vor.u32 v0, v4;
	v3 =	vshll.u32 v3, $0x3;
	[tilespmem:s13+$0xFFFFFFC0] =	vst v2  }
0x174: {  	v1 =	vsel vm0, v47, v1;
	v2 =	vshll.u32 v5, $0x3;
	[tilespmem:s13+$0xFFFFFFD0] =	vst v4;
	v3 =	vor.u32 v0, v3  }
0x175: {  	v43 =	vsel vm0, v7, v8;
	v1 =	vshll.u32 v1, $0x3;
	v2 =	vor.u32 v0, v2;
	[tilespmem:s13+$0xFFFFFFE0] =	vst v3  }
0x176: {  	v45 =	vshll.u32 v43, $0x3;
	v1 =	vor.u32 v0, v1;
	v3 =	vsel vm0, v42, v9;
	[tilespmem:s13+$0xFFFFFFF0] =	vst v2  }
0x177: {  	v48 =	vsel vm0, v44, v46;
	v2 =	vor.u32 v0, v45;
	[tilespmem:s13+$0x30] =	vst v1;
	v3 =	vshll.u32 v3, $0x3  }
0x178: {  	[tilespmem:s13+$0x0] =	vst v2;
	v2 =	vor.u32 v0, v3;
	v3 =	vshll.u32 v48, $0x3  }
0x179: {  	[tilespmem:s13+$0x10] =	vst v2;
	v2 =	vor.u32 v0, v3  }
0x17a: {  	[tilespmem:s13+$0x20] =	vst v2  }
0x17b: {  	[tilespmem:s28], [sflag:$0x3] =	stream.indirect.gather [hbm4b:s24+s1], $0x1, s0, s1, $0xb8;
	[tilespmem:$0x19700] =	vst v63  }
0x17c: {  	_ =	swait.ge [sflag:s9], $0xA000  }
0x17d: {  	[sflag:s9] =	ssyncset.done $0x0  }
0x17e: {  	[sflag:s9] =	ssyncadd.s32 $0xFFFF6000  }
0x17f: {  	_ =	swait.ge [sflag:s10], $0x1400  }
0x180: {  	[sflag:s10] =	ssyncset.done $0x0  }
0x181: {  	s15 =	simm.s32 $0x0;
	[sflag:s10] =	ssyncadd.s32 $0xFFFFEC00  }
0x182: {  	[hbm4b:s16+s15] =	stream.linear.scatter [tilespmem:s3], [sflag:$0x6], $0xA000, $0x38;
	[tilespmem:$0x19700] =	vst v63  }
0x183: {  	_ =	swait.ge [sflag:s11], $0xA000  }
0x184: {  	[sflag:s11] =	ssyncset.done $0x0  }
0x185: {  	s14 =	rddreg [dreg:$0x8];
	[sflag:s11] =	ssyncadd.s32 $0xFFFF6000  }
0x186: {  	[tilespmem:s30], [sflag:$0x7] =	stream.linear.gather [hbm4b:s14+s15], $0x280, $0x38;
	[tilespmem:$0x19700] =	vst v63  }
0x187: {  	_ =	swait.ge [sflag:s29], $0x280  }
0x188: {  	[sflag:s29] =	ssyncset.done $0x0  }
0x189: {  	s15 =	simm.s32 $0x0;
	[sflag:s29] =	ssyncadd.s32 $0xFFFFFD80  }
0x18a: {  	[tilespmem:s3], [sflag:$0x2] =	stream.indirect.gather [hbm4b:s22+s30], $0x40, s30, s30, $0xb8;
	[tilespmem:$0x19700] =	vst v63  }
0x18b: {  	v1 =	vld [tilespmem:s15+$0x280];
	_ =	sdelay $0x4  }
0x18c: {  	v2 =	vbroadcast v1, $0x0  }
0x18d: {  	v3 =	vbroadcast v1, $0x1;
	v49 =	vbroadcast v1, $0x2  }
0x18e: {  	v50 =	vbroadcast v1, $0x3;
	v51 =	vbroadcast v1, $0x5  }
0x18f: {  	v52 =	vbroadcast v1, $0x6;
	v53 =	vbroadcast v1, $0x7  }
0x190: {  	v54 =	vbroadcast v1, $0x8;
	v55 =	vbroadcast v1, $0x9  }
0x191: {  	v56 =	vbroadcast v1, $0xA;
	v57 =	vbroadcast v1, $0xB  }
0x192: {  	v59 =	vbroadcast v1, $0xC;
	v61 =	vbroadcast v1, $0xD  }
0x193: {  	v62 =	vbroadcast v1, $0xE;
	v2 =	vsel vm0, v2, v3;
	v3 =	vbroadcast v1, $0x4  }
0x194: {  	v4 =	vsel vm0, v49, v50;
	v1 =	vbroadcast v1, $0xF;
	v2 =	vshll.u32 v2, $0x3  }
0x195: {  	s13 =	simm.s32 $0x1940;
	v4 =	vshll.u32 v4, $0x3;
	v2 =	vor.u32 v0, v2;
	v3 =	vsel vm0, v3, v51  }
0x196: {  	v5 =	vsel vm0, v52, v53;
	v4 =	vor.u32 v0, v4;
	v3 =	vshll.u32 v3, $0x3;
	[tilespmem:s13+$0xFFFFFFC0] =	vst v2  }
0x197: {  	v1 =	vsel vm0, v62, v1;
	v2 =	vshll.u32 v5, $0x3;
	[tilespmem:s13+$0xFFFFFFD0] =	vst v4;
	v3 =	vor.u32 v0, v3  }
0x198: {  	v58 =	vsel vm0, v54, v55;
	v1 =	vshll.u32 v1, $0x3;
	v2 =	vor.u32 v0, v2;
	[tilespmem:s13+$0xFFFFFFE0] =	vst v3  }
0x199: {  	v60 =	vshll.u32 v58, $0x3;
	v1 =	vor.u32 v0, v1;
	v3 =	vsel vm0, v56, v57;
	[tilespmem:s13+$0xFFFFFFF0] =	vst v2  }
0x19a: {  	v63 =	vsel vm0, v59, v61;
	v2 =	vor.u32 v0, v60;
	[tilespmem:s13+$0x30] =	vst v1;
	v3 =	vshll.u32 v3, $0x3  }
0x19b: {  	[tilespmem:s13+$0x0] =	vst v2;
	v2 =	vor.u32 v0, v3;
	v3 =	vshll.u32 v63, $0x3  }
0x19c: {  	[tilespmem:s13+$0x10] =	vst v2;
	v2 =	vor.u32 v0, v3  }
0x19d: {  	s14 =	simm.s32 $0x80;
	s15 =	simm.s32 $0x10;
	[tilespmem:s13+$0x20] =	vst v2  }
.LBB2_12:
0x19e: {  	p0 =	sne.s32 s14, $0x9C0;
	v1 =	vld [tilespmem:s15+$0x280];
	_ =	sdelay $0x4  }
0x19f: {  	v2 =	vbroadcast v1, $0x0;
	v3 =	vbroadcast v1, $0x1  }
0x1a0: {  	v4 =	vbroadcast v1, $0x2;
	v5 =	vbroadcast v1, $0x3  }
0x1a1: {  	v6 =	vbroadcast v1, $0x5;
	v2 =	vsel vm0, v2, v3;
	v3 =	vbroadcast v1, $0x4  }
0x1a2: {  	v4 =	vsel vm0, v4, v5;
	v5 =	vbroadcast v1, $0x6;
	v2 =	vshll.u32 v2, $0x3  }
0x1a3: {  	s13 =	sadd.s32 $0x80, s13;
	v4 =	vshll.u32 v4, $0x3;
	v2 =	vor.u32 v0, v2;
	v3 =	vsel vm0, v3, v6  }
0x1a4: {  	[tilespmem:s13+$0xFFFFFFC0] =	vst v2;
	v2 =	vor.u32 v0, v4;
	v3 =	vshll.u32 v3, $0x3;
	v4 =	vbroadcast v1, $0x7  }
0x1a5: {  	v6 =	vbroadcast v1, $0x9;
	[tilespmem:s13+$0xFFFFFFD0] =	vst v2;
	v2 =	vor.u32 v0, v3;
	v3 =	vbroadcast v1, $0x8  }
0x1a6: {  	[tilespmem:s13+$0xFFFFFFE0] =	vst v2;
	v2 =	vsel vm0, v5, v4;
	v4 =	vbroadcast v1, $0xA;
	v5 =	vbroadcast v1, $0xB  }
0x1a7: {  	v2 =	vshll.u32 v2, $0x3;
	v3 =	vsel vm0, v3, v6;
	v6 =	vbroadcast v1, $0xC  }
0x1a8: {  	v2 =	vor.u32 v0, v2;
	v3 =	vshll.u32 v3, $0x3;
	v4 =	vsel vm0, v4, v5  }
0x1a9: {  	[tilespmem:s13+$0xFFFFFFF0] =	vst v2;
	v2 =	vor.u32 v0, v3;
	v3 =	vshll.u32 v4, $0x3;
	v4 =	vbroadcast v1, $0xD  }
0x1aa: {  	[tilespmem:s13+$0x0] =	vst v2;
	v2 =	vor.u32 v0, v3;
	v3 =	vbroadcast v1, $0xE;
	v1 =	vbroadcast v1, $0xF  }
.Ltmp5:
0x1ab: {  	[tilespmem:s13+$0x10] =	vst v2;
	v2 =	vsel vm0, v6, v4;
	(pc) =	sbr.rel @p0 .LBB2_12-.Ltmp5, $4  }
0x1ac: {  	v2 =	vshll.u32 v2, $0x3;
	v1 =	vsel vm0, v3, v1  }
0x1ad: {  	v2 =	vor.u32 v0, v2;
	v1 =	vshll.u32 v1, $0x3  }
0x1ae: {  	[tilespmem:s13+$0x20] =	vst v2;
	v1 =	vor.u32 v0, v1  }
0x1af: {  	s15 =	sshra.s32 s14, $0x2;
	s14 =	sadd.s32 $0x40, s14;
	[tilespmem:s13+$0x30] =	vst v1  }
0x1b0: {  	v1 =	vld [tilespmem:s15+$0x280];
	_ =	sdelay $0x4  }
0x1b1: {  	v2 =	vbroadcast v1, $0x0  }
0x1b2: {  	v3 =	vbroadcast v1, $0x1;
	v4 =	vbroadcast v1, $0x2  }
0x1b3: {  	v5 =	vbroadcast v1, $0x3;
	v6 =	vbroadcast v1, $0x5  }
0x1b4: {  	v40 =	vbroadcast v1, $0x6;
	v41 =	vbroadcast v1, $0x7  }
0x1b5: {  	v7 =	vbroadcast v1, $0x8;
	v8 =	vbroadcast v1, $0x9  }
0x1b6: {  	v42 =	vbroadcast v1, $0xA;
	v9 =	vbroadcast v1, $0xB  }
0x1b7: {  	v44 =	vbroadcast v1, $0xC;
	v46 =	vbroadcast v1, $0xD  }
0x1b8: {  	v47 =	vbroadcast v1, $0xE;
	v2 =	vsel vm0, v2, v3;
	v3 =	vbroadcast v1, $0x4  }
0x1b9: {  	v4 =	vsel vm0, v4, v5;
	v1 =	vbroadcast v1, $0xF;
	v2 =	vshll.u32 v2, $0x3  }
0x1ba: {  	s13 =	sadd.s32 $0x80, s13;
	v4 =	vshll.u32 v4, $0x3;
	v2 =	vor.u32 v0, v2;
	v3 =	vsel vm0, v3, v6  }
0x1bb: {  	v5 =	vsel vm0, v40, v41;
	v4 =	vor.u32 v0, v4;
	v3 =	vshll.u32 v3, $0x3;
	[tilespmem:s13+$0xFFFFFFC0] =	vst v2  }
0x1bc: {  	v1 =	vsel vm0, v47, v1;
	v2 =	vshll.u32 v5, $0x3;
	[tilespmem:s13+$0xFFFFFFD0] =	vst v4;
	v3 =	vor.u32 v0, v3  }
0x1bd: {  	v43 =	vsel vm0, v7, v8;
	v1 =	vshll.u32 v1, $0x3;
	v2 =	vor.u32 v0, v2;
	[tilespmem:s13+$0xFFFFFFE0] =	vst v3  }
0x1be: {  	v45 =	vshll.u32 v43, $0x3;
	v1 =	vor.u32 v0, v1;
	v3 =	vsel vm0, v42, v9;
	[tilespmem:s13+$0xFFFFFFF0] =	vst v2  }
0x1bf: {  	v48 =	vsel vm0, v44, v46;
	v2 =	vor.u32 v0, v45;
	[tilespmem:s13+$0x30] =	vst v1;
	v3 =	vshll.u32 v3, $0x3  }
0x1c0: {  	[tilespmem:s13+$0x0] =	vst v2;
	v2 =	vor.u32 v0, v3;
	v3 =	vshll.u32 v48, $0x3  }
0x1c1: {  	[tilespmem:s13+$0x10] =	vst v2;
	v2 =	vor.u32 v0, v3  }
0x1c2: {  	[tilespmem:s13+$0x20] =	vst v2  }
0x1c3: {  	[tilespmem:s5], [sflag:$0x4] =	stream.indirect.gather [hbm4b:s24+s1], $0x1, s4, s1, $0xb8;
	[tilespmem:$0x19700] =	vst v63  }
0x1c4: {  	_ =	swait.ge [sflag:s6], $0xA000  }
0x1c5: {  	[sflag:s6] =	ssyncset.done $0x0  }
0x1c6: {  	[sflag:s6] =	ssyncadd.s32 $0xFFFF6000  }
0x1c7: {  	_ =	swait.ge [sflag:s7], $0x1400  }
0x1c8: {  	[sflag:s7] =	ssyncset.done $0x0  }
0x1c9: {  	s15 =	simm.s32 $0x0;
	[sflag:s7] =	ssyncadd.s32 $0xFFFFEC00  }
0x1ca: {  	[hbm4b:s17+s15] =	stream.linear.scatter [tilespmem:s31], [sflag:$0x5], $0xA000, $0x38;
	[tilespmem:$0x19700] =	vst v63  }
0x1cb: {  	_ =	swait.ge [sflag:s8], $0xA000  }
0x1cc: {  	[sflag:s8] =	ssyncset.done $0x0  }
0x1cd: {  	s14 =	rddreg [dreg:$0x9];
	[sflag:s8] =	ssyncadd.s32 $0xFFFF6000  }
0x1ce: {  	[tilespmem:s15], [sflag:$0x7] =	stream.linear.gather [hbm4b:s14+s15], $0x280, $0x38;
	[tilespmem:$0x19700] =	vst v63  }
0x1cf: {  	_ =	swait.ge [sflag:s29], $0x280  }
0x1d0: {  	[sflag:s29] =	ssyncset.done $0x0  }
0x1d1: {  	[sflag:s29] =	ssyncadd.s32 $0xFFFFFD80  }
0x1d2: {  	[tilespmem:s31], [sflag:$0x1] =	stream.indirect.gather [hbm4b:s22+s30], $0x40, s15, s30, $0xb8;
	[tilespmem:$0x19700] =	vst v63  }
0x1d3: {  	s15 =	simm.s32 $0x0  }
0x1d4: {  	v1 =	vld [tilespmem:s15+$0x0];
	_ =	sdelay $0x4  }
0x1d5: {  	v2 =	vbroadcast v1, $0x0  }
0x1d6: {  	v3 =	vbroadcast v1, $0x1;
	v49 =	vbroadcast v1, $0x2  }
0x1d7: {  	v50 =	vbroadcast v1, $0x3;
	v51 =	vbroadcast v1, $0x5  }
0x1d8: {  	v52 =	vbroadcast v1, $0x6;
	v53 =	vbroadcast v1, $0x7  }
0x1d9: {  	v54 =	vbroadcast v1, $0x8;
	v55 =	vbroadcast v1, $0x9  }
0x1da: {  	v56 =	vbroadcast v1, $0xA;
	v57 =	vbroadcast v1, $0xB  }
0x1db: {  	v59 =	vbroadcast v1, $0xC;
	v61 =	vbroadcast v1, $0xD  }
0x1dc: {  	v62 =	vbroadcast v1, $0xE;
	v2 =	vsel vm0, v2, v3;
	v3 =	vbroadcast v1, $0x4  }
0x1dd: {  	v4 =	vsel vm0, v49, v50;
	v1 =	vbroadcast v1, $0xF;
	v2 =	vshll.u32 v2, $0x3  }
0x1de: {  	s13 =	simm.s32 $0x540;
	v4 =	vshll.u32 v4, $0x3;
	v2 =	vor.u32 v0, v2;
	v3 =	vsel vm0, v3, v51  }
0x1df: {  	v5 =	vsel vm0, v52, v53;
	v4 =	vor.u32 v0, v4;
	v3 =	vshll.u32 v3, $0x3;
	[tilespmem:s13+$0xFFFFFFC0] =	vst v2  }
0x1e0: {  	v1 =	vsel vm0, v62, v1;
	v2 =	vshll.u32 v5, $0x3;
	[tilespmem:s13+$0xFFFFFFD0] =	vst v4;
	v3 =	vor.u32 v0, v3  }
0x1e1: {  	v58 =	vsel vm0, v54, v55;
	v1 =	vshll.u32 v1, $0x3;
	v2 =	vor.u32 v0, v2;
	[tilespmem:s13+$0xFFFFFFE0] =	vst v3  }
0x1e2: {  	v60 =	vshll.u32 v58, $0x3;
	v1 =	vor.u32 v0, v1;
	v3 =	vsel vm0, v56, v57;
	[tilespmem:s13+$0xFFFFFFF0] =	vst v2  }
0x1e3: {  	v63 =	vsel vm0, v59, v61;
	v2 =	vor.u32 v0, v60;
	[tilespmem:s13+$0x30] =	vst v1;
	v3 =	vshll.u32 v3, $0x3  }
0x1e4: {  	[tilespmem:s13+$0x0] =	vst v2;
	v2 =	vor.u32 v0, v3;
	v3 =	vshll.u32 v63, $0x3  }
0x1e5: {  	[tilespmem:s13+$0x10] =	vst v2;
	v2 =	vor.u32 v0, v3  }
0x1e6: {  	s14 =	simm.s32 $0x80;
	s15 =	simm.s32 $0x10;
	[tilespmem:s13+$0x20] =	vst v2  }
.LBB2_14:
0x1e7: {  	p0 =	sne.s32 s14, $0x9C0;
	v1 =	vld [tilespmem:s15+$0x0];
	_ =	sdelay $0x4  }
0x1e8: {  	v2 =	vbroadcast v1, $0x0;
	v3 =	vbroadcast v1, $0x1  }
0x1e9: {  	v4 =	vbroadcast v1, $0x2;
	v5 =	vbroadcast v1, $0x3  }
0x1ea: {  	v6 =	vbroadcast v1, $0x5;
	v2 =	vsel vm0, v2, v3;
	v3 =	vbroadcast v1, $0x4  }
0x1eb: {  	v4 =	vsel vm0, v4, v5;
	v5 =	vbroadcast v1, $0x6;
	v2 =	vshll.u32 v2, $0x3  }
0x1ec: {  	s13 =	sadd.s32 $0x80, s13;
	v4 =	vshll.u32 v4, $0x3;
	v2 =	vor.u32 v0, v2;
	v3 =	vsel vm0, v3, v6  }
0x1ed: {  	[tilespmem:s13+$0xFFFFFFC0] =	vst v2;
	v2 =	vor.u32 v0, v4;
	v3 =	vshll.u32 v3, $0x3;
	v4 =	vbroadcast v1, $0x7  }
0x1ee: {  	v6 =	vbroadcast v1, $0x9;
	[tilespmem:s13+$0xFFFFFFD0] =	vst v2;
	v2 =	vor.u32 v0, v3;
	v3 =	vbroadcast v1, $0x8  }
0x1ef: {  	[tilespmem:s13+$0xFFFFFFE0] =	vst v2;
	v2 =	vsel vm0, v5, v4;
	v4 =	vbroadcast v1, $0xA;
	v5 =	vbroadcast v1, $0xB  }
0x1f0: {  	v2 =	vshll.u32 v2, $0x3;
	v3 =	vsel vm0, v3, v6;
	v6 =	vbroadcast v1, $0xC  }
0x1f1: {  	v2 =	vor.u32 v0, v2;
	v3 =	vshll.u32 v3, $0x3;
	v4 =	vsel vm0, v4, v5  }
0x1f2: {  	[tilespmem:s13+$0xFFFFFFF0] =	vst v2;
	v2 =	vor.u32 v0, v3;
	v3 =	vshll.u32 v4, $0x3;
	v4 =	vbroadcast v1, $0xD  }
0x1f3: {  	[tilespmem:s13+$0x0] =	vst v2;
	v2 =	vor.u32 v0, v3;
	v3 =	vbroadcast v1, $0xE;
	v1 =	vbroadcast v1, $0xF  }
.Ltmp6:
0x1f4: {  	[tilespmem:s13+$0x10] =	vst v2;
	v2 =	vsel vm0, v6, v4;
	(pc) =	sbr.rel @p0 .LBB2_14-.Ltmp6, $4  }
0x1f5: {  	v2 =	vshll.u32 v2, $0x3;
	v1 =	vsel vm0, v3, v1  }
0x1f6: {  	v2 =	vor.u32 v0, v2;
	v1 =	vshll.u32 v1, $0x3  }
0x1f7: {  	[tilespmem:s13+$0x20] =	vst v2;
	v1 =	vor.u32 v0, v1  }
0x1f8: {  	s15 =	sshra.s32 s14, $0x2;
	s14 =	sadd.s32 $0x40, s14;
	[tilespmem:s13+$0x30] =	vst v1  }
0x1f9: {  	v1 =	vld [tilespmem:s15+$0x0];
	_ =	sdelay $0x4  }
0x1fa: {  	v2 =	vbroadcast v1, $0x0  }
0x1fb: {  	v3 =	vbroadcast v1, $0x1;
	v4 =	vbroadcast v1, $0x2  }
0x1fc: {  	v5 =	vbroadcast v1, $0x3;
	v6 =	vbroadcast v1, $0x5  }
0x1fd: {  	v40 =	vbroadcast v1, $0x6;
	v41 =	vbroadcast v1, $0x7  }
0x1fe: {  	v7 =	vbroadcast v1, $0x8;
	v8 =	vbroadcast v1, $0x9  }
0x1ff: {  	v42 =	vbroadcast v1, $0xA;
	v9 =	vbroadcast v1, $0xB  }
0x200: {  	v44 =	vbroadcast v1, $0xC;
	v46 =	vbroadcast v1, $0xD  }
0x201: {  	v47 =	vbroadcast v1, $0xE;
	v2 =	vsel vm0, v2, v3;
	v3 =	vbroadcast v1, $0x4  }
0x202: {  	v4 =	vsel vm0, v4, v5;
	v1 =	vbroadcast v1, $0xF;
	v2 =	vshll.u32 v2, $0x3  }
0x203: {  	s13 =	sadd.s32 $0x80, s13;
	v4 =	vshll.u32 v4, $0x3;
	v2 =	vor.u32 v0, v2;
	v3 =	vsel vm0, v3, v6  }
0x204: {  	v5 =	vsel vm0, v40, v41;
	v4 =	vor.u32 v0, v4;
	v3 =	vshll.u32 v3, $0x3;
	[tilespmem:s13+$0xFFFFFFC0] =	vst v2  }
0x205: {  	v1 =	vsel vm0, v47, v1;
	v2 =	vshll.u32 v5, $0x3;
	[tilespmem:s13+$0xFFFFFFD0] =	vst v4;
	v3 =	vor.u32 v0, v3  }
0x206: {  	v43 =	vsel vm0, v7, v8;
	v1 =	vshll.u32 v1, $0x3;
	v2 =	vor.u32 v0, v2;
	[tilespmem:s13+$0xFFFFFFE0] =	vst v3  }
0x207: {  	v45 =	vshll.u32 v43, $0x3;
	v1 =	vor.u32 v0, v1;
	v3 =	vsel vm0, v42, v9;
	[tilespmem:s13+$0xFFFFFFF0] =	vst v2  }
0x208: {  	v48 =	vsel vm0, v44, v46;
	v2 =	vor.u32 v0, v45;
	[tilespmem:s13+$0x30] =	vst v1;
	v3 =	vshll.u32 v3, $0x3  }
0x209: {  	[tilespmem:s13+$0x0] =	vst v2;
	v2 =	vor.u32 v0, v3;
	v3 =	vshll.u32 v48, $0x3  }
0x20a: {  	[tilespmem:s13+$0x10] =	vst v2;
	v2 =	vor.u32 v0, v3  }
0x20b: {  	[tilespmem:s13+$0x20] =	vst v2  }
0x20c: {  	[tilespmem:s28], [sflag:$0x3] =	stream.indirect.gather [hbm4b:s24+s1], $0x1, s0, s1, $0xb8;
	[tilespmem:$0x19700] =	vst v63  }
0x20d: {  	_ =	swait.ge [sflag:s9], $0xA000  }
0x20e: {  	[sflag:s9] =	ssyncset.done $0x0  }
0x20f: {  	[sflag:s9] =	ssyncadd.s32 $0xFFFF6000  }
0x210: {  	_ =	swait.ge [sflag:s10], $0x1400  }
0x211: {  	[sflag:s10] =	ssyncset.done $0x0  }
0x212: {  	s15 =	simm.s32 $0x0;
	[sflag:s10] =	ssyncadd.s32 $0xFFFFEC00  }
0x213: {  	[hbm4b:s18+s15] =	stream.linear.scatter [tilespmem:s3], [sflag:$0x6], $0xA000, $0x38;
	[tilespmem:$0x19700] =	vst v63  }
0x214: {  	_ =	swait.ge [sflag:s11], $0xA000  }
0x215: {  	[sflag:s11] =	ssyncset.done $0x0  }
0x216: {  	s14 =	rddreg [dreg:$0xa];
	[sflag:s11] =	ssyncadd.s32 $0xFFFF6000  }
0x217: {  	[tilespmem:s30], [sflag:$0x7] =	stream.linear.gather [hbm4b:s14+s15], $0x280, $0x38;
	[tilespmem:$0x19700] =	vst v63  }
0x218: {  	_ =	swait.ge [sflag:s29], $0x280  }
0x219: {  	[sflag:s29] =	ssyncset.done $0x0  }
0x21a: {  	s15 =	simm.s32 $0x0;
	[sflag:s29] =	ssyncadd.s32 $0xFFFFFD80  }
0x21b: {  	[tilespmem:s3], [sflag:$0x2] =	stream.indirect.gather [hbm4b:s22+s30], $0x40, s30, s30, $0xb8;
	[tilespmem:$0x19700] =	vst v63  }
0x21c: {  	v1 =	vld [tilespmem:s15+$0x280];
	_ =	sdelay $0x4  }
0x21d: {  	v2 =	vbroadcast v1, $0x0  }
0x21e: {  	v3 =	vbroadcast v1, $0x1;
	v49 =	vbroadcast v1, $0x2  }
0x21f: {  	v50 =	vbroadcast v1, $0x3;
	v51 =	vbroadcast v1, $0x5  }
0x220: {  	v52 =	vbroadcast v1, $0x6;
	v53 =	vbroadcast v1, $0x7  }
0x221: {  	v54 =	vbroadcast v1, $0x8;
	v55 =	vbroadcast v1, $0x9  }
0x222: {  	v56 =	vbroadcast v1, $0xA;
	v57 =	vbroadcast v1, $0xB  }
0x223: {  	v59 =	vbroadcast v1, $0xC;
	v61 =	vbroadcast v1, $0xD  }
0x224: {  	v62 =	vbroadcast v1, $0xE;
	v2 =	vsel vm0, v2, v3;
	v3 =	vbroadcast v1, $0x4  }
0x225: {  	v4 =	vsel vm0, v49, v50;
	v1 =	vbroadcast v1, $0xF;
	v2 =	vshll.u32 v2, $0x3  }
0x226: {  	s13 =	simm.s32 $0x1940;
	v4 =	vshll.u32 v4, $0x3;
	v2 =	vor.u32 v0, v2;
	v3 =	vsel vm0, v3, v51  }
0x227: {  	v5 =	vsel vm0, v52, v53;
	v4 =	vor.u32 v0, v4;
	v3 =	vshll.u32 v3, $0x3;
	[tilespmem:s13+$0xFFFFFFC0] =	vst v2  }
0x228: {  	v1 =	vsel vm0, v62, v1;
	v2 =	vshll.u32 v5, $0x3;
	[tilespmem:s13+$0xFFFFFFD0] =	vst v4;
	v3 =	vor.u32 v0, v3  }
0x229: {  	v58 =	vsel vm0, v54, v55;
	v1 =	vshll.u32 v1, $0x3;
	v2 =	vor.u32 v0, v2;
	[tilespmem:s13+$0xFFFFFFE0] =	vst v3  }
0x22a: {  	v60 =	vshll.u32 v58, $0x3;
	v1 =	vor.u32 v0, v1;
	v3 =	vsel vm0, v56, v57;
	[tilespmem:s13+$0xFFFFFFF0] =	vst v2  }
0x22b: {  	v63 =	vsel vm0, v59, v61;
	v2 =	vor.u32 v0, v60;
	[tilespmem:s13+$0x30] =	vst v1;
	v3 =	vshll.u32 v3, $0x3  }
0x22c: {  	[tilespmem:s13+$0x0] =	vst v2;
	v2 =	vor.u32 v0, v3;
	v3 =	vshll.u32 v63, $0x3  }
0x22d: {  	[tilespmem:s13+$0x10] =	vst v2;
	v2 =	vor.u32 v0, v3  }
0x22e: {  	s14 =	simm.s32 $0x80;
	s15 =	simm.s32 $0x10;
	[tilespmem:s13+$0x20] =	vst v2  }
.LBB2_16:
0x22f: {  	p0 =	sne.s32 s14, $0x9C0;
	v1 =	vld [tilespmem:s15+$0x280];
	_ =	sdelay $0x4  }
0x230: {  	v2 =	vbroadcast v1, $0x0;
	v3 =	vbroadcast v1, $0x1  }
0x231: {  	v4 =	vbroadcast v1, $0x2;
	v5 =	vbroadcast v1, $0x3  }
0x232: {  	v6 =	vbroadcast v1, $0x5;
	v2 =	vsel vm0, v2, v3;
	v3 =	vbroadcast v1, $0x4  }
0x233: {  	v4 =	vsel vm0, v4, v5;
	v5 =	vbroadcast v1, $0x6;
	v2 =	vshll.u32 v2, $0x3  }
0x234: {  	s13 =	sadd.s32 $0x80, s13;
	v4 =	vshll.u32 v4, $0x3;
	v2 =	vor.u32 v0, v2;
	v3 =	vsel vm0, v3, v6  }
0x235: {  	[tilespmem:s13+$0xFFFFFFC0] =	vst v2;
	v2 =	vor.u32 v0, v4;
	v3 =	vshll.u32 v3, $0x3;
	v4 =	vbroadcast v1, $0x7  }
0x236: {  	v6 =	vbroadcast v1, $0x9;
	[tilespmem:s13+$0xFFFFFFD0] =	vst v2;
	v2 =	vor.u32 v0, v3;
	v3 =	vbroadcast v1, $0x8  }
0x237: {  	[tilespmem:s13+$0xFFFFFFE0] =	vst v2;
	v2 =	vsel vm0, v5, v4;
	v4 =	vbroadcast v1, $0xA;
	v5 =	vbroadcast v1, $0xB  }
0x238: {  	v2 =	vshll.u32 v2, $0x3;
	v3 =	vsel vm0, v3, v6;
	v6 =	vbroadcast v1, $0xC  }
0x239: {  	v2 =	vor.u32 v0, v2;
	v3 =	vshll.u32 v3, $0x3;
	v4 =	vsel vm0, v4, v5  }
0x23a: {  	[tilespmem:s13+$0xFFFFFFF0] =	vst v2;
	v2 =	vor.u32 v0, v3;
	v3 =	vshll.u32 v4, $0x3;
	v4 =	vbroadcast v1, $0xD  }
0x23b: {  	[tilespmem:s13+$0x0] =	vst v2;
	v2 =	vor.u32 v0, v3;
	v3 =	vbroadcast v1, $0xE;
	v1 =	vbroadcast v1, $0xF  }
.Ltmp7:
0x23c: {  	[tilespmem:s13+$0x10] =	vst v2;
	v2 =	vsel vm0, v6, v4;
	(pc) =	sbr.rel @p0 .LBB2_16-.Ltmp7, $4  }
0x23d: {  	v2 =	vshll.u32 v2, $0x3;
	v1 =	vsel vm0, v3, v1  }
0x23e: {  	v2 =	vor.u32 v0, v2;
	v1 =	vshll.u32 v1, $0x3  }
0x23f: {  	[tilespmem:s13+$0x20] =	vst v2;
	v1 =	vor.u32 v0, v1  }
0x240: {  	s15 =	sshra.s32 s14, $0x2;
	s14 =	sadd.s32 $0x40, s14;
	[tilespmem:s13+$0x30] =	vst v1  }
0x241: {  	v1 =	vld [tilespmem:s15+$0x280];
	_ =	sdelay $0x4  }
0x242: {  	v2 =	vbroadcast v1, $0x0  }
0x243: {  	v3 =	vbroadcast v1, $0x1;
	v4 =	vbroadcast v1, $0x2  }
0x244: {  	v5 =	vbroadcast v1, $0x3;
	v6 =	vbroadcast v1, $0x5  }
0x245: {  	v40 =	vbroadcast v1, $0x6;
	v41 =	vbroadcast v1, $0x7  }
0x246: {  	v7 =	vbroadcast v1, $0x8;
	v8 =	vbroadcast v1, $0x9  }
0x247: {  	v42 =	vbroadcast v1, $0xA;
	v9 =	vbroadcast v1, $0xB  }
0x248: {  	v44 =	vbroadcast v1, $0xC;
	v46 =	vbroadcast v1, $0xD  }
0x249: {  	v47 =	vbroadcast v1, $0xE;
	v2 =	vsel vm0, v2, v3;
	v3 =	vbroadcast v1, $0x4  }
0x24a: {  	v4 =	vsel vm0, v4, v5;
	v1 =	vbroadcast v1, $0xF;
	v2 =	vshll.u32 v2, $0x3  }
0x24b: {  	s13 =	sadd.s32 $0x80, s13;
	v4 =	vshll.u32 v4, $0x3;
	v2 =	vor.u32 v0, v2;
	v3 =	vsel vm0, v3, v6  }
0x24c: {  	v5 =	vsel vm0, v40, v41;
	v4 =	vor.u32 v0, v4;
	v3 =	vshll.u32 v3, $0x3;
	[tilespmem:s13+$0xFFFFFFC0] =	vst v2  }
0x24d: {  	v1 =	vsel vm0, v47, v1;
	v2 =	vshll.u32 v5, $0x3;
	[tilespmem:s13+$0xFFFFFFD0] =	vst v4;
	v3 =	vor.u32 v0, v3  }
0x24e: {  	v43 =	vsel vm0, v7, v8;
	v1 =	vshll.u32 v1, $0x3;
	v2 =	vor.u32 v0, v2;
	[tilespmem:s13+$0xFFFFFFE0] =	vst v3  }
0x24f: {  	v45 =	vshll.u32 v43, $0x3;
	v1 =	vor.u32 v0, v1;
	v3 =	vsel vm0, v42, v9;
	[tilespmem:s13+$0xFFFFFFF0] =	vst v2  }
0x250: {  	v48 =	vsel vm0, v44, v46;
	v2 =	vor.u32 v0, v45;
	[tilespmem:s13+$0x30] =	vst v1;
	v3 =	vshll.u32 v3, $0x3  }
0x251: {  	[tilespmem:s13+$0x0] =	vst v2;
	v2 =	vor.u32 v0, v3;
	v3 =	vshll.u32 v48, $0x3  }
0x252: {  	[tilespmem:s13+$0x10] =	vst v2;
	v2 =	vor.u32 v0, v3  }
0x253: {  	[tilespmem:s13+$0x20] =	vst v2  }
0x254: {  	[tilespmem:s5], [sflag:$0x4] =	stream.indirect.gather [hbm4b:s24+s1], $0x1, s4, s1, $0xb8;
	[tilespmem:$0x19700] =	vst v63  }
0x255: {  	_ =	swait.ge [sflag:s6], $0xA000  }
0x256: {  	[sflag:s6] =	ssyncset.done $0x0  }
0x257: {  	[sflag:s6] =	ssyncadd.s32 $0xFFFF6000  }
0x258: {  	_ =	swait.ge [sflag:s7], $0x1400  }
0x259: {  	[sflag:s7] =	ssyncset.done $0x0  }
0x25a: {  	s15 =	simm.s32 $0x0;
	[sflag:s7] =	ssyncadd.s32 $0xFFFFEC00  }
0x25b: {  	[hbm4b:s19+s15] =	stream.linear.scatter [tilespmem:s31], [sflag:$0x5], $0xA000, $0x38;
	[tilespmem:$0x19700] =	vst v63  }
0x25c: {  	_ =	swait.ge [sflag:s8], $0xA000  }
0x25d: {  	[sflag:s8] =	ssyncset.done $0x0  }
0x25e: {  	s14 =	rddreg [dreg:$0xb];
	[sflag:s8] =	ssyncadd.s32 $0xFFFF6000  }
0x25f: {  	[tilespmem:s15], [sflag:$0x7] =	stream.linear.gather [hbm4b:s14+s15], $0x280, $0x38;
	[tilespmem:$0x19700] =	vst v63  }
0x260: {  	_ =	swait.ge [sflag:s29], $0x280  }
0x261: {  	[sflag:s29] =	ssyncset.done $0x0  }
0x262: {  	[sflag:s29] =	ssyncadd.s32 $0xFFFFFD80  }
0x263: {  	[tilespmem:s31], [sflag:$0x1] =	stream.indirect.gather [hbm4b:s22+s30], $0x40, s15, s30, $0xb8;
	[tilespmem:$0x19700] =	vst v63  }
0x264: {  	s15 =	simm.s32 $0x0  }
0x265: {  	v1 =	vld [tilespmem:s15+$0x0];
	_ =	sdelay $0x4  }
0x266: {  	v2 =	vbroadcast v1, $0x0  }
0x267: {  	v3 =	vbroadcast v1, $0x1;
	v49 =	vbroadcast v1, $0x2  }
0x268: {  	v50 =	vbroadcast v1, $0x3;
	v51 =	vbroadcast v1, $0x5  }
0x269: {  	v52 =	vbroadcast v1, $0x6;
	v53 =	vbroadcast v1, $0x7  }
0x26a: {  	v54 =	vbroadcast v1, $0x8;
	v55 =	vbroadcast v1, $0x9  }
0x26b: {  	v56 =	vbroadcast v1, $0xA;
	v57 =	vbroadcast v1, $0xB  }
0x26c: {  	v59 =	vbroadcast v1, $0xC;
	v61 =	vbroadcast v1, $0xD  }
0x26d: {  	v62 =	vbroadcast v1, $0xE;
	v2 =	vsel vm0, v2, v3;
	v3 =	vbroadcast v1, $0x4  }
0x26e: {  	v4 =	vsel vm0, v49, v50;
	v1 =	vbroadcast v1, $0xF;
	v2 =	vshll.u32 v2, $0x3  }
0x26f: {  	s13 =	simm.s32 $0x540;
	v4 =	vshll.u32 v4, $0x3;
	v2 =	vor.u32 v0, v2;
	v3 =	vsel vm0, v3, v51  }
0x270: {  	v5 =	vsel vm0, v52, v53;
	v4 =	vor.u32 v0, v4;
	v3 =	vshll.u32 v3, $0x3;
	[tilespmem:s13+$0xFFFFFFC0] =	vst v2  }
0x271: {  	v1 =	vsel vm0, v62, v1;
	v2 =	vshll.u32 v5, $0x3;
	[tilespmem:s13+$0xFFFFFFD0] =	vst v4;
	v3 =	vor.u32 v0, v3  }
0x272: {  	v58 =	vsel vm0, v54, v55;
	v1 =	vshll.u32 v1, $0x3;
	v2 =	vor.u32 v0, v2;
	[tilespmem:s13+$0xFFFFFFE0] =	vst v3  }
0x273: {  	v60 =	vshll.u32 v58, $0x3;
	v1 =	vor.u32 v0, v1;
	v3 =	vsel vm0, v56, v57;
	[tilespmem:s13+$0xFFFFFFF0] =	vst v2  }
0x274: {  	v63 =	vsel vm0, v59, v61;
	v2 =	vor.u32 v0, v60;
	[tilespmem:s13+$0x30] =	vst v1;
	v3 =	vshll.u32 v3, $0x3  }
0x275: {  	[tilespmem:s13+$0x0] =	vst v2;
	v2 =	vor.u32 v0, v3;
	v3 =	vshll.u32 v63, $0x3  }
0x276: {  	[tilespmem:s13+$0x10] =	vst v2;
	v2 =	vor.u32 v0, v3  }
0x277: {  	s14 =	simm.s32 $0x80;
	s15 =	simm.s32 $0x10;
	[tilespmem:s13+$0x20] =	vst v2  }
.LBB2_18:
0x278: {  	p0 =	sne.s32 s14, $0x9C0;
	v1 =	vld [tilespmem:s15+$0x0];
	_ =	sdelay $0x4  }
0x279: {  	v2 =	vbroadcast v1, $0x0;
	v3 =	vbroadcast v1, $0x1  }
0x27a: {  	v4 =	vbroadcast v1, $0x2;
	v5 =	vbroadcast v1, $0x3  }
0x27b: {  	v6 =	vbroadcast v1, $0x5;
	v2 =	vsel vm0, v2, v3;
	v3 =	vbroadcast v1, $0x4  }
0x27c: {  	v4 =	vsel vm0, v4, v5;
	v5 =	vbroadcast v1, $0x6;
	v2 =	vshll.u32 v2, $0x3  }
0x27d: {  	s13 =	sadd.s32 $0x80, s13;
	v4 =	vshll.u32 v4, $0x3;
	v2 =	vor.u32 v0, v2;
	v3 =	vsel vm0, v3, v6  }
0x27e: {  	[tilespmem:s13+$0xFFFFFFC0] =	vst v2;
	v2 =	vor.u32 v0, v4;
	v3 =	vshll.u32 v3, $0x3;
	v4 =	vbroadcast v1, $0x7  }
0x27f: {  	v6 =	vbroadcast v1, $0x9;
	[tilespmem:s13+$0xFFFFFFD0] =	vst v2;
	v2 =	vor.u32 v0, v3;
	v3 =	vbroadcast v1, $0x8  }
0x280: {  	[tilespmem:s13+$0xFFFFFFE0] =	vst v2;
	v2 =	vsel vm0, v5, v4;
	v4 =	vbroadcast v1, $0xA;
	v5 =	vbroadcast v1, $0xB  }
0x281: {  	v2 =	vshll.u32 v2, $0x3;
	v3 =	vsel vm0, v3, v6;
	v6 =	vbroadcast v1, $0xC  }
0x282: {  	v2 =	vor.u32 v0, v2;
	v3 =	vshll.u32 v3, $0x3;
	v4 =	vsel vm0, v4, v5  }
0x283: {  	[tilespmem:s13+$0xFFFFFFF0] =	vst v2;
	v2 =	vor.u32 v0, v3;
	v3 =	vshll.u32 v4, $0x3;
	v4 =	vbroadcast v1, $0xD  }
0x284: {  	[tilespmem:s13+$0x0] =	vst v2;
	v2 =	vor.u32 v0, v3;
	v3 =	vbroadcast v1, $0xE;
	v1 =	vbroadcast v1, $0xF  }
.Ltmp8:
0x285: {  	[tilespmem:s13+$0x10] =	vst v2;
	v2 =	vsel vm0, v6, v4;
	(pc) =	sbr.rel @p0 .LBB2_18-.Ltmp8, $4  }
0x286: {  	v2 =	vshll.u32 v2, $0x3;
	v1 =	vsel vm0, v3, v1  }
0x287: {  	v2 =	vor.u32 v0, v2;
	v1 =	vshll.u32 v1, $0x3  }
0x288: {  	[tilespmem:s13+$0x20] =	vst v2;
	v1 =	vor.u32 v0, v1  }
0x289: {  	s15 =	sshra.s32 s14, $0x2;
	s14 =	sadd.s32 $0x40, s14;
	[tilespmem:s13+$0x30] =	vst v1  }
0x28a: {  	v1 =	vld [tilespmem:s15+$0x0];
	_ =	sdelay $0x4  }
0x28b: {  	v2 =	vbroadcast v1, $0x0  }
0x28c: {  	v3 =	vbroadcast v1, $0x1;
	v4 =	vbroadcast v1, $0x2  }
0x28d: {  	v5 =	vbroadcast v1, $0x3;
	v6 =	vbroadcast v1, $0x5  }
0x28e: {  	v40 =	vbroadcast v1, $0x6;
	v41 =	vbroadcast v1, $0x7  }
0x28f: {  	v7 =	vbroadcast v1, $0x8;
	v8 =	vbroadcast v1, $0x9  }
0x290: {  	v42 =	vbroadcast v1, $0xA;
	v9 =	vbroadcast v1, $0xB  }
0x291: {  	v44 =	vbroadcast v1, $0xC;
	v46 =	vbroadcast v1, $0xD  }
0x292: {  	v47 =	vbroadcast v1, $0xE;
	v2 =	vsel vm0, v2, v3;
	v3 =	vbroadcast v1, $0x4  }
0x293: {  	v4 =	vsel vm0, v4, v5;
	v1 =	vbroadcast v1, $0xF;
	v2 =	vshll.u32 v2, $0x3  }
0x294: {  	s13 =	sadd.s32 $0x80, s13;
	v4 =	vshll.u32 v4, $0x3;
	v2 =	vor.u32 v0, v2;
	v3 =	vsel vm0, v3, v6  }
0x295: {  	v5 =	vsel vm0, v40, v41;
	v4 =	vor.u32 v0, v4;
	v3 =	vshll.u32 v3, $0x3;
	[tilespmem:s13+$0xFFFFFFC0] =	vst v2  }
0x296: {  	v1 =	vsel vm0, v47, v1;
	v2 =	vshll.u32 v5, $0x3;
	[tilespmem:s13+$0xFFFFFFD0] =	vst v4;
	v3 =	vor.u32 v0, v3  }
0x297: {  	v43 =	vsel vm0, v7, v8;
	v1 =	vshll.u32 v1, $0x3;
	v2 =	vor.u32 v0, v2;
	[tilespmem:s13+$0xFFFFFFE0] =	vst v3  }
0x298: {  	v45 =	vshll.u32 v43, $0x3;
	v1 =	vor.u32 v0, v1;
	v3 =	vsel vm0, v42, v9;
	[tilespmem:s13+$0xFFFFFFF0] =	vst v2  }
0x299: {  	v48 =	vsel vm0, v44, v46;
	v2 =	vor.u32 v0, v45;
	[tilespmem:s13+$0x30] =	vst v1;
	v3 =	vshll.u32 v3, $0x3  }
0x29a: {  	[tilespmem:s13+$0x0] =	vst v2;
	v2 =	vor.u32 v0, v3;
	v3 =	vshll.u32 v48, $0x3  }
0x29b: {  	[tilespmem:s13+$0x10] =	vst v2;
	v2 =	vor.u32 v0, v3  }
0x29c: {  	[tilespmem:s13+$0x20] =	vst v2  }
0x29d: {  	[tilespmem:s28], [sflag:$0x3] =	stream.indirect.gather [hbm4b:s24+s1], $0x1, s0, s1, $0xb8;
	[tilespmem:$0x19700] =	vst v63  }
0x29e: {  	_ =	swait.ge [sflag:s9], $0xA000  }
0x29f: {  	[sflag:s9] =	ssyncset.done $0x0  }
0x2a0: {  	[sflag:s9] =	ssyncadd.s32 $0xFFFF6000  }
0x2a1: {  	_ =	swait.ge [sflag:s10], $0x1400  }
0x2a2: {  	[sflag:s10] =	ssyncset.done $0x0  }
0x2a3: {  	s15 =	simm.s32 $0x0;
	[sflag:s10] =	ssyncadd.s32 $0xFFFFEC00  }
0x2a4: {  	[hbm4b:s20+s15] =	stream.linear.scatter [tilespmem:s3], [sflag:$0x6], $0xA000, $0x38;
	[tilespmem:$0x19700] =	vst v63  }
0x2a5: {  	_ =	swait.ge [sflag:s11], $0xA000  }
0x2a6: {  	[sflag:s11] =	ssyncset.done $0x0  }
0x2a7: {  	s14 =	rddreg [dreg:$0xc];
	[sflag:s11] =	ssyncadd.s32 $0xFFFF6000  }
0x2a8: {  	[tilespmem:s30], [sflag:$0x7] =	stream.linear.gather [hbm4b:s14+s15], $0x280, $0x38;
	[tilespmem:$0x19700] =	vst v63  }
0x2a9: {  	_ =	swait.ge [sflag:s29], $0x280  }
0x2aa: {  	[sflag:s29] =	ssyncset.done $0x0  }
0x2ab: {  	s15 =	simm.s32 $0x0;
	[sflag:s29] =	ssyncadd.s32 $0xFFFFFD80  }
0x2ac: {  	[tilespmem:s3], [sflag:$0x2] =	stream.indirect.gather [hbm4b:s22+s30], $0x40, s30, s30, $0xb8;
	[tilespmem:$0x19700] =	vst v63  }
0x2ad: {  	v1 =	vld [tilespmem:s15+$0x280];
	_ =	sdelay $0x4  }
0x2ae: {  	v2 =	vbroadcast v1, $0x0  }
0x2af: {  	v3 =	vbroadcast v1, $0x1;
	v49 =	vbroadcast v1, $0x2  }
0x2b0: {  	v50 =	vbroadcast v1, $0x3;
	v51 =	vbroadcast v1, $0x5  }
0x2b1: {  	v52 =	vbroadcast v1, $0x6;
	v53 =	vbroadcast v1, $0x7  }
0x2b2: {  	v54 =	vbroadcast v1, $0x8;
	v55 =	vbroadcast v1, $0x9  }
0x2b3: {  	v56 =	vbroadcast v1, $0xA;
	v57 =	vbroadcast v1, $0xB  }
0x2b4: {  	v59 =	vbroadcast v1, $0xC;
	v61 =	vbroadcast v1, $0xD  }
0x2b5: {  	v62 =	vbroadcast v1, $0xE;
	v2 =	vsel vm0, v2, v3;
	v3 =	vbroadcast v1, $0x4  }
0x2b6: {  	v4 =	vsel vm0, v49, v50;
	v1 =	vbroadcast v1, $0xF;
	v2 =	vshll.u32 v2, $0x3  }
0x2b7: {  	s13 =	simm.s32 $0x1940;
	v4 =	vshll.u32 v4, $0x3;
	v2 =	vor.u32 v0, v2;
	v3 =	vsel vm0, v3, v51  }
0x2b8: {  	v5 =	vsel vm0, v52, v53;
	v4 =	vor.u32 v0, v4;
	v3 =	vshll.u32 v3, $0x3;
	[tilespmem:s13+$0xFFFFFFC0] =	vst v2  }
0x2b9: {  	v1 =	vsel vm0, v62, v1;
	v2 =	vshll.u32 v5, $0x3;
	[tilespmem:s13+$0xFFFFFFD0] =	vst v4;
	v3 =	vor.u32 v0, v3  }
0x2ba: {  	v58 =	vsel vm0, v54, v55;
	v1 =	vshll.u32 v1, $0x3;
	v2 =	vor.u32 v0, v2;
	[tilespmem:s13+$0xFFFFFFE0] =	vst v3  }
0x2bb: {  	v60 =	vshll.u32 v58, $0x3;
	v1 =	vor.u32 v0, v1;
	v3 =	vsel vm0, v56, v57;
	[tilespmem:s13+$0xFFFFFFF0] =	vst v2  }
0x2bc: {  	v63 =	vsel vm0, v59, v61;
	v2 =	vor.u32 v0, v60;
	[tilespmem:s13+$0x30] =	vst v1;
	v3 =	vshll.u32 v3, $0x3  }
0x2bd: {  	[tilespmem:s13+$0x0] =	vst v2;
	v2 =	vor.u32 v0, v3;
	v3 =	vshll.u32 v63, $0x3  }
0x2be: {  	[tilespmem:s13+$0x10] =	vst v2;
	v2 =	vor.u32 v0, v3  }
0x2bf: {  	s14 =	simm.s32 $0x80;
	s15 =	simm.s32 $0x10;
	[tilespmem:s13+$0x20] =	vst v2  }
.LBB2_20:
0x2c0: {  	p0 =	sne.s32 s14, $0x9C0;
	v1 =	vld [tilespmem:s15+$0x280];
	_ =	sdelay $0x4  }
0x2c1: {  	v2 =	vbroadcast v1, $0x0;
	v3 =	vbroadcast v1, $0x1  }
0x2c2: {  	v4 =	vbroadcast v1, $0x2;
	v5 =	vbroadcast v1, $0x3  }
0x2c3: {  	v6 =	vbroadcast v1, $0x5;
	v2 =	vsel vm0, v2, v3;
	v3 =	vbroadcast v1, $0x4  }
0x2c4: {  	v4 =	vsel vm0, v4, v5;
	v5 =	vbroadcast v1, $0x6;
	v2 =	vshll.u32 v2, $0x3  }
0x2c5: {  	s13 =	sadd.s32 $0x80, s13;
	v4 =	vshll.u32 v4, $0x3;
	v2 =	vor.u32 v0, v2;
	v3 =	vsel vm0, v3, v6  }
0x2c6: {  	[tilespmem:s13+$0xFFFFFFC0] =	vst v2;
	v2 =	vor.u32 v0, v4;
	v3 =	vshll.u32 v3, $0x3;
	v4 =	vbroadcast v1, $0x7  }
0x2c7: {  	v6 =	vbroadcast v1, $0x9;
	[tilespmem:s13+$0xFFFFFFD0] =	vst v2;
	v2 =	vor.u32 v0, v3;
	v3 =	vbroadcast v1, $0x8  }
0x2c8: {  	[tilespmem:s13+$0xFFFFFFE0] =	vst v2;
	v2 =	vsel vm0, v5, v4;
	v4 =	vbroadcast v1, $0xA;
	v5 =	vbroadcast v1, $0xB  }
0x2c9: {  	v2 =	vshll.u32 v2, $0x3;
	v3 =	vsel vm0, v3, v6;
	v6 =	vbroadcast v1, $0xC  }
0x2ca: {  	v2 =	vor.u32 v0, v2;
	v3 =	vshll.u32 v3, $0x3;
	v4 =	vsel vm0, v4, v5  }
0x2cb: {  	[tilespmem:s13+$0xFFFFFFF0] =	vst v2;
	v2 =	vor.u32 v0, v3;
	v3 =	vshll.u32 v4, $0x3;
	v4 =	vbroadcast v1, $0xD  }
0x2cc: {  	[tilespmem:s13+$0x0] =	vst v2;
	v2 =	vor.u32 v0, v3;
	v3 =	vbroadcast v1, $0xE;
	v1 =	vbroadcast v1, $0xF  }
.Ltmp9:
0x2cd: {  	[tilespmem:s13+$0x10] =	vst v2;
	v2 =	vsel vm0, v6, v4;
	(pc) =	sbr.rel @p0 .LBB2_20-.Ltmp9, $4  }
0x2ce: {  	v2 =	vshll.u32 v2, $0x3;
	v1 =	vsel vm0, v3, v1  }
0x2cf: {  	v2 =	vor.u32 v0, v2;
	v1 =	vshll.u32 v1, $0x3  }
0x2d0: {  	[tilespmem:s13+$0x20] =	vst v2;
	v1 =	vor.u32 v0, v1  }
0x2d1: {  	s15 =	sshra.s32 s14, $0x2;
	s14 =	sadd.s32 $0x40, s14;
	[tilespmem:s13+$0x30] =	vst v1  }
0x2d2: {  	v1 =	vld [tilespmem:s15+$0x280];
	_ =	sdelay $0x4  }
0x2d3: {  	v2 =	vbroadcast v1, $0x0  }
0x2d4: {  	v3 =	vbroadcast v1, $0x1;
	v4 =	vbroadcast v1, $0x2  }
0x2d5: {  	v5 =	vbroadcast v1, $0x3;
	v6 =	vbroadcast v1, $0x5  }
0x2d6: {  	v55 =	vbroadcast v1, $0x6;
	v56 =	vbroadcast v1, $0x7  }
0x2d7: {  	v7 =	vbroadcast v1, $0x8;
	v8 =	vbroadcast v1, $0x9  }
0x2d8: {  	v57 =	vbroadcast v1, $0xA;
	v9 =	vbroadcast v1, $0xB  }
0x2d9: {  	v59 =	vbroadcast v1, $0xC;
	v61 =	vbroadcast v1, $0xD  }
0x2da: {  	v62 =	vbroadcast v1, $0xE;
	v2 =	vsel vm0, v2, v3;
	v3 =	vbroadcast v1, $0x4  }
0x2db: {  	v4 =	vsel vm0, v4, v5;
	v1 =	vbroadcast v1, $0xF;
	v2 =	vshll.u32 v2, $0x3  }
0x2dc: {  	s13 =	sadd.s32 $0x80, s13;
	v4 =	vshll.u32 v4, $0x3;
	v2 =	vor.u32 v0, v2;
	v3 =	vsel vm0, v3, v6  }
0x2dd: {  	v5 =	vsel vm0, v55, v56;
	v4 =	vor.u32 v0, v4;
	v3 =	vshll.u32 v3, $0x3;
	[tilespmem:s13+$0xFFFFFFC0] =	vst v2  }
0x2de: {  	v1 =	vsel vm0, v62, v1;
	v2 =	vshll.u32 v5, $0x3;
	[tilespmem:s13+$0xFFFFFFD0] =	vst v4;
	v3 =	vor.u32 v0, v3  }
0x2df: {  	v58 =	vsel vm0, v7, v8;
	v1 =	vshll.u32 v1, $0x3;
	v2 =	vor.u32 v0, v2;
	[tilespmem:s13+$0xFFFFFFE0] =	vst v3  }
0x2e0: {  	v60 =	vshll.u32 v58, $0x3;
	v1 =	vor.u32 v0, v1;
	v3 =	vsel vm0, v57, v9;
	[tilespmem:s13+$0xFFFFFFF0] =	vst v2  }
0x2e1: {  	v63 =	vsel vm0, v59, v61;
	v2 =	vor.u32 v0, v60;
	[tilespmem:s13+$0x30] =	vst v1;
	v3 =	vshll.u32 v3, $0x3  }
0x2e2: {  	[tilespmem:s13+$0x0] =	vst v2;
	v2 =	vor.u32 v0, v3;
	v3 =	vshll.u32 v63, $0x3  }
0x2e3: {  	[tilespmem:s13+$0x10] =	vst v2;
	v2 =	vor.u32 v0, v3  }
0x2e4: {  	[tilespmem:s13+$0x20] =	vst v2  }
0x2e5: {  	[tilespmem:s5], [sflag:$0x4] =	stream.indirect.gather [hbm4b:s24+s1], $0x1, s4, s1, $0xb8;
	[tilespmem:$0x19700] =	vst v63  }
0x2e6: {  	_ =	swait.ge [sflag:s6], $0xA000  }
0x2e7: {  	[sflag:s6] =	ssyncset.done $0x0  }
0x2e8: {  	[sflag:s6] =	ssyncadd.s32 $0xFFFF6000  }
0x2e9: {  	_ =	swait.ge [sflag:s7], $0x1400  }
0x2ea: {  	[sflag:s7] =	ssyncset.done $0x0  }
0x2eb: {  	[sflag:s7] =	ssyncadd.s32 $0xFFFFEC00  }
0x2ec: {  	[hbm4b:s21+s2] =	stream.linear.scatter [tilespmem:s31], [sflag:$0x5], $0xA000, $0x38;
	[tilespmem:$0x19700] =	vst v63  }
0x2ed: {  	_ =	swait.ge [sflag:s9], $0xA000  }
0x2ee: {  	[sflag:s9] =	ssyncset.done $0x0  }
0x2ef: {  	[sflag:s9] =	ssyncadd.s32 $0xFFFF6000  }
0x2f0: {  	_ =	swait.ge [sflag:s10], $0x1400  }
0x2f1: {  	[sflag:s10] =	ssyncset.done $0x0  }
0x2f2: {  	s12 =	sadd.s32 $0x1, s12;
	[sflag:s10] =	ssyncadd.s32 $0xFFFFEC00  }
0x2f3: {  	[hbm4b:s23+s2] =	stream.linear.scatter [tilespmem:s3], [sflag:$0x6], $0xA000, $0x38;
	[tilespmem:$0x19700] =	vst v63  }
0x2f4: {  	p0 =	sne.s32 s12, s26;
	_ =	swait.ge [sflag:s8], $0xA000  }
.Ltmp10:
0x2f5: {  	[sflag:s8] =	ssyncset.done $0x0;
	(pc) =	sbr.rel @p0 .LBB2_1-.Ltmp10, $4  }
0x2f6: {  	[sflag:s8] =	ssyncadd.s32 $0xFFFF6000  }
0x2f7: {  	_ =	swait.ge [sflag:s11], $0xA000  }
0x2f8: {  	[sflag:s11] =	ssyncset.done $0x0  }
0x2f9: {  	[sflag:s11] =	ssyncadd.s32 $0xFFFF6000  }
0x2fa: {  	_ =	sfence.sel $0x180000  }
0x2fb: {  	[bflag:$0x0] =	sbarrier.arrive $0xFFFF  }
0x2fc: {  	_ =	strace $0x90000047  }
0x2fd: {  	s0 =	stileid.u32;
	[bflag:$0x2] =	sbarrier.arrive $0xFFFF  }
0x2fe: {  	p0 =	sne.s32 s0, $0x0;
	s0 =	rddreg [dreg:$0x2]  }
0x2ff: {  	s0 =	sadd.s32 @!p0 $0x100000, s0  }
0x300: {  	[sflag:s0] =	ssyncadd.tile.s32 @!p0 $0x1;
	_ =	shalt  }
.Lfunc_end2:
_tile_overlayer_lowered:
.L_overlay_start_2:
0x301: {  	(tag) =	ssettag $0x2  }
0x302: {  	s0 =	rddreg [dreg:$0x0];
	s2 =	stileid.u32  }
0x303: {  	s1 =	rddreg [dreg:$0x1];
	p0 =	sne.s32 s2, $0x0  }
0x304: {  	s3 =	rddreg [dreg:$0x2];
	[bflag:$0x3] =	sbarrier.arrive $0xFFFF;
	s2 =	simm.s32 @!p0 $0x1C07  }
0x305: {  	[timem:s3], [sflag:s2] =	dma.local @!p0 [hbm:s0], s1  }
0x306: {  	s0 =	simm.s32 @!p0 $0x7  }
0x307: {  	_ =	swait.ge @!p0 [sflag:s0], s1  }
0x308: {  	s1 =	ssub.s32 @!p0 $0x0, s1;
	[sflag:s0] =	ssyncset.done @!p0 $0x0  }
0x309: {  	[sflag:s0] =	ssyncadd.s32 @!p0 s1  }
0x30a: {  	[bflag:$0x3] =	sbarrier.arrive $0xFFFF  }
0x30b: {  	_ =	shalt  }

// kernel: sparse-core-data-format-call.cloned.1.call-start
scs
called_computation_lowered:
.L_overlay_start_0:
0x0: {  	s2 =	sld [smem:$0x3FD9]  }
0x1: {  	s3 =	sld [smem:$0x3FFE];
	_ =	sdelay $0x1  }
0x2: {  	s1 =	srdreg.scid  }
0x3: {  	s0 =	sand.u32 $0x1, s1  }
0x4: {  	s18 =	sshll.u32 s0, $0xA;
	s2 =	sadd.s32 s3, s2  }
0x5: {  	s2 =	sadd.s32 s2, s18  }
0x6: {  	[smem:$0x3FC4] =	sst s2  }
0x7: {  	_ = 	snop  }
0x8: {  	s2 =	sld [smem:$0x3FD0];
	(tm) =	ssettm $0x1  }
0x9: {  	s19 =	sld [smem:$0x3FFB];
	_ =	sdelay $0x3  }
0xa: {  	_ =	strace s19  }
0xb: {  	s3 =	sld [smem:$0x3FFC];
	_ =	sdelay $0x3  }
0xc: {  	_ =	strace s3  }
0xd: {  	s3 =	sld [smem:$0x3FFD];
	_ =	sdelay $0x3  }
0xe: {  	_ =	strace s3  }
0xf: {  	_ =	strace $0x8FFFFFFF  }
0x10: {  	s20 =	sld [smem:$0x3FDB];
	_ =	sdelay $0x1  }
0x11: {  	s4 =	simm.s32 $_scs_section_size  }
0x12: {  	s5 =	simm.s32 $_size__tile_overlayer_lowered;
	s6 =	simm.s32 $_tile_overlayer_lowered  }
0x13: {  	s23 =	simm.s32 $0x1BFF;
	s22 =	sshll.u32 s6, $0x1;
	s3 =	sadd.s32 s4, s20  }
0x14: {  	s7 =	simm.s32 $0x0;
	s21 =	sshll.u32 s5, $0x1;
	s5 =	sadd.s32 s22, s3  }
0x15: {  	[timem:s7], [sflag:s23] =	dma.local [hbm:s5], s21  }
0x16: {  	_ =	swait.ge [sflag:s23], s21  }
0x17: {  	s4 =	ssub.s32 $0x0, s21;
	[sflag:s23] =	ssyncset.done $0x0  }
0x18: {  	[sflag:s23] =	ssyncadd.s32 s4;
	_ =	sdelay $0x1  }
0x19: {  	s24 =	simm.s32 $0x1B8B  }
0x1a: {  	_ =	swait.ge [sflag:s24], $0x1  }
0x1b: {  	[sflag:s24] =	ssyncset.done $0x0  }
0x1c: {  	s26 =	simm.s32 $0x1B8E;
	s25 =	sld [smem:$0x3FFE];
	[sflag:s24] =	ssyncadd.s32 $0xFFFFFFFF  }
0x1d: {  	s27 =	simm.s32 $execute0_lowered;
	[smem:$0x3FD2] =	sst s26  }
0x1e: {  	s5 =	sshll.u32 s27, $0x1;
	_ =	strace $0x80000049;
	[dreg:$0x1] =	wrdreg $0xFFFFFFFF  }
0x1f: {  	s28 =	simm.s32 $_size_execute0_lowered;
	s3 =	sadd.s32 s3, s5;
	[dreg:$0x0] =	wrdreg $0x0  }
0x20: {  	s5 =	sshll.u32 s28, $0x1;
	[dreg:$0x2] =	wrdreg s3  }
0x21: {  	[dreg:$0x3] =	wrdreg s5  }
0x22: {  	[dreg:$0x4] =	wrdreg $0xC0  }
0x23: {  	_ =	task [dreg:s7], $0x5FFFF  }
0x24: {  	[dreg:$0x1] =	wrdreg $0xFFFFFFFF  }
0x25: {  	[dreg:$0x0] =	wrdreg $0x60  }
0x26: {  	[dreg:$0x2] =	wrdreg s25  }
0x27: {  	[dreg:$0x3] =	wrdreg s2  }
0x28: {  	[dreg:$0x4] =	wrdreg $0x9  }
0x29: {  	_ =	task.clear_ibuf [dreg:s7], $0x5FFFF;
	_ =	strace $0x90000049  }
0x2a: {  	s29 =	simm.s32 $0x9;
	_ =	strace $0x8000004B  }
0x2b: {  	_ =	swait.ge [sflag:s29], $0x1  }
0x2c: {  	[sflag:s29] =	ssyncadd.s32 $0xFFFFFFFF  }
0x2d: {  	_ =	strace $0x9000004B  }
0x2e: {  	_ =	sfence  }
0x2f: {  	s30 =	sld [smem:$0x0];
	_ =	sdelay $0x2  }
0x30: {  	s31 =	sshll.u32 s1, $0xD;
	s1 =	sshrl.u32 s1, $0x2  }
0x31: {  	s3 =	sand.u32 $0x4000, s31;
	s1 =	sadd.s32 s1, s30  }
0x32: {  	s0 =	sor.u32 s3, s0;
	s1 =	sshll.u32 s1, $0x11  }
0x33: {  	s0 =	sor.u32 s1, s0  }
0x34: {  	s0 =	sadd.s32 $0x8F2B, s0  }
0x35: {  	[sflag:s0] =	ssyncadd.remote.s32 $0x1  }
0x36: {  	_ =	sfence.sel $0xFFFF  }
0x37: {  	[dreg:$0x0] =	wrdreg $0xFFFFFFFF;
	(pc) =	sbr.abs _section_cstart, $3  }
0x38: {  	[dreg:$0x1] =	wrdreg $0xFFFFFFFF  }
0x39: {  	_ =	task.clear_ibuf [dreg:s7], $0x2FFFF;
	_ =	strace $0x9FFFFFFF  }
0x3a: {  	(tm) =	ssettm $0x7FFFFFFF  }
0x3b: {  	_ =	shalt  }
tec
execute0_lowered:
.L_overlay_start_1:
0x0: {  	(tag) =	ssettag $0x1  }
0x1: {  	s0 =	srdreg.scid  }
0x2: {  	s1 =	sshll.u32 s0, $0x4  }
0x3: {  	s0 =	stileid.u32;
	s1 =	sand.u32 $0x10, s1  }
0x4: {  	s1 =	sor.u32 s0, s1  }
0x5: {  	s6 =	rddreg [dreg:$0x0];
	s4 =	simm.s32 $0x1;
	s2 =	sshll.u32 s1, $0x7  }
0x6: {  	s7 =	simm.s32 $0x2;
	s12 =	simm.s32 $0x0;
	s1 =	ssub.s32 $0x1000, s2  }
0x7: {  	s8 =	simm.s32 $0x8000;
	s13 =	simm.s32 $0x0;
	s3 =	sand.u32 $0xF80, s1  }
0x8: {  	s9 =	simm.s32 $0x0;
	s5 =	sshrl.u32 s1, $0xC;
	p0 =	sne.s32 s3, $0x0  }
.Ltmp0:
0x9: {  	s1 =	rddreg [dreg:$0x2];
	s4 =	simm.s32 @!p0 $0x0;
	(pc) =	sbr.rel .LBB1_1-.Ltmp0, $4  }
0xa: {  	s11 =	simm.s32 $0x0;
	s3 =	rddreg [dreg:$0x1];
	s5 =	sadd.s32 s4, s5  }
0xb: {  	_ =	strace $0x8000004A;
	s4 =	simm.s32 $0x1;
	s5 =	smul.u32 $0x32, s5  }
0xc: {  	s6 =	sadd.s32 $0xE00, s6;
	s10 =	smov.u32 s2;
	[sflag:s4] =	ssyncpa.u1 $0x0  }
0xd: {  	p0 =	por $0x0, $0x0;
	[sflag:s7] =	ssyncpa.u1 $0x0;
	s7 =	sor.u32 $0x1, s5  }
.LBB1_4:
0xe: {  	s16 =	sshll.u32 s13, $0x3;
	s17 =	sand.u32 $0x78, s13  }
0xf: {  	s30 =	sand.u32 $0x7E00, s13;
	s12 =	sshll.u32 s12, $0xF;
	s16 =	sand.u32 $0xC00, s16  }
0x10: {  	[tilespmem:s15+$0x810 ss:$0x81] =	vst.msk $0xffff, v2;
	s31 =	sand.u32 $0x7, s13;
	s16 =	sor.u32 s17, s16;
	s17 =	sadd.s32 s3, s30  }
0x11: {  	[tilespmem:s15+$0x1020 ss:$0x81] =	vst.msk $0xffff, v0;
	s13 =	sshll.u32 s31, $0x12;
	s12 =	sadd.s32 s12, s17;
	s16 =	sshrl.u32 s16, $0x3  }
0x12: {  	[tilespmem:s15+$0x0 ss:$0x81] =	vst.msk $0xffff, v1;
	s13 =	sor.u32 $0x400, s13;
	s12 =	sadd.s32 s16, s12  }
0x13: {  	[hbm4b:s12+s13] =	stream.strided.scatter [tilespmem:s14], [sflag:$0x2], $0x2000, s8, s13, $0x20;
	[tilespmem:$0x8080] =	vst v63  }
.LBB1_5:
0x14: {  	s14 =	sadd.s32 $0x1, s9  }
0x15: {  	s12 =	sadd.s32 $0x1000, s10;
	s16 =	smov.u32 s10;
	p2 =	sgt.s32 s14, $0x31  }
0x16: {  	s16 =	smov.u32 @p2 s12  }
0x17: {  	s14 =	simm.s32 @p2 $0x0;
	p2 =	sgt.s32 s16, $0xFFF  }
0x18: {  	s16 =	smov.u32 @p2 s2;
	p2 =	sne.s32 s11, s7  }
.Ltmp1:
0x19: {  	p1 =	slt.u32 s11, $0x2;
	(pc) =	sbr.rel @!p2 .LBB1_6-.Ltmp1, $4  }
0x1a: {  	s15 =	simm.s32 @!p1 $0x2  }
0x1b: {  	s13 =	smov.u32 s10;
	p0 =	por !p0, !p0;
	_ =	swait.ge @!p1 [sflag:s15], $0x2000  }
0x1c: {  	s12 =	smov.u32 s9;
	[sflag:s15] =	ssyncset.done @!p1 $0x0;
	s9 =	smov.u32 s14  }
0x1d: {  	s11 =	sadd.s32 $0x1, s11;
	[sflag:s15] =	ssyncadd.s32 @!p1 $0xFFFFE000;
	s10 =	smov.u32 s16  }
.LBB1_1:
0x1e: {  	p1 =	sge.u32 s11, s5  }
0x1f: {  	s14 =	sand.u32 @!p1 $0x1FFFFFF, s9  }
0x20: {  	s15 =	smulhi.u32 @!p1 $0x4924925, s14;
	_ =	sdelay $0x1  }
0x21: {  	s15 =	smul.u32 @!p1 $0x38, s15  }
0x22: {  	s16 =	sxor.u32 @!p1 $0xFFFFFFFF, s11;
	s17 =	smul.u32 @!p1 $0x380, s10  }
0x23: {  	s31 =	sadd.s32 $0xFFFFFFFF, s11;
	s16 =	sshll.u32 @!p1 s16, $0xD;
	s14 =	ssub.s32 @!p1 s14, s15  }
0x24: {  	s15 =	sand.u32 @!p1 $0x2000, s16;
	s16 =	sadd.s32 @!p1 s6, s17;
	s14 =	sshll.u32 @!p1 s14, $0x4  }
0x25: {  	s17 =	simm.s32 @!p1 $0x1C00;
	s14 =	sadd.s32 @!p1 s14, s16;
	s16 =	simm.s32 @!p1 $0x40  }
0x26: {  	[tilespmem:s15], [sflag:$0x1] =	stream.strided.gather @!p1 [hbm4b:s14+s16], $0x2000, s17, s16, $0x38;
	[tilespmem:$0x8080] =	vst v63  }
0x27: {  	p1 =	sge.u32 s31, s5  }
.Ltmp2:
0x28: {  	_ = 	snop;
	(pc) =	sbr.rel @p1 .LBB1_5-.Ltmp2, $1  }
0x29: {  	_ =	sdelay $0x3  }
0x2a: {  	s14 =	simm.s32 $0x1  }
0x2b: {  	_ =	swait.ge [sflag:s4], $0x2000;
	s14 =	simm.s32 @!p0 $0x0  }
0x2c: {  	[sflag:s4] =	ssyncset.done $0x0;
	s15 =	sshll.u32 s14, $0xD  }
0x2d: {  	[sflag:s4] =	ssyncadd.s32 $0xFFFFE000;
	s18 =	sor.u32 $0x20, s15  }
0x2e: {  	s14 =	smul.u32 $0x8100, s14;
	v3 =	vld [tilespmem:s18+$0x10]  }
0x2f: {  	s30 =	sand.u32 $0x1, s11;
	v2 =	vld [tilespmem:s18+$0xFFFFFFF0]  }
0x30: {  	s15 =	smul.u32 $0x8100, s30;
	s14 =	sshrl.u32 s14, $0x2;
	v0 =	vld [tilespmem:s18+$0x0]  }
0x31: {  	v1 =	vld [tilespmem:s18+$0xFFFFFFE0];
	s16 =	sor.u32 $0x4000, s14  }
0x32: {  	s31 =	sshrl.u32 s15, $0x2;
	s15 =	sadd.s32 $0x0, s16  }
0x33: {  	s17 =	simm.s32 $0x4;
	s18 =	sadd.s32 $0x40, s18;
	s14 =	sor.u32 $0x4000, s31;
	[tilespmem:s15+$0x1830 ss:$0x81] =	vst.msk $0xffff, v3  }
.LBB1_3:
0x34: {  	v3 =	vld [tilespmem:s18+$0x10];
	p1 =	sne.s32 s17, $0x1FC;
	[tilespmem:s15+$0x810 ss:$0x81] =	vst.msk $0xffff, v2;
	s19 =	smov.u32 s17;
	s17 =	sadd.s32 $0x4, s17  }
.Ltmp3:
0x35: {  	v2 =	vld [tilespmem:s18+$0xFFFFFFF0];
	[tilespmem:s15+$0x1020 ss:$0x81] =	vst.msk $0xffff, v0;
	(pc) =	sbr.rel @p1 .LBB1_3-.Ltmp3, $4  }
0x36: {  	v0 =	vld [tilespmem:s18+$0x0];
	[tilespmem:s15+$0x0 ss:$0x81] =	vst.msk $0xffff, v1  }
0x37: {  	s15 =	sshra.s32 s19, $0x2;
	v1 =	vld [tilespmem:s18+$0xFFFFFFE0]  }
0x38: {  	s15 =	sadd.s32 s15, s16  }
0x39: {  	s18 =	sadd.s32 $0x40, s18;
	[tilespmem:s15+$0x1830 ss:$0x81] =	vst.msk $0xffff, v3  }
.Ltmp4:
0x3a: {  	_ = 	snop;
	(pc) =	sbr.rel .LBB1_4-.Ltmp4, $1  }
0x3b: {  	_ =	sdelay $0x3  }
.LBB1_6:
0x3c: {  	_ =	sfence.sel $0x180000  }
0x3d: {  	s2 =	simm.s32 $0x1;
	[bflag:$0x0] =	sbarrier.arrive $0xFFFF  }
0x3e: {  	s31 =	simm.s32 $0x2;
	[sflag:s2] =	ssyncpa.u1 $0x1  }
0x3f: {  	[sflag:s31] =	ssyncpa.u1 $0x1  }
0x40: {  	p0 =	sne.s32 s0, $0x0;
	_ =	strace $0x9000004A  }
0x41: {  	s0 =	sadd.s32 @!p0 $0x100000, s1;
	[bflag:$0x2] =	sbarrier.arrive $0xFFFF  }
0x42: {  	[sflag:s0] =	ssyncadd.tile.s32 @!p0 $0x1;
	_ =	shalt  }
.Lfunc_end1:
_tile_overlayer_lowered:
.L_overlay_start_2:
0x43: {  	(tag) =	ssettag $0x2  }
0x44: {  	s0 =	rddreg [dreg:$0x0];
	s2 =	stileid.u32  }
0x45: {  	s1 =	rddreg [dreg:$0x1];
	p0 =	sne.s32 s2, $0x0  }
0x46: {  	s3 =	rddreg [dreg:$0x2];
	[bflag:$0x3] =	sbarrier.arrive $0xFFFF;
	s2 =	simm.s32 @!p0 $0x1C01  }
0x47: {  	[timem:s3], [sflag:s2] =	dma.local @!p0 [hbm:s0], s1  }
0x48: {  	s0 =	simm.s32 @!p0 $0x1  }
0x49: {  	_ =	swait.ge @!p0 [sflag:s0], s1  }
0x4a: {  	s1 =	ssub.s32 @!p0 $0x0, s1;
	[sflag:s0] =	ssyncset.done @!p0 $0x0  }
0x4b: {  	[sflag:s0] =	ssyncadd.s32 @!p0 s1  }
0x4c: {  	[bflag:$0x3] =	sbarrier.arrive $0xFFFF  }
0x4d: {  	_ =	shalt  }

</sc_bundles>
